<compile_context>
chip_gen: v7x
topology: tpu7x:2x2x1
jax: 0.10.2.dev20260603
libtpu: 0.0.44.dev20260713+nightly
codegen_flags: <defaults>
</compile_context>

<pallas_src>
import functools

import jax
import jax.numpy as jnp
from jax import lax
from jax.experimental import pallas as pl
from jax.experimental.pallas import tpu as pltpu
from jax.experimental.pallas import tpu_sc as plsc

_NC, _NS = 2, 16
_NW = _NC * _NS
_D = 128
_CH = 256
_NBUF = 3
_GD = _NBUF - 2
_NSPLIT = _CH // 128


@functools.partial(jax.jit, static_argnums=(2,))
def _gather_rows(flat_idx, table, B):
    b_per_w = B // _NW
    n = b_per_w // _CH
    assert n * _CH == b_per_w and n >= 10
    steady = ((n - 8) // _NBUF) * _NBUF

    mesh = plsc.VectorSubcoreMesh(
        core_axis_name="c", subcore_axis_name="s",
        num_cores=_NC, num_subcores=_NS)

    @functools.partial(
        pl.kernel,
        out_type=jax.ShapeDtypeStruct((B, _D), jnp.float32),
        mesh=mesh,
        scratch_types=[
            pltpu.VMEM((_NBUF, _NSPLIT, 128), jnp.int32),
            pltpu.VMEM((_NBUF, _CH, _D), jnp.float32),
            [pltpu.SemaphoreType.DMA] * _NBUF,
            [pltpu.SemaphoreType.DMA] * _NBUF,
            [pltpu.SemaphoreType.DMA] * _NBUF,
        ],
    )
    def k(idx_hbm, table_hbm, out_hbm, idx_v, rows_v, isem, gsem, ssem):
        wid = lax.axis_index("s") * _NC + lax.axis_index("c")
        base = wid * b_per_w

        def issue_idx(i, b):
            for j in range(_NSPLIT):
                pltpu.async_copy(
                    idx_hbm.at[pl.ds(base + i * _CH + j * 128, 128)],
                    idx_v.at[b].at[j], isem[b])

        def wait_idx(i, b):
            for j in range(_NSPLIT):
                pltpu.make_async_copy(
                    idx_hbm.at[pl.ds(base + i * _CH + j * 128, 128)],
                    idx_v.at[b].at[j], isem[b]).wait()

        def issue_gather(b):
            for j in range(_NSPLIT):
                pltpu.async_copy(
                    table_hbm.at[idx_v.at[b].at[j]],
                    rows_v.at[b].at[pl.ds(j * 128, 128)], gsem[b])

        def wait_gather(b):
            for j in range(_NSPLIT):
                pltpu.make_async_copy(
                    table_hbm.at[idx_v.at[b].at[j]],
                    rows_v.at[b].at[pl.ds(j * 128, 128)], gsem[b]).wait()

        def issue_store(i, b):
            pltpu.async_copy(
                rows_v.at[b], out_hbm.at[pl.ds(base + i * _CH, _CH)], ssem[b])

        def wait_store(i, b):
            pltpu.make_async_copy(
                rows_v.at[b], out_hbm.at[pl.ds(base + i * _CH, _CH)],
                ssem[b]).wait()

        def slot(i, u, w_store=True, p_gather=True, p_idx=True):
            pu = (u + _GD) % _NBUF
            if w_store:
                wait_store(i - (_NBUF - _GD), pu)
            if p_gather:
                wait_idx(i + _GD, pu)
                issue_gather(pu)
            wait_gather(u)
            if p_idx:
                issue_idx(i + _NBUF, u)
            issue_store(i, u)

        for c in range(_NBUF):
            issue_idx(c, c)
        for c in range(_GD):
            wait_idx(c, c)
            issue_gather(c)
        slot(0, 0, w_store=False)
        slot(1, 1 % _NBUF, w_store=False)

        def outer(g, _):
            for v in range(_NBUF):
                i = 2 + g * _NBUF + v
                slot(i, (2 + v) % _NBUF)
            return ()

        lax.fori_loop(0, steady // _NBUF, outer, ())

        for c in range(2 + steady, n):
            slot(c, c % _NBUF,
                 p_gather=(c + _GD <= n - 1), p_idx=(c + _NBUF <= n - 1))
        wait_store(n - 2, (n - 2) % _NBUF)
        wait_store(n - 1, (n - 1) % _NBUF)

    return k(flat_idx, table)


def kernel(x, table):
    B0, S = x.shape
    B = B0 * S
    out = _gather_rows(x.reshape(B), table, B)
    return out.reshape(B0, S, _D)

# --- scband reference (transcript-rebuilt; emitter-appended) ---
"""Pipeline reference for scband-transformer-79989470920948 (READ-ONLY COPY).

The authoritative reference and input builder live on the scoring server;
editing this copy changes nothing except your own understanding.
"""

import jax, jax.numpy as jnp
import numpy as np

NUM_EMBEDDINGS = 50000
EMBED_DIM = 128


def setup_inputs(seed: int = 0) -> dict:
    key = jax.random.key(seed)
    k1, k2 = jax.random.split(key)
    x = jax.random.randint(k1, (16384, 200), 0, NUM_EMBEDDINGS, dtype=jnp.int64 if jax.config.jax_enable_x64 else jnp.int32)
    table = jax.random.normal(k2, (NUM_EMBEDDINGS, EMBED_DIM), dtype=jnp.float32)
    return {"x": x, "table": table}


def reference(x, table):
    # Faithful translation of torch.nn.Embedding(n, d)(x): a row-gather from the table.
    # The original forward prints and returns 0.0; the actual computation performed
    # is the embedding lookup, which we return as the forward output.
    emb = jnp.take(table, x, axis=0)
    return emb

if __name__ == "__main__":
    import jax
    _d = setup_inputs()
    print(jax.jit(kernel)(*tuple(_d.values())))

</pallas_src>

<mosaic_0001>
#map = affine_map<(d0, d1) -> (0)>
#map1 = affine_map<(d0, d1) -> (0, 0)>
module attributes {stable_mosaic.version = 14 : i64} {
  func.func @k(%arg0: i32, %arg1: i32, %arg2: memref<3276800xi32, #tpu.memory_space<hbm>>, %arg3: memref<50000x128xf32, #tpu.memory_space<hbm>>, %arg4: memref<3276800x128xf32, #tpu.memory_space<hbm>>, %arg5: memref<3x2x128xi32, #tpu.memory_space<vmem>>, %arg6: memref<3x256x128xf32, #tpu.memory_space<vmem>>, %arg7: memref<!tpu.dma_semaphore, #tpu.memory_space<semaphore_mem>>, %arg8: memref<!tpu.dma_semaphore, #tpu.memory_space<semaphore_mem>>, %arg9: memref<!tpu.dma_semaphore, #tpu.memory_space<semaphore_mem>>, %arg10: memref<!tpu.dma_semaphore, #tpu.memory_space<semaphore_mem>>, %arg11: memref<!tpu.dma_semaphore, #tpu.memory_space<semaphore_mem>>, %arg12: memref<!tpu.dma_semaphore, #tpu.memory_space<semaphore_mem>>, %arg13: memref<!tpu.dma_semaphore, #tpu.memory_space<semaphore_mem>>, %arg14: memref<!tpu.dma_semaphore, #tpu.memory_space<semaphore_mem>>, %arg15: memref<!tpu.dma_semaphore, #tpu.memory_space<semaphore_mem>>) attributes {dimension_semantics = [#tpu.dimension_semantics<core_parallel>, #tpu.dimension_semantics<subcore_parallel>], iteration_bounds = array<i64: 2, 16>, scalar_prefetch = 0 : i64, scratch_operands = 11 : i64, tpu.core_type = #tpu.core_type<sc_vector_subcore>, window_params = [{transform_indices = #map}, {transform_indices = #map1}, {transform_indices = #map1}]} {
    %mul3A = arith.constant 2 : i32
    %mul3A_0 = arith.muli %arg1, %mul3A : i32
    %add3A = arith.addi %mul3A_0, %arg0 : i32
    %mul3A_1 = arith.constant 102400 : i32
    %mul3A_2 = arith.muli %add3A, %mul3A_1 : i32
    %add3A_3 = arith.constant 0 : i32
    %add3A_4 = arith.addi %mul3A_2, %add3A_3 : i32
    %add3A_5 = arith.constant 0 : i32
    %add3A_6 = arith.addi %add3A_4, %add3A_5 : i32
    %dma_start3A = arith.constant 0 : i32
    %dma_start3A_7 = arith.constant 0 : i32
    %dma_start3A_8 = arith.constant 0 : i32
    %dma_start3A_9 = arith.constant 0 : i32
    %dma_start3A_10 = tpu.memref_slice %arg5[%dma_start3A, %dma_start3A_8, %dma_start3A_9] : memref<3x2x128xi32, #tpu.memory_space<vmem>> -> memref<1x2x128xi32, #tpu.memory_space<vmem>>
    %dma_start3A_11 = tpu.memref_squeeze %dma_start3A_10 : memref<1x2x128xi32, #tpu.memory_space<vmem>> -> memref<2x128xi32, #tpu.memory_space<vmem>>
    %dma_start3A_12 = arith.constant 0 : i32
    %dma_start3A_13 = tpu.memref_slice %dma_start3A_11[%dma_start3A_7, %dma_start3A_12] : memref<2x128xi32, #tpu.memory_space<vmem>> -> memref<1x128xi32, #tpu.memory_space<vmem>>
    %dma_start3A_14 = tpu.memref_squeeze %dma_start3A_13 : memref<1x128xi32, #tpu.memory_space<vmem>> -> memref<128xi32, #tpu.memory_space<vmem>>
    %dma_start3A_15 = tpu.memref_slice %arg2[%add3A_6] : memref<3276800xi32, #tpu.memory_space<hbm>> -> memref<128xi32, #tpu.memory_space<hbm>>
    %dma_start3A_16 = arith.constant 0 : i32
    %dma_start3A_17 = arith.constant 0 : i32
    %dma_start3A_18 = tpu.memref_slice %arg5[%dma_start3A, %dma_start3A_16, %dma_start3A_17] : memref<3x2x128xi32, #tpu.memory_space<vmem>> -> memref<1x2x128xi32, #tpu.memory_space<vmem>>
    %dma_start3A_19 = tpu.memref_squeeze %dma_start3A_18 : memref<1x2x128xi32, #tpu.memory_space<vmem>> -> memref<2x128xi32, #tpu.memory_space<vmem>>
    %dma_start3A_20 = arith.constant 0 : i32
    %dma_start3A_21 = tpu.memref_slice %dma_start3A_19[%dma_start3A_7, %dma_start3A_20] : memref<2x128xi32, #tpu.memory_space<vmem>> -> memref<1x128xi32, #tpu.memory_space<vmem>>
    %dma_start3A_22 = tpu.memref_squeeze %dma_start3A_21 : memref<1x128xi32, #tpu.memory_space<vmem>> -> memref<128xi32, #tpu.memory_space<vmem>>
    %dma_start3A_23 = tpu.memref_slice %arg2[%add3A_6] : memref<3276800xi32, #tpu.memory_space<hbm>> -> memref<128xi32, #tpu.memory_space<hbm>>
    tpu.enqueue_dma source(%dma_start3A_23 : memref<128xi32, #tpu.memory_space<hbm>>) target(%dma_start3A_22 : memref<128xi32, #tpu.memory_space<vmem>>) target_semaphore(%arg7 : memref<!tpu.dma_semaphore, #tpu.memory_space<semaphore_mem>>)
    %add3A_24 = arith.constant 0 : i32
    %add3A_25 = arith.addi %mul3A_2, %add3A_24 : i32
    %add3A_26 = arith.constant 128 : i32
    %add3A_27 = arith.addi %add3A_25, %add3A_26 : i32
    %dma_start3A_28 = arith.constant 0 : i32
    %dma_start3A_29 = arith.constant 1 : i32
    %dma_start3A_30 = arith.constant 0 : i32
    %dma_start3A_31 = arith.constant 0 : i32
    %dma_start3A_32 = tpu.memref_slice %arg5[%dma_start3A_28, %dma_start3A_30, %dma_start3A_31] : memref<3x2x128xi32, #tpu.memory_space<vmem>> -> memref<1x2x128xi32, #tpu.memory_space<vmem>>
    %dma_start3A_33 = tpu.memref_squeeze %dma_start3A_32 : memref<1x2x128xi32, #tpu.memory_space<vmem>> -> memref<2x128xi32, #tpu.memory_space<vmem>>
    %dma_start3A_34 = arith.constant 0 : i32
    %dma_start3A_35 = tpu.memref_slice %dma_start3A_33[%dma_start3A_29, %dma_start3A_34] : memref<2x128xi32, #tpu.memory_space<vmem>> -> memref<1x128xi32, #tpu.memory_space<vmem>>
    %dma_start3A_36 = tpu.memref_squeeze %dma_start3A_35 : memref<1x128xi32, #tpu.memory_space<vmem>> -> memref<128xi32, #tpu.memory_space<vmem>>
    %dma_start3A_37 = tpu.memref_slice %arg2[%add3A_27] : memref<3276800xi32, #tpu.memory_space<hbm>> -> memref<128xi32, #tpu.memory_space<hbm>>
    %dma_start3A_38 = arith.constant 0 : i32
    %dma_start3A_39 = arith.constant 0 : i32
    %dma_start3A_40 = tpu.memref_slice %arg5[%dma_start3A_28, %dma_start3A_38, %dma_start3A_39] : memref<3x2x128xi32, #tpu.memory_space<vmem>> -> memref<1x2x128xi32, #tpu.memory_space<vmem>>
    %dma_start3A_41 = tpu.memref_squeeze %dma_start3A_40 : memref<1x2x128xi32, #tpu.memory_space<vmem>> -> memref<2x128xi32, #tpu.memory_space<vmem>>
    %dma_start3A_42 = arith.constant 0 : i32
    %dma_start3A_43 = tpu.memref_slice %dma_start3A_41[%dma_start3A_29, %dma_start3A_42] : memref<2x128xi32, #tpu.memory_space<vmem>> -> memref<1x128xi32, #tpu.memory_space<vmem>>
    %dma_start3A_44 = tpu.memref_squeeze %dma_start3A_43 : memref<1x128xi32, #tpu.memory_space<vmem>> -> memref<128xi32, #tpu.memory_space<vmem>>
    %dma_start3A_45 = tpu.memref_slice %arg2[%add3A_27] : memref<3276800xi32, #tpu.memory_space<hbm>> -> memref<128xi32, #tpu.memory_space<hbm>>
    tpu.enqueue_dma source(%dma_start3A_45 : memref<128xi32, #tpu.memory_space<hbm>>) target(%dma_start3A_44 : memref<128xi32, #tpu.memory_space<vmem>>) target_semaphore(%arg7 : memref<!tpu.dma_semaphore, #tpu.memory_space<semaphore_mem>>)
    %add3A_46 = arith.constant 256 : i32
    %add3A_47 = arith.addi %mul3A_2, %add3A_46 : i32
    %add3A_48 = arith.constant 0 : i32
    %add3A_49 = arith.addi %add3A_47, %add3A_48 : i32
    %dma_start3A_50 = arith.constant 1 : i32
    %dma_start3A_51 = arith.constant 0 : i32
    %dma_start3A_52 = arith.constant 0 : i32
    %dma_start3A_53 = arith.constant 0 : i32
    %dma_start3A_54 = tpu.memref_slice %arg5[%dma_start3A_50, %dma_start3A_52, %dma_start3A_53] : memref<3x2x128xi32, #tpu.memory_space<vmem>> -> memref<1x2x128xi32, #tpu.memory_space<vmem>>
    %dma_start3A_55 = tpu.memref_squeeze %dma_start3A_54 : memref<1x2x128xi32, #tpu.memory_space<vmem>> -> memref<2x128xi32, #tpu.memory_space<vmem>>
    %dma_start3A_56 = arith.constant 0 : i32
    %dma_start3A_57 = tpu.memref_slice %dma_start3A_55[%dma_start3A_51, %dma_start3A_56] : memref<2x128xi32, #tpu.memory_space<vmem>> -> memref<1x128xi32, #tpu.memory_space<vmem>>
    %dma_start3A_58 = tpu.memref_squeeze %dma_start3A_57 : memref<1x128xi32, #tpu.memory_space<vmem>> -> memref<128xi32, #tpu.memory_space<vmem>>
    %dma_start3A_59 = tpu.memref_slice %arg2[%add3A_49] : memref<3276800xi32, #tpu.memory_space<hbm>> -> memref<128xi32, #tpu.memory_space<hbm>>
    %dma_start3A_60 = arith.constant 0 : i32
    %dma_start3A_61 = arith.constant 0 : i32
    %dma_start3A_62 = tpu.memref_slice %arg5[%dma_start3A_50, %dma_start3A_60, %dma_start3A_61] : memref<3x2x128xi32, #tpu.memory_space<vmem>> -> memref<1x2x128xi32, #tpu.memory_space<vmem>>
    %dma_start3A_63 = tpu.memref_squeeze %dma_start3A_62 : memref<1x2x128xi32, #tpu.memory_space<vmem>> -> memref<2x128xi32, #tpu.memory_space<vmem>>
    %dma_start3A_64 = arith.constant 0 : i32
    %dma_start3A_65 = tpu.memref_slice %dma_start3A_63[%dma_start3A_51, %dma_start3A_64] : memref<2x128xi32, #tpu.memory_space<vmem>> -> memref<1x128xi32, #tpu.memory_space<vmem>>
    %dma_start3A_66 = tpu.memref_squeeze %dma_start3A_65 : memref<1x128xi32, #tpu.memory_space<vmem>> -> memref<128xi32, #tpu.memory_space<vmem>>
    %dma_start3A_67 = tpu.memref_slice %arg2[%add3A_49] : memref<3276800xi32, #tpu.memory_space<hbm>> -> memref<128xi32, #tpu.memory_space<hbm>>
    tpu.enqueue_dma source(%dma_start3A_67 : memref<128xi32, #tpu.memory_space<hbm>>) target(%dma_start3A_66 : memref<128xi32, #tpu.memory_space<vmem>>) target_semaphore(%arg8 : memref<!tpu.dma_semaphore, #tpu.memory_space<semaphore_mem>>)
    %add3A_68 = arith.constant 256 : i32
    %add3A_69 = arith.addi %mul3A_2, %add3A_68 : i32
    %add3A_70 = arith.constant 128 : i32
    %add3A_71 = arith.addi %add3A_69, %add3A_70 : i32
    %dma_start3A_72 = arith.constant 1 : i32
    %dma_start3A_73 = arith.constant 1 : i32
    %dma_start3A_74 = arith.constant 0 : i32
    %dma_start3A_75 = arith.constant 0 : i32
    %dma_start3A_76 = tpu.memref_slice %arg5[%dma_start3A_72, %dma_start3A_74, %dma_start3A_75] : memref<3x2x128xi32, #tpu.memory_space<vmem>> -> memref<1x2x128xi32, #tpu.memory_space<vmem>>
    %dma_start3A_77 = tpu.memref_squeeze %dma_start3A_76 : memref<1x2x128xi32, #tpu.memory_space<vmem>> -> memref<2x128xi32, #tpu.memory_space<vmem>>
    %dma_start3A_78 = arith.constant 0 : i32
    %dma_start3A_79 = tpu.memref_slice %dma_start3A_77[%dma_start3A_73, %dma_start3A_78] : memref<2x128xi32, #tpu.memory_space<vmem>> -> memref<1x128xi32, #tpu.memory_space<vmem>>
    %dma_start3A_80 = tpu.memref_squeeze %dma_start3A_79 : memref<1x128xi32, #tpu.memory_space<vmem>> -> memref<128xi32, #tpu.memory_space<vmem>>
    %dma_start3A_81 = tpu.memref_slice %arg2[%add3A_71] : memref<3276800xi32, #tpu.memory_space<hbm>> -> memref<128xi32, #tpu.memory_space<hbm>>
    %dma_start3A_82 = arith.constant 0 : i32
    %dma_start3A_83 = arith.constant 0 : i32
    %dma_start3A_84 = tpu.memref_slice %arg5[%dma_start3A_72, %dma_start3A_82, %dma_start3A_83] : memref<3x2x128xi32, #tpu.memory_space<vmem>> -> memref<1x2x128xi32, #tpu.memory_space<vmem>>
    %dma_start3A_85 = tpu.memref_squeeze %dma_start3A_84 : memref<1x2x128xi32, #tpu.memory_space<vmem>> -> memref<2x128xi32, #tpu.memory_space<vmem>>
    %dma_start3A_86 = arith.constant 0 : i32
    %dma_start3A_87 = tpu.memref_slice %dma_start3A_85[%dma_start3A_73, %dma_start3A_86] : memref<2x128xi32, #tpu.memory_space<vmem>> -> memref<1x128xi32, #tpu.memory_space<vmem>>
    %dma_start3A_88 = tpu.memref_squeeze %dma_start3A_87 : memref<1x128xi32, #tpu.memory_space<vmem>> -> memref<128xi32, #tpu.memory_space<vmem>>
    %dma_start3A_89 = tpu.memref_slice %arg2[%add3A_71] : memref<3276800xi32, #tpu.memory_space<hbm>> -> memref<128xi32, #tpu.memory_space<hbm>>
    tpu.enqueue_dma source(%dma_start3A_89 : memref<128xi32, #tpu.memory_space<hbm>>) target(%dma_start3A_88 : memref<128xi32, #tpu.memory_space<vmem>>) target_semaphore(%arg8 : memref<!tpu.dma_semaphore, #tpu.memory_space<semaphore_mem>>)
    %add3A_90 = arith.constant 512 : i32
    %add3A_91 = arith.addi %mul3A_2, %add3A_90 : i32
    %add3A_92 = arith.constant 0 : i32
    %add3A_93 = arith.addi %add3A_91, %add3A_92 : i32
    %dma_start3A_94 = arith.constant 2 : i32
    %dma_start3A_95 = arith.constant 0 : i32
    %dma_start3A_96 = arith.constant 0 : i32
    %dma_start3A_97 = arith.constant 0 : i32
    %dma_start3A_98 = tpu.memref_slice %arg5[%dma_start3A_94, %dma_start3A_96, %dma_start3A_97] : memref<3x2x128xi32, #tpu.memory_space<vmem>> -> memref<1x2x128xi32, #tpu.memory_space<vmem>>
    %dma_start3A_99 = tpu.memref_squeeze %dma_start3A_98 : memref<1x2x128xi32, #tpu.memory_space<vmem>> -> memref<2x128xi32, #tpu.memory_space<vmem>>
    %dma_start3A_100 = arith.constant 0 : i32
    %dma_start3A_101 = tpu.memref_slice %dma_start3A_99[%dma_start3A_95, %dma_start3A_100] : memref<2x128xi32, #tpu.memory_space<vmem>> -> memref<1x128xi32, #tpu.memory_space<vmem>>
    %dma_start3A_102 = tpu.memref_squeeze %dma_start3A_101 : memref<1x128xi32, #tpu.memory_space<vmem>> -> memref<128xi32, #tpu.memory_space<vmem>>
    %dma_start3A_103 = tpu.memref_slice %arg2[%add3A_93] : memref<3276800xi32, #tpu.memory_space<hbm>> -> memref<128xi32, #tpu.memory_space<hbm>>
    %dma_start3A_104 = arith.constant 0 : i32
    %dma_start3A_105 = arith.constant 0 : i32
    %dma_start3A_106 = tpu.memref_slice %arg5[%dma_start3A_94, %dma_start3A_104, %dma_start3A_105] : memref<3x2x128xi32, #tpu.memory_space<vmem>> -> memref<1x2x128xi32, #tpu.memory_space<vmem>>
    %dma_start3A_107 = tpu.memref_squeeze %dma_start3A_106 : memref<1x2x128xi32, #tpu.memory_space<vmem>> -> memref<2x128xi32, #tpu.memory_space<vmem>>
    %dma_start3A_108 = arith.constant 0 : i32
    %dma_start3A_109 = tpu.memref_slice %dma_start3A_107[%dma_start3A_95, %dma_start3A_108] : memref<2x128xi32, #tpu.memory_space<vmem>> -> memref<1x128xi32, #tpu.memory_space<vmem>>
    %dma_start3A_110 = tpu.memref_squeeze %dma_start3A_109 : memref<1x128xi32, #tpu.memory_space<vmem>> -> memref<128xi32, #tpu.memory_space<vmem>>
    %dma_start3A_111 = tpu.memref_slice %arg2[%add3A_93] : memref<3276800xi32, #tpu.memory_space<hbm>> -> memref<128xi32, #tpu.memory_space<hbm>>
    tpu.enqueue_dma source(%dma_start3A_111 : memref<128xi32, #tpu.memory_space<hbm>>) target(%dma_start3A_110 : memref<128xi32, #tpu.memory_space<vmem>>) target_semaphore(%arg9 : memref<!tpu.dma_semaphore, #tpu.memory_space<semaphore_mem>>)
    %add3A_112 = arith.constant 512 : i32
    %add3A_113 = arith.addi %mul3A_2, %add3A_112 : i32
    %add3A_114 = arith.constant 128 : i32
    %add3A_115 = arith.addi %add3A_113, %add3A_114 : i32
    %dma_start3A_116 = arith.constant 2 : i32
    %dma_start3A_117 = arith.constant 1 : i32
    %dma_start3A_118 = arith.constant 0 : i32
    %dma_start3A_119 = arith.constant 0 : i32
    %dma_start3A_120 = tpu.memref_slice %arg5[%dma_start3A_116, %dma_start3A_118, %dma_start3A_119] : memref<3x2x128xi32, #tpu.memory_space<vmem>> -> memref<1x2x128xi32, #tpu.memory_space<vmem>>
    %dma_start3A_121 = tpu.memref_squeeze %dma_start3A_120 : memref<1x2x128xi32, #tpu.memory_space<vmem>> -> memref<2x128xi32, #tpu.memory_space<vmem>>
    %dma_start3A_122 = arith.constant 0 : i32
    %dma_start3A_123 = tpu.memref_slice %dma_start3A_121[%dma_start3A_117, %dma_start3A_122] : memref<2x128xi32, #tpu.memory_space<vmem>> -> memref<1x128xi32, #tpu.memory_space<vmem>>
    %dma_start3A_124 = tpu.memref_squeeze %dma_start3A_123 : memref<1x128xi32, #tpu.memory_space<vmem>> -> memref<128xi32, #tpu.memory_space<vmem>>
    %dma_start3A_125 = tpu.memref_slice %arg2[%add3A_115] : memref<3276800xi32, #tpu.memory_space<hbm>> -> memref<128xi32, #tpu.memory_space<hbm>>
    %dma_start3A_126 = arith.constant 0 : i32
    %dma_start3A_127 = arith.constant 0 : i32
    %dma_start3A_128 = tpu.memref_slice %arg5[%dma_start3A_116, %dma_start3A_126, %dma_start3A_127] : memref<3x2x128xi32, #tpu.memory_space<vmem>> -> memref<1x2x128xi32, #tpu.memory_space<vmem>>
    %dma_start3A_129 = tpu.memref_squeeze %dma_start3A_128 : memref<1x2x128xi32, #tpu.memory_space<vmem>> -> memref<2x128xi32, #tpu.memory_space<vmem>>
    %dma_start3A_130 = arith.constant 0 : i32
    %dma_start3A_131 = tpu.memref_slice %dma_start3A_129[%dma_start3A_117, %dma_start3A_130] : memref<2x128xi32, #tpu.memory_space<vmem>> -> memref<1x128xi32, #tpu.memory_space<vmem>>
    %dma_start3A_132 = tpu.memref_squeeze %dma_start3A_131 : memref<1x128xi32, #tpu.memory_space<vmem>> -> memref<128xi32, #tpu.memory_space<vmem>>
    %dma_start3A_133 = tpu.memref_slice %arg2[%add3A_115] : memref<3276800xi32, #tpu.memory_space<hbm>> -> memref<128xi32, #tpu.memory_space<hbm>>
    tpu.enqueue_dma source(%dma_start3A_133 : memref<128xi32, #tpu.memory_space<hbm>>) target(%dma_start3A_132 : memref<128xi32, #tpu.memory_space<vmem>>) target_semaphore(%arg9 : memref<!tpu.dma_semaphore, #tpu.memory_space<semaphore_mem>>)
    %add3A_134 = arith.constant 0 : i32
    %add3A_135 = arith.addi %mul3A_2, %add3A_134 : i32
    %add3A_136 = arith.constant 0 : i32
    %add3A_137 = arith.addi %add3A_135, %add3A_136 : i32
    %dma_wait3A = arith.constant 0 : i32
    %dma_wait3A_138 = arith.constant 0 : i32
    %dma_wait3A_139 = arith.constant 0 : i32
    %dma_wait3A_140 = arith.constant 0 : i32
    %dma_wait3A_141 = tpu.memref_slice %arg5[%dma_wait3A, %dma_wait3A_139, %dma_wait3A_140] : memref<3x2x128xi32, #tpu.memory_space<vmem>> -> memref<1x2x128xi32, #tpu.memory_space<vmem>>
    %dma_wait3A_142 = tpu.memref_squeeze %dma_wait3A_141 : memref<1x2x128xi32, #tpu.memory_space<vmem>> -> memref<2x128xi32, #tpu.memory_space<vmem>>
    %dma_wait3A_143 = arith.constant 0 : i32
    %dma_wait3A_144 = tpu.memref_slice %dma_wait3A_142[%dma_wait3A_138, %dma_wait3A_143] : memref<2x128xi32, #tpu.memory_space<vmem>> -> memref<1x128xi32, #tpu.memory_space<vmem>>
    %dma_wait3A_145 = tpu.memref_squeeze %dma_wait3A_144 : memref<1x128xi32, #tpu.memory_space<vmem>> -> memref<128xi32, #tpu.memory_space<vmem>>
    %dma_wait3A_146 = tpu.memref_slice %arg2[%add3A_137] : memref<3276800xi32, #tpu.memory_space<hbm>> -> memref<128xi32, #tpu.memory_space<hbm>>
    %dma_wait3A_147 = arith.constant 0 : i32
    %dma_wait3A_148 = arith.constant 0 : i32
    %dma_wait3A_149 = tpu.memref_slice %arg5[%dma_wait3A, %dma_wait3A_147, %dma_wait3A_148] : memref<3x2x128xi32, #tpu.memory_space<vmem>> -> memref<1x2x128xi32, #tpu.memory_space<vmem>>
    %dma_wait3A_150 = tpu.memref_squeeze %dma_wait3A_149 : memref<1x2x128xi32, #tpu.memory_space<vmem>> -> memref<2x128xi32, #tpu.memory_space<vmem>>
    %dma_wait3A_151 = arith.constant 0 : i32
    %dma_wait3A_152 = tpu.memref_slice %dma_wait3A_150[%dma_wait3A_138, %dma_wait3A_151] : memref<2x128xi32, #tpu.memory_space<vmem>> -> memref<1x128xi32, #tpu.memory_space<vmem>>
    %dma_wait3A_153 = tpu.memref_squeeze %dma_wait3A_152 : memref<1x128xi32, #tpu.memory_space<vmem>> -> memref<128xi32, #tpu.memory_space<vmem>>
    %dma_wait3A_154 = tpu.memref_slice %arg2[%add3A_137] : memref<3276800xi32, #tpu.memory_space<hbm>> -> memref<128xi32, #tpu.memory_space<hbm>>
    tpu.wait_dma2 semaphore(%arg7 : memref<!tpu.dma_semaphore, #tpu.memory_space<semaphore_mem>>) src(%dma_wait3A_154 : memref<128xi32, #tpu.memory_space<hbm>>) dst(%dma_wait3A_153 : memref<128xi32, #tpu.memory_space<vmem>>)
    %add3A_155 = arith.constant 0 : i32
    %add3A_156 = arith.addi %mul3A_2, %add3A_155 : i32
    %add3A_157 = arith.constant 128 : i32
    %add3A_158 = arith.addi %add3A_156, %add3A_157 : i32
    %dma_wait3A_159 = arith.constant 0 : i32
    %dma_wait3A_160 = arith.constant 1 : i32
    %dma_wait3A_161 = arith.constant 0 : i32
    %dma_wait3A_162 = arith.constant 0 : i32
    %dma_wait3A_163 = tpu.memref_slice %arg5[%dma_wait3A_159, %dma_wait3A_161, %dma_wait3A_162] : memref<3x2x128xi32, #tpu.memory_space<vmem>> -> memref<1x2x128xi32, #tpu.memory_space<vmem>>
    %dma_wait3A_164 = tpu.memref_squeeze %dma_wait3A_163 : memref<1x2x128xi32, #tpu.memory_space<vmem>> -> memref<2x128xi32, #tpu.memory_space<vmem>>
    %dma_wait3A_165 = arith.constant 0 : i32
    %dma_wait3A_166 = tpu.memref_slice %dma_wait3A_164[%dma_wait3A_160, %dma_wait3A_165] : memref<2x128xi32, #tpu.memory_space<vmem>> -> memref<1x128xi32, #tpu.memory_space<vmem>>
    %dma_wait3A_167 = tpu.memref_squeeze %dma_wait3A_166 : memref<1x128xi32, #tpu.memory_space<vmem>> -> memref<128xi32, #tpu.memory_space<vmem>>
    %dma_wait3A_168 = tpu.memref_slice %arg2[%add3A_158] : memref<3276800xi32, #tpu.memory_space<hbm>> -> memref<128xi32, #tpu.memory_space<hbm>>
    %dma_wait3A_169 = arith.constant 0 : i32
    %dma_wait3A_170 = arith.constant 0 : i32
    %dma_wait3A_171 = tpu.memref_slice %arg5[%dma_wait3A_159, %dma_wait3A_169, %dma_wait3A_170] : memref<3x2x128xi32, #tpu.memory_space<vmem>> -> memref<1x2x128xi32, #tpu.memory_space<vmem>>
    %dma_wait3A_172 = tpu.memref_squeeze %dma_wait3A_171 : memref<1x2x128xi32, #tpu.memory_space<vmem>> -> memref<2x128xi32, #tpu.memory_space<vmem>>
    %dma_wait3A_173 = arith.constant 0 : i32
    %dma_wait3A_174 = tpu.memref_slice %dma_wait3A_172[%dma_wait3A_160, %dma_wait3A_173] : memref<2x128xi32, #tpu.memory_space<vmem>> -> memref<1x128xi32, #tpu.memory_space<vmem>>
    %dma_wait3A_175 = tpu.memref_squeeze %dma_wait3A_174 : memref<1x128xi32, #tpu.memory_space<vmem>> -> memref<128xi32, #tpu.memory_space<vmem>>
    %dma_wait3A_176 = tpu.memref_slice %arg2[%add3A_158] : memref<3276800xi32, #tpu.memory_space<hbm>> -> memref<128xi32, #tpu.memory_space<hbm>>
    tpu.wait_dma2 semaphore(%arg7 : memref<!tpu.dma_semaphore, #tpu.memory_space<semaphore_mem>>) src(%dma_wait3A_176 : memref<128xi32, #tpu.memory_space<hbm>>) dst(%dma_wait3A_175 : memref<128xi32, #tpu.memory_space<vmem>>)
    %dma_start3A_177 = arith.constant 0 : i32
    %dma_start3A_178 = arith.constant 0 : i32
    %dma_start3A_179 = arith.constant 0 : i32
    %dma_start3A_180 = arith.constant 0 : i32
    %dma_start3A_181 = arith.constant 0 : i32
    %dma_start3A_182 = tpu.memref_slice %arg6[%dma_start3A_179, %dma_start3A_180, %dma_start3A_181] : memref<3x256x128xf32, #tpu.memory_space<vmem>> -> memref<1x256x128xf32, #tpu.memory_space<vmem>>
    %dma_start3A_183 = tpu.memref_squeeze %dma_start3A_182 : memref<1x256x128xf32, #tpu.memory_space<vmem>> -> memref<256x128xf32, #tpu.memory_space<vmem>>
    %dma_start3A_184 = arith.constant 0 : i32
    %dma_start3A_185 = arith.constant 0 : i32
    %dma_start3A_186 = tpu.memref_slice %dma_start3A_183[%dma_start3A_184, %dma_start3A_185] : memref<256x128xf32, #tpu.memory_space<vmem>> -> memref<128x128xf32, #tpu.memory_space<vmem>>
    %dma_start3A_187 = arith.constant 0 : i32
    %dma_start3A_188 = arith.constant 0 : i32
    %dma_start3A_189 = tpu.memref_slice %arg5[%dma_start3A_177, %dma_start3A_187, %dma_start3A_188] : memref<3x2x128xi32, #tpu.memory_space<vmem>> -> memref<1x2x128xi32, #tpu.memory_space<vmem>>
    %dma_start3A_190 = tpu.memref_squeeze %dma_start3A_189 : memref<1x2x128xi32, #tpu.memory_space<vmem>> -> memref<2x128xi32, #tpu.memory_space<vmem>>
    %dma_start3A_191 = arith.constant 0 : i32
    %dma_start3A_192 = tpu.memref_slice %dma_start3A_190[%dma_start3A_178, %dma_start3A_191] : memref<2x128xi32, #tpu.memory_space<vmem>> -> memref<1x128xi32, #tpu.memory_space<vmem>>
    %dma_start3A_193 = tpu.memref_squeeze %dma_start3A_192 : memref<1x128xi32, #tpu.memory_space<vmem>> -> memref<128xi32, #tpu.memory_space<vmem>>
    %dma_start3A_194 = arith.constant 0 : i32
    %dma_start3A_195 = arith.constant 0 : i32
    %dma_start3A_196 = tpu.memref_slice %arg3[%dma_start3A_194, %dma_start3A_195] : memref<50000x128xf32, #tpu.memory_space<hbm>> -> memref<50000x128xf32, #tpu.memory_space<hbm>>
    tpu.enqueue_indirect_dma source(%dma_start3A_196 : memref<50000x128xf32, #tpu.memory_space<hbm>>) target(%dma_start3A_186 : memref<128x128xf32, #tpu.memory_space<vmem>>) offsets(%dma_start3A_193 : memref<128xi32, #tpu.memory_space<vmem>>) semaphore(%arg10 : memref<!tpu.dma_semaphore, #tpu.memory_space<semaphore_mem>>)
    %dma_start3A_197 = arith.constant 0 : i32
    %dma_start3A_198 = arith.constant 1 : i32
    %dma_start3A_199 = arith.constant 0 : i32
    %dma_start3A_200 = arith.constant 0 : i32
    %dma_start3A_201 = arith.constant 0 : i32
    %dma_start3A_202 = tpu.memref_slice %arg6[%dma_start3A_199, %dma_start3A_200, %dma_start3A_201] : memref<3x256x128xf32, #tpu.memory_space<vmem>> -> memref<1x256x128xf32, #tpu.memory_space<vmem>>
    %dma_start3A_203 = tpu.memref_squeeze %dma_start3A_202 : memref<1x256x128xf32, #tpu.memory_space<vmem>> -> memref<256x128xf32, #tpu.memory_space<vmem>>
    %dma_start3A_204 = arith.constant 128 : i32
    %dma_start3A_205 = arith.constant 0 : i32
    %dma_start3A_206 = tpu.memref_slice %dma_start3A_203[%dma_start3A_204, %dma_start3A_205] : memref<256x128xf32, #tpu.memory_space<vmem>> -> memref<128x128xf32, #tpu.memory_space<vmem>>
    %dma_start3A_207 = arith.constant 0 : i32
    %dma_start3A_208 = arith.constant 0 : i32
    %dma_start3A_209 = tpu.memref_slice %arg5[%dma_start3A_197, %dma_start3A_207, %dma_start3A_208] : memref<3x2x128xi32, #tpu.memory_space<vmem>> -> memref<1x2x128xi32, #tpu.memory_space<vmem>>
    %dma_start3A_210 = tpu.memref_squeeze %dma_start3A_209 : memref<1x2x128xi32, #tpu.memory_space<vmem>> -> memref<2x128xi32, #tpu.memory_space<vmem>>
    %dma_start3A_211 = arith.constant 0 : i32
    %dma_start3A_212 = tpu.memref_slice %dma_start3A_210[%dma_start3A_198, %dma_start3A_211] : memref<2x128xi32, #tpu.memory_space<vmem>> -> memref<1x128xi32, #tpu.memory_space<vmem>>
    %dma_start3A_213 = tpu.memref_squeeze %dma_start3A_212 : memref<1x128xi32, #tpu.memory_space<vmem>> -> memref<128xi32, #tpu.memory_space<vmem>>
    %dma_start3A_214 = arith.constant 0 : i32
    %dma_start3A_215 = arith.constant 0 : i32
    %dma_start3A_216 = tpu.memref_slice %arg3[%dma_start3A_214, %dma_start3A_215] : memref<50000x128xf32, #tpu.memory_space<hbm>> -> memref<50000x128xf32, #tpu.memory_space<hbm>>
    tpu.enqueue_indirect_dma source(%dma_start3A_216 : memref<50000x128xf32, #tpu.memory_space<hbm>>) target(%dma_start3A_206 : memref<128x128xf32, #tpu.memory_space<vmem>>) offsets(%dma_start3A_213 : memref<128xi32, #tpu.memory_space<vmem>>) semaphore(%arg10 : memref<!tpu.dma_semaphore, #tpu.memory_space<semaphore_mem>>)
    %add3A_217 = arith.constant 256 : i32
    %add3A_218 = arith.addi %mul3A_2, %add3A_217 : i32
    %add3A_219 = arith.constant 0 : i32
    %add3A_220 = arith.addi %add3A_218, %add3A_219 : i32
    %dma_wait3A_221 = arith.constant 1 : i32
    %dma_wait3A_222 = arith.constant 0 : i32
    %dma_wait3A_223 = arith.constant 0 : i32
    %dma_wait3A_224 = arith.constant 0 : i32
    %dma_wait3A_225 = tpu.memref_slice %arg5[%dma_wait3A_221, %dma_wait3A_223, %dma_wait3A_224] : memref<3x2x128xi32, #tpu.memory_space<vmem>> -> memref<1x2x128xi32, #tpu.memory_space<vmem>>
    %dma_wait3A_226 = tpu.memref_squeeze %dma_wait3A_225 : memref<1x2x128xi32, #tpu.memory_space<vmem>> -> memref<2x128xi32, #tpu.memory_space<vmem>>
    %dma_wait3A_227 = arith.constant 0 : i32
    %dma_wait3A_228 = tpu.memref_slice %dma_wait3A_226[%dma_wait3A_222, %dma_wait3A_227] : memref<2x128xi32, #tpu.memory_space<vmem>> -> memref<1x128xi32, #tpu.memory_space<vmem>>
    %dma_wait3A_229 = tpu.memref_squeeze %dma_wait3A_228 : memref<1x128xi32, #tpu.memory_space<vmem>> -> memref<128xi32, #tpu.memory_space<vmem>>
    %dma_wait3A_230 = tpu.memref_slice %arg2[%add3A_220] : memref<3276800xi32, #tpu.memory_space<hbm>> -> memref<128xi32, #tpu.memory_space<hbm>>
    %dma_wait3A_231 = arith.constant 0 : i32
    %dma_wait3A_232 = arith.constant 0 : i32
    %dma_wait3A_233 = tpu.memref_slice %arg5[%dma_wait3A_221, %dma_wait3A_231, %dma_wait3A_232] : memref<3x2x128xi32, #tpu.memory_space<vmem>> -> memref<1x2x128xi32, #tpu.memory_space<vmem>>
    %dma_wait3A_234 = tpu.memref_squeeze %dma_wait3A_233 : memref<1x2x128xi32, #tpu.memory_space<vmem>> -> memref<2x128xi32, #tpu.memory_space<vmem>>
    %dma_wait3A_235 = arith.constant 0 : i32
    %dma_wait3A_236 = tpu.memref_slice %dma_wait3A_234[%dma_wait3A_222, %dma_wait3A_235] : memref<2x128xi32, #tpu.memory_space<vmem>> -> memref<1x128xi32, #tpu.memory_space<vmem>>
    %dma_wait3A_237 = tpu.memref_squeeze %dma_wait3A_236 : memref<1x128xi32, #tpu.memory_space<vmem>> -> memref<128xi32, #tpu.memory_space<vmem>>
    %dma_wait3A_238 = tpu.memref_slice %arg2[%add3A_220] : memref<3276800xi32, #tpu.memory_space<hbm>> -> memref<128xi32, #tpu.memory_space<hbm>>
    tpu.wait_dma2 semaphore(%arg8 : memref<!tpu.dma_semaphore, #tpu.memory_space<semaphore_mem>>) src(%dma_wait3A_238 : memref<128xi32, #tpu.memory_space<hbm>>) dst(%dma_wait3A_237 : memref<128xi32, #tpu.memory_space<vmem>>)
    %add3A_239 = arith.constant 256 : i32
    %add3A_240 = arith.addi %mul3A_2, %add3A_239 : i32
    %add3A_241 = arith.constant 128 : i32
    %add3A_242 = arith.addi %add3A_240, %add3A_241 : i32
    %dma_wait3A_243 = arith.constant 1 : i32
    %dma_wait3A_244 = arith.constant 1 : i32
    %dma_wait3A_245 = arith.constant 0 : i32
    %dma_wait3A_246 = arith.constant 0 : i32
    %dma_wait3A_247 = tpu.memref_slice %arg5[%dma_wait3A_243, %dma_wait3A_245, %dma_wait3A_246] : memref<3x2x128xi32, #tpu.memory_space<vmem>> -> memref<1x2x128xi32, #tpu.memory_space<vmem>>
    %dma_wait3A_248 = tpu.memref_squeeze %dma_wait3A_247 : memref<1x2x128xi32, #tpu.memory_space<vmem>> -> memref<2x128xi32, #tpu.memory_space<vmem>>
    %dma_wait3A_249 = arith.constant 0 : i32
    %dma_wait3A_250 = tpu.memref_slice %dma_wait3A_248[%dma_wait3A_244, %dma_wait3A_249] : memref<2x128xi32, #tpu.memory_space<vmem>> -> memref<1x128xi32, #tpu.memory_space<vmem>>
    %dma_wait3A_251 = tpu.memref_squeeze %dma_wait3A_250 : memref<1x128xi32, #tpu.memory_space<vmem>> -> memref<128xi32, #tpu.memory_space<vmem>>
    %dma_wait3A_252 = tpu.memref_slice %arg2[%add3A_242] : memref<3276800xi32, #tpu.memory_space<hbm>> -> memref<128xi32, #tpu.memory_space<hbm>>
    %dma_wait3A_253 = arith.constant 0 : i32
    %dma_wait3A_254 = arith.constant 0 : i32
    %dma_wait3A_255 = tpu.memref_slice %arg5[%dma_wait3A_243, %dma_wait3A_253, %dma_wait3A_254] : memref<3x2x128xi32, #tpu.memory_space<vmem>> -> memref<1x2x128xi32, #tpu.memory_space<vmem>>
    %dma_wait3A_256 = tpu.memref_squeeze %dma_wait3A_255 : memref<1x2x128xi32, #tpu.memory_space<vmem>> -> memref<2x128xi32, #tpu.memory_space<vmem>>
    %dma_wait3A_257 = arith.constant 0 : i32
    %dma_wait3A_258 = tpu.memref_slice %dma_wait3A_256[%dma_wait3A_244, %dma_wait3A_257] : memref<2x128xi32, #tpu.memory_space<vmem>> -> memref<1x128xi32, #tpu.memory_space<vmem>>
    %dma_wait3A_259 = tpu.memref_squeeze %dma_wait3A_258 : memref<1x128xi32, #tpu.memory_space<vmem>> -> memref<128xi32, #tpu.memory_space<vmem>>
    %dma_wait3A_260 = tpu.memref_slice %arg2[%add3A_242] : memref<3276800xi32, #tpu.memory_space<hbm>> -> memref<128xi32, #tpu.memory_space<hbm>>
    tpu.wait_dma2 semaphore(%arg8 : memref<!tpu.dma_semaphore, #tpu.memory_space<semaphore_mem>>) src(%dma_wait3A_260 : memref<128xi32, #tpu.memory_space<hbm>>) dst(%dma_wait3A_259 : memref<128xi32, #tpu.memory_space<vmem>>)
    %dma_start3A_261 = arith.constant 1 : i32
    %dma_start3A_262 = arith.constant 0 : i32
    %dma_start3A_263 = arith.constant 1 : i32
    %dma_start3A_264 = arith.constant 0 : i32
    %dma_start3A_265 = arith.constant 0 : i32
    %dma_start3A_266 = tpu.memref_slice %arg6[%dma_start3A_263, %dma_start3A_264, %dma_start3A_265] : memref<3x256x128xf32, #tpu.memory_space<vmem>> -> memref<1x256x128xf32, #tpu.memory_space<vmem>>
    %dma_start3A_267 = tpu.memref_squeeze %dma_start3A_266 : memref<1x256x128xf32, #tpu.memory_space<vmem>> -> memref<256x128xf32, #tpu.memory_space<vmem>>
    %dma_start3A_268 = arith.constant 0 : i32
    %dma_start3A_269 = arith.constant 0 : i32
    %dma_start3A_270 = tpu.memref_slice %dma_start3A_267[%dma_start3A_268, %dma_start3A_269] : memref<256x128xf32, #tpu.memory_space<vmem>> -> memref<128x128xf32, #tpu.memory_space<vmem>>
    %dma_start3A_271 = arith.constant 0 : i32
    %dma_start3A_272 = arith.constant 0 : i32
    %dma_start3A_273 = tpu.memref_slice %arg5[%dma_start3A_261, %dma_start3A_271, %dma_start3A_272] : memref<3x2x128xi32, #tpu.memory_space<vmem>> -> memref<1x2x128xi32, #tpu.memory_space<vmem>>
    %dma_start3A_274 = tpu.memref_squeeze %dma_start3A_273 : memref<1x2x128xi32, #tpu.memory_space<vmem>> -> memref<2x128xi32, #tpu.memory_space<vmem>>
    %dma_start3A_275 = arith.constant 0 : i32
    %dma_start3A_276 = tpu.memref_slice %dma_start3A_274[%dma_start3A_262, %dma_start3A_275] : memref<2x128xi32, #tpu.memory_space<vmem>> -> memref<1x128xi32, #tpu.memory_space<vmem>>
    %dma_start3A_277 = tpu.memref_squeeze %dma_start3A_276 : memref<1x128xi32, #tpu.memory_space<vmem>> -> memref<128xi32, #tpu.memory_space<vmem>>
    %dma_start3A_278 = arith.constant 0 : i32
    %dma_start3A_279 = arith.constant 0 : i32
    %dma_start3A_280 = tpu.memref_slice %arg3[%dma_start3A_278, %dma_start3A_279] : memref<50000x128xf32, #tpu.memory_space<hbm>> -> memref<50000x128xf32, #tpu.memory_space<hbm>>
    tpu.enqueue_indirect_dma source(%dma_start3A_280 : memref<50000x128xf32, #tpu.memory_space<hbm>>) target(%dma_start3A_270 : memref<128x128xf32, #tpu.memory_space<vmem>>) offsets(%dma_start3A_277 : memref<128xi32, #tpu.memory_space<vmem>>) semaphore(%arg11 : memref<!tpu.dma_semaphore, #tpu.memory_space<semaphore_mem>>)
    %dma_start3A_281 = arith.constant 1 : i32
    %dma_start3A_282 = arith.constant 1 : i32
    %dma_start3A_283 = arith.constant 1 : i32
    %dma_start3A_284 = arith.constant 0 : i32
    %dma_start3A_285 = arith.constant 0 : i32
    %dma_start3A_286 = tpu.memref_slice %arg6[%dma_start3A_283, %dma_start3A_284, %dma_start3A_285] : memref<3x256x128xf32, #tpu.memory_space<vmem>> -> memref<1x256x128xf32, #tpu.memory_space<vmem>>
    %dma_start3A_287 = tpu.memref_squeeze %dma_start3A_286 : memref<1x256x128xf32, #tpu.memory_space<vmem>> -> memref<256x128xf32, #tpu.memory_space<vmem>>
    %dma_start3A_288 = arith.constant 128 : i32
    %dma_start3A_289 = arith.constant 0 : i32
    %dma_start3A_290 = tpu.memref_slice %dma_start3A_287[%dma_start3A_288, %dma_start3A_289] : memref<256x128xf32, #tpu.memory_space<vmem>> -> memref<128x128xf32, #tpu.memory_space<vmem>>
    %dma_start3A_291 = arith.constant 0 : i32
    %dma_start3A_292 = arith.constant 0 : i32
    %dma_start3A_293 = tpu.memref_slice %arg5[%dma_start3A_281, %dma_start3A_291, %dma_start3A_292] : memref<3x2x128xi32, #tpu.memory_space<vmem>> -> memref<1x2x128xi32, #tpu.memory_space<vmem>>
    %dma_start3A_294 = tpu.memref_squeeze %dma_start3A_293 : memref<1x2x128xi32, #tpu.memory_space<vmem>> -> memref<2x128xi32, #tpu.memory_space<vmem>>
    %dma_start3A_295 = arith.constant 0 : i32
    %dma_start3A_296 = tpu.memref_slice %dma_start3A_294[%dma_start3A_282, %dma_start3A_295] : memref<2x128xi32, #tpu.memory_space<vmem>> -> memref<1x128xi32, #tpu.memory_space<vmem>>
    %dma_start3A_297 = tpu.memref_squeeze %dma_start3A_296 : memref<1x128xi32, #tpu.memory_space<vmem>> -> memref<128xi32, #tpu.memory_space<vmem>>
    %dma_start3A_298 = arith.constant 0 : i32
    %dma_start3A_299 = arith.constant 0 : i32
    %dma_start3A_300 = tpu.memref_slice %arg3[%dma_start3A_298, %dma_start3A_299] : memref<50000x128xf32, #tpu.memory_space<hbm>> -> memref<50000x128xf32, #tpu.memory_space<hbm>>
    tpu.enqueue_indirect_dma source(%dma_start3A_300 : memref<50000x128xf32, #tpu.memory_space<hbm>>) target(%dma_start3A_290 : memref<128x128xf32, #tpu.memory_space<vmem>>) offsets(%dma_start3A_297 : memref<128xi32, #tpu.memory_space<vmem>>) semaphore(%arg11 : memref<!tpu.dma_semaphore, #tpu.memory_space<semaphore_mem>>)
    %dma_wait3A_301 = arith.constant 0 : i32
    %dma_wait3A_302 = arith.constant 0 : i32
    %dma_wait3A_303 = arith.constant 0 : i32
    %dma_wait3A_304 = arith.constant 0 : i32
    %dma_wait3A_305 = arith.constant 0 : i32
    %dma_wait3A_306 = tpu.memref_slice %arg6[%dma_wait3A_303, %dma_wait3A_304, %dma_wait3A_305] : memref<3x256x128xf32, #tpu.memory_space<vmem>> -> memref<1x256x128xf32, #tpu.memory_space<vmem>>
    %dma_wait3A_307 = tpu.memref_squeeze %dma_wait3A_306 : memref<1x256x128xf32, #tpu.memory_space<vmem>> -> memref<256x128xf32, #tpu.memory_space<vmem>>
    %dma_wait3A_308 = arith.constant 0 : i32
    %dma_wait3A_309 = arith.constant 0 : i32
    %dma_wait3A_310 = tpu.memref_slice %dma_wait3A_307[%dma_wait3A_308, %dma_wait3A_309] : memref<256x128xf32, #tpu.memory_space<vmem>> -> memref<128x128xf32, #tpu.memory_space<vmem>>
    %dma_wait3A_311 = arith.constant 0 : i32
    %dma_wait3A_312 = arith.constant 0 : i32
    %dma_wait3A_313 = tpu.memref_slice %arg5[%dma_wait3A_301, %dma_wait3A_311, %dma_wait3A_312] : memref<3x2x128xi32, #tpu.memory_space<vmem>> -> memref<1x2x128xi32, #tpu.memory_space<vmem>>
    %dma_wait3A_314 = tpu.memref_squeeze %dma_wait3A_313 : memref<1x2x128xi32, #tpu.memory_space<vmem>> -> memref<2x128xi32, #tpu.memory_space<vmem>>
    %dma_wait3A_315 = arith.constant 0 : i32
    %dma_wait3A_316 = tpu.memref_slice %dma_wait3A_314[%dma_wait3A_302, %dma_wait3A_315] : memref<2x128xi32, #tpu.memory_space<vmem>> -> memref<1x128xi32, #tpu.memory_space<vmem>>
    %dma_wait3A_317 = tpu.memref_squeeze %dma_wait3A_316 : memref<1x128xi32, #tpu.memory_space<vmem>> -> memref<128xi32, #tpu.memory_space<vmem>>
    %dma_wait3A_318 = arith.constant 0 : i32
    %dma_wait3A_319 = arith.constant 0 : i32
    %dma_wait3A_320 = tpu.memref_slice %arg3[%dma_wait3A_318, %dma_wait3A_319] : memref<50000x128xf32, #tpu.memory_space<hbm>> -> memref<50000x128xf32, #tpu.memory_space<hbm>>
    tpu.wait_indirect_dma semaphore(%arg10 : memref<!tpu.dma_semaphore, #tpu.memory_space<semaphore_mem>>) src(%dma_wait3A_320 : memref<50000x128xf32, #tpu.memory_space<hbm>>) dst(%dma_wait3A_310 : memref<128x128xf32, #tpu.memory_space<vmem>>)
    %dma_wait3A_321 = arith.constant 0 : i32
    %dma_wait3A_322 = arith.constant 1 : i32
    %dma_wait3A_323 = arith.constant 0 : i32
    %dma_wait3A_324 = arith.constant 0 : i32
    %dma_wait3A_325 = arith.constant 0 : i32
    %dma_wait3A_326 = tpu.memref_slice %arg6[%dma_wait3A_323, %dma_wait3A_324, %dma_wait3A_325] : memref<3x256x128xf32, #tpu.memory_space<vmem>> -> memref<1x256x128xf32, #tpu.memory_space<vmem>>
    %dma_wait3A_327 = tpu.memref_squeeze %dma_wait3A_326 : memref<1x256x128xf32, #tpu.memory_space<vmem>> -> memref<256x128xf32, #tpu.memory_space<vmem>>
    %dma_wait3A_328 = arith.constant 128 : i32
    %dma_wait3A_329 = arith.constant 0 : i32
    %dma_wait3A_330 = tpu.memref_slice %dma_wait3A_327[%dma_wait3A_328, %dma_wait3A_329] : memref<256x128xf32, #tpu.memory_space<vmem>> -> memref<128x128xf32, #tpu.memory_space<vmem>>
    %dma_wait3A_331 = arith.constant 0 : i32
    %dma_wait3A_332 = arith.constant 0 : i32
    %dma_wait3A_333 = tpu.memref_slice %arg5[%dma_wait3A_321, %dma_wait3A_331, %dma_wait3A_332] : memref<3x2x128xi32, #tpu.memory_space<vmem>> -> memref<1x2x128xi32, #tpu.memory_space<vmem>>
    %dma_wait3A_334 = tpu.memref_squeeze %dma_wait3A_333 : memref<1x2x128xi32, #tpu.memory_space<vmem>> -> memref<2x128xi32, #tpu.memory_space<vmem>>
    %dma_wait3A_335 = arith.constant 0 : i32
    %dma_wait3A_336 = tpu.memref_slice %dma_wait3A_334[%dma_wait3A_322, %dma_wait3A_335] : memref<2x128xi32, #tpu.memory_space<vmem>> -> memref<1x128xi32, #tpu.memory_space<vmem>>
    %dma_wait3A_337 = tpu.memref_squeeze %dma_wait3A_336 : memref<1x128xi32, #tpu.memory_space<vmem>> -> memref<128xi32, #tpu.memory_space<vmem>>
    %dma_wait3A_338 = arith.constant 0 : i32
    %dma_wait3A_339 = arith.constant 0 : i32
    %dma_wait3A_340 = tpu.memref_slice %arg3[%dma_wait3A_338, %dma_wait3A_339] : memref<50000x128xf32, #tpu.memory_space<hbm>> -> memref<50000x128xf32, #tpu.memory_space<hbm>>
    tpu.wait_indirect_dma semaphore(%arg10 : memref<!tpu.dma_semaphore, #tpu.memory_space<semaphore_mem>>) src(%dma_wait3A_340 : memref<50000x128xf32, #tpu.memory_space<hbm>>) dst(%dma_wait3A_330 : memref<128x128xf32, #tpu.memory_space<vmem>>)
    %add3A_341 = arith.constant 768 : i32
    %add3A_342 = arith.addi %mul3A_2, %add3A_341 : i32
    %add3A_343 = arith.constant 0 : i32
    %add3A_344 = arith.addi %add3A_342, %add3A_343 : i32
    %dma_start3A_345 = arith.constant 0 : i32
    %dma_start3A_346 = arith.constant 0 : i32
    %dma_start3A_347 = arith.constant 0 : i32
    %dma_start3A_348 = arith.constant 0 : i32
    %dma_start3A_349 = tpu.memref_slice %arg5[%dma_start3A_345, %dma_start3A_347, %dma_start3A_348] : memref<3x2x128xi32, #tpu.memory_space<vmem>> -> memref<1x2x128xi32, #tpu.memory_space<vmem>>
    %dma_start3A_350 = tpu.memref_squeeze %dma_start3A_349 : memref<1x2x128xi32, #tpu.memory_space<vmem>> -> memref<2x128xi32, #tpu.memory_space<vmem>>
    %dma_start3A_351 = arith.constant 0 : i32
    %dma_start3A_352 = tpu.memref_slice %dma_start3A_350[%dma_start3A_346, %dma_start3A_351] : memref<2x128xi32, #tpu.memory_space<vmem>> -> memref<1x128xi32, #tpu.memory_space<vmem>>
    %dma_start3A_353 = tpu.memref_squeeze %dma_start3A_352 : memref<1x128xi32, #tpu.memory_space<vmem>> -> memref<128xi32, #tpu.memory_space<vmem>>
    %dma_start3A_354 = tpu.memref_slice %arg2[%add3A_344] : memref<3276800xi32, #tpu.memory_space<hbm>> -> memref<128xi32, #tpu.memory_space<hbm>>
    %dma_start3A_355 = arith.constant 0 : i32
    %dma_start3A_356 = arith.constant 0 : i32
    %dma_start3A_357 = tpu.memref_slice %arg5[%dma_start3A_345, %dma_start3A_355, %dma_start3A_356] : memref<3x2x128xi32, #tpu.memory_space<vmem>> -> memref<1x2x128xi32, #tpu.memory_space<vmem>>
    %dma_start3A_358 = tpu.memref_squeeze %dma_start3A_357 : memref<1x2x128xi32, #tpu.memory_space<vmem>> -> memref<2x128xi32, #tpu.memory_space<vmem>>
    %dma_start3A_359 = arith.constant 0 : i32
    %dma_start3A_360 = tpu.memref_slice %dma_start3A_358[%dma_start3A_346, %dma_start3A_359] : memref<2x128xi32, #tpu.memory_space<vmem>> -> memref<1x128xi32, #tpu.memory_space<vmem>>
    %dma_start3A_361 = tpu.memref_squeeze %dma_start3A_360 : memref<1x128xi32, #tpu.memory_space<vmem>> -> memref<128xi32, #tpu.memory_space<vmem>>
    %dma_start3A_362 = tpu.memref_slice %arg2[%add3A_344] : memref<3276800xi32, #tpu.memory_space<hbm>> -> memref<128xi32, #tpu.memory_space<hbm>>
    tpu.enqueue_dma source(%dma_start3A_362 : memref<128xi32, #tpu.memory_space<hbm>>) target(%dma_start3A_361 : memref<128xi32, #tpu.memory_space<vmem>>) target_semaphore(%arg7 : memref<!tpu.dma_semaphore, #tpu.memory_space<semaphore_mem>>)
    %add3A_363 = arith.constant 768 : i32
    %add3A_364 = arith.addi %mul3A_2, %add3A_363 : i32
    %add3A_365 = arith.constant 128 : i32
    %add3A_366 = arith.addi %add3A_364, %add3A_365 : i32
    %dma_start3A_367 = arith.constant 0 : i32
    %dma_start3A_368 = arith.constant 1 : i32
    %dma_start3A_369 = arith.constant 0 : i32
    %dma_start3A_370 = arith.constant 0 : i32
    %dma_start3A_371 = tpu.memref_slice %arg5[%dma_start3A_367, %dma_start3A_369, %dma_start3A_370] : memref<3x2x128xi32, #tpu.memory_space<vmem>> -> memref<1x2x128xi32, #tpu.memory_space<vmem>>
    %dma_start3A_372 = tpu.memref_squeeze %dma_start3A_371 : memref<1x2x128xi32, #tpu.memory_space<vmem>> -> memref<2x128xi32, #tpu.memory_space<vmem>>
    %dma_start3A_373 = arith.constant 0 : i32
    %dma_start3A_374 = tpu.memref_slice %dma_start3A_372[%dma_start3A_368, %dma_start3A_373] : memref<2x128xi32, #tpu.memory_space<vmem>> -> memref<1x128xi32, #tpu.memory_space<vmem>>
    %dma_start3A_375 = tpu.memref_squeeze %dma_start3A_374 : memref<1x128xi32, #tpu.memory_space<vmem>> -> memref<128xi32, #tpu.memory_space<vmem>>
    %dma_start3A_376 = tpu.memref_slice %arg2[%add3A_366] : memref<3276800xi32, #tpu.memory_space<hbm>> -> memref<128xi32, #tpu.memory_space<hbm>>
    %dma_start3A_377 = arith.constant 0 : i32
    %dma_start3A_378 = arith.constant 0 : i32
    %dma_start3A_379 = tpu.memref_slice %arg5[%dma_start3A_367, %dma_start3A_377, %dma_start3A_378] : memref<3x2x128xi32, #tpu.memory_space<vmem>> -> memref<1x2x128xi32, #tpu.memory_space<vmem>>
    %dma_start3A_380 = tpu.memref_squeeze %dma_start3A_379 : memref<1x2x128xi32, #tpu.memory_space<vmem>> -> memref<2x128xi32, #tpu.memory_space<vmem>>
    %dma_start3A_381 = arith.constant 0 : i32
    %dma_start3A_382 = tpu.memref_slice %dma_start3A_380[%dma_start3A_368, %dma_start3A_381] : memref<2x128xi32, #tpu.memory_space<vmem>> -> memref<1x128xi32, #tpu.memory_space<vmem>>
    %dma_start3A_383 = tpu.memref_squeeze %dma_start3A_382 : memref<1x128xi32, #tpu.memory_space<vmem>> -> memref<128xi32, #tpu.memory_space<vmem>>
    %dma_start3A_384 = tpu.memref_slice %arg2[%add3A_366] : memref<3276800xi32, #tpu.memory_space<hbm>> -> memref<128xi32, #tpu.memory_space<hbm>>
    tpu.enqueue_dma source(%dma_start3A_384 : memref<128xi32, #tpu.memory_space<hbm>>) target(%dma_start3A_383 : memref<128xi32, #tpu.memory_space<vmem>>) target_semaphore(%arg7 : memref<!tpu.dma_semaphore, #tpu.memory_space<semaphore_mem>>)
    %add3A_385 = arith.constant 0 : i32
    %add3A_386 = arith.addi %mul3A_2, %add3A_385 : i32
    %dma_start3A_387 = arith.constant 0 : i32
    %dma_start3A_388 = arith.constant 0 : i32
    %dma_start3A_389 = arith.constant 0 : i32
    %dma_start3A_390 = tpu.memref_slice %arg6[%dma_start3A_387, %dma_start3A_388, %dma_start3A_389] : memref<3x256x128xf32, #tpu.memory_space<vmem>> -> memref<1x256x128xf32, #tpu.memory_space<vmem>>
    %dma_start3A_391 = tpu.memref_squeeze %dma_start3A_390 : memref<1x256x128xf32, #tpu.memory_space<vmem>> -> memref<256x128xf32, #tpu.memory_space<vmem>>
    %dma_start3A_392 = arith.constant 0 : i32
    %dma_start3A_393 = tpu.memref_slice %arg4[%add3A_386, %dma_start3A_392] : memref<3276800x128xf32, #tpu.memory_space<hbm>> -> memref<256x128xf32, #tpu.memory_space<hbm>>
    %dma_start3A_394 = arith.constant 0 : i32
    %dma_start3A_395 = tpu.memref_slice %arg4[%add3A_386, %dma_start3A_394] : memref<3276800x128xf32, #tpu.memory_space<hbm>> -> memref<256x128xf32, #tpu.memory_space<hbm>>
    %dma_start3A_396 = arith.constant 0 : i32
    %dma_start3A_397 = arith.constant 0 : i32
    %dma_start3A_398 = tpu.memref_slice %arg6[%dma_start3A_387, %dma_start3A_396, %dma_start3A_397] : memref<3x256x128xf32, #tpu.memory_space<vmem>> -> memref<1x256x128xf32, #tpu.memory_space<vmem>>
    %dma_start3A_399 = tpu.memref_squeeze %dma_start3A_398 : memref<1x256x128xf32, #tpu.memory_space<vmem>> -> memref<256x128xf32, #tpu.memory_space<vmem>>
    tpu.enqueue_dma source(%dma_start3A_399 : memref<256x128xf32, #tpu.memory_space<vmem>>) target(%dma_start3A_395 : memref<256x128xf32, #tpu.memory_space<hbm>>) target_semaphore(%arg13 : memref<!tpu.dma_semaphore, #tpu.memory_space<semaphore_mem>>)
    %add3A_400 = arith.constant 512 : i32
    %add3A_401 = arith.addi %mul3A_2, %add3A_400 : i32
    %add3A_402 = arith.constant 0 : i32
    %add3A_403 = arith.addi %add3A_401, %add3A_402 : i32
    %dma_wait3A_404 = arith.constant 2 : i32
    %dma_wait3A_405 = arith.constant 0 : i32
    %dma_wait3A_406 = arith.constant 0 : i32
    %dma_wait3A_407 = arith.constant 0 : i32
    %dma_wait3A_408 = tpu.memref_slice %arg5[%dma_wait3A_404, %dma_wait3A_406, %dma_wait3A_407] : memref<3x2x128xi32, #tpu.memory_space<vmem>> -> memref<1x2x128xi32, #tpu.memory_space<vmem>>
    %dma_wait3A_409 = tpu.memref_squeeze %dma_wait3A_408 : memref<1x2x128xi32, #tpu.memory_space<vmem>> -> memref<2x128xi32, #tpu.memory_space<vmem>>
    %dma_wait3A_410 = arith.constant 0 : i32
    %dma_wait3A_411 = tpu.memref_slice %dma_wait3A_409[%dma_wait3A_405, %dma_wait3A_410] : memref<2x128xi32, #tpu.memory_space<vmem>> -> memref<1x128xi32, #tpu.memory_space<vmem>>
    %dma_wait3A_412 = tpu.memref_squeeze %dma_wait3A_411 : memref<1x128xi32, #tpu.memory_space<vmem>> -> memref<128xi32, #tpu.memory_space<vmem>>
    %dma_wait3A_413 = tpu.memref_slice %arg2[%add3A_403] : memref<3276800xi32, #tpu.memory_space<hbm>> -> memref<128xi32, #tpu.memory_space<hbm>>
    %dma_wait3A_414 = arith.constant 0 : i32
    %dma_wait3A_415 = arith.constant 0 : i32
    %dma_wait3A_416 = tpu.memref_slice %arg5[%dma_wait3A_404, %dma_wait3A_414, %dma_wait3A_415] : memref<3x2x128xi32, #tpu.memory_space<vmem>> -> memref<1x2x128xi32, #tpu.memory_space<vmem>>
    %dma_wait3A_417 = tpu.memref_squeeze %dma_wait3A_416 : memref<1x2x128xi32, #tpu.memory_space<vmem>> -> memref<2x128xi32, #tpu.memory_space<vmem>>
    %dma_wait3A_418 = arith.constant 0 : i32
    %dma_wait3A_419 = tpu.memref_slice %dma_wait3A_417[%dma_wait3A_405, %dma_wait3A_418] : memref<2x128xi32, #tpu.memory_space<vmem>> -> memref<1x128xi32, #tpu.memory_space<vmem>>
    %dma_wait3A_420 = tpu.memref_squeeze %dma_wait3A_419 : memref<1x128xi32, #tpu.memory_space<vmem>> -> memref<128xi32, #tpu.memory_space<vmem>>
    %dma_wait3A_421 = tpu.memref_slice %arg2[%add3A_403] : memref<3276800xi32, #tpu.memory_space<hbm>> -> memref<128xi32, #tpu.memory_space<hbm>>
    tpu.wait_dma2 semaphore(%arg9 : memref<!tpu.dma_semaphore, #tpu.memory_space<semaphore_mem>>) src(%dma_wait3A_421 : memref<128xi32, #tpu.memory_space<hbm>>) dst(%dma_wait3A_420 : memref<128xi32, #tpu.memory_space<vmem>>)
    %add3A_422 = arith.constant 512 : i32
    %add3A_423 = arith.addi %mul3A_2, %add3A_422 : i32
    %add3A_424 = arith.constant 128 : i32
    %add3A_425 = arith.addi %add3A_423, %add3A_424 : i32
    %dma_wait3A_426 = arith.constant 2 : i32
    %dma_wait3A_427 = arith.constant 1 : i32
    %dma_wait3A_428 = arith.constant 0 : i32
    %dma_wait3A_429 = arith.constant 0 : i32
    %dma_wait3A_430 = tpu.memref_slice %arg5[%dma_wait3A_426, %dma_wait3A_428, %dma_wait3A_429] : memref<3x2x128xi32, #tpu.memory_space<vmem>> -> memref<1x2x128xi32, #tpu.memory_space<vmem>>
    %dma_wait3A_431 = tpu.memref_squeeze %dma_wait3A_430 : memref<1x2x128xi32, #tpu.memory_space<vmem>> -> memref<2x128xi32, #tpu.memory_space<vmem>>
    %dma_wait3A_432 = arith.constant 0 : i32
    %dma_wait3A_433 = tpu.memref_slice %dma_wait3A_431[%dma_wait3A_427, %dma_wait3A_432] : memref<2x128xi32, #tpu.memory_space<vmem>> -> memref<1x128xi32, #tpu.memory_space<vmem>>
    %dma_wait3A_434 = tpu.memref_squeeze %dma_wait3A_433 : memref<1x128xi32, #tpu.memory_space<vmem>> -> memref<128xi32, #tpu.memory_space<vmem>>
    %dma_wait3A_435 = tpu.memref_slice %arg2[%add3A_425] : memref<3276800xi32, #tpu.memory_space<hbm>> -> memref<128xi32, #tpu.memory_space<hbm>>
    %dma_wait3A_436 = arith.constant 0 : i32
    %dma_wait3A_437 = arith.constant 0 : i32
    %dma_wait3A_438 = tpu.memref_slice %arg5[%dma_wait3A_426, %dma_wait3A_436, %dma_wait3A_437] : memref<3x2x128xi32, #tpu.memory_space<vmem>> -> memref<1x2x128xi32, #tpu.memory_space<vmem>>
    %dma_wait3A_439 = tpu.memref_squeeze %dma_wait3A_438 : memref<1x2x128xi32, #tpu.memory_space<vmem>> -> memref<2x128xi32, #tpu.memory_space<vmem>>
    %dma_wait3A_440 = arith.constant 0 : i32
    %dma_wait3A_441 = tpu.memref_slice %dma_wait3A_439[%dma_wait3A_427, %dma_wait3A_440] : memref<2x128xi32, #tpu.memory_space<vmem>> -> memref<1x128xi32, #tpu.memory_space<vmem>>
    %dma_wait3A_442 = tpu.memref_squeeze %dma_wait3A_441 : memref<1x128xi32, #tpu.memory_space<vmem>> -> memref<128xi32, #tpu.memory_space<vmem>>
    %dma_wait3A_443 = tpu.memref_slice %arg2[%add3A_425] : memref<3276800xi32, #tpu.memory_space<hbm>> -> memref<128xi32, #tpu.memory_space<hbm>>
    tpu.wait_dma2 semaphore(%arg9 : memref<!tpu.dma_semaphore, #tpu.memory_space<semaphore_mem>>) src(%dma_wait3A_443 : memref<128xi32, #tpu.memory_space<hbm>>) dst(%dma_wait3A_442 : memref<128xi32, #tpu.memory_space<vmem>>)
    %dma_start3A_444 = arith.constant 2 : i32
    %dma_start3A_445 = arith.constant 0 : i32
    %dma_start3A_446 = arith.constant 2 : i32
    %dma_start3A_447 = arith.constant 0 : i32
    %dma_start3A_448 = arith.constant 0 : i32
    %dma_start3A_449 = tpu.memref_slice %arg6[%dma_start3A_446, %dma_start3A_447, %dma_start3A_448] : memref<3x256x128xf32, #tpu.memory_space<vmem>> -> memref<1x256x128xf32, #tpu.memory_space<vmem>>
    %dma_start3A_450 = tpu.memref_squeeze %dma_start3A_449 : memref<1x256x128xf32, #tpu.memory_space<vmem>> -> memref<256x128xf32, #tpu.memory_space<vmem>>
    %dma_start3A_451 = arith.constant 0 : i32
    %dma_start3A_452 = arith.constant 0 : i32
    %dma_start3A_453 = tpu.memref_slice %dma_start3A_450[%dma_start3A_451, %dma_start3A_452] : memref<256x128xf32, #tpu.memory_space<vmem>> -> memref<128x128xf32, #tpu.memory_space<vmem>>
    %dma_start3A_454 = arith.constant 0 : i32
    %dma_start3A_455 = arith.constant 0 : i32
    %dma_start3A_456 = tpu.memref_slice %arg5[%dma_start3A_444, %dma_start3A_454, %dma_start3A_455] : memref<3x2x128xi32, #tpu.memory_space<vmem>> -> memref<1x2x128xi32, #tpu.memory_space<vmem>>
    %dma_start3A_457 = tpu.memref_squeeze %dma_start3A_456 : memref<1x2x128xi32, #tpu.memory_space<vmem>> -> memref<2x128xi32, #tpu.memory_space<vmem>>
    %dma_start3A_458 = arith.constant 0 : i32
    %dma_start3A_459 = tpu.memref_slice %dma_start3A_457[%dma_start3A_445, %dma_start3A_458] : memref<2x128xi32, #tpu.memory_space<vmem>> -> memref<1x128xi32, #tpu.memory_space<vmem>>
    %dma_start3A_460 = tpu.memref_squeeze %dma_start3A_459 : memref<1x128xi32, #tpu.memory_space<vmem>> -> memref<128xi32, #tpu.memory_space<vmem>>
    %dma_start3A_461 = arith.constant 0 : i32
    %dma_start3A_462 = arith.constant 0 : i32
    %dma_start3A_463 = tpu.memref_slice %arg3[%dma_start3A_461, %dma_start3A_462] : memref<50000x128xf32, #tpu.memory_space<hbm>> -> memref<50000x128xf32, #tpu.memory_space<hbm>>
    tpu.enqueue_indirect_dma source(%dma_start3A_463 : memref<50000x128xf32, #tpu.memory_space<hbm>>) target(%dma_start3A_453 : memref<128x128xf32, #tpu.memory_space<vmem>>) offsets(%dma_start3A_460 : memref<128xi32, #tpu.memory_space<vmem>>) semaphore(%arg12 : memref<!tpu.dma_semaphore, #tpu.memory_space<semaphore_mem>>)
    %dma_start3A_464 = arith.constant 2 : i32
    %dma_start3A_465 = arith.constant 1 : i32
    %dma_start3A_466 = arith.constant 2 : i32
    %dma_start3A_467 = arith.constant 0 : i32
    %dma_start3A_468 = arith.constant 0 : i32
    %dma_start3A_469 = tpu.memref_slice %arg6[%dma_start3A_466, %dma_start3A_467, %dma_start3A_468] : memref<3x256x128xf32, #tpu.memory_space<vmem>> -> memref<1x256x128xf32, #tpu.memory_space<vmem>>
    %dma_start3A_470 = tpu.memref_squeeze %dma_start3A_469 : memref<1x256x128xf32, #tpu.memory_space<vmem>> -> memref<256x128xf32, #tpu.memory_space<vmem>>
    %dma_start3A_471 = arith.constant 128 : i32
    %dma_start3A_472 = arith.constant 0 : i32
    %dma_start3A_473 = tpu.memref_slice %dma_start3A_470[%dma_start3A_471, %dma_start3A_472] : memref<256x128xf32, #tpu.memory_space<vmem>> -> memref<128x128xf32, #tpu.memory_space<vmem>>
    %dma_start3A_474 = arith.constant 0 : i32
    %dma_start3A_475 = arith.constant 0 : i32
    %dma_start3A_476 = tpu.memref_slice %arg5[%dma_start3A_464, %dma_start3A_474, %dma_start3A_475] : memref<3x2x128xi32, #tpu.memory_space<vmem>> -> memref<1x2x128xi32, #tpu.memory_space<vmem>>
    %dma_start3A_477 = tpu.memref_squeeze %dma_start3A_476 : memref<1x2x128xi32, #tpu.memory_space<vmem>> -> memref<2x128xi32, #tpu.memory_space<vmem>>
    %dma_start3A_478 = arith.constant 0 : i32
    %dma_start3A_479 = tpu.memref_slice %dma_start3A_477[%dma_start3A_465, %dma_start3A_478] : memref<2x128xi32, #tpu.memory_space<vmem>> -> memref<1x128xi32, #tpu.memory_space<vmem>>
    %dma_start3A_480 = tpu.memref_squeeze %dma_start3A_479 : memref<1x128xi32, #tpu.memory_space<vmem>> -> memref<128xi32, #tpu.memory_space<vmem>>
    %dma_start3A_481 = arith.constant 0 : i32
    %dma_start3A_482 = arith.constant 0 : i32
    %dma_start3A_483 = tpu.memref_slice %arg3[%dma_start3A_481, %dma_start3A_482] : memref<50000x128xf32, #tpu.memory_space<hbm>> -> memref<50000x128xf32, #tpu.memory_space<hbm>>
    tpu.enqueue_indirect_dma source(%dma_start3A_483 : memref<50000x128xf32, #tpu.memory_space<hbm>>) target(%dma_start3A_473 : memref<128x128xf32, #tpu.memory_space<vmem>>) offsets(%dma_start3A_480 : memref<128xi32, #tpu.memory_space<vmem>>) semaphore(%arg12 : memref<!tpu.dma_semaphore, #tpu.memory_space<semaphore_mem>>)
    %dma_wait3A_484 = arith.constant 1 : i32
    %dma_wait3A_485 = arith.constant 0 : i32
    %dma_wait3A_486 = arith.constant 1 : i32
    %dma_wait3A_487 = arith.constant 0 : i32
    %dma_wait3A_488 = arith.constant 0 : i32
    %dma_wait3A_489 = tpu.memref_slice %arg6[%dma_wait3A_486, %dma_wait3A_487, %dma_wait3A_488] : memref<3x256x128xf32, #tpu.memory_space<vmem>> -> memref<1x256x128xf32, #tpu.memory_space<vmem>>
    %dma_wait3A_490 = tpu.memref_squeeze %dma_wait3A_489 : memref<1x256x128xf32, #tpu.memory_space<vmem>> -> memref<256x128xf32, #tpu.memory_space<vmem>>
    %dma_wait3A_491 = arith.constant 0 : i32
    %dma_wait3A_492 = arith.constant 0 : i32
    %dma_wait3A_493 = tpu.memref_slice %dma_wait3A_490[%dma_wait3A_491, %dma_wait3A_492] : memref<256x128xf32, #tpu.memory_space<vmem>> -> memref<128x128xf32, #tpu.memory_space<vmem>>
    %dma_wait3A_494 = arith.constant 0 : i32
    %dma_wait3A_495 = arith.constant 0 : i32
    %dma_wait3A_496 = tpu.memref_slice %arg5[%dma_wait3A_484, %dma_wait3A_494, %dma_wait3A_495] : memref<3x2x128xi32, #tpu.memory_space<vmem>> -> memref<1x2x128xi32, #tpu.memory_space<vmem>>
    %dma_wait3A_497 = tpu.memref_squeeze %dma_wait3A_496 : memref<1x2x128xi32, #tpu.memory_space<vmem>> -> memref<2x128xi32, #tpu.memory_space<vmem>>
    %dma_wait3A_498 = arith.constant 0 : i32
    %dma_wait3A_499 = tpu.memref_slice %dma_wait3A_497[%dma_wait3A_485, %dma_wait3A_498] : memref<2x128xi32, #tpu.memory_space<vmem>> -> memref<1x128xi32, #tpu.memory_space<vmem>>
    %dma_wait3A_500 = tpu.memref_squeeze %dma_wait3A_499 : memref<1x128xi32, #tpu.memory_space<vmem>> -> memref<128xi32, #tpu.memory_space<vmem>>
    %dma_wait3A_501 = arith.constant 0 : i32
    %dma_wait3A_502 = arith.constant 0 : i32
    %dma_wait3A_503 = tpu.memref_slice %arg3[%dma_wait3A_501, %dma_wait3A_502] : memref<50000x128xf32, #tpu.memory_space<hbm>> -> memref<50000x128xf32, #tpu.memory_space<hbm>>
    tpu.wait_indirect_dma semaphore(%arg11 : memref<!tpu.dma_semaphore, #tpu.memory_space<semaphore_mem>>) src(%dma_wait3A_503 : memref<50000x128xf32, #tpu.memory_space<hbm>>) dst(%dma_wait3A_493 : memref<128x128xf32, #tpu.memory_space<vmem>>)
    %dma_wait3A_504 = arith.constant 1 : i32
    %dma_wait3A_505 = arith.constant 1 : i32
    %dma_wait3A_506 = arith.constant 1 : i32
    %dma_wait3A_507 = arith.constant 0 : i32
    %dma_wait3A_508 = arith.constant 0 : i32
    %dma_wait3A_509 = tpu.memref_slice %arg6[%dma_wait3A_506, %dma_wait3A_507, %dma_wait3A_508] : memref<3x256x128xf32, #tpu.memory_space<vmem>> -> memref<1x256x128xf32, #tpu.memory_space<vmem>>
    %dma_wait3A_510 = tpu.memref_squeeze %dma_wait3A_509 : memref<1x256x128xf32, #tpu.memory_space<vmem>> -> memref<256x128xf32, #tpu.memory_space<vmem>>
    %dma_wait3A_511 = arith.constant 128 : i32
    %dma_wait3A_512 = arith.constant 0 : i32
    %dma_wait3A_513 = tpu.memref_slice %dma_wait3A_510[%dma_wait3A_511, %dma_wait3A_512] : memref<256x128xf32, #tpu.memory_space<vmem>> -> memref<128x128xf32, #tpu.memory_space<vmem>>
    %dma_wait3A_514 = arith.constant 0 : i32
    %dma_wait3A_515 = arith.constant 0 : i32
    %dma_wait3A_516 = tpu.memref_slice %arg5[%dma_wait3A_504, %dma_wait3A_514, %dma_wait3A_515] : memref<3x2x128xi32, #tpu.memory_space<vmem>> -> memref<1x2x128xi32, #tpu.memory_space<vmem>>
    %dma_wait3A_517 = tpu.memref_squeeze %dma_wait3A_516 : memref<1x2x128xi32, #tpu.memory_space<vmem>> -> memref<2x128xi32, #tpu.memory_space<vmem>>
    %dma_wait3A_518 = arith.constant 0 : i32
    %dma_wait3A_519 = tpu.memref_slice %dma_wait3A_517[%dma_wait3A_505, %dma_wait3A_518] : memref<2x128xi32, #tpu.memory_space<vmem>> -> memref<1x128xi32, #tpu.memory_space<vmem>>
    %dma_wait3A_520 = tpu.memref_squeeze %dma_wait3A_519 : memref<1x128xi32, #tpu.memory_space<vmem>> -> memref<128xi32, #tpu.memory_space<vmem>>
    %dma_wait3A_521 = arith.constant 0 : i32
    %dma_wait3A_522 = arith.constant 0 : i32
    %dma_wait3A_523 = tpu.memref_slice %arg3[%dma_wait3A_521, %dma_wait3A_522] : memref<50000x128xf32, #tpu.memory_space<hbm>> -> memref<50000x128xf32, #tpu.memory_space<hbm>>
    tpu.wait_indirect_dma semaphore(%arg11 : memref<!tpu.dma_semaphore, #tpu.memory_space<semaphore_mem>>) src(%dma_wait3A_523 : memref<50000x128xf32, #tpu.memory_space<hbm>>) dst(%dma_wait3A_513 : memref<128x128xf32, #tpu.memory_space<vmem>>)
    %add3A_524 = arith.constant 1024 : i32
    %add3A_525 = arith.addi %mul3A_2, %add3A_524 : i32
    %add3A_526 = arith.constant 0 : i32
    %add3A_527 = arith.addi %add3A_525, %add3A_526 : i32
    %dma_start3A_528 = arith.constant 1 : i32
    %dma_start3A_529 = arith.constant 0 : i32
    %dma_start3A_530 = arith.constant 0 : i32
    %dma_start3A_531 = arith.constant 0 : i32
    %dma_start3A_532 = tpu.memref_slice %arg5[%dma_start3A_528, %dma_start3A_530, %dma_start3A_531] : memref<3x2x128xi32, #tpu.memory_space<vmem>> -> memref<1x2x128xi32, #tpu.memory_space<vmem>>
    %dma_start3A_533 = tpu.memref_squeeze %dma_start3A_532 : memref<1x2x128xi32, #tpu.memory_space<vmem>> -> memref<2x128xi32, #tpu.memory_space<vmem>>
    %dma_start3A_534 = arith.constant 0 : i32
    %dma_start3A_535 = tpu.memref_slice %dma_start3A_533[%dma_start3A_529, %dma_start3A_534] : memref<2x128xi32, #tpu.memory_space<vmem>> -> memref<1x128xi32, #tpu.memory_space<vmem>>
    %dma_start3A_536 = tpu.memref_squeeze %dma_start3A_535 : memref<1x128xi32, #tpu.memory_space<vmem>> -> memref<128xi32, #tpu.memory_space<vmem>>
    %dma_start3A_537 = tpu.memref_slice %arg2[%add3A_527] : memref<3276800xi32, #tpu.memory_space<hbm>> -> memref<128xi32, #tpu.memory_space<hbm>>
    %dma_start3A_538 = arith.constant 0 : i32
    %dma_start3A_539 = arith.constant 0 : i32
    %dma_start3A_540 = tpu.memref_slice %arg5[%dma_start3A_528, %dma_start3A_538, %dma_start3A_539] : memref<3x2x128xi32, #tpu.memory_space<vmem>> -> memref<1x2x128xi32, #tpu.memory_space<vmem>>
    %dma_start3A_541 = tpu.memref_squeeze %dma_start3A_540 : memref<1x2x128xi32, #tpu.memory_space<vmem>> -> memref<2x128xi32, #tpu.memory_space<vmem>>
    %dma_start3A_542 = arith.constant 0 : i32
    %dma_start3A_543 = tpu.memref_slice %dma_start3A_541[%dma_start3A_529, %dma_start3A_542] : memref<2x128xi32, #tpu.memory_space<vmem>> -> memref<1x128xi32, #tpu.memory_space<vmem>>
    %dma_start3A_544 = tpu.memref_squeeze %dma_start3A_543 : memref<1x128xi32, #tpu.memory_space<vmem>> -> memref<128xi32, #tpu.memory_space<vmem>>
    %dma_start3A_545 = tpu.memref_slice %arg2[%add3A_527] : memref<3276800xi32, #tpu.memory_space<hbm>> -> memref<128xi32, #tpu.memory_space<hbm>>
    tpu.enqueue_dma source(%dma_start3A_545 : memref<128xi32, #tpu.memory_space<hbm>>) target(%dma_start3A_544 : memref<128xi32, #tpu.memory_space<vmem>>) target_semaphore(%arg8 : memref<!tpu.dma_semaphore, #tpu.memory_space<semaphore_mem>>)
    %add3A_546 = arith.constant 1024 : i32
    %add3A_547 = arith.addi %mul3A_2, %add3A_546 : i32
    %add3A_548 = arith.constant 128 : i32
    %add3A_549 = arith.addi %add3A_547, %add3A_548 : i32
    %dma_start3A_550 = arith.constant 1 : i32
    %dma_start3A_551 = arith.constant 1 : i32
    %dma_start3A_552 = arith.constant 0 : i32
    %dma_start3A_553 = arith.constant 0 : i32
    %dma_start3A_554 = tpu.memref_slice %arg5[%dma_start3A_550, %dma_start3A_552, %dma_start3A_553] : memref<3x2x128xi32, #tpu.memory_space<vmem>> -> memref<1x2x128xi32, #tpu.memory_space<vmem>>
    %dma_start3A_555 = tpu.memref_squeeze %dma_start3A_554 : memref<1x2x128xi32, #tpu.memory_space<vmem>> -> memref<2x128xi32, #tpu.memory_space<vmem>>
    %dma_start3A_556 = arith.constant 0 : i32
    %dma_start3A_557 = tpu.memref_slice %dma_start3A_555[%dma_start3A_551, %dma_start3A_556] : memref<2x128xi32, #tpu.memory_space<vmem>> -> memref<1x128xi32, #tpu.memory_space<vmem>>
    %dma_start3A_558 = tpu.memref_squeeze %dma_start3A_557 : memref<1x128xi32, #tpu.memory_space<vmem>> -> memref<128xi32, #tpu.memory_space<vmem>>
    %dma_start3A_559 = tpu.memref_slice %arg2[%add3A_549] : memref<3276800xi32, #tpu.memory_space<hbm>> -> memref<128xi32, #tpu.memory_space<hbm>>
    %dma_start3A_560 = arith.constant 0 : i32
    %dma_start3A_561 = arith.constant 0 : i32
    %dma_start3A_562 = tpu.memref_slice %arg5[%dma_start3A_550, %dma_start3A_560, %dma_start3A_561] : memref<3x2x128xi32, #tpu.memory_space<vmem>> -> memref<1x2x128xi32, #tpu.memory_space<vmem>>
    %dma_start3A_563 = tpu.memref_squeeze %dma_start3A_562 : memref<1x2x128xi32, #tpu.memory_space<vmem>> -> memref<2x128xi32, #tpu.memory_space<vmem>>
    %dma_start3A_564 = arith.constant 0 : i32
    %dma_start3A_565 = tpu.memref_slice %dma_start3A_563[%dma_start3A_551, %dma_start3A_564] : memref<2x128xi32, #tpu.memory_space<vmem>> -> memref<1x128xi32, #tpu.memory_space<vmem>>
    %dma_start3A_566 = tpu.memref_squeeze %dma_start3A_565 : memref<1x128xi32, #tpu.memory_space<vmem>> -> memref<128xi32, #tpu.memory_space<vmem>>
    %dma_start3A_567 = tpu.memref_slice %arg2[%add3A_549] : memref<3276800xi32, #tpu.memory_space<hbm>> -> memref<128xi32, #tpu.memory_space<hbm>>
    tpu.enqueue_dma source(%dma_start3A_567 : memref<128xi32, #tpu.memory_space<hbm>>) target(%dma_start3A_566 : memref<128xi32, #tpu.memory_space<vmem>>) target_semaphore(%arg8 : memref<!tpu.dma_semaphore, #tpu.memory_space<semaphore_mem>>)
    %add3A_568 = arith.constant 256 : i32
    %add3A_569 = arith.addi %mul3A_2, %add3A_568 : i32
    %dma_start3A_570 = arith.constant 1 : i32
    %dma_start3A_571 = arith.constant 0 : i32
    %dma_start3A_572 = arith.constant 0 : i32
    %dma_start3A_573 = tpu.memref_slice %arg6[%dma_start3A_570, %dma_start3A_571, %dma_start3A_572] : memref<3x256x128xf32, #tpu.memory_space<vmem>> -> memref<1x256x128xf32, #tpu.memory_space<vmem>>
    %dma_start3A_574 = tpu.memref_squeeze %dma_start3A_573 : memref<1x256x128xf32, #tpu.memory_space<vmem>> -> memref<256x128xf32, #tpu.memory_space<vmem>>
    %dma_start3A_575 = arith.constant 0 : i32
    %dma_start3A_576 = tpu.memref_slice %arg4[%add3A_569, %dma_start3A_575] : memref<3276800x128xf32, #tpu.memory_space<hbm>> -> memref<256x128xf32, #tpu.memory_space<hbm>>
    %dma_start3A_577 = arith.constant 0 : i32
    %dma_start3A_578 = tpu.memref_slice %arg4[%add3A_569, %dma_start3A_577] : memref<3276800x128xf32, #tpu.memory_space<hbm>> -> memref<256x128xf32, #tpu.memory_space<hbm>>
    %dma_start3A_579 = arith.constant 0 : i32
    %dma_start3A_580 = arith.constant 0 : i32
    %dma_start3A_581 = tpu.memref_slice %arg6[%dma_start3A_570, %dma_start3A_579, %dma_start3A_580] : memref<3x256x128xf32, #tpu.memory_space<vmem>> -> memref<1x256x128xf32, #tpu.memory_space<vmem>>
    %dma_start3A_582 = tpu.memref_squeeze %dma_start3A_581 : memref<1x256x128xf32, #tpu.memory_space<vmem>> -> memref<256x128xf32, #tpu.memory_space<vmem>>
    tpu.enqueue_dma source(%dma_start3A_582 : memref<256x128xf32, #tpu.memory_space<vmem>>) target(%dma_start3A_578 : memref<256x128xf32, #tpu.memory_space<hbm>>) target_semaphore(%arg14 : memref<!tpu.dma_semaphore, #tpu.memory_space<semaphore_mem>>)
    %scan3A = arith.constant 0 : i32
    %scan3A_583 = arith.constant 130 : i32
    %scan3A_584 = arith.addi %scan3A, %scan3A_583 : i32
    %scan3A_585 = arith.constant 1 : i32
    scf.for %scan3A_1985 = %scan3A to %scan3A_584 step %scan3A_585  : i32 {
      %mul3A_1986 = arith.constant 3 : i32
      %mul3A_1987 = arith.muli %scan3A_1985, %mul3A_1986 : i32
      %add3A_1988 = arith.constant 2 : i32
      %add3A_1989 = arith.addi %add3A_1988, %mul3A_1987 : i32
      %add3A_1990 = arith.constant 0 : i32
      %add3A_1991 = arith.addi %add3A_1989, %add3A_1990 : i32
      %sub3A = arith.constant 2 : i32
      %sub3A_1992 = arith.subi %add3A_1991, %sub3A : i32
      %mul3A_1993 = arith.constant 256 : i32
      %mul3A_1994 = arith.muli %sub3A_1992, %mul3A_1993 : i32
      %add3A_1995 = arith.addi %mul3A_2, %mul3A_1994 : i32
      %dma_wait3A_1996 = arith.constant 0 : i32
      %dma_wait3A_1997 = arith.constant 0 : i32
      %dma_wait3A_1998 = arith.constant 0 : i32
      %dma_wait3A_1999 = tpu.memref_slice %arg6[%dma_wait3A_1996, %dma_wait3A_1997, %dma_wait3A_1998] : memref<3x256x128xf32, #tpu.memory_space<vmem>> -> memref<1x256x128xf32, #tpu.memory_space<vmem>>
      %dma_wait3A_2000 = tpu.memref_squeeze %dma_wait3A_1999 : memref<1x256x128xf32, #tpu.memory_space<vmem>> -> memref<256x128xf32, #tpu.memory_space<vmem>>
      %dma_wait3A_2001 = arith.constant 0 : i32
      %dma_wait3A_2002 = tpu.memref_slice %arg4[%add3A_1995, %dma_wait3A_2001] : memref<3276800x128xf32, #tpu.memory_space<hbm>> -> memref<256x128xf32, #tpu.memory_space<hbm>>
      %dma_wait3A_2003 = arith.constant 0 : i32
      %dma_wait3A_2004 = tpu.memref_slice %arg4[%add3A_1995, %dma_wait3A_2003] : memref<3276800x128xf32, #tpu.memory_space<hbm>> -> memref<256x128xf32, #tpu.memory_space<hbm>>
      %dma_wait3A_2005 = arith.constant 0 : i32
      %dma_wait3A_2006 = arith.constant 0 : i32
      %dma_wait3A_2007 = tpu.memref_slice %arg6[%dma_wait3A_1996, %dma_wait3A_2005, %dma_wait3A_2006] : memref<3x256x128xf32, #tpu.memory_space<vmem>> -> memref<1x256x128xf32, #tpu.memory_space<vmem>>
      %dma_wait3A_2008 = tpu.memref_squeeze %dma_wait3A_2007 : memref<1x256x128xf32, #tpu.memory_space<vmem>> -> memref<256x128xf32, #tpu.memory_space<vmem>>
      tpu.wait_dma2 semaphore(%arg13 : memref<!tpu.dma_semaphore, #tpu.memory_space<semaphore_mem>>) src(%dma_wait3A_2008 : memref<256x128xf32, #tpu.memory_space<vmem>>) dst(%dma_wait3A_2004 : memref<256x128xf32, #tpu.memory_space<hbm>>)
      %add3A_2009 = arith.constant 1 : i32
      %add3A_2010 = arith.addi %add3A_1991, %add3A_2009 : i32
      %mul3A_2011 = arith.constant 256 : i32
      %mul3A_2012 = arith.muli %add3A_2010, %mul3A_2011 : i32
      %add3A_2013 = arith.addi %mul3A_2, %mul3A_2012 : i32
      %add3A_2014 = arith.constant 0 : i32
      %add3A_2015 = arith.addi %add3A_2013, %add3A_2014 : i32
      %dma_wait3A_2016 = arith.constant 0 : i32
      %dma_wait3A_2017 = arith.constant 0 : i32
      %dma_wait3A_2018 = arith.constant 0 : i32
      %dma_wait3A_2019 = arith.constant 0 : i32
      %dma_wait3A_2020 = tpu.memref_slice %arg5[%dma_wait3A_2016, %dma_wait3A_2018, %dma_wait3A_2019] : memref<3x2x128xi32, #tpu.memory_space<vmem>> -> memref<1x2x128xi32, #tpu.memory_space<vmem>>
      %dma_wait3A_2021 = tpu.memref_squeeze %dma_wait3A_2020 : memref<1x2x128xi32, #tpu.memory_space<vmem>> -> memref<2x128xi32, #tpu.memory_space<vmem>>
      %dma_wait3A_2022 = arith.constant 0 : i32
      %dma_wait3A_2023 = tpu.memref_slice %dma_wait3A_2021[%dma_wait3A_2017, %dma_wait3A_2022] : memref<2x128xi32, #tpu.memory_space<vmem>> -> memref<1x128xi32, #tpu.memory_space<vmem>>
      %dma_wait3A_2024 = tpu.memref_squeeze %dma_wait3A_2023 : memref<1x128xi32, #tpu.memory_space<vmem>> -> memref<128xi32, #tpu.memory_space<vmem>>
      %dma_wait3A_2025 = tpu.memref_slice %arg2[%add3A_2015] : memref<3276800xi32, #tpu.memory_space<hbm>> -> memref<128xi32, #tpu.memory_space<hbm>>
      %dma_wait3A_2026 = arith.constant 0 : i32
      %dma_wait3A_2027 = arith.constant 0 : i32
      %dma_wait3A_2028 = tpu.memref_slice %arg5[%dma_wait3A_2016, %dma_wait3A_2026, %dma_wait3A_2027] : memref<3x2x128xi32, #tpu.memory_space<vmem>> -> memref<1x2x128xi32, #tpu.memory_space<vmem>>
      %dma_wait3A_2029 = tpu.memref_squeeze %dma_wait3A_2028 : memref<1x2x128xi32, #tpu.memory_space<vmem>> -> memref<2x128xi32, #tpu.memory_space<vmem>>
      %dma_wait3A_2030 = arith.constant 0 : i32
      %dma_wait3A_2031 = tpu.memref_slice %dma_wait3A_2029[%dma_wait3A_2017, %dma_wait3A_2030] : memref<2x128xi32, #tpu.memory_space<vmem>> -> memref<1x128xi32, #tpu.memory_space<vmem>>
      %dma_wait3A_2032 = tpu.memref_squeeze %dma_wait3A_2031 : memref<1x128xi32, #tpu.memory_space<vmem>> -> memref<128xi32, #tpu.memory_space<vmem>>
      %dma_wait3A_2033 = tpu.memref_slice %arg2[%add3A_2015] : memref<3276800xi32, #tpu.memory_space<hbm>> -> memref<128xi32, #tpu.memory_space<hbm>>
      tpu.wait_dma2 semaphore(%arg7 : memref<!tpu.dma_semaphore, #tpu.memory_space<semaphore_mem>>) src(%dma_wait3A_2033 : memref<128xi32, #tpu.memory_space<hbm>>) dst(%dma_wait3A_2032 : memref<128xi32, #tpu.memory_space<vmem>>)
      %mul3A_2034 = arith.constant 256 : i32
      %mul3A_2035 = arith.muli %add3A_2010, %mul3A_2034 : i32
      %add3A_2036 = arith.addi %mul3A_2, %mul3A_2035 : i32
      %add3A_2037 = arith.constant 128 : i32
      %add3A_2038 = arith.addi %add3A_2036, %add3A_2037 : i32
      %dma_wait3A_2039 = arith.constant 0 : i32
      %dma_wait3A_2040 = arith.constant 1 : i32
      %dma_wait3A_2041 = arith.constant 0 : i32
      %dma_wait3A_2042 = arith.constant 0 : i32
      %dma_wait3A_2043 = tpu.memref_slice %arg5[%dma_wait3A_2039, %dma_wait3A_2041, %dma_wait3A_2042] : memref<3x2x128xi32, #tpu.memory_space<vmem>> -> memref<1x2x128xi32, #tpu.memory_space<vmem>>
      %dma_wait3A_2044 = tpu.memref_squeeze %dma_wait3A_2043 : memref<1x2x128xi32, #tpu.memory_space<vmem>> -> memref<2x128xi32, #tpu.memory_space<vmem>>
      %dma_wait3A_2045 = arith.constant 0 : i32
      %dma_wait3A_2046 = tpu.memref_slice %dma_wait3A_2044[%dma_wait3A_2040, %dma_wait3A_2045] : memref<2x128xi32, #tpu.memory_space<vmem>> -> memref<1x128xi32, #tpu.memory_space<vmem>>
      %dma_wait3A_2047 = tpu.memref_squeeze %dma_wait3A_2046 : memref<1x128xi32, #tpu.memory_space<vmem>> -> memref<128xi32, #tpu.memory_space<vmem>>
      %dma_wait3A_2048 = tpu.memref_slice %arg2[%add3A_2038] : memref<3276800xi32, #tpu.memory_space<hbm>> -> memref<128xi32, #tpu.memory_space<hbm>>
      %dma_wait3A_2049 = arith.constant 0 : i32
      %dma_wait3A_2050 = arith.constant 0 : i32
      %dma_wait3A_2051 = tpu.memref_slice %arg5[%dma_wait3A_2039, %dma_wait3A_2049, %dma_wait3A_2050] : memref<3x2x128xi32, #tpu.memory_space<vmem>> -> memref<1x2x128xi32, #tpu.memory_space<vmem>>
      %dma_wait3A_2052 = tpu.memref_squeeze %dma_wait3A_2051 : memref<1x2x128xi32, #tpu.memory_space<vmem>> -> memref<2x128xi32, #tpu.memory_space<vmem>>
      %dma_wait3A_2053 = arith.constant 0 : i32
      %dma_wait3A_2054 = tpu.memref_slice %dma_wait3A_2052[%dma_wait3A_2040, %dma_wait3A_2053] : memref<2x128xi32, #tpu.memory_space<vmem>> -> memref<1x128xi32, #tpu.memory_space<vmem>>
      %dma_wait3A_2055 = tpu.memref_squeeze %dma_wait3A_2054 : memref<1x128xi32, #tpu.memory_space<vmem>> -> memref<128xi32, #tpu.memory_space<vmem>>
      %dma_wait3A_2056 = tpu.memref_slice %arg2[%add3A_2038] : memref<3276800xi32, #tpu.memory_space<hbm>> -> memref<128xi32, #tpu.memory_space<hbm>>
      tpu.wait_dma2 semaphore(%arg7 : memref<!tpu.dma_semaphore, #tpu.memory_space<semaphore_mem>>) src(%dma_wait3A_2056 : memref<128xi32, #tpu.memory_space<hbm>>) dst(%dma_wait3A_2055 : memref<128xi32, #tpu.memory_space<vmem>>)
      %dma_start3A_2057 = arith.constant 0 : i32
      %dma_start3A_2058 = arith.constant 0 : i32
      %dma_start3A_2059 = arith.constant 0 : i32
      %dma_start3A_2060 = arith.constant 0 : i32
      %dma_start3A_2061 = arith.constant 0 : i32
      %dma_start3A_2062 = tpu.memref_slice %arg6[%dma_start3A_2059, %dma_start3A_2060, %dma_start3A_2061] : memref<3x256x128xf32, #tpu.memory_space<vmem>> -> memref<1x256x128xf32, #tpu.memory_space<vmem>>
      %dma_start3A_2063 = tpu.memref_squeeze %dma_start3A_2062 : memref<1x256x128xf32, #tpu.memory_space<vmem>> -> memref<256x128xf32, #tpu.memory_space<vmem>>
      %dma_start3A_2064 = arith.constant 0 : i32
      %dma_start3A_2065 = arith.constant 0 : i32
      %dma_start3A_2066 = tpu.memref_slice %dma_start3A_2063[%dma_start3A_2064, %dma_start3A_2065] : memref<256x128xf32, #tpu.memory_space<vmem>> -> memref<128x128xf32, #tpu.memory_space<vmem>>
      %dma_start3A_2067 = arith.constant 0 : i32
      %dma_start3A_2068 = arith.constant 0 : i32
      %dma_start3A_2069 = tpu.memref_slice %arg5[%dma_start3A_2057, %dma_start3A_2067, %dma_start3A_2068] : memref<3x2x128xi32, #tpu.memory_space<vmem>> -> memref<1x2x128xi32, #tpu.memory_space<vmem>>
      %dma_start3A_2070 = tpu.memref_squeeze %dma_start3A_2069 : memref<1x2x128xi32, #tpu.memory_space<vmem>> -> memref<2x128xi32, #tpu.memory_space<vmem>>
      %dma_start3A_2071 = arith.constant 0 : i32
      %dma_start3A_2072 = tpu.memref_slice %dma_start3A_2070[%dma_start3A_2058, %dma_start3A_2071] : memref<2x128xi32, #tpu.memory_space<vmem>> -> memref<1x128xi32, #tpu.memory_space<vmem>>
      %dma_start3A_2073 = tpu.memref_squeeze %dma_start3A_2072 : memref<1x128xi32, #tpu.memory_space<vmem>> -> memref<128xi32, #tpu.memory_space<vmem>>
      %dma_start3A_2074 = arith.constant 0 : i32
      %dma_start3A_2075 = arith.constant 0 : i32
      %dma_start3A_2076 = tpu.memref_slice %arg3[%dma_start3A_2074, %dma_start3A_2075] : memref<50000x128xf32, #tpu.memory_space<hbm>> -> memref<50000x128xf32, #tpu.memory_space<hbm>>
      tpu.enqueue_indirect_dma source(%dma_start3A_2076 : memref<50000x128xf32, #tpu.memory_space<hbm>>) target(%dma_start3A_2066 : memref<128x128xf32, #tpu.memory_space<vmem>>) offsets(%dma_start3A_2073 : memref<128xi32, #tpu.memory_space<vmem>>) semaphore(%arg10 : memref<!tpu.dma_semaphore, #tpu.memory_space<semaphore_mem>>)
      %dma_start3A_2077 = arith.constant 0 : i32
      %dma_start3A_2078 = arith.constant 1 : i32
      %dma_start3A_2079 = arith.constant 0 : i32
      %dma_start3A_2080 = arith.constant 0 : i32
      %dma_start3A_2081 = arith.constant 0 : i32
      %dma_start3A_2082 = tpu.memref_slice %arg6[%dma_start3A_2079, %dma_start3A_2080, %dma_start3A_2081] : memref<3x256x128xf32, #tpu.memory_space<vmem>> -> memref<1x256x128xf32, #tpu.memory_space<vmem>>
      %dma_start3A_2083 = tpu.memref_squeeze %dma_start3A_2082 : memref<1x256x128xf32, #tpu.memory_space<vmem>> -> memref<256x128xf32, #tpu.memory_space<vmem>>
      %dma_start3A_2084 = arith.constant 128 : i32
      %dma_start3A_2085 = arith.constant 0 : i32
      %dma_start3A_2086 = tpu.memref_slice %dma_start3A_2083[%dma_start3A_2084, %dma_start3A_2085] : memref<256x128xf32, #tpu.memory_space<vmem>> -> memref<128x128xf32, #tpu.memory_space<vmem>>
      %dma_start3A_2087 = arith.constant 0 : i32
      %dma_start3A_2088 = arith.constant 0 : i32
      %dma_start3A_2089 = tpu.memref_slice %arg5[%dma_start3A_2077, %dma_start3A_2087, %dma_start3A_2088] : memref<3x2x128xi32, #tpu.memory_space<vmem>> -> memref<1x2x128xi32, #tpu.memory_space<vmem>>
      %dma_start3A_2090 = tpu.memref_squeeze %dma_start3A_2089 : memref<1x2x128xi32, #tpu.memory_space<vmem>> -> memref<2x128xi32, #tpu.memory_space<vmem>>
      %dma_start3A_2091 = arith.constant 0 : i32
      %dma_start3A_2092 = tpu.memref_slice %dma_start3A_2090[%dma_start3A_2078, %dma_start3A_2091] : memref<2x128xi32, #tpu.memory_space<vmem>> -> memref<1x128xi32, #tpu.memory_space<vmem>>
      %dma_start3A_2093 = tpu.memref_squeeze %dma_start3A_2092 : memref<1x128xi32, #tpu.memory_space<vmem>> -> memref<128xi32, #tpu.memory_space<vmem>>
      %dma_start3A_2094 = arith.constant 0 : i32
      %dma_start3A_2095 = arith.constant 0 : i32
      %dma_start3A_2096 = tpu.memref_slice %arg3[%dma_start3A_2094, %dma_start3A_2095] : memref<50000x128xf32, #tpu.memory_space<hbm>> -> memref<50000x128xf32, #tpu.memory_space<hbm>>
      tpu.enqueue_indirect_dma source(%dma_start3A_2096 : memref<50000x128xf32, #tpu.memory_space<hbm>>) target(%dma_start3A_2086 : memref<128x128xf32, #tpu.memory_space<vmem>>) offsets(%dma_start3A_2093 : memref<128xi32, #tpu.memory_space<vmem>>) semaphore(%arg10 : memref<!tpu.dma_semaphore, #tpu.memory_space<semaphore_mem>>)
      %dma_wait3A_2097 = arith.constant 2 : i32
      %dma_wait3A_2098 = arith.constant 0 : i32
      %dma_wait3A_2099 = arith.constant 2 : i32
      %dma_wait3A_2100 = arith.constant 0 : i32
      %dma_wait3A_2101 = arith.constant 0 : i32
      %dma_wait3A_2102 = tpu.memref_slice %arg6[%dma_wait3A_2099, %dma_wait3A_2100, %dma_wait3A_2101] : memref<3x256x128xf32, #tpu.memory_space<vmem>> -> memref<1x256x128xf32, #tpu.memory_space<vmem>>
      %dma_wait3A_2103 = tpu.memref_squeeze %dma_wait3A_2102 : memref<1x256x128xf32, #tpu.memory_space<vmem>> -> memref<256x128xf32, #tpu.memory_space<vmem>>
      %dma_wait3A_2104 = arith.constant 0 : i32
      %dma_wait3A_2105 = arith.constant 0 : i32
      %dma_wait3A_2106 = tpu.memref_slice %dma_wait3A_2103[%dma_wait3A_2104, %dma_wait3A_2105] : memref<256x128xf32, #tpu.memory_space<vmem>> -> memref<128x128xf32, #tpu.memory_space<vmem>>
      %dma_wait3A_2107 = arith.constant 0 : i32
      %dma_wait3A_2108 = arith.constant 0 : i32
      %dma_wait3A_2109 = tpu.memref_slice %arg5[%dma_wait3A_2097, %dma_wait3A_2107, %dma_wait3A_2108] : memref<3x2x128xi32, #tpu.memory_space<vmem>> -> memref<1x2x128xi32, #tpu.memory_space<vmem>>
      %dma_wait3A_2110 = tpu.memref_squeeze %dma_wait3A_2109 : memref<1x2x128xi32, #tpu.memory_space<vmem>> -> memref<2x128xi32, #tpu.memory_space<vmem>>
      %dma_wait3A_2111 = arith.constant 0 : i32
      %dma_wait3A_2112 = tpu.memref_slice %dma_wait3A_2110[%dma_wait3A_2098, %dma_wait3A_2111] : memref<2x128xi32, #tpu.memory_space<vmem>> -> memref<1x128xi32, #tpu.memory_space<vmem>>
      %dma_wait3A_2113 = tpu.memref_squeeze %dma_wait3A_2112 : memref<1x128xi32, #tpu.memory_space<vmem>> -> memref<128xi32, #tpu.memory_space<vmem>>
      %dma_wait3A_2114 = arith.constant 0 : i32
      %dma_wait3A_2115 = arith.constant 0 : i32
      %dma_wait3A_2116 = tpu.memref_slice %arg3[%dma_wait3A_2114, %dma_wait3A_2115] : memref<50000x128xf32, #tpu.memory_space<hbm>> -> memref<50000x128xf32, #tpu.memory_space<hbm>>
      tpu.wait_indirect_dma semaphore(%arg12 : memref<!tpu.dma_semaphore, #tpu.memory_space<semaphore_mem>>) src(%dma_wait3A_2116 : memref<50000x128xf32, #tpu.memory_space<hbm>>) dst(%dma_wait3A_2106 : memref<128x128xf32, #tpu.memory_space<vmem>>)
      %dma_wait3A_2117 = arith.constant 2 : i32
      %dma_wait3A_2118 = arith.constant 1 : i32
      %dma_wait3A_2119 = arith.constant 2 : i32
      %dma_wait3A_2120 = arith.constant 0 : i32
      %dma_wait3A_2121 = arith.constant 0 : i32
      %dma_wait3A_2122 = tpu.memref_slice %arg6[%dma_wait3A_2119, %dma_wait3A_2120, %dma_wait3A_2121] : memref<3x256x128xf32, #tpu.memory_space<vmem>> -> memref<1x256x128xf32, #tpu.memory_space<vmem>>
      %dma_wait3A_2123 = tpu.memref_squeeze %dma_wait3A_2122 : memref<1x256x128xf32, #tpu.memory_space<vmem>> -> memref<256x128xf32, #tpu.memory_space<vmem>>
      %dma_wait3A_2124 = arith.constant 128 : i32
      %dma_wait3A_2125 = arith.constant 0 : i32
      %dma_wait3A_2126 = tpu.memref_slice %dma_wait3A_2123[%dma_wait3A_2124, %dma_wait3A_2125] : memref<256x128xf32, #tpu.memory_space<vmem>> -> memref<128x128xf32, #tpu.memory_space<vmem>>
      %dma_wait3A_2127 = arith.constant 0 : i32
      %dma_wait3A_2128 = arith.constant 0 : i32
      %dma_wait3A_2129 = tpu.memref_slice %arg5[%dma_wait3A_2117, %dma_wait3A_2127, %dma_wait3A_2128] : memref<3x2x128xi32, #tpu.memory_space<vmem>> -> memref<1x2x128xi32, #tpu.memory_space<vmem>>
      %dma_wait3A_2130 = tpu.memref_squeeze %dma_wait3A_2129 : memref<1x2x128xi32, #tpu.memory_space<vmem>> -> memref<2x128xi32, #tpu.memory_space<vmem>>
      %dma_wait3A_2131 = arith.constant 0 : i32
      %dma_wait3A_2132 = tpu.memref_slice %dma_wait3A_2130[%dma_wait3A_2118, %dma_wait3A_2131] : memref<2x128xi32, #tpu.memory_space<vmem>> -> memref<1x128xi32, #tpu.memory_space<vmem>>
      %dma_wait3A_2133 = tpu.memref_squeeze %dma_wait3A_2132 : memref<1x128xi32, #tpu.memory_space<vmem>> -> memref<128xi32, #tpu.memory_space<vmem>>
      %dma_wait3A_2134 = arith.constant 0 : i32
      %dma_wait3A_2135 = arith.constant 0 : i32
      %dma_wait3A_2136 = tpu.memref_slice %arg3[%dma_wait3A_2134, %dma_wait3A_2135] : memref<50000x128xf32, #tpu.memory_space<hbm>> -> memref<50000x128xf32, #tpu.memory_space<hbm>>
      tpu.wait_indirect_dma semaphore(%arg12 : memref<!tpu.dma_semaphore, #tpu.memory_space<semaphore_mem>>) src(%dma_wait3A_2136 : memref<50000x128xf32, #tpu.memory_space<hbm>>) dst(%dma_wait3A_2126 : memref<128x128xf32, #tpu.memory_space<vmem>>)
      %add3A_2137 = arith.constant 3 : i32
      %add3A_2138 = arith.addi %add3A_1991, %add3A_2137 : i32
      %mul3A_2139 = arith.constant 256 : i32
      %mul3A_2140 = arith.muli %add3A_2138, %mul3A_2139 : i32
      %add3A_2141 = arith.addi %mul3A_2, %mul3A_2140 : i32
      %add3A_2142 = arith.constant 0 : i32
      %add3A_2143 = arith.addi %add3A_2141, %add3A_2142 : i32
      %dma_start3A_2144 = arith.constant 2 : i32
      %dma_start3A_2145 = arith.constant 0 : i32
      %dma_start3A_2146 = arith.constant 0 : i32
      %dma_start3A_2147 = arith.constant 0 : i32
      %dma_start3A_2148 = tpu.memref_slice %arg5[%dma_start3A_2144, %dma_start3A_2146, %dma_start3A_2147] : memref<3x2x128xi32, #tpu.memory_space<vmem>> -> memref<1x2x128xi32, #tpu.memory_space<vmem>>
      %dma_start3A_2149 = tpu.memref_squeeze %dma_start3A_2148 : memref<1x2x128xi32, #tpu.memory_space<vmem>> -> memref<2x128xi32, #tpu.memory_space<vmem>>
      %dma_start3A_2150 = arith.constant 0 : i32
      %dma_start3A_2151 = tpu.memref_slice %dma_start3A_2149[%dma_start3A_2145, %dma_start3A_2150] : memref<2x128xi32, #tpu.memory_space<vmem>> -> memref<1x128xi32, #tpu.memory_space<vmem>>
      %dma_start3A_2152 = tpu.memref_squeeze %dma_start3A_2151 : memref<1x128xi32, #tpu.memory_space<vmem>> -> memref<128xi32, #tpu.memory_space<vmem>>
      %dma_start3A_2153 = tpu.memref_slice %arg2[%add3A_2143] : memref<3276800xi32, #tpu.memory_space<hbm>> -> memref<128xi32, #tpu.memory_space<hbm>>
      %dma_start3A_2154 = arith.constant 0 : i32
      %dma_start3A_2155 = arith.constant 0 : i32
      %dma_start3A_2156 = tpu.memref_slice %arg5[%dma_start3A_2144, %dma_start3A_2154, %dma_start3A_2155] : memref<3x2x128xi32, #tpu.memory_space<vmem>> -> memref<1x2x128xi32, #tpu.memory_space<vmem>>
      %dma_start3A_2157 = tpu.memref_squeeze %dma_start3A_2156 : memref<1x2x128xi32, #tpu.memory_space<vmem>> -> memref<2x128xi32, #tpu.memory_space<vmem>>
      %dma_start3A_2158 = arith.constant 0 : i32
      %dma_start3A_2159 = tpu.memref_slice %dma_start3A_2157[%dma_start3A_2145, %dma_start3A_2158] : memref<2x128xi32, #tpu.memory_space<vmem>> -> memref<1x128xi32, #tpu.memory_space<vmem>>
      %dma_start3A_2160 = tpu.memref_squeeze %dma_start3A_2159 : memref<1x128xi32, #tpu.memory_space<vmem>> -> memref<128xi32, #tpu.memory_space<vmem>>
      %dma_start3A_2161 = tpu.memref_slice %arg2[%add3A_2143] : memref<3276800xi32, #tpu.memory_space<hbm>> -> memref<128xi32, #tpu.memory_space<hbm>>
      tpu.enqueue_dma source(%dma_start3A_2161 : memref<128xi32, #tpu.memory_space<hbm>>) target(%dma_start3A_2160 : memref<128xi32, #tpu.memory_space<vmem>>) target_semaphore(%arg9 : memref<!tpu.dma_semaphore, #tpu.memory_space<semaphore_mem>>)
      %mul3A_2162 = arith.constant 256 : i32
      %mul3A_2163 = arith.muli %add3A_2138, %mul3A_2162 : i32
      %add3A_2164 = arith.addi %mul3A_2, %mul3A_2163 : i32
      %add3A_2165 = arith.constant 128 : i32
      %add3A_2166 = arith.addi %add3A_2164, %add3A_2165 : i32
      %dma_start3A_2167 = arith.constant 2 : i32
      %dma_start3A_2168 = arith.constant 1 : i32
      %dma_start3A_2169 = arith.constant 0 : i32
      %dma_start3A_2170 = arith.constant 0 : i32
      %dma_start3A_2171 = tpu.memref_slice %arg5[%dma_start3A_2167, %dma_start3A_2169, %dma_start3A_2170] : memref<3x2x128xi32, #tpu.memory_space<vmem>> -> memref<1x2x128xi32, #tpu.memory_space<vmem>>
      %dma_start3A_2172 = tpu.memref_squeeze %dma_start3A_2171 : memref<1x2x128xi32, #tpu.memory_space<vmem>> -> memref<2x128xi32, #tpu.memory_space<vmem>>
      %dma_start3A_2173 = arith.constant 0 : i32
      %dma_start3A_2174 = tpu.memref_slice %dma_start3A_2172[%dma_start3A_2168, %dma_start3A_2173] : memref<2x128xi32, #tpu.memory_space<vmem>> -> memref<1x128xi32, #tpu.memory_space<vmem>>
      %dma_start3A_2175 = tpu.memref_squeeze %dma_start3A_2174 : memref<1x128xi32, #tpu.memory_space<vmem>> -> memref<128xi32, #tpu.memory_space<vmem>>
      %dma_start3A_2176 = tpu.memref_slice %arg2[%add3A_2166] : memref<3276800xi32, #tpu.memory_space<hbm>> -> memref<128xi32, #tpu.memory_space<hbm>>
      %dma_start3A_2177 = arith.constant 0 : i32
      %dma_start3A_2178 = arith.constant 0 : i32
      %dma_start3A_2179 = tpu.memref_slice %arg5[%dma_start3A_2167, %dma_start3A_2177, %dma_start3A_2178] : memref<3x2x128xi32, #tpu.memory_space<vmem>> -> memref<1x2x128xi32, #tpu.memory_space<vmem>>
      %dma_start3A_2180 = tpu.memref_squeeze %dma_start3A_2179 : memref<1x2x128xi32, #tpu.memory_space<vmem>> -> memref<2x128xi32, #tpu.memory_space<vmem>>
      %dma_start3A_2181 = arith.constant 0 : i32
      %dma_start3A_2182 = tpu.memref_slice %dma_start3A_2180[%dma_start3A_2168, %dma_start3A_2181] : memref<2x128xi32, #tpu.memory_space<vmem>> -> memref<1x128xi32, #tpu.memory_space<vmem>>
      %dma_start3A_2183 = tpu.memref_squeeze %dma_start3A_2182 : memref<1x128xi32, #tpu.memory_space<vmem>> -> memref<128xi32, #tpu.memory_space<vmem>>
      %dma_start3A_2184 = tpu.memref_slice %arg2[%add3A_2166] : memref<3276800xi32, #tpu.memory_space<hbm>> -> memref<128xi32, #tpu.memory_space<hbm>>
      tpu.enqueue_dma source(%dma_start3A_2184 : memref<128xi32, #tpu.memory_space<hbm>>) target(%dma_start3A_2183 : memref<128xi32, #tpu.memory_space<vmem>>) target_semaphore(%arg9 : memref<!tpu.dma_semaphore, #tpu.memory_space<semaphore_mem>>)
      %mul3A_2185 = arith.constant 256 : i32
      %mul3A_2186 = arith.muli %add3A_1991, %mul3A_2185 : i32
      %add3A_2187 = arith.addi %mul3A_2, %mul3A_2186 : i32
      %dma_start3A_2188 = arith.constant 2 : i32
      %dma_start3A_2189 = arith.constant 0 : i32
      %dma_start3A_2190 = arith.constant 0 : i32
      %dma_start3A_2191 = tpu.memref_slice %arg6[%dma_start3A_2188, %dma_start3A_2189, %dma_start3A_2190] : memref<3x256x128xf32, #tpu.memory_space<vmem>> -> memref<1x256x128xf32, #tpu.memory_space<vmem>>
      %dma_start3A_2192 = tpu.memref_squeeze %dma_start3A_2191 : memref<1x256x128xf32, #tpu.memory_space<vmem>> -> memref<256x128xf32, #tpu.memory_space<vmem>>
      %dma_start3A_2193 = arith.constant 0 : i32
      %dma_start3A_2194 = tpu.memref_slice %arg4[%add3A_2187, %dma_start3A_2193] : memref<3276800x128xf32, #tpu.memory_space<hbm>> -> memref<256x128xf32, #tpu.memory_space<hbm>>
      %dma_start3A_2195 = arith.constant 0 : i32
      %dma_start3A_2196 = tpu.memref_slice %arg4[%add3A_2187, %dma_start3A_2195] : memref<3276800x128xf32, #tpu.memory_space<hbm>> -> memref<256x128xf32, #tpu.memory_space<hbm>>
      %dma_start3A_2197 = arith.constant 0 : i32
      %dma_start3A_2198 = arith.constant 0 : i32
      %dma_start3A_2199 = tpu.memref_slice %arg6[%dma_start3A_2188, %dma_start3A_2197, %dma_start3A_2198] : memref<3x256x128xf32, #tpu.memory_space<vmem>> -> memref<1x256x128xf32, #tpu.memory_space<vmem>>
      %dma_start3A_2200 = tpu.memref_squeeze %dma_start3A_2199 : memref<1x256x128xf32, #tpu.memory_space<vmem>> -> memref<256x128xf32, #tpu.memory_space<vmem>>
      tpu.enqueue_dma source(%dma_start3A_2200 : memref<256x128xf32, #tpu.memory_space<vmem>>) target(%dma_start3A_2196 : memref<256x128xf32, #tpu.memory_space<hbm>>) target_semaphore(%arg15 : memref<!tpu.dma_semaphore, #tpu.memory_space<semaphore_mem>>)
      %mul3A_2201 = arith.constant 3 : i32
      %mul3A_2202 = arith.muli %scan3A_1985, %mul3A_2201 : i32
      %add3A_2203 = arith.constant 2 : i32
      %add3A_2204 = arith.addi %add3A_2203, %mul3A_2202 : i32
      %add3A_2205 = arith.constant 1 : i32
      %add3A_2206 = arith.addi %add3A_2204, %add3A_2205 : i32
      %sub3A_2207 = arith.constant 2 : i32
      %sub3A_2208 = arith.subi %add3A_2206, %sub3A_2207 : i32
      %mul3A_2209 = arith.constant 256 : i32
      %mul3A_2210 = arith.muli %sub3A_2208, %mul3A_2209 : i32
      %add3A_2211 = arith.addi %mul3A_2, %mul3A_2210 : i32
      %dma_wait3A_2212 = arith.constant 1 : i32
      %dma_wait3A_2213 = arith.constant 0 : i32
      %dma_wait3A_2214 = arith.constant 0 : i32
      %dma_wait3A_2215 = tpu.memref_slice %arg6[%dma_wait3A_2212, %dma_wait3A_2213, %dma_wait3A_2214] : memref<3x256x128xf32, #tpu.memory_space<vmem>> -> memref<1x256x128xf32, #tpu.memory_space<vmem>>
      %dma_wait3A_2216 = tpu.memref_squeeze %dma_wait3A_2215 : memref<1x256x128xf32, #tpu.memory_space<vmem>> -> memref<256x128xf32, #tpu.memory_space<vmem>>
      %dma_wait3A_2217 = arith.constant 0 : i32
      %dma_wait3A_2218 = tpu.memref_slice %arg4[%add3A_2211, %dma_wait3A_2217] : memref<3276800x128xf32, #tpu.memory_space<hbm>> -> memref<256x128xf32, #tpu.memory_space<hbm>>
      %dma_wait3A_2219 = arith.constant 0 : i32
      %dma_wait3A_2220 = tpu.memref_slice %arg4[%add3A_2211, %dma_wait3A_2219] : memref<3276800x128xf32, #tpu.memory_space<hbm>> -> memref<256x128xf32, #tpu.memory_space<hbm>>
      %dma_wait3A_2221 = arith.constant 0 : i32
      %dma_wait3A_2222 = arith.constant 0 : i32
      %dma_wait3A_2223 = tpu.memref_slice %arg6[%dma_wait3A_2212, %dma_wait3A_2221, %dma_wait3A_2222] : memref<3x256x128xf32, #tpu.memory_space<vmem>> -> memref<1x256x128xf32, #tpu.memory_space<vmem>>
      %dma_wait3A_2224 = tpu.memref_squeeze %dma_wait3A_2223 : memref<1x256x128xf32, #tpu.memory_space<vmem>> -> memref<256x128xf32, #tpu.memory_space<vmem>>
      tpu.wait_dma2 semaphore(%arg14 : memref<!tpu.dma_semaphore, #tpu.memory_space<semaphore_mem>>) src(%dma_wait3A_2224 : memref<256x128xf32, #tpu.memory_space<vmem>>) dst(%dma_wait3A_2220 : memref<256x128xf32, #tpu.memory_space<hbm>>)
      %add3A_2225 = arith.constant 1 : i32
      %add3A_2226 = arith.addi %add3A_2206, %add3A_2225 : i32
      %mul3A_2227 = arith.constant 256 : i32
      %mul3A_2228 = arith.muli %add3A_2226, %mul3A_2227 : i32
      %add3A_2229 = arith.addi %mul3A_2, %mul3A_2228 : i32
      %add3A_2230 = arith.constant 0 : i32
      %add3A_2231 = arith.addi %add3A_2229, %add3A_2230 : i32
      %dma_wait3A_2232 = arith.constant 1 : i32
      %dma_wait3A_2233 = arith.constant 0 : i32
      %dma_wait3A_2234 = arith.constant 0 : i32
      %dma_wait3A_2235 = arith.constant 0 : i32
      %dma_wait3A_2236 = tpu.memref_slice %arg5[%dma_wait3A_2232, %dma_wait3A_2234, %dma_wait3A_2235] : memref<3x2x128xi32, #tpu.memory_space<vmem>> -> memref<1x2x128xi32, #tpu.memory_space<vmem>>
      %dma_wait3A_2237 = tpu.memref_squeeze %dma_wait3A_2236 : memref<1x2x128xi32, #tpu.memory_space<vmem>> -> memref<2x128xi32, #tpu.memory_space<vmem>>
      %dma_wait3A_2238 = arith.constant 0 : i32
      %dma_wait3A_2239 = tpu.memref_slice %dma_wait3A_2237[%dma_wait3A_2233, %dma_wait3A_2238] : memref<2x128xi32, #tpu.memory_space<vmem>> -> memref<1x128xi32, #tpu.memory_space<vmem>>
      %dma_wait3A_2240 = tpu.memref_squeeze %dma_wait3A_2239 : memref<1x128xi32, #tpu.memory_space<vmem>> -> memref<128xi32, #tpu.memory_space<vmem>>
      %dma_wait3A_2241 = tpu.memref_slice %arg2[%add3A_2231] : memref<3276800xi32, #tpu.memory_space<hbm>> -> memref<128xi32, #tpu.memory_space<hbm>>
      %dma_wait3A_2242 = arith.constant 0 : i32
      %dma_wait3A_2243 = arith.constant 0 : i32
      %dma_wait3A_2244 = tpu.memref_slice %arg5[%dma_wait3A_2232, %dma_wait3A_2242, %dma_wait3A_2243] : memref<3x2x128xi32, #tpu.memory_space<vmem>> -> memref<1x2x128xi32, #tpu.memory_space<vmem>>
      %dma_wait3A_2245 = tpu.memref_squeeze %dma_wait3A_2244 : memref<1x2x128xi32, #tpu.memory_space<vmem>> -> memref<2x128xi32, #tpu.memory_space<vmem>>
      %dma_wait3A_2246 = arith.constant 0 : i32
      %dma_wait3A_2247 = tpu.memref_slice %dma_wait3A_2245[%dma_wait3A_2233, %dma_wait3A_2246] : memref<2x128xi32, #tpu.memory_space<vmem>> -> memref<1x128xi32, #tpu.memory_space<vmem>>
      %dma_wait3A_2248 = tpu.memref_squeeze %dma_wait3A_2247 : memref<1x128xi32, #tpu.memory_space<vmem>> -> memref<128xi32, #tpu.memory_space<vmem>>
      %dma_wait3A_2249 = tpu.memref_slice %arg2[%add3A_2231] : memref<3276800xi32, #tpu.memory_space<hbm>> -> memref<128xi32, #tpu.memory_space<hbm>>
      tpu.wait_dma2 semaphore(%arg8 : memref<!tpu.dma_semaphore, #tpu.memory_space<semaphore_mem>>) src(%dma_wait3A_2249 : memref<128xi32, #tpu.memory_space<hbm>>) dst(%dma_wait3A_2248 : memref<128xi32, #tpu.memory_space<vmem>>)
      %mul3A_2250 = arith.constant 256 : i32
      %mul3A_2251 = arith.muli %add3A_2226, %mul3A_2250 : i32
      %add3A_2252 = arith.addi %mul3A_2, %mul3A_2251 : i32
      %add3A_2253 = arith.constant 128 : i32
      %add3A_2254 = arith.addi %add3A_2252, %add3A_2253 : i32
      %dma_wait3A_2255 = arith.constant 1 : i32
      %dma_wait3A_2256 = arith.constant 1 : i32
      %dma_wait3A_2257 = arith.constant 0 : i32
      %dma_wait3A_2258 = arith.constant 0 : i32
      %dma_wait3A_2259 = tpu.memref_slice %arg5[%dma_wait3A_2255, %dma_wait3A_2257, %dma_wait3A_2258] : memref<3x2x128xi32, #tpu.memory_space<vmem>> -> memref<1x2x128xi32, #tpu.memory_space<vmem>>
      %dma_wait3A_2260 = tpu.memref_squeeze %dma_wait3A_2259 : memref<1x2x128xi32, #tpu.memory_space<vmem>> -> memref<2x128xi32, #tpu.memory_space<vmem>>
      %dma_wait3A_2261 = arith.constant 0 : i32
      %dma_wait3A_2262 = tpu.memref_slice %dma_wait3A_2260[%dma_wait3A_2256, %dma_wait3A_2261] : memref<2x128xi32, #tpu.memory_space<vmem>> -> memref<1x128xi32, #tpu.memory_space<vmem>>
      %dma_wait3A_2263 = tpu.memref_squeeze %dma_wait3A_2262 : memref<1x128xi32, #tpu.memory_space<vmem>> -> memref<128xi32, #tpu.memory_space<vmem>>
      %dma_wait3A_2264 = tpu.memref_slice %arg2[%add3A_2254] : memref<3276800xi32, #tpu.memory_space<hbm>> -> memref<128xi32, #tpu.memory_space<hbm>>
      %dma_wait3A_2265 = arith.constant 0 : i32
      %dma_wait3A_2266 = arith.constant 0 : i32
      %dma_wait3A_2267 = tpu.memref_slice %arg5[%dma_wait3A_2255, %dma_wait3A_2265, %dma_wait3A_2266] : memref<3x2x128xi32, #tpu.memory_space<vmem>> -> memref<1x2x128xi32, #tpu.memory_space<vmem>>
      %dma_wait3A_2268 = tpu.memref_squeeze %dma_wait3A_2267 : memref<1x2x128xi32, #tpu.memory_space<vmem>> -> memref<2x128xi32, #tpu.memory_space<vmem>>
      %dma_wait3A_2269 = arith.constant 0 : i32
      %dma_wait3A_2270 = tpu.memref_slice %dma_wait3A_2268[%dma_wait3A_2256, %dma_wait3A_2269] : memref<2x128xi32, #tpu.memory_space<vmem>> -> memref<1x128xi32, #tpu.memory_space<vmem>>
      %dma_wait3A_2271 = tpu.memref_squeeze %dma_wait3A_2270 : memref<1x128xi32, #tpu.memory_space<vmem>> -> memref<128xi32, #tpu.memory_space<vmem>>
      %dma_wait3A_2272 = tpu.memref_slice %arg2[%add3A_2254] : memref<3276800xi32, #tpu.memory_space<hbm>> -> memref<128xi32, #tpu.memory_space<hbm>>
      tpu.wait_dma2 semaphore(%arg8 : memref<!tpu.dma_semaphore, #tpu.memory_space<semaphore_mem>>) src(%dma_wait3A_2272 : memref<128xi32, #tpu.memory_space<hbm>>) dst(%dma_wait3A_2271 : memref<128xi32, #tpu.memory_space<vmem>>)
      %dma_start3A_2273 = arith.constant 1 : i32
      %dma_start3A_2274 = arith.constant 0 : i32
      %dma_start3A_2275 = arith.constant 1 : i32
      %dma_start3A_2276 = arith.constant 0 : i32
      %dma_start3A_2277 = arith.constant 0 : i32
      %dma_start3A_2278 = tpu.memref_slice %arg6[%dma_start3A_2275, %dma_start3A_2276, %dma_start3A_2277] : memref<3x256x128xf32, #tpu.memory_space<vmem>> -> memref<1x256x128xf32, #tpu.memory_space<vmem>>
      %dma_start3A_2279 = tpu.memref_squeeze %dma_start3A_2278 : memref<1x256x128xf32, #tpu.memory_space<vmem>> -> memref<256x128xf32, #tpu.memory_space<vmem>>
      %dma_start3A_2280 = arith.constant 0 : i32
      %dma_start3A_2281 = arith.constant 0 : i32
      %dma_start3A_2282 = tpu.memref_slice %dma_start3A_2279[%dma_start3A_2280, %dma_start3A_2281] : memref<256x128xf32, #tpu.memory_space<vmem>> -> memref<128x128xf32, #tpu.memory_space<vmem>>
      %dma_start3A_2283 = arith.constant 0 : i32
      %dma_start3A_2284 = arith.constant 0 : i32
      %dma_start3A_2285 = tpu.memref_slice %arg5[%dma_start3A_2273, %dma_start3A_2283, %dma_start3A_2284] : memref<3x2x128xi32, #tpu.memory_space<vmem>> -> memref<1x2x128xi32, #tpu.memory_space<vmem>>
      %dma_start3A_2286 = tpu.memref_squeeze %dma_start3A_2285 : memref<1x2x128xi32, #tpu.memory_space<vmem>> -> memref<2x128xi32, #tpu.memory_space<vmem>>
      %dma_start3A_2287 = arith.constant 0 : i32
      %dma_start3A_2288 = tpu.memref_slice %dma_start3A_2286[%dma_start3A_2274, %dma_start3A_2287] : memref<2x128xi32, #tpu.memory_space<vmem>> -> memref<1x128xi32, #tpu.memory_space<vmem>>
      %dma_start3A_2289 = tpu.memref_squeeze %dma_start3A_2288 : memref<1x128xi32, #tpu.memory_space<vmem>> -> memref<128xi32, #tpu.memory_space<vmem>>
      %dma_start3A_2290 = arith.constant 0 : i32
      %dma_start3A_2291 = arith.constant 0 : i32
      %dma_start3A_2292 = tpu.memref_slice %arg3[%dma_start3A_2290, %dma_start3A_2291] : memref<50000x128xf32, #tpu.memory_space<hbm>> -> memref<50000x128xf32, #tpu.memory_space<hbm>>
      tpu.enqueue_indirect_dma source(%dma_start3A_2292 : memref<50000x128xf32, #tpu.memory_space<hbm>>) target(%dma_start3A_2282 : memref<128x128xf32, #tpu.memory_space<vmem>>) offsets(%dma_start3A_2289 : memref<128xi32, #tpu.memory_space<vmem>>) semaphore(%arg11 : memref<!tpu.dma_semaphore, #tpu.memory_space<semaphore_mem>>)
      %dma_start3A_2293 = arith.constant 1 : i32
      %dma_start3A_2294 = arith.constant 1 : i32
      %dma_start3A_2295 = arith.constant 1 : i32
      %dma_start3A_2296 = arith.constant 0 : i32
      %dma_start3A_2297 = arith.constant 0 : i32
      %dma_start3A_2298 = tpu.memref_slice %arg6[%dma_start3A_2295, %dma_start3A_2296, %dma_start3A_2297] : memref<3x256x128xf32, #tpu.memory_space<vmem>> -> memref<1x256x128xf32, #tpu.memory_space<vmem>>
      %dma_start3A_2299 = tpu.memref_squeeze %dma_start3A_2298 : memref<1x256x128xf32, #tpu.memory_space<vmem>> -> memref<256x128xf32, #tpu.memory_space<vmem>>
      %dma_start3A_2300 = arith.constant 128 : i32
      %dma_start3A_2301 = arith.constant 0 : i32
      %dma_start3A_2302 = tpu.memref_slice %dma_start3A_2299[%dma_start3A_2300, %dma_start3A_2301] : memref<256x128xf32, #tpu.memory_space<vmem>> -> memref<128x128xf32, #tpu.memory_space<vmem>>
      %dma_start3A_2303 = arith.constant 0 : i32
      %dma_start3A_2304 = arith.constant 0 : i32
      %dma_start3A_2305 = tpu.memref_slice %arg5[%dma_start3A_2293, %dma_start3A_2303, %dma_start3A_2304] : memref<3x2x128xi32, #tpu.memory_space<vmem>> -> memref<1x2x128xi32, #tpu.memory_space<vmem>>
      %dma_start3A_2306 = tpu.memref_squeeze %dma_start3A_2305 : memref<1x2x128xi32, #tpu.memory_space<vmem>> -> memref<2x128xi32, #tpu.memory_space<vmem>>
      %dma_start3A_2307 = arith.constant 0 : i32
      %dma_start3A_2308 = tpu.memref_slice %dma_start3A_2306[%dma_start3A_2294, %dma_start3A_2307] : memref<2x128xi32, #tpu.memory_space<vmem>> -> memref<1x128xi32, #tpu.memory_space<vmem>>
      %dma_start3A_2309 = tpu.memref_squeeze %dma_start3A_2308 : memref<1x128xi32, #tpu.memory_space<vmem>> -> memref<128xi32, #tpu.memory_space<vmem>>
      %dma_start3A_2310 = arith.constant 0 : i32
      %dma_start3A_2311 = arith.constant 0 : i32
      %dma_start3A_2312 = tpu.memref_slice %arg3[%dma_start3A_2310, %dma_start3A_2311] : memref<50000x128xf32, #tpu.memory_space<hbm>> -> memref<50000x128xf32, #tpu.memory_space<hbm>>
      tpu.enqueue_indirect_dma source(%dma_start3A_2312 : memref<50000x128xf32, #tpu.memory_space<hbm>>) target(%dma_start3A_2302 : memref<128x128xf32, #tpu.memory_space<vmem>>) offsets(%dma_start3A_2309 : memref<128xi32, #tpu.memory_space<vmem>>) semaphore(%arg11 : memref<!tpu.dma_semaphore, #tpu.memory_space<semaphore_mem>>)
      %dma_wait3A_2313 = arith.constant 0 : i32
      %dma_wait3A_2314 = arith.constant 0 : i32
      %dma_wait3A_2315 = arith.constant 0 : i32
      %dma_wait3A_2316 = arith.constant 0 : i32
      %dma_wait3A_2317 = arith.constant 0 : i32
      %dma_wait3A_2318 = tpu.memref_slice %arg6[%dma_wait3A_2315, %dma_wait3A_2316, %dma_wait3A_2317] : memref<3x256x128xf32, #tpu.memory_space<vmem>> -> memref<1x256x128xf32, #tpu.memory_space<vmem>>
      %dma_wait3A_2319 = tpu.memref_squeeze %dma_wait3A_2318 : memref<1x256x128xf32, #tpu.memory_space<vmem>> -> memref<256x128xf32, #tpu.memory_space<vmem>>
      %dma_wait3A_2320 = arith.constant 0 : i32
      %dma_wait3A_2321 = arith.constant 0 : i32
      %dma_wait3A_2322 = tpu.memref_slice %dma_wait3A_2319[%dma_wait3A_2320, %dma_wait3A_2321] : memref<256x128xf32, #tpu.memory_space<vmem>> -> memref<128x128xf32, #tpu.memory_space<vmem>>
      %dma_wait3A_2323 = arith.constant 0 : i32
      %dma_wait3A_2324 = arith.constant 0 : i32
      %dma_wait3A_2325 = tpu.memref_slice %arg5[%dma_wait3A_2313, %dma_wait3A_2323, %dma_wait3A_2324] : memref<3x2x128xi32, #tpu.memory_space<vmem>> -> memref<1x2x128xi32, #tpu.memory_space<vmem>>
      %dma_wait3A_2326 = tpu.memref_squeeze %dma_wait3A_2325 : memref<1x2x128xi32, #tpu.memory_space<vmem>> -> memref<2x128xi32, #tpu.memory_space<vmem>>
      %dma_wait3A_2327 = arith.constant 0 : i32
      %dma_wait3A_2328 = tpu.memref_slice %dma_wait3A_2326[%dma_wait3A_2314, %dma_wait3A_2327] : memref<2x128xi32, #tpu.memory_space<vmem>> -> memref<1x128xi32, #tpu.memory_space<vmem>>
      %dma_wait3A_2329 = tpu.memref_squeeze %dma_wait3A_2328 : memref<1x128xi32, #tpu.memory_space<vmem>> -> memref<128xi32, #tpu.memory_space<vmem>>
      %dma_wait3A_2330 = arith.constant 0 : i32
      %dma_wait3A_2331 = arith.constant 0 : i32
      %dma_wait3A_2332 = tpu.memref_slice %arg3[%dma_wait3A_2330, %dma_wait3A_2331] : memref<50000x128xf32, #tpu.memory_space<hbm>> -> memref<50000x128xf32, #tpu.memory_space<hbm>>
      tpu.wait_indirect_dma semaphore(%arg10 : memref<!tpu.dma_semaphore, #tpu.memory_space<semaphore_mem>>) src(%dma_wait3A_2332 : memref<50000x128xf32, #tpu.memory_space<hbm>>) dst(%dma_wait3A_2322 : memref<128x128xf32, #tpu.memory_space<vmem>>)
      %dma_wait3A_2333 = arith.constant 0 : i32
      %dma_wait3A_2334 = arith.constant 1 : i32
      %dma_wait3A_2335 = arith.constant 0 : i32
      %dma_wait3A_2336 = arith.constant 0 : i32
      %dma_wait3A_2337 = arith.constant 0 : i32
      %dma_wait3A_2338 = tpu.memref_slice %arg6[%dma_wait3A_2335, %dma_wait3A_2336, %dma_wait3A_2337] : memref<3x256x128xf32, #tpu.memory_space<vmem>> -> memref<1x256x128xf32, #tpu.memory_space<vmem>>
      %dma_wait3A_2339 = tpu.memref_squeeze %dma_wait3A_2338 : memref<1x256x128xf32, #tpu.memory_space<vmem>> -> memref<256x128xf32, #tpu.memory_space<vmem>>
      %dma_wait3A_2340 = arith.constant 128 : i32
      %dma_wait3A_2341 = arith.constant 0 : i32
      %dma_wait3A_2342 = tpu.memref_slice %dma_wait3A_2339[%dma_wait3A_2340, %dma_wait3A_2341] : memref<256x128xf32, #tpu.memory_space<vmem>> -> memref<128x128xf32, #tpu.memory_space<vmem>>
      %dma_wait3A_2343 = arith.constant 0 : i32
      %dma_wait3A_2344 = arith.constant 0 : i32
      %dma_wait3A_2345 = tpu.memref_slice %arg5[%dma_wait3A_2333, %dma_wait3A_2343, %dma_wait3A_2344] : memref<3x2x128xi32, #tpu.memory_space<vmem>> -> memref<1x2x128xi32, #tpu.memory_space<vmem>>
      %dma_wait3A_2346 = tpu.memref_squeeze %dma_wait3A_2345 : memref<1x2x128xi32, #tpu.memory_space<vmem>> -> memref<2x128xi32, #tpu.memory_space<vmem>>
      %dma_wait3A_2347 = arith.constant 0 : i32
      %dma_wait3A_2348 = tpu.memref_slice %dma_wait3A_2346[%dma_wait3A_2334, %dma_wait3A_2347] : memref<2x128xi32, #tpu.memory_space<vmem>> -> memref<1x128xi32, #tpu.memory_space<vmem>>
      %dma_wait3A_2349 = tpu.memref_squeeze %dma_wait3A_2348 : memref<1x128xi32, #tpu.memory_space<vmem>> -> memref<128xi32, #tpu.memory_space<vmem>>
      %dma_wait3A_2350 = arith.constant 0 : i32
      %dma_wait3A_2351 = arith.constant 0 : i32
      %dma_wait3A_2352 = tpu.memref_slice %arg3[%dma_wait3A_2350, %dma_wait3A_2351] : memref<50000x128xf32, #tpu.memory_space<hbm>> -> memref<50000x128xf32, #tpu.memory_space<hbm>>
      tpu.wait_indirect_dma semaphore(%arg10 : memref<!tpu.dma_semaphore, #tpu.memory_space<semaphore_mem>>) src(%dma_wait3A_2352 : memref<50000x128xf32, #tpu.memory_space<hbm>>) dst(%dma_wait3A_2342 : memref<128x128xf32, #tpu.memory_space<vmem>>)
      %add3A_2353 = arith.constant 3 : i32
      %add3A_2354 = arith.addi %add3A_2206, %add3A_2353 : i32
      %mul3A_2355 = arith.constant 256 : i32
      %mul3A_2356 = arith.muli %add3A_2354, %mul3A_2355 : i32
      %add3A_2357 = arith.addi %mul3A_2, %mul3A_2356 : i32
      %add3A_2358 = arith.constant 0 : i32
      %add3A_2359 = arith.addi %add3A_2357, %add3A_2358 : i32
      %dma_start3A_2360 = arith.constant 0 : i32
      %dma_start3A_2361 = arith.constant 0 : i32
      %dma_start3A_2362 = arith.constant 0 : i32
      %dma_start3A_2363 = arith.constant 0 : i32
      %dma_start3A_2364 = tpu.memref_slice %arg5[%dma_start3A_2360, %dma_start3A_2362, %dma_start3A_2363] : memref<3x2x128xi32, #tpu.memory_space<vmem>> -> memref<1x2x128xi32, #tpu.memory_space<vmem>>
      %dma_start3A_2365 = tpu.memref_squeeze %dma_start3A_2364 : memref<1x2x128xi32, #tpu.memory_space<vmem>> -> memref<2x128xi32, #tpu.memory_space<vmem>>
      %dma_start3A_2366 = arith.constant 0 : i32
      %dma_start3A_2367 = tpu.memref_slice %dma_start3A_2365[%dma_start3A_2361, %dma_start3A_2366] : memref<2x128xi32, #tpu.memory_space<vmem>> -> memref<1x128xi32, #tpu.memory_space<vmem>>
      %dma_start3A_2368 = tpu.memref_squeeze %dma_start3A_2367 : memref<1x128xi32, #tpu.memory_space<vmem>> -> memref<128xi32, #tpu.memory_space<vmem>>
      %dma_start3A_2369 = tpu.memref_slice %arg2[%add3A_2359] : memref<3276800xi32, #tpu.memory_space<hbm>> -> memref<128xi32, #tpu.memory_space<hbm>>
      %dma_start3A_2370 = arith.constant 0 : i32
      %dma_start3A_2371 = arith.constant 0 : i32
      %dma_start3A_2372 = tpu.memref_slice %arg5[%dma_start3A_2360, %dma_start3A_2370, %dma_start3A_2371] : memref<3x2x128xi32, #tpu.memory_space<vmem>> -> memref<1x2x128xi32, #tpu.memory_space<vmem>>
      %dma_start3A_2373 = tpu.memref_squeeze %dma_start3A_2372 : memref<1x2x128xi32, #tpu.memory_space<vmem>> -> memref<2x128xi32, #tpu.memory_space<vmem>>
      %dma_start3A_2374 = arith.constant 0 : i32
      %dma_start3A_2375 = tpu.memref_slice %dma_start3A_2373[%dma_start3A_2361, %dma_start3A_2374] : memref<2x128xi32, #tpu.memory_space<vmem>> -> memref<1x128xi32, #tpu.memory_space<vmem>>
      %dma_start3A_2376 = tpu.memref_squeeze %dma_start3A_2375 : memref<1x128xi32, #tpu.memory_space<vmem>> -> memref<128xi32, #tpu.memory_space<vmem>>
      %dma_start3A_2377 = tpu.memref_slice %arg2[%add3A_2359] : memref<3276800xi32, #tpu.memory_space<hbm>> -> memref<128xi32, #tpu.memory_space<hbm>>
      tpu.enqueue_dma source(%dma_start3A_2377 : memref<128xi32, #tpu.memory_space<hbm>>) target(%dma_start3A_2376 : memref<128xi32, #tpu.memory_space<vmem>>) target_semaphore(%arg7 : memref<!tpu.dma_semaphore, #tpu.memory_space<semaphore_mem>>)
      %mul3A_2378 = arith.constant 256 : i32
      %mul3A_2379 = arith.muli %add3A_2354, %mul3A_2378 : i32
      %add3A_2380 = arith.addi %mul3A_2, %mul3A_2379 : i32
      %add3A_2381 = arith.constant 128 : i32
      %add3A_2382 = arith.addi %add3A_2380, %add3A_2381 : i32
      %dma_start3A_2383 = arith.constant 0 : i32
      %dma_start3A_2384 = arith.constant 1 : i32
      %dma_start3A_2385 = arith.constant 0 : i32
      %dma_start3A_2386 = arith.constant 0 : i32
      %dma_start3A_2387 = tpu.memref_slice %arg5[%dma_start3A_2383, %dma_start3A_2385, %dma_start3A_2386] : memref<3x2x128xi32, #tpu.memory_space<vmem>> -> memref<1x2x128xi32, #tpu.memory_space<vmem>>
      %dma_start3A_2388 = tpu.memref_squeeze %dma_start3A_2387 : memref<1x2x128xi32, #tpu.memory_space<vmem>> -> memref<2x128xi32, #tpu.memory_space<vmem>>
      %dma_start3A_2389 = arith.constant 0 : i32
      %dma_start3A_2390 = tpu.memref_slice %dma_start3A_2388[%dma_start3A_2384, %dma_start3A_2389] : memref<2x128xi32, #tpu.memory_space<vmem>> -> memref<1x128xi32, #tpu.memory_space<vmem>>
      %dma_start3A_2391 = tpu.memref_squeeze %dma_start3A_2390 : memref<1x128xi32, #tpu.memory_space<vmem>> -> memref<128xi32, #tpu.memory_space<vmem>>
      %dma_start3A_2392 = tpu.memref_slice %arg2[%add3A_2382] : memref<3276800xi32, #tpu.memory_space<hbm>> -> memref<128xi32, #tpu.memory_space<hbm>>
      %dma_start3A_2393 = arith.constant 0 : i32
      %dma_start3A_2394 = arith.constant 0 : i32
      %dma_start3A_2395 = tpu.memref_slice %arg5[%dma_start3A_2383, %dma_start3A_2393, %dma_start3A_2394] : memref<3x2x128xi32, #tpu.memory_space<vmem>> -> memref<1x2x128xi32, #tpu.memory_space<vmem>>
      %dma_start3A_2396 = tpu.memref_squeeze %dma_start3A_2395 : memref<1x2x128xi32, #tpu.memory_space<vmem>> -> memref<2x128xi32, #tpu.memory_space<vmem>>
      %dma_start3A_2397 = arith.constant 0 : i32
      %dma_start3A_2398 = tpu.memref_slice %dma_start3A_2396[%dma_start3A_2384, %dma_start3A_2397] : memref<2x128xi32, #tpu.memory_space<vmem>> -> memref<1x128xi32, #tpu.memory_space<vmem>>
      %dma_start3A_2399 = tpu.memref_squeeze %dma_start3A_2398 : memref<1x128xi32, #tpu.memory_space<vmem>> -> memref<128xi32, #tpu.memory_space<vmem>>
      %dma_start3A_2400 = tpu.memref_slice %arg2[%add3A_2382] : memref<3276800xi32, #tpu.memory_space<hbm>> -> memref<128xi32, #tpu.memory_space<hbm>>
      tpu.enqueue_dma source(%dma_start3A_2400 : memref<128xi32, #tpu.memory_space<hbm>>) target(%dma_start3A_2399 : memref<128xi32, #tpu.memory_space<vmem>>) target_semaphore(%arg7 : memref<!tpu.dma_semaphore, #tpu.memory_space<semaphore_mem>>)
      %mul3A_2401 = arith.constant 256 : i32
      %mul3A_2402 = arith.muli %add3A_2206, %mul3A_2401 : i32
      %add3A_2403 = arith.addi %mul3A_2, %mul3A_2402 : i32
      %dma_start3A_2404 = arith.constant 0 : i32
      %dma_start3A_2405 = arith.constant 0 : i32
      %dma_start3A_2406 = arith.constant 0 : i32
      %dma_start3A_2407 = tpu.memref_slice %arg6[%dma_start3A_2404, %dma_start3A_2405, %dma_start3A_2406] : memref<3x256x128xf32, #tpu.memory_space<vmem>> -> memref<1x256x128xf32, #tpu.memory_space<vmem>>
      %dma_start3A_2408 = tpu.memref_squeeze %dma_start3A_2407 : memref<1x256x128xf32, #tpu.memory_space<vmem>> -> memref<256x128xf32, #tpu.memory_space<vmem>>
      %dma_start3A_2409 = arith.constant 0 : i32
      %dma_start3A_2410 = tpu.memref_slice %arg4[%add3A_2403, %dma_start3A_2409] : memref<3276800x128xf32, #tpu.memory_space<hbm>> -> memref<256x128xf32, #tpu.memory_space<hbm>>
      %dma_start3A_2411 = arith.constant 0 : i32
      %dma_start3A_2412 = tpu.memref_slice %arg4[%add3A_2403, %dma_start3A_2411] : memref<3276800x128xf32, #tpu.memory_space<hbm>> -> memref<256x128xf32, #tpu.memory_space<hbm>>
      %dma_start3A_2413 = arith.constant 0 : i32
      %dma_start3A_2414 = arith.constant 0 : i32
      %dma_start3A_2415 = tpu.memref_slice %arg6[%dma_start3A_2404, %dma_start3A_2413, %dma_start3A_2414] : memref<3x256x128xf32, #tpu.memory_space<vmem>> -> memref<1x256x128xf32, #tpu.memory_space<vmem>>
      %dma_start3A_2416 = tpu.memref_squeeze %dma_start3A_2415 : memref<1x256x128xf32, #tpu.memory_space<vmem>> -> memref<256x128xf32, #tpu.memory_space<vmem>>
      tpu.enqueue_dma source(%dma_start3A_2416 : memref<256x128xf32, #tpu.memory_space<vmem>>) target(%dma_start3A_2412 : memref<256x128xf32, #tpu.memory_space<hbm>>) target_semaphore(%arg13 : memref<!tpu.dma_semaphore, #tpu.memory_space<semaphore_mem>>)
      %mul3A_2417 = arith.constant 3 : i32
      %mul3A_2418 = arith.muli %scan3A_1985, %mul3A_2417 : i32
      %add3A_2419 = arith.constant 2 : i32
      %add3A_2420 = arith.addi %add3A_2419, %mul3A_2418 : i32
      %add3A_2421 = arith.constant 2 : i32
      %add3A_2422 = arith.addi %add3A_2420, %add3A_2421 : i32
      %sub3A_2423 = arith.constant 2 : i32
      %sub3A_2424 = arith.subi %add3A_2422, %sub3A_2423 : i32
      %mul3A_2425 = arith.constant 256 : i32
      %mul3A_2426 = arith.muli %sub3A_2424, %mul3A_2425 : i32
      %add3A_2427 = arith.addi %mul3A_2, %mul3A_2426 : i32
      %dma_wait3A_2428 = arith.constant 2 : i32
      %dma_wait3A_2429 = arith.constant 0 : i32
      %dma_wait3A_2430 = arith.constant 0 : i32
      %dma_wait3A_2431 = tpu.memref_slice %arg6[%dma_wait3A_2428, %dma_wait3A_2429, %dma_wait3A_2430] : memref<3x256x128xf32, #tpu.memory_space<vmem>> -> memref<1x256x128xf32, #tpu.memory_space<vmem>>
      %dma_wait3A_2432 = tpu.memref_squeeze %dma_wait3A_2431 : memref<1x256x128xf32, #tpu.memory_space<vmem>> -> memref<256x128xf32, #tpu.memory_space<vmem>>
      %dma_wait3A_2433 = arith.constant 0 : i32
      %dma_wait3A_2434 = tpu.memref_slice %arg4[%add3A_2427, %dma_wait3A_2433] : memref<3276800x128xf32, #tpu.memory_space<hbm>> -> memref<256x128xf32, #tpu.memory_space<hbm>>
      %dma_wait3A_2435 = arith.constant 0 : i32
      %dma_wait3A_2436 = tpu.memref_slice %arg4[%add3A_2427, %dma_wait3A_2435] : memref<3276800x128xf32, #tpu.memory_space<hbm>> -> memref<256x128xf32, #tpu.memory_space<hbm>>
      %dma_wait3A_2437 = arith.constant 0 : i32
      %dma_wait3A_2438 = arith.constant 0 : i32
      %dma_wait3A_2439 = tpu.memref_slice %arg6[%dma_wait3A_2428, %dma_wait3A_2437, %dma_wait3A_2438] : memref<3x256x128xf32, #tpu.memory_space<vmem>> -> memref<1x256x128xf32, #tpu.memory_space<vmem>>
      %dma_wait3A_2440 = tpu.memref_squeeze %dma_wait3A_2439 : memref<1x256x128xf32, #tpu.memory_space<vmem>> -> memref<256x128xf32, #tpu.memory_space<vmem>>
      tpu.wait_dma2 semaphore(%arg15 : memref<!tpu.dma_semaphore, #tpu.memory_space<semaphore_mem>>) src(%dma_wait3A_2440 : memref<256x128xf32, #tpu.memory_space<vmem>>) dst(%dma_wait3A_2436 : memref<256x128xf32, #tpu.memory_space<hbm>>)
      %add3A_2441 = arith.constant 1 : i32
      %add3A_2442 = arith.addi %add3A_2422, %add3A_2441 : i32
      %mul3A_2443 = arith.constant 256 : i32
      %mul3A_2444 = arith.muli %add3A_2442, %mul3A_2443 : i32
      %add3A_2445 = arith.addi %mul3A_2, %mul3A_2444 : i32
      %add3A_2446 = arith.constant 0 : i32
      %add3A_2447 = arith.addi %add3A_2445, %add3A_2446 : i32
      %dma_wait3A_2448 = arith.constant 2 : i32
      %dma_wait3A_2449 = arith.constant 0 : i32
      %dma_wait3A_2450 = arith.constant 0 : i32
      %dma_wait3A_2451 = arith.constant 0 : i32
      %dma_wait3A_2452 = tpu.memref_slice %arg5[%dma_wait3A_2448, %dma_wait3A_2450, %dma_wait3A_2451] : memref<3x2x128xi32, #tpu.memory_space<vmem>> -> memref<1x2x128xi32, #tpu.memory_space<vmem>>
      %dma_wait3A_2453 = tpu.memref_squeeze %dma_wait3A_2452 : memref<1x2x128xi32, #tpu.memory_space<vmem>> -> memref<2x128xi32, #tpu.memory_space<vmem>>
      %dma_wait3A_2454 = arith.constant 0 : i32
      %dma_wait3A_2455 = tpu.memref_slice %dma_wait3A_2453[%dma_wait3A_2449, %dma_wait3A_2454] : memref<2x128xi32, #tpu.memory_space<vmem>> -> memref<1x128xi32, #tpu.memory_space<vmem>>
      %dma_wait3A_2456 = tpu.memref_squeeze %dma_wait3A_2455 : memref<1x128xi32, #tpu.memory_space<vmem>> -> memref<128xi32, #tpu.memory_space<vmem>>
      %dma_wait3A_2457 = tpu.memref_slice %arg2[%add3A_2447] : memref<3276800xi32, #tpu.memory_space<hbm>> -> memref<128xi32, #tpu.memory_space<hbm>>
      %dma_wait3A_2458 = arith.constant 0 : i32
      %dma_wait3A_2459 = arith.constant 0 : i32
      %dma_wait3A_2460 = tpu.memref_slice %arg5[%dma_wait3A_2448, %dma_wait3A_2458, %dma_wait3A_2459] : memref<3x2x128xi32, #tpu.memory_space<vmem>> -> memref<1x2x128xi32, #tpu.memory_space<vmem>>
      %dma_wait3A_2461 = tpu.memref_squeeze %dma_wait3A_2460 : memref<1x2x128xi32, #tpu.memory_space<vmem>> -> memref<2x128xi32, #tpu.memory_space<vmem>>
      %dma_wait3A_2462 = arith.constant 0 : i32
      %dma_wait3A_2463 = tpu.memref_slice %dma_wait3A_2461[%dma_wait3A_2449, %dma_wait3A_2462] : memref<2x128xi32, #tpu.memory_space<vmem>> -> memref<1x128xi32, #tpu.memory_space<vmem>>
      %dma_wait3A_2464 = tpu.memref_squeeze %dma_wait3A_2463 : memref<1x128xi32, #tpu.memory_space<vmem>> -> memref<128xi32, #tpu.memory_space<vmem>>
      %dma_wait3A_2465 = tpu.memref_slice %arg2[%add3A_2447] : memref<3276800xi32, #tpu.memory_space<hbm>> -> memref<128xi32, #tpu.memory_space<hbm>>
      tpu.wait_dma2 semaphore(%arg9 : memref<!tpu.dma_semaphore, #tpu.memory_space<semaphore_mem>>) src(%dma_wait3A_2465 : memref<128xi32, #tpu.memory_space<hbm>>) dst(%dma_wait3A_2464 : memref<128xi32, #tpu.memory_space<vmem>>)
      %mul3A_2466 = arith.constant 256 : i32
      %mul3A_2467 = arith.muli %add3A_2442, %mul3A_2466 : i32
      %add3A_2468 = arith.addi %mul3A_2, %mul3A_2467 : i32
      %add3A_2469 = arith.constant 128 : i32
      %add3A_2470 = arith.addi %add3A_2468, %add3A_2469 : i32
      %dma_wait3A_2471 = arith.constant 2 : i32
      %dma_wait3A_2472 = arith.constant 1 : i32
      %dma_wait3A_2473 = arith.constant 0 : i32
      %dma_wait3A_2474 = arith.constant 0 : i32
      %dma_wait3A_2475 = tpu.memref_slice %arg5[%dma_wait3A_2471, %dma_wait3A_2473, %dma_wait3A_2474] : memref<3x2x128xi32, #tpu.memory_space<vmem>> -> memref<1x2x128xi32, #tpu.memory_space<vmem>>
      %dma_wait3A_2476 = tpu.memref_squeeze %dma_wait3A_2475 : memref<1x2x128xi32, #tpu.memory_space<vmem>> -> memref<2x128xi32, #tpu.memory_space<vmem>>
      %dma_wait3A_2477 = arith.constant 0 : i32
      %dma_wait3A_2478 = tpu.memref_slice %dma_wait3A_2476[%dma_wait3A_2472, %dma_wait3A_2477] : memref<2x128xi32, #tpu.memory_space<vmem>> -> memref<1x128xi32, #tpu.memory_space<vmem>>
      %dma_wait3A_2479 = tpu.memref_squeeze %dma_wait3A_2478 : memref<1x128xi32, #tpu.memory_space<vmem>> -> memref<128xi32, #tpu.memory_space<vmem>>
      %dma_wait3A_2480 = tpu.memref_slice %arg2[%add3A_2470] : memref<3276800xi32, #tpu.memory_space<hbm>> -> memref<128xi32, #tpu.memory_space<hbm>>
      %dma_wait3A_2481 = arith.constant 0 : i32
      %dma_wait3A_2482 = arith.constant 0 : i32
      %dma_wait3A_2483 = tpu.memref_slice %arg5[%dma_wait3A_2471, %dma_wait3A_2481, %dma_wait3A_2482] : memref<3x2x128xi32, #tpu.memory_space<vmem>> -> memref<1x2x128xi32, #tpu.memory_space<vmem>>
      %dma_wait3A_2484 = tpu.memref_squeeze %dma_wait3A_2483 : memref<1x2x128xi32, #tpu.memory_space<vmem>> -> memref<2x128xi32, #tpu.memory_space<vmem>>
      %dma_wait3A_2485 = arith.constant 0 : i32
      %dma_wait3A_2486 = tpu.memref_slice %dma_wait3A_2484[%dma_wait3A_2472, %dma_wait3A_2485] : memref<2x128xi32, #tpu.memory_space<vmem>> -> memref<1x128xi32, #tpu.memory_space<vmem>>
      %dma_wait3A_2487 = tpu.memref_squeeze %dma_wait3A_2486 : memref<1x128xi32, #tpu.memory_space<vmem>> -> memref<128xi32, #tpu.memory_space<vmem>>
      %dma_wait3A_2488 = tpu.memref_slice %arg2[%add3A_2470] : memref<3276800xi32, #tpu.memory_space<hbm>> -> memref<128xi32, #tpu.memory_space<hbm>>
      tpu.wait_dma2 semaphore(%arg9 : memref<!tpu.dma_semaphore, #tpu.memory_space<semaphore_mem>>) src(%dma_wait3A_2488 : memref<128xi32, #tpu.memory_space<hbm>>) dst(%dma_wait3A_2487 : memref<128xi32, #tpu.memory_space<vmem>>)
      %dma_start3A_2489 = arith.constant 2 : i32
      %dma_start3A_2490 = arith.constant 0 : i32
      %dma_start3A_2491 = arith.constant 2 : i32
      %dma_start3A_2492 = arith.constant 0 : i32
      %dma_start3A_2493 = arith.constant 0 : i32
      %dma_start3A_2494 = tpu.memref_slice %arg6[%dma_start3A_2491, %dma_start3A_2492, %dma_start3A_2493] : memref<3x256x128xf32, #tpu.memory_space<vmem>> -> memref<1x256x128xf32, #tpu.memory_space<vmem>>
      %dma_start3A_2495 = tpu.memref_squeeze %dma_start3A_2494 : memref<1x256x128xf32, #tpu.memory_space<vmem>> -> memref<256x128xf32, #tpu.memory_space<vmem>>
      %dma_start3A_2496 = arith.constant 0 : i32
      %dma_start3A_2497 = arith.constant 0 : i32
      %dma_start3A_2498 = tpu.memref_slice %dma_start3A_2495[%dma_start3A_2496, %dma_start3A_2497] : memref<256x128xf32, #tpu.memory_space<vmem>> -> memref<128x128xf32, #tpu.memory_space<vmem>>
      %dma_start3A_2499 = arith.constant 0 : i32
      %dma_start3A_2500 = arith.constant 0 : i32
      %dma_start3A_2501 = tpu.memref_slice %arg5[%dma_start3A_2489, %dma_start3A_2499, %dma_start3A_2500] : memref<3x2x128xi32, #tpu.memory_space<vmem>> -> memref<1x2x128xi32, #tpu.memory_space<vmem>>
      %dma_start3A_2502 = tpu.memref_squeeze %dma_start3A_2501 : memref<1x2x128xi32, #tpu.memory_space<vmem>> -> memref<2x128xi32, #tpu.memory_space<vmem>>
      %dma_start3A_2503 = arith.constant 0 : i32
      %dma_start3A_2504 = tpu.memref_slice %dma_start3A_2502[%dma_start3A_2490, %dma_start3A_2503] : memref<2x128xi32, #tpu.memory_space<vmem>> -> memref<1x128xi32, #tpu.memory_space<vmem>>
      %dma_start3A_2505 = tpu.memref_squeeze %dma_start3A_2504 : memref<1x128xi32, #tpu.memory_space<vmem>> -> memref<128xi32, #tpu.memory_space<vmem>>
      %dma_start3A_2506 = arith.constant 0 : i32
      %dma_start3A_2507 = arith.constant 0 : i32
      %dma_start3A_2508 = tpu.memref_slice %arg3[%dma_start3A_2506, %dma_start3A_2507] : memref<50000x128xf32, #tpu.memory_space<hbm>> -> memref<50000x128xf32, #tpu.memory_space<hbm>>
      tpu.enqueue_indirect_dma source(%dma_start3A_2508 : memref<50000x128xf32, #tpu.memory_space<hbm>>) target(%dma_start3A_2498 : memref<128x128xf32, #tpu.memory_space<vmem>>) offsets(%dma_start3A_2505 : memref<128xi32, #tpu.memory_space<vmem>>) semaphore(%arg12 : memref<!tpu.dma_semaphore, #tpu.memory_space<semaphore_mem>>)
      %dma_start3A_2509 = arith.constant 2 : i32
      %dma_start3A_2510 = arith.constant 1 : i32
      %dma_start3A_2511 = arith.constant 2 : i32
      %dma_start3A_2512 = arith.constant 0 : i32
      %dma_start3A_2513 = arith.constant 0 : i32
      %dma_start3A_2514 = tpu.memref_slice %arg6[%dma_start3A_2511, %dma_start3A_2512, %dma_start3A_2513] : memref<3x256x128xf32, #tpu.memory_space<vmem>> -> memref<1x256x128xf32, #tpu.memory_space<vmem>>
      %dma_start3A_2515 = tpu.memref_squeeze %dma_start3A_2514 : memref<1x256x128xf32, #tpu.memory_space<vmem>> -> memref<256x128xf32, #tpu.memory_space<vmem>>
      %dma_start3A_2516 = arith.constant 128 : i32
      %dma_start3A_2517 = arith.constant 0 : i32
      %dma_start3A_2518 = tpu.memref_slice %dma_start3A_2515[%dma_start3A_2516, %dma_start3A_2517] : memref<256x128xf32, #tpu.memory_space<vmem>> -> memref<128x128xf32, #tpu.memory_space<vmem>>
      %dma_start3A_2519 = arith.constant 0 : i32
      %dma_start3A_2520 = arith.constant 0 : i32
      %dma_start3A_2521 = tpu.memref_slice %arg5[%dma_start3A_2509, %dma_start3A_2519, %dma_start3A_2520] : memref<3x2x128xi32, #tpu.memory_space<vmem>> -> memref<1x2x128xi32, #tpu.memory_space<vmem>>
      %dma_start3A_2522 = tpu.memref_squeeze %dma_start3A_2521 : memref<1x2x128xi32, #tpu.memory_space<vmem>> -> memref<2x128xi32, #tpu.memory_space<vmem>>
      %dma_start3A_2523 = arith.constant 0 : i32
      %dma_start3A_2524 = tpu.memref_slice %dma_start3A_2522[%dma_start3A_2510, %dma_start3A_2523] : memref<2x128xi32, #tpu.memory_space<vmem>> -> memref<1x128xi32, #tpu.memory_space<vmem>>
      %dma_start3A_2525 = tpu.memref_squeeze %dma_start3A_2524 : memref<1x128xi32, #tpu.memory_space<vmem>> -> memref<128xi32, #tpu.memory_space<vmem>>
      %dma_start3A_2526 = arith.constant 0 : i32
      %dma_start3A_2527 = arith.constant 0 : i32
      %dma_start3A_2528 = tpu.memref_slice %arg3[%dma_start3A_2526, %dma_start3A_2527] : memref<50000x128xf32, #tpu.memory_space<hbm>> -> memref<50000x128xf32, #tpu.memory_space<hbm>>
      tpu.enqueue_indirect_dma source(%dma_start3A_2528 : memref<50000x128xf32, #tpu.memory_space<hbm>>) target(%dma_start3A_2518 : memref<128x128xf32, #tpu.memory_space<vmem>>) offsets(%dma_start3A_2525 : memref<128xi32, #tpu.memory_space<vmem>>) semaphore(%arg12 : memref<!tpu.dma_semaphore, #tpu.memory_space<semaphore_mem>>)
      %dma_wait3A_2529 = arith.constant 1 : i32
      %dma_wait3A_2530 = arith.constant 0 : i32
      %dma_wait3A_2531 = arith.constant 1 : i32
      %dma_wait3A_2532 = arith.constant 0 : i32
      %dma_wait3A_2533 = arith.constant 0 : i32
      %dma_wait3A_2534 = tpu.memref_slice %arg6[%dma_wait3A_2531, %dma_wait3A_2532, %dma_wait3A_2533] : memref<3x256x128xf32, #tpu.memory_space<vmem>> -> memref<1x256x128xf32, #tpu.memory_space<vmem>>
      %dma_wait3A_2535 = tpu.memref_squeeze %dma_wait3A_2534 : memref<1x256x128xf32, #tpu.memory_space<vmem>> -> memref<256x128xf32, #tpu.memory_space<vmem>>
      %dma_wait3A_2536 = arith.constant 0 : i32
      %dma_wait3A_2537 = arith.constant 0 : i32
      %dma_wait3A_2538 = tpu.memref_slice %dma_wait3A_2535[%dma_wait3A_2536, %dma_wait3A_2537] : memref<256x128xf32, #tpu.memory_space<vmem>> -> memref<128x128xf32, #tpu.memory_space<vmem>>
      %dma_wait3A_2539 = arith.constant 0 : i32
      %dma_wait3A_2540 = arith.constant 0 : i32
      %dma_wait3A_2541 = tpu.memref_slice %arg5[%dma_wait3A_2529, %dma_wait3A_2539, %dma_wait3A_2540] : memref<3x2x128xi32, #tpu.memory_space<vmem>> -> memref<1x2x128xi32, #tpu.memory_space<vmem>>
      %dma_wait3A_2542 = tpu.memref_squeeze %dma_wait3A_2541 : memref<1x2x128xi32, #tpu.memory_space<vmem>> -> memref<2x128xi32, #tpu.memory_space<vmem>>
      %dma_wait3A_2543 = arith.constant 0 : i32
      %dma_wait3A_2544 = tpu.memref_slice %dma_wait3A_2542[%dma_wait3A_2530, %dma_wait3A_2543] : memref<2x128xi32, #tpu.memory_space<vmem>> -> memref<1x128xi32, #tpu.memory_space<vmem>>
      %dma_wait3A_2545 = tpu.memref_squeeze %dma_wait3A_2544 : memref<1x128xi32, #tpu.memory_space<vmem>> -> memref<128xi32, #tpu.memory_space<vmem>>
      %dma_wait3A_2546 = arith.constant 0 : i32
      %dma_wait3A_2547 = arith.constant 0 : i32
      %dma_wait3A_2548 = tpu.memref_slice %arg3[%dma_wait3A_2546, %dma_wait3A_2547] : memref<50000x128xf32, #tpu.memory_space<hbm>> -> memref<50000x128xf32, #tpu.memory_space<hbm>>
      tpu.wait_indirect_dma semaphore(%arg11 : memref<!tpu.dma_semaphore, #tpu.memory_space<semaphore_mem>>) src(%dma_wait3A_2548 : memref<50000x128xf32, #tpu.memory_space<hbm>>) dst(%dma_wait3A_2538 : memref<128x128xf32, #tpu.memory_space<vmem>>)
      %dma_wait3A_2549 = arith.constant 1 : i32
      %dma_wait3A_2550 = arith.constant 1 : i32
      %dma_wait3A_2551 = arith.constant 1 : i32
      %dma_wait3A_2552 = arith.constant 0 : i32
      %dma_wait3A_2553 = arith.constant 0 : i32
      %dma_wait3A_2554 = tpu.memref_slice %arg6[%dma_wait3A_2551, %dma_wait3A_2552, %dma_wait3A_2553] : memref<3x256x128xf32, #tpu.memory_space<vmem>> -> memref<1x256x128xf32, #tpu.memory_space<vmem>>
      %dma_wait3A_2555 = tpu.memref_squeeze %dma_wait3A_2554 : memref<1x256x128xf32, #tpu.memory_space<vmem>> -> memref<256x128xf32, #tpu.memory_space<vmem>>
      %dma_wait3A_2556 = arith.constant 128 : i32
      %dma_wait3A_2557 = arith.constant 0 : i32
      %dma_wait3A_2558 = tpu.memref_slice %dma_wait3A_2555[%dma_wait3A_2556, %dma_wait3A_2557] : memref<256x128xf32, #tpu.memory_space<vmem>> -> memref<128x128xf32, #tpu.memory_space<vmem>>
      %dma_wait3A_2559 = arith.constant 0 : i32
      %dma_wait3A_2560 = arith.constant 0 : i32
      %dma_wait3A_2561 = tpu.memref_slice %arg5[%dma_wait3A_2549, %dma_wait3A_2559, %dma_wait3A_2560] : memref<3x2x128xi32, #tpu.memory_space<vmem>> -> memref<1x2x128xi32, #tpu.memory_space<vmem>>
      %dma_wait3A_2562 = tpu.memref_squeeze %dma_wait3A_2561 : memref<1x2x128xi32, #tpu.memory_space<vmem>> -> memref<2x128xi32, #tpu.memory_space<vmem>>
      %dma_wait3A_2563 = arith.constant 0 : i32
      %dma_wait3A_2564 = tpu.memref_slice %dma_wait3A_2562[%dma_wait3A_2550, %dma_wait3A_2563] : memref<2x128xi32, #tpu.memory_space<vmem>> -> memref<1x128xi32, #tpu.memory_space<vmem>>
      %dma_wait3A_2565 = tpu.memref_squeeze %dma_wait3A_2564 : memref<1x128xi32, #tpu.memory_space<vmem>> -> memref<128xi32, #tpu.memory_space<vmem>>
      %dma_wait3A_2566 = arith.constant 0 : i32
      %dma_wait3A_2567 = arith.constant 0 : i32
      %dma_wait3A_2568 = tpu.memref_slice %arg3[%dma_wait3A_2566, %dma_wait3A_2567] : memref<50000x128xf32, #tpu.memory_space<hbm>> -> memref<50000x128xf32, #tpu.memory_space<hbm>>
      tpu.wait_indirect_dma semaphore(%arg11 : memref<!tpu.dma_semaphore, #tpu.memory_space<semaphore_mem>>) src(%dma_wait3A_2568 : memref<50000x128xf32, #tpu.memory_space<hbm>>) dst(%dma_wait3A_2558 : memref<128x128xf32, #tpu.memory_space<vmem>>)
      %add3A_2569 = arith.constant 3 : i32
      %add3A_2570 = arith.addi %add3A_2422, %add3A_2569 : i32
      %mul3A_2571 = arith.constant 256 : i32
      %mul3A_2572 = arith.muli %add3A_2570, %mul3A_2571 : i32
      %add3A_2573 = arith.addi %mul3A_2, %mul3A_2572 : i32
      %add3A_2574 = arith.constant 0 : i32
      %add3A_2575 = arith.addi %add3A_2573, %add3A_2574 : i32
      %dma_start3A_2576 = arith.constant 1 : i32
      %dma_start3A_2577 = arith.constant 0 : i32
      %dma_start3A_2578 = arith.constant 0 : i32
      %dma_start3A_2579 = arith.constant 0 : i32
      %dma_start3A_2580 = tpu.memref_slice %arg5[%dma_start3A_2576, %dma_start3A_2578, %dma_start3A_2579] : memref<3x2x128xi32, #tpu.memory_space<vmem>> -> memref<1x2x128xi32, #tpu.memory_space<vmem>>
      %dma_start3A_2581 = tpu.memref_squeeze %dma_start3A_2580 : memref<1x2x128xi32, #tpu.memory_space<vmem>> -> memref<2x128xi32, #tpu.memory_space<vmem>>
      %dma_start3A_2582 = arith.constant 0 : i32
      %dma_start3A_2583 = tpu.memref_slice %dma_start3A_2581[%dma_start3A_2577, %dma_start3A_2582] : memref<2x128xi32, #tpu.memory_space<vmem>> -> memref<1x128xi32, #tpu.memory_space<vmem>>
      %dma_start3A_2584 = tpu.memref_squeeze %dma_start3A_2583 : memref<1x128xi32, #tpu.memory_space<vmem>> -> memref<128xi32, #tpu.memory_space<vmem>>
      %dma_start3A_2585 = tpu.memref_slice %arg2[%add3A_2575] : memref<3276800xi32, #tpu.memory_space<hbm>> -> memref<128xi32, #tpu.memory_space<hbm>>
      %dma_start3A_2586 = arith.constant 0 : i32
      %dma_start3A_2587 = arith.constant 0 : i32
      %dma_start3A_2588 = tpu.memref_slice %arg5[%dma_start3A_2576, %dma_start3A_2586, %dma_start3A_2587] : memref<3x2x128xi32, #tpu.memory_space<vmem>> -> memref<1x2x128xi32, #tpu.memory_space<vmem>>
      %dma_start3A_2589 = tpu.memref_squeeze %dma_start3A_2588 : memref<1x2x128xi32, #tpu.memory_space<vmem>> -> memref<2x128xi32, #tpu.memory_space<vmem>>
      %dma_start3A_2590 = arith.constant 0 : i32
      %dma_start3A_2591 = tpu.memref_slice %dma_start3A_2589[%dma_start3A_2577, %dma_start3A_2590] : memref<2x128xi32, #tpu.memory_space<vmem>> -> memref<1x128xi32, #tpu.memory_space<vmem>>
      %dma_start3A_2592 = tpu.memref_squeeze %dma_start3A_2591 : memref<1x128xi32, #tpu.memory_space<vmem>> -> memref<128xi32, #tpu.memory_space<vmem>>
      %dma_start3A_2593 = tpu.memref_slice %arg2[%add3A_2575] : memref<3276800xi32, #tpu.memory_space<hbm>> -> memref<128xi32, #tpu.memory_space<hbm>>
      tpu.enqueue_dma source(%dma_start3A_2593 : memref<128xi32, #tpu.memory_space<hbm>>) target(%dma_start3A_2592 : memref<128xi32, #tpu.memory_space<vmem>>) target_semaphore(%arg8 : memref<!tpu.dma_semaphore, #tpu.memory_space<semaphore_mem>>)
      %mul3A_2594 = arith.constant 256 : i32
      %mul3A_2595 = arith.muli %add3A_2570, %mul3A_2594 : i32
      %add3A_2596 = arith.addi %mul3A_2, %mul3A_2595 : i32
      %add3A_2597 = arith.constant 128 : i32
      %add3A_2598 = arith.addi %add3A_2596, %add3A_2597 : i32
      %dma_start3A_2599 = arith.constant 1 : i32
      %dma_start3A_2600 = arith.constant 1 : i32
      %dma_start3A_2601 = arith.constant 0 : i32
      %dma_start3A_2602 = arith.constant 0 : i32
      %dma_start3A_2603 = tpu.memref_slice %arg5[%dma_start3A_2599, %dma_start3A_2601, %dma_start3A_2602] : memref<3x2x128xi32, #tpu.memory_space<vmem>> -> memref<1x2x128xi32, #tpu.memory_space<vmem>>
      %dma_start3A_2604 = tpu.memref_squeeze %dma_start3A_2603 : memref<1x2x128xi32, #tpu.memory_space<vmem>> -> memref<2x128xi32, #tpu.memory_space<vmem>>
      %dma_start3A_2605 = arith.constant 0 : i32
      %dma_start3A_2606 = tpu.memref_slice %dma_start3A_2604[%dma_start3A_2600, %dma_start3A_2605] : memref<2x128xi32, #tpu.memory_space<vmem>> -> memref<1x128xi32, #tpu.memory_space<vmem>>
      %dma_start3A_2607 = tpu.memref_squeeze %dma_start3A_2606 : memref<1x128xi32, #tpu.memory_space<vmem>> -> memref<128xi32, #tpu.memory_space<vmem>>
      %dma_start3A_2608 = tpu.memref_slice %arg2[%add3A_2598] : memref<3276800xi32, #tpu.memory_space<hbm>> -> memref<128xi32, #tpu.memory_space<hbm>>
      %dma_start3A_2609 = arith.constant 0 : i32
      %dma_start3A_2610 = arith.constant 0 : i32
      %dma_start3A_2611 = tpu.memref_slice %arg5[%dma_start3A_2599, %dma_start3A_2609, %dma_start3A_2610] : memref<3x2x128xi32, #tpu.memory_space<vmem>> -> memref<1x2x128xi32, #tpu.memory_space<vmem>>
      %dma_start3A_2612 = tpu.memref_squeeze %dma_start3A_2611 : memref<1x2x128xi32, #tpu.memory_space<vmem>> -> memref<2x128xi32, #tpu.memory_space<vmem>>
      %dma_start3A_2613 = arith.constant 0 : i32
      %dma_start3A_2614 = tpu.memref_slice %dma_start3A_2612[%dma_start3A_2600, %dma_start3A_2613] : memref<2x128xi32, #tpu.memory_space<vmem>> -> memref<1x128xi32, #tpu.memory_space<vmem>>
      %dma_start3A_2615 = tpu.memref_squeeze %dma_start3A_2614 : memref<1x128xi32, #tpu.memory_space<vmem>> -> memref<128xi32, #tpu.memory_space<vmem>>
      %dma_start3A_2616 = tpu.memref_slice %arg2[%add3A_2598] : memref<3276800xi32, #tpu.memory_space<hbm>> -> memref<128xi32, #tpu.memory_space<hbm>>
      tpu.enqueue_dma source(%dma_start3A_2616 : memref<128xi32, #tpu.memory_space<hbm>>) target(%dma_start3A_2615 : memref<128xi32, #tpu.memory_space<vmem>>) target_semaphore(%arg8 : memref<!tpu.dma_semaphore, #tpu.memory_space<semaphore_mem>>)
      %mul3A_2617 = arith.constant 256 : i32
      %mul3A_2618 = arith.muli %add3A_2422, %mul3A_2617 : i32
      %add3A_2619 = arith.addi %mul3A_2, %mul3A_2618 : i32
      %dma_start3A_2620 = arith.constant 1 : i32
      %dma_start3A_2621 = arith.constant 0 : i32
      %dma_start3A_2622 = arith.constant 0 : i32
      %dma_start3A_2623 = tpu.memref_slice %arg6[%dma_start3A_2620, %dma_start3A_2621, %dma_start3A_2622] : memref<3x256x128xf32, #tpu.memory_space<vmem>> -> memref<1x256x128xf32, #tpu.memory_space<vmem>>
      %dma_start3A_2624 = tpu.memref_squeeze %dma_start3A_2623 : memref<1x256x128xf32, #tpu.memory_space<vmem>> -> memref<256x128xf32, #tpu.memory_space<vmem>>
      %dma_start3A_2625 = arith.constant 0 : i32
      %dma_start3A_2626 = tpu.memref_slice %arg4[%add3A_2619, %dma_start3A_2625] : memref<3276800x128xf32, #tpu.memory_space<hbm>> -> memref<256x128xf32, #tpu.memory_space<hbm>>
      %dma_start3A_2627 = arith.constant 0 : i32
      %dma_start3A_2628 = tpu.memref_slice %arg4[%add3A_2619, %dma_start3A_2627] : memref<3276800x128xf32, #tpu.memory_space<hbm>> -> memref<256x128xf32, #tpu.memory_space<hbm>>
      %dma_start3A_2629 = arith.constant 0 : i32
      %dma_start3A_2630 = arith.constant 0 : i32
      %dma_start3A_2631 = tpu.memref_slice %arg6[%dma_start3A_2620, %dma_start3A_2629, %dma_start3A_2630] : memref<3x256x128xf32, #tpu.memory_space<vmem>> -> memref<1x256x128xf32, #tpu.memory_space<vmem>>
      %dma_start3A_2632 = tpu.memref_squeeze %dma_start3A_2631 : memref<1x256x128xf32, #tpu.memory_space<vmem>> -> memref<256x128xf32, #tpu.memory_space<vmem>>
      tpu.enqueue_dma source(%dma_start3A_2632 : memref<256x128xf32, #tpu.memory_space<vmem>>) target(%dma_start3A_2628 : memref<256x128xf32, #tpu.memory_space<hbm>>) target_semaphore(%arg14 : memref<!tpu.dma_semaphore, #tpu.memory_space<semaphore_mem>>)
    }
    %scan3A_586 = arith.constant 130 : i32
    %add3A_587 = arith.constant 99840 : i32
    %add3A_588 = arith.addi %mul3A_2, %add3A_587 : i32
    %dma_wait3A_589 = arith.constant 0 : i32
    %dma_wait3A_590 = arith.constant 0 : i32
    %dma_wait3A_591 = arith.constant 0 : i32
    %dma_wait3A_592 = tpu.memref_slice %arg6[%dma_wait3A_589, %dma_wait3A_590, %dma_wait3A_591] : memref<3x256x128xf32, #tpu.memory_space<vmem>> -> memref<1x256x128xf32, #tpu.memory_space<vmem>>
    %dma_wait3A_593 = tpu.memref_squeeze %dma_wait3A_592 : memref<1x256x128xf32, #tpu.memory_space<vmem>> -> memref<256x128xf32, #tpu.memory_space<vmem>>
    %dma_wait3A_594 = arith.constant 0 : i32
    %dma_wait3A_595 = tpu.memref_slice %arg4[%add3A_588, %dma_wait3A_594] : memref<3276800x128xf32, #tpu.memory_space<hbm>> -> memref<256x128xf32, #tpu.memory_space<hbm>>
    %dma_wait3A_596 = arith.constant 0 : i32
    %dma_wait3A_597 = tpu.memref_slice %arg4[%add3A_588, %dma_wait3A_596] : memref<3276800x128xf32, #tpu.memory_space<hbm>> -> memref<256x128xf32, #tpu.memory_space<hbm>>
    %dma_wait3A_598 = arith.constant 0 : i32
    %dma_wait3A_599 = arith.constant 0 : i32
    %dma_wait3A_600 = tpu.memref_slice %arg6[%dma_wait3A_589, %dma_wait3A_598, %dma_wait3A_599] : memref<3x256x128xf32, #tpu.memory_space<vmem>> -> memref<1x256x128xf32, #tpu.memory_space<vmem>>
    %dma_wait3A_601 = tpu.memref_squeeze %dma_wait3A_600 : memref<1x256x128xf32, #tpu.memory_space<vmem>> -> memref<256x128xf32, #tpu.memory_space<vmem>>
    tpu.wait_dma2 semaphore(%arg13 : memref<!tpu.dma_semaphore, #tpu.memory_space<semaphore_mem>>) src(%dma_wait3A_601 : memref<256x128xf32, #tpu.memory_space<vmem>>) dst(%dma_wait3A_597 : memref<256x128xf32, #tpu.memory_space<hbm>>)
    %add3A_602 = arith.constant 100608 : i32
    %add3A_603 = arith.addi %mul3A_2, %add3A_602 : i32
    %add3A_604 = arith.constant 0 : i32
    %add3A_605 = arith.addi %add3A_603, %add3A_604 : i32
    %dma_wait3A_606 = arith.constant 0 : i32
    %dma_wait3A_607 = arith.constant 0 : i32
    %dma_wait3A_608 = arith.constant 0 : i32
    %dma_wait3A_609 = arith.constant 0 : i32
    %dma_wait3A_610 = tpu.memref_slice %arg5[%dma_wait3A_606, %dma_wait3A_608, %dma_wait3A_609] : memref<3x2x128xi32, #tpu.memory_space<vmem>> -> memref<1x2x128xi32, #tpu.memory_space<vmem>>
    %dma_wait3A_611 = tpu.memref_squeeze %dma_wait3A_610 : memref<1x2x128xi32, #tpu.memory_space<vmem>> -> memref<2x128xi32, #tpu.memory_space<vmem>>
    %dma_wait3A_612 = arith.constant 0 : i32
    %dma_wait3A_613 = tpu.memref_slice %dma_wait3A_611[%dma_wait3A_607, %dma_wait3A_612] : memref<2x128xi32, #tpu.memory_space<vmem>> -> memref<1x128xi32, #tpu.memory_space<vmem>>
    %dma_wait3A_614 = tpu.memref_squeeze %dma_wait3A_613 : memref<1x128xi32, #tpu.memory_space<vmem>> -> memref<128xi32, #tpu.memory_space<vmem>>
    %dma_wait3A_615 = tpu.memref_slice %arg2[%add3A_605] : memref<3276800xi32, #tpu.memory_space<hbm>> -> memref<128xi32, #tpu.memory_space<hbm>>
    %dma_wait3A_616 = arith.constant 0 : i32
    %dma_wait3A_617 = arith.constant 0 : i32
    %dma_wait3A_618 = tpu.memref_slice %arg5[%dma_wait3A_606, %dma_wait3A_616, %dma_wait3A_617] : memref<3x2x128xi32, #tpu.memory_space<vmem>> -> memref<1x2x128xi32, #tpu.memory_space<vmem>>
    %dma_wait3A_619 = tpu.memref_squeeze %dma_wait3A_618 : memref<1x2x128xi32, #tpu.memory_space<vmem>> -> memref<2x128xi32, #tpu.memory_space<vmem>>
    %dma_wait3A_620 = arith.constant 0 : i32
    %dma_wait3A_621 = tpu.memref_slice %dma_wait3A_619[%dma_wait3A_607, %dma_wait3A_620] : memref<2x128xi32, #tpu.memory_space<vmem>> -> memref<1x128xi32, #tpu.memory_space<vmem>>
    %dma_wait3A_622 = tpu.memref_squeeze %dma_wait3A_621 : memref<1x128xi32, #tpu.memory_space<vmem>> -> memref<128xi32, #tpu.memory_space<vmem>>
    %dma_wait3A_623 = tpu.memref_slice %arg2[%add3A_605] : memref<3276800xi32, #tpu.memory_space<hbm>> -> memref<128xi32, #tpu.memory_space<hbm>>
    tpu.wait_dma2 semaphore(%arg7 : memref<!tpu.dma_semaphore, #tpu.memory_space<semaphore_mem>>) src(%dma_wait3A_623 : memref<128xi32, #tpu.memory_space<hbm>>) dst(%dma_wait3A_622 : memref<128xi32, #tpu.memory_space<vmem>>)
    %add3A_624 = arith.constant 100608 : i32
    %add3A_625 = arith.addi %mul3A_2, %add3A_624 : i32
    %add3A_626 = arith.constant 128 : i32
    %add3A_627 = arith.addi %add3A_625, %add3A_626 : i32
    %dma_wait3A_628 = arith.constant 0 : i32
    %dma_wait3A_629 = arith.constant 1 : i32
    %dma_wait3A_630 = arith.constant 0 : i32
    %dma_wait3A_631 = arith.constant 0 : i32
    %dma_wait3A_632 = tpu.memref_slice %arg5[%dma_wait3A_628, %dma_wait3A_630, %dma_wait3A_631] : memref<3x2x128xi32, #tpu.memory_space<vmem>> -> memref<1x2x128xi32, #tpu.memory_space<vmem>>
    %dma_wait3A_633 = tpu.memref_squeeze %dma_wait3A_632 : memref<1x2x128xi32, #tpu.memory_space<vmem>> -> memref<2x128xi32, #tpu.memory_space<vmem>>
    %dma_wait3A_634 = arith.constant 0 : i32
    %dma_wait3A_635 = tpu.memref_slice %dma_wait3A_633[%dma_wait3A_629, %dma_wait3A_634] : memref<2x128xi32, #tpu.memory_space<vmem>> -> memref<1x128xi32, #tpu.memory_space<vmem>>
    %dma_wait3A_636 = tpu.memref_squeeze %dma_wait3A_635 : memref<1x128xi32, #tpu.memory_space<vmem>> -> memref<128xi32, #tpu.memory_space<vmem>>
    %dma_wait3A_637 = tpu.memref_slice %arg2[%add3A_627] : memref<3276800xi32, #tpu.memory_space<hbm>> -> memref<128xi32, #tpu.memory_space<hbm>>
    %dma_wait3A_638 = arith.constant 0 : i32
    %dma_wait3A_639 = arith.constant 0 : i32
    %dma_wait3A_640 = tpu.memref_slice %arg5[%dma_wait3A_628, %dma_wait3A_638, %dma_wait3A_639] : memref<3x2x128xi32, #tpu.memory_space<vmem>> -> memref<1x2x128xi32, #tpu.memory_space<vmem>>
    %dma_wait3A_641 = tpu.memref_squeeze %dma_wait3A_640 : memref<1x2x128xi32, #tpu.memory_space<vmem>> -> memref<2x128xi32, #tpu.memory_space<vmem>>
    %dma_wait3A_642 = arith.constant 0 : i32
    %dma_wait3A_643 = tpu.memref_slice %dma_wait3A_641[%dma_wait3A_629, %dma_wait3A_642] : memref<2x128xi32, #tpu.memory_space<vmem>> -> memref<1x128xi32, #tpu.memory_space<vmem>>
    %dma_wait3A_644 = tpu.memref_squeeze %dma_wait3A_643 : memref<1x128xi32, #tpu.memory_space<vmem>> -> memref<128xi32, #tpu.memory_space<vmem>>
    %dma_wait3A_645 = tpu.memref_slice %arg2[%add3A_627] : memref<3276800xi32, #tpu.memory_space<hbm>> -> memref<128xi32, #tpu.memory_space<hbm>>
    tpu.wait_dma2 semaphore(%arg7 : memref<!tpu.dma_semaphore, #tpu.memory_space<semaphore_mem>>) src(%dma_wait3A_645 : memref<128xi32, #tpu.memory_space<hbm>>) dst(%dma_wait3A_644 : memref<128xi32, #tpu.memory_space<vmem>>)
    %dma_start3A_646 = arith.constant 0 : i32
    %dma_start3A_647 = arith.constant 0 : i32
    %dma_start3A_648 = arith.constant 0 : i32
    %dma_start3A_649 = arith.constant 0 : i32
    %dma_start3A_650 = arith.constant 0 : i32
    %dma_start3A_651 = tpu.memref_slice %arg6[%dma_start3A_648, %dma_start3A_649, %dma_start3A_650] : memref<3x256x128xf32, #tpu.memory_space<vmem>> -> memref<1x256x128xf32, #tpu.memory_space<vmem>>
    %dma_start3A_652 = tpu.memref_squeeze %dma_start3A_651 : memref<1x256x128xf32, #tpu.memory_space<vmem>> -> memref<256x128xf32, #tpu.memory_space<vmem>>
    %dma_start3A_653 = arith.constant 0 : i32
    %dma_start3A_654 = arith.constant 0 : i32
    %dma_start3A_655 = tpu.memref_slice %dma_start3A_652[%dma_start3A_653, %dma_start3A_654] : memref<256x128xf32, #tpu.memory_space<vmem>> -> memref<128x128xf32, #tpu.memory_space<vmem>>
    %dma_start3A_656 = arith.constant 0 : i32
    %dma_start3A_657 = arith.constant 0 : i32
    %dma_start3A_658 = tpu.memref_slice %arg5[%dma_start3A_646, %dma_start3A_656, %dma_start3A_657] : memref<3x2x128xi32, #tpu.memory_space<vmem>> -> memref<1x2x128xi32, #tpu.memory_space<vmem>>
    %dma_start3A_659 = tpu.memref_squeeze %dma_start3A_658 : memref<1x2x128xi32, #tpu.memory_space<vmem>> -> memref<2x128xi32, #tpu.memory_space<vmem>>
    %dma_start3A_660 = arith.constant 0 : i32
    %dma_start3A_661 = tpu.memref_slice %dma_start3A_659[%dma_start3A_647, %dma_start3A_660] : memref<2x128xi32, #tpu.memory_space<vmem>> -> memref<1x128xi32, #tpu.memory_space<vmem>>
    %dma_start3A_662 = tpu.memref_squeeze %dma_start3A_661 : memref<1x128xi32, #tpu.memory_space<vmem>> -> memref<128xi32, #tpu.memory_space<vmem>>
    %dma_start3A_663 = arith.constant 0 : i32
    %dma_start3A_664 = arith.constant 0 : i32
    %dma_start3A_665 = tpu.memref_slice %arg3[%dma_start3A_663, %dma_start3A_664] : memref<50000x128xf32, #tpu.memory_space<hbm>> -> memref<50000x128xf32, #tpu.memory_space<hbm>>
    tpu.enqueue_indirect_dma source(%dma_start3A_665 : memref<50000x128xf32, #tpu.memory_space<hbm>>) target(%dma_start3A_655 : memref<128x128xf32, #tpu.memory_space<vmem>>) offsets(%dma_start3A_662 : memref<128xi32, #tpu.memory_space<vmem>>) semaphore(%arg10 : memref<!tpu.dma_semaphore, #tpu.memory_space<semaphore_mem>>)
    %dma_start3A_666 = arith.constant 0 : i32
    %dma_start3A_667 = arith.constant 1 : i32
    %dma_start3A_668 = arith.constant 0 : i32
    %dma_start3A_669 = arith.constant 0 : i32
    %dma_start3A_670 = arith.constant 0 : i32
    %dma_start3A_671 = tpu.memref_slice %arg6[%dma_start3A_668, %dma_start3A_669, %dma_start3A_670] : memref<3x256x128xf32, #tpu.memory_space<vmem>> -> memref<1x256x128xf32, #tpu.memory_space<vmem>>
    %dma_start3A_672 = tpu.memref_squeeze %dma_start3A_671 : memref<1x256x128xf32, #tpu.memory_space<vmem>> -> memref<256x128xf32, #tpu.memory_space<vmem>>
    %dma_start3A_673 = arith.constant 128 : i32
    %dma_start3A_674 = arith.constant 0 : i32
    %dma_start3A_675 = tpu.memref_slice %dma_start3A_672[%dma_start3A_673, %dma_start3A_674] : memref<256x128xf32, #tpu.memory_space<vmem>> -> memref<128x128xf32, #tpu.memory_space<vmem>>
    %dma_start3A_676 = arith.constant 0 : i32
    %dma_start3A_677 = arith.constant 0 : i32
    %dma_start3A_678 = tpu.memref_slice %arg5[%dma_start3A_666, %dma_start3A_676, %dma_start3A_677] : memref<3x2x128xi32, #tpu.memory_space<vmem>> -> memref<1x2x128xi32, #tpu.memory_space<vmem>>
    %dma_start3A_679 = tpu.memref_squeeze %dma_start3A_678 : memref<1x2x128xi32, #tpu.memory_space<vmem>> -> memref<2x128xi32, #tpu.memory_space<vmem>>
    %dma_start3A_680 = arith.constant 0 : i32
    %dma_start3A_681 = tpu.memref_slice %dma_start3A_679[%dma_start3A_667, %dma_start3A_680] : memref<2x128xi32, #tpu.memory_space<vmem>> -> memref<1x128xi32, #tpu.memory_space<vmem>>
    %dma_start3A_682 = tpu.memref_squeeze %dma_start3A_681 : memref<1x128xi32, #tpu.memory_space<vmem>> -> memref<128xi32, #tpu.memory_space<vmem>>
    %dma_start3A_683 = arith.constant 0 : i32
    %dma_start3A_684 = arith.constant 0 : i32
    %dma_start3A_685 = tpu.memref_slice %arg3[%dma_start3A_683, %dma_start3A_684] : memref<50000x128xf32, #tpu.memory_space<hbm>> -> memref<50000x128xf32, #tpu.memory_space<hbm>>
    tpu.enqueue_indirect_dma source(%dma_start3A_685 : memref<50000x128xf32, #tpu.memory_space<hbm>>) target(%dma_start3A_675 : memref<128x128xf32, #tpu.memory_space<vmem>>) offsets(%dma_start3A_682 : memref<128xi32, #tpu.memory_space<vmem>>) semaphore(%arg10 : memref<!tpu.dma_semaphore, #tpu.memory_space<semaphore_mem>>)
    %dma_wait3A_686 = arith.constant 2 : i32
    %dma_wait3A_687 = arith.constant 0 : i32
    %dma_wait3A_688 = arith.constant 2 : i32
    %dma_wait3A_689 = arith.constant 0 : i32
    %dma_wait3A_690 = arith.constant 0 : i32
    %dma_wait3A_691 = tpu.memref_slice %arg6[%dma_wait3A_688, %dma_wait3A_689, %dma_wait3A_690] : memref<3x256x128xf32, #tpu.memory_space<vmem>> -> memref<1x256x128xf32, #tpu.memory_space<vmem>>
    %dma_wait3A_692 = tpu.memref_squeeze %dma_wait3A_691 : memref<1x256x128xf32, #tpu.memory_space<vmem>> -> memref<256x128xf32, #tpu.memory_space<vmem>>
    %dma_wait3A_693 = arith.constant 0 : i32
    %dma_wait3A_694 = arith.constant 0 : i32
    %dma_wait3A_695 = tpu.memref_slice %dma_wait3A_692[%dma_wait3A_693, %dma_wait3A_694] : memref<256x128xf32, #tpu.memory_space<vmem>> -> memref<128x128xf32, #tpu.memory_space<vmem>>
    %dma_wait3A_696 = arith.constant 0 : i32
    %dma_wait3A_697 = arith.constant 0 : i32
    %dma_wait3A_698 = tpu.memref_slice %arg5[%dma_wait3A_686, %dma_wait3A_696, %dma_wait3A_697] : memref<3x2x128xi32, #tpu.memory_space<vmem>> -> memref<1x2x128xi32, #tpu.memory_space<vmem>>
    %dma_wait3A_699 = tpu.memref_squeeze %dma_wait3A_698 : memref<1x2x128xi32, #tpu.memory_space<vmem>> -> memref<2x128xi32, #tpu.memory_space<vmem>>
    %dma_wait3A_700 = arith.constant 0 : i32
    %dma_wait3A_701 = tpu.memref_slice %dma_wait3A_699[%dma_wait3A_687, %dma_wait3A_700] : memref<2x128xi32, #tpu.memory_space<vmem>> -> memref<1x128xi32, #tpu.memory_space<vmem>>
    %dma_wait3A_702 = tpu.memref_squeeze %dma_wait3A_701 : memref<1x128xi32, #tpu.memory_space<vmem>> -> memref<128xi32, #tpu.memory_space<vmem>>
    %dma_wait3A_703 = arith.constant 0 : i32
    %dma_wait3A_704 = arith.constant 0 : i32
    %dma_wait3A_705 = tpu.memref_slice %arg3[%dma_wait3A_703, %dma_wait3A_704] : memref<50000x128xf32, #tpu.memory_space<hbm>> -> memref<50000x128xf32, #tpu.memory_space<hbm>>
    tpu.wait_indirect_dma semaphore(%arg12 : memref<!tpu.dma_semaphore, #tpu.memory_space<semaphore_mem>>) src(%dma_wait3A_705 : memref<50000x128xf32, #tpu.memory_space<hbm>>) dst(%dma_wait3A_695 : memref<128x128xf32, #tpu.memory_space<vmem>>)
    %dma_wait3A_706 = arith.constant 2 : i32
    %dma_wait3A_707 = arith.constant 1 : i32
    %dma_wait3A_708 = arith.constant 2 : i32
    %dma_wait3A_709 = arith.constant 0 : i32
    %dma_wait3A_710 = arith.constant 0 : i32
    %dma_wait3A_711 = tpu.memref_slice %arg6[%dma_wait3A_708, %dma_wait3A_709, %dma_wait3A_710] : memref<3x256x128xf32, #tpu.memory_space<vmem>> -> memref<1x256x128xf32, #tpu.memory_space<vmem>>
    %dma_wait3A_712 = tpu.memref_squeeze %dma_wait3A_711 : memref<1x256x128xf32, #tpu.memory_space<vmem>> -> memref<256x128xf32, #tpu.memory_space<vmem>>
    %dma_wait3A_713 = arith.constant 128 : i32
    %dma_wait3A_714 = arith.constant 0 : i32
    %dma_wait3A_715 = tpu.memref_slice %dma_wait3A_712[%dma_wait3A_713, %dma_wait3A_714] : memref<256x128xf32, #tpu.memory_space<vmem>> -> memref<128x128xf32, #tpu.memory_space<vmem>>
    %dma_wait3A_716 = arith.constant 0 : i32
    %dma_wait3A_717 = arith.constant 0 : i32
    %dma_wait3A_718 = tpu.memref_slice %arg5[%dma_wait3A_706, %dma_wait3A_716, %dma_wait3A_717] : memref<3x2x128xi32, #tpu.memory_space<vmem>> -> memref<1x2x128xi32, #tpu.memory_space<vmem>>
    %dma_wait3A_719 = tpu.memref_squeeze %dma_wait3A_718 : memref<1x2x128xi32, #tpu.memory_space<vmem>> -> memref<2x128xi32, #tpu.memory_space<vmem>>
    %dma_wait3A_720 = arith.constant 0 : i32
    %dma_wait3A_721 = tpu.memref_slice %dma_wait3A_719[%dma_wait3A_707, %dma_wait3A_720] : memref<2x128xi32, #tpu.memory_space<vmem>> -> memref<1x128xi32, #tpu.memory_space<vmem>>
    %dma_wait3A_722 = tpu.memref_squeeze %dma_wait3A_721 : memref<1x128xi32, #tpu.memory_space<vmem>> -> memref<128xi32, #tpu.memory_space<vmem>>
    %dma_wait3A_723 = arith.constant 0 : i32
    %dma_wait3A_724 = arith.constant 0 : i32
    %dma_wait3A_725 = tpu.memref_slice %arg3[%dma_wait3A_723, %dma_wait3A_724] : memref<50000x128xf32, #tpu.memory_space<hbm>> -> memref<50000x128xf32, #tpu.memory_space<hbm>>
    tpu.wait_indirect_dma semaphore(%arg12 : memref<!tpu.dma_semaphore, #tpu.memory_space<semaphore_mem>>) src(%dma_wait3A_725 : memref<50000x128xf32, #tpu.memory_space<hbm>>) dst(%dma_wait3A_715 : memref<128x128xf32, #tpu.memory_space<vmem>>)
    %add3A_726 = arith.constant 101120 : i32
    %add3A_727 = arith.addi %mul3A_2, %add3A_726 : i32
    %add3A_728 = arith.constant 0 : i32
    %add3A_729 = arith.addi %add3A_727, %add3A_728 : i32
    %dma_start3A_730 = arith.constant 2 : i32
    %dma_start3A_731 = arith.constant 0 : i32
    %dma_start3A_732 = arith.constant 0 : i32
    %dma_start3A_733 = arith.constant 0 : i32
    %dma_start3A_734 = tpu.memref_slice %arg5[%dma_start3A_730, %dma_start3A_732, %dma_start3A_733] : memref<3x2x128xi32, #tpu.memory_space<vmem>> -> memref<1x2x128xi32, #tpu.memory_space<vmem>>
    %dma_start3A_735 = tpu.memref_squeeze %dma_start3A_734 : memref<1x2x128xi32, #tpu.memory_space<vmem>> -> memref<2x128xi32, #tpu.memory_space<vmem>>
    %dma_start3A_736 = arith.constant 0 : i32
    %dma_start3A_737 = tpu.memref_slice %dma_start3A_735[%dma_start3A_731, %dma_start3A_736] : memref<2x128xi32, #tpu.memory_space<vmem>> -> memref<1x128xi32, #tpu.memory_space<vmem>>
    %dma_start3A_738 = tpu.memref_squeeze %dma_start3A_737 : memref<1x128xi32, #tpu.memory_space<vmem>> -> memref<128xi32, #tpu.memory_space<vmem>>
    %dma_start3A_739 = tpu.memref_slice %arg2[%add3A_729] : memref<3276800xi32, #tpu.memory_space<hbm>> -> memref<128xi32, #tpu.memory_space<hbm>>
    %dma_start3A_740 = arith.constant 0 : i32
    %dma_start3A_741 = arith.constant 0 : i32
    %dma_start3A_742 = tpu.memref_slice %arg5[%dma_start3A_730, %dma_start3A_740, %dma_start3A_741] : memref<3x2x128xi32, #tpu.memory_space<vmem>> -> memref<1x2x128xi32, #tpu.memory_space<vmem>>
    %dma_start3A_743 = tpu.memref_squeeze %dma_start3A_742 : memref<1x2x128xi32, #tpu.memory_space<vmem>> -> memref<2x128xi32, #tpu.memory_space<vmem>>
    %dma_start3A_744 = arith.constant 0 : i32
    %dma_start3A_745 = tpu.memref_slice %dma_start3A_743[%dma_start3A_731, %dma_start3A_744] : memref<2x128xi32, #tpu.memory_space<vmem>> -> memref<1x128xi32, #tpu.memory_space<vmem>>
    %dma_start3A_746 = tpu.memref_squeeze %dma_start3A_745 : memref<1x128xi32, #tpu.memory_space<vmem>> -> memref<128xi32, #tpu.memory_space<vmem>>
    %dma_start3A_747 = tpu.memref_slice %arg2[%add3A_729] : memref<3276800xi32, #tpu.memory_space<hbm>> -> memref<128xi32, #tpu.memory_space<hbm>>
    tpu.enqueue_dma source(%dma_start3A_747 : memref<128xi32, #tpu.memory_space<hbm>>) target(%dma_start3A_746 : memref<128xi32, #tpu.memory_space<vmem>>) target_semaphore(%arg9 : memref<!tpu.dma_semaphore, #tpu.memory_space<semaphore_mem>>)
    %add3A_748 = arith.constant 101120 : i32
    %add3A_749 = arith.addi %mul3A_2, %add3A_748 : i32
    %add3A_750 = arith.constant 128 : i32
    %add3A_751 = arith.addi %add3A_749, %add3A_750 : i32
    %dma_start3A_752 = arith.constant 2 : i32
    %dma_start3A_753 = arith.constant 1 : i32
    %dma_start3A_754 = arith.constant 0 : i32
    %dma_start3A_755 = arith.constant 0 : i32
    %dma_start3A_756 = tpu.memref_slice %arg5[%dma_start3A_752, %dma_start3A_754, %dma_start3A_755] : memref<3x2x128xi32, #tpu.memory_space<vmem>> -> memref<1x2x128xi32, #tpu.memory_space<vmem>>
    %dma_start3A_757 = tpu.memref_squeeze %dma_start3A_756 : memref<1x2x128xi32, #tpu.memory_space<vmem>> -> memref<2x128xi32, #tpu.memory_space<vmem>>
    %dma_start3A_758 = arith.constant 0 : i32
    %dma_start3A_759 = tpu.memref_slice %dma_start3A_757[%dma_start3A_753, %dma_start3A_758] : memref<2x128xi32, #tpu.memory_space<vmem>> -> memref<1x128xi32, #tpu.memory_space<vmem>>
    %dma_start3A_760 = tpu.memref_squeeze %dma_start3A_759 : memref<1x128xi32, #tpu.memory_space<vmem>> -> memref<128xi32, #tpu.memory_space<vmem>>
    %dma_start3A_761 = tpu.memref_slice %arg2[%add3A_751] : memref<3276800xi32, #tpu.memory_space<hbm>> -> memref<128xi32, #tpu.memory_space<hbm>>
    %dma_start3A_762 = arith.constant 0 : i32
    %dma_start3A_763 = arith.constant 0 : i32
    %dma_start3A_764 = tpu.memref_slice %arg5[%dma_start3A_752, %dma_start3A_762, %dma_start3A_763] : memref<3x2x128xi32, #tpu.memory_space<vmem>> -> memref<1x2x128xi32, #tpu.memory_space<vmem>>
    %dma_start3A_765 = tpu.memref_squeeze %dma_start3A_764 : memref<1x2x128xi32, #tpu.memory_space<vmem>> -> memref<2x128xi32, #tpu.memory_space<vmem>>
    %dma_start3A_766 = arith.constant 0 : i32
    %dma_start3A_767 = tpu.memref_slice %dma_start3A_765[%dma_start3A_753, %dma_start3A_766] : memref<2x128xi32, #tpu.memory_space<vmem>> -> memref<1x128xi32, #tpu.memory_space<vmem>>
    %dma_start3A_768 = tpu.memref_squeeze %dma_start3A_767 : memref<1x128xi32, #tpu.memory_space<vmem>> -> memref<128xi32, #tpu.memory_space<vmem>>
    %dma_start3A_769 = tpu.memref_slice %arg2[%add3A_751] : memref<3276800xi32, #tpu.memory_space<hbm>> -> memref<128xi32, #tpu.memory_space<hbm>>
    tpu.enqueue_dma source(%dma_start3A_769 : memref<128xi32, #tpu.memory_space<hbm>>) target(%dma_start3A_768 : memref<128xi32, #tpu.memory_space<vmem>>) target_semaphore(%arg9 : memref<!tpu.dma_semaphore, #tpu.memory_space<semaphore_mem>>)
    %add3A_770 = arith.constant 100352 : i32
    %add3A_771 = arith.addi %mul3A_2, %add3A_770 : i32
    %dma_start3A_772 = arith.constant 2 : i32
    %dma_start3A_773 = arith.constant 0 : i32
    %dma_start3A_774 = arith.constant 0 : i32
    %dma_start3A_775 = tpu.memref_slice %arg6[%dma_start3A_772, %dma_start3A_773, %dma_start3A_774] : memref<3x256x128xf32, #tpu.memory_space<vmem>> -> memref<1x256x128xf32, #tpu.memory_space<vmem>>
    %dma_start3A_776 = tpu.memref_squeeze %dma_start3A_775 : memref<1x256x128xf32, #tpu.memory_space<vmem>> -> memref<256x128xf32, #tpu.memory_space<vmem>>
    %dma_start3A_777 = arith.constant 0 : i32
    %dma_start3A_778 = tpu.memref_slice %arg4[%add3A_771, %dma_start3A_777] : memref<3276800x128xf32, #tpu.memory_space<hbm>> -> memref<256x128xf32, #tpu.memory_space<hbm>>
    %dma_start3A_779 = arith.constant 0 : i32
    %dma_start3A_780 = tpu.memref_slice %arg4[%add3A_771, %dma_start3A_779] : memref<3276800x128xf32, #tpu.memory_space<hbm>> -> memref<256x128xf32, #tpu.memory_space<hbm>>
    %dma_start3A_781 = arith.constant 0 : i32
    %dma_start3A_782 = arith.constant 0 : i32
    %dma_start3A_783 = tpu.memref_slice %arg6[%dma_start3A_772, %dma_start3A_781, %dma_start3A_782] : memref<3x256x128xf32, #tpu.memory_space<vmem>> -> memref<1x256x128xf32, #tpu.memory_space<vmem>>
    %dma_start3A_784 = tpu.memref_squeeze %dma_start3A_783 : memref<1x256x128xf32, #tpu.memory_space<vmem>> -> memref<256x128xf32, #tpu.memory_space<vmem>>
    tpu.enqueue_dma source(%dma_start3A_784 : memref<256x128xf32, #tpu.memory_space<vmem>>) target(%dma_start3A_780 : memref<256x128xf32, #tpu.memory_space<hbm>>) target_semaphore(%arg15 : memref<!tpu.dma_semaphore, #tpu.memory_space<semaphore_mem>>)
    %add3A_785 = arith.constant 100096 : i32
    %add3A_786 = arith.addi %mul3A_2, %add3A_785 : i32
    %dma_wait3A_787 = arith.constant 1 : i32
    %dma_wait3A_788 = arith.constant 0 : i32
    %dma_wait3A_789 = arith.constant 0 : i32
    %dma_wait3A_790 = tpu.memref_slice %arg6[%dma_wait3A_787, %dma_wait3A_788, %dma_wait3A_789] : memref<3x256x128xf32, #tpu.memory_space<vmem>> -> memref<1x256x128xf32, #tpu.memory_space<vmem>>
    %dma_wait3A_791 = tpu.memref_squeeze %dma_wait3A_790 : memref<1x256x128xf32, #tpu.memory_space<vmem>> -> memref<256x128xf32, #tpu.memory_space<vmem>>
    %dma_wait3A_792 = arith.constant 0 : i32
    %dma_wait3A_793 = tpu.memref_slice %arg4[%add3A_786, %dma_wait3A_792] : memref<3276800x128xf32, #tpu.memory_space<hbm>> -> memref<256x128xf32, #tpu.memory_space<hbm>>
    %dma_wait3A_794 = arith.constant 0 : i32
    %dma_wait3A_795 = tpu.memref_slice %arg4[%add3A_786, %dma_wait3A_794] : memref<3276800x128xf32, #tpu.memory_space<hbm>> -> memref<256x128xf32, #tpu.memory_space<hbm>>
    %dma_wait3A_796 = arith.constant 0 : i32
    %dma_wait3A_797 = arith.constant 0 : i32
    %dma_wait3A_798 = tpu.memref_slice %arg6[%dma_wait3A_787, %dma_wait3A_796, %dma_wait3A_797] : memref<3x256x128xf32, #tpu.memory_space<vmem>> -> memref<1x256x128xf32, #tpu.memory_space<vmem>>
    %dma_wait3A_799 = tpu.memref_squeeze %dma_wait3A_798 : memref<1x256x128xf32, #tpu.memory_space<vmem>> -> memref<256x128xf32, #tpu.memory_space<vmem>>
    tpu.wait_dma2 semaphore(%arg14 : memref<!tpu.dma_semaphore, #tpu.memory_space<semaphore_mem>>) src(%dma_wait3A_799 : memref<256x128xf32, #tpu.memory_space<vmem>>) dst(%dma_wait3A_795 : memref<256x128xf32, #tpu.memory_space<hbm>>)
    %add3A_800 = arith.constant 100864 : i32
    %add3A_801 = arith.addi %mul3A_2, %add3A_800 : i32
    %add3A_802 = arith.constant 0 : i32
    %add3A_803 = arith.addi %add3A_801, %add3A_802 : i32
    %dma_wait3A_804 = arith.constant 1 : i32
    %dma_wait3A_805 = arith.constant 0 : i32
    %dma_wait3A_806 = arith.constant 0 : i32
    %dma_wait3A_807 = arith.constant 0 : i32
    %dma_wait3A_808 = tpu.memref_slice %arg5[%dma_wait3A_804, %dma_wait3A_806, %dma_wait3A_807] : memref<3x2x128xi32, #tpu.memory_space<vmem>> -> memref<1x2x128xi32, #tpu.memory_space<vmem>>
    %dma_wait3A_809 = tpu.memref_squeeze %dma_wait3A_808 : memref<1x2x128xi32, #tpu.memory_space<vmem>> -> memref<2x128xi32, #tpu.memory_space<vmem>>
    %dma_wait3A_810 = arith.constant 0 : i32
    %dma_wait3A_811 = tpu.memref_slice %dma_wait3A_809[%dma_wait3A_805, %dma_wait3A_810] : memref<2x128xi32, #tpu.memory_space<vmem>> -> memref<1x128xi32, #tpu.memory_space<vmem>>
    %dma_wait3A_812 = tpu.memref_squeeze %dma_wait3A_811 : memref<1x128xi32, #tpu.memory_space<vmem>> -> memref<128xi32, #tpu.memory_space<vmem>>
    %dma_wait3A_813 = tpu.memref_slice %arg2[%add3A_803] : memref<3276800xi32, #tpu.memory_space<hbm>> -> memref<128xi32, #tpu.memory_space<hbm>>
    %dma_wait3A_814 = arith.constant 0 : i32
    %dma_wait3A_815 = arith.constant 0 : i32
    %dma_wait3A_816 = tpu.memref_slice %arg5[%dma_wait3A_804, %dma_wait3A_814, %dma_wait3A_815] : memref<3x2x128xi32, #tpu.memory_space<vmem>> -> memref<1x2x128xi32, #tpu.memory_space<vmem>>
    %dma_wait3A_817 = tpu.memref_squeeze %dma_wait3A_816 : memref<1x2x128xi32, #tpu.memory_space<vmem>> -> memref<2x128xi32, #tpu.memory_space<vmem>>
    %dma_wait3A_818 = arith.constant 0 : i32
    %dma_wait3A_819 = tpu.memref_slice %dma_wait3A_817[%dma_wait3A_805, %dma_wait3A_818] : memref<2x128xi32, #tpu.memory_space<vmem>> -> memref<1x128xi32, #tpu.memory_space<vmem>>
    %dma_wait3A_820 = tpu.memref_squeeze %dma_wait3A_819 : memref<1x128xi32, #tpu.memory_space<vmem>> -> memref<128xi32, #tpu.memory_space<vmem>>
    %dma_wait3A_821 = tpu.memref_slice %arg2[%add3A_803] : memref<3276800xi32, #tpu.memory_space<hbm>> -> memref<128xi32, #tpu.memory_space<hbm>>
    tpu.wait_dma2 semaphore(%arg8 : memref<!tpu.dma_semaphore, #tpu.memory_space<semaphore_mem>>) src(%dma_wait3A_821 : memref<128xi32, #tpu.memory_space<hbm>>) dst(%dma_wait3A_820 : memref<128xi32, #tpu.memory_space<vmem>>)
    %add3A_822 = arith.constant 100864 : i32
    %add3A_823 = arith.addi %mul3A_2, %add3A_822 : i32
    %add3A_824 = arith.constant 128 : i32
    %add3A_825 = arith.addi %add3A_823, %add3A_824 : i32
    %dma_wait3A_826 = arith.constant 1 : i32
    %dma_wait3A_827 = arith.constant 1 : i32
    %dma_wait3A_828 = arith.constant 0 : i32
    %dma_wait3A_829 = arith.constant 0 : i32
    %dma_wait3A_830 = tpu.memref_slice %arg5[%dma_wait3A_826, %dma_wait3A_828, %dma_wait3A_829] : memref<3x2x128xi32, #tpu.memory_space<vmem>> -> memref<1x2x128xi32, #tpu.memory_space<vmem>>
    %dma_wait3A_831 = tpu.memref_squeeze %dma_wait3A_830 : memref<1x2x128xi32, #tpu.memory_space<vmem>> -> memref<2x128xi32, #tpu.memory_space<vmem>>
    %dma_wait3A_832 = arith.constant 0 : i32
    %dma_wait3A_833 = tpu.memref_slice %dma_wait3A_831[%dma_wait3A_827, %dma_wait3A_832] : memref<2x128xi32, #tpu.memory_space<vmem>> -> memref<1x128xi32, #tpu.memory_space<vmem>>
    %dma_wait3A_834 = tpu.memref_squeeze %dma_wait3A_833 : memref<1x128xi32, #tpu.memory_space<vmem>> -> memref<128xi32, #tpu.memory_space<vmem>>
    %dma_wait3A_835 = tpu.memref_slice %arg2[%add3A_825] : memref<3276800xi32, #tpu.memory_space<hbm>> -> memref<128xi32, #tpu.memory_space<hbm>>
    %dma_wait3A_836 = arith.constant 0 : i32
    %dma_wait3A_837 = arith.constant 0 : i32
    %dma_wait3A_838 = tpu.memref_slice %arg5[%dma_wait3A_826, %dma_wait3A_836, %dma_wait3A_837] : memref<3x2x128xi32, #tpu.memory_space<vmem>> -> memref<1x2x128xi32, #tpu.memory_space<vmem>>
    %dma_wait3A_839 = tpu.memref_squeeze %dma_wait3A_838 : memref<1x2x128xi32, #tpu.memory_space<vmem>> -> memref<2x128xi32, #tpu.memory_space<vmem>>
    %dma_wait3A_840 = arith.constant 0 : i32
    %dma_wait3A_841 = tpu.memref_slice %dma_wait3A_839[%dma_wait3A_827, %dma_wait3A_840] : memref<2x128xi32, #tpu.memory_space<vmem>> -> memref<1x128xi32, #tpu.memory_space<vmem>>
    %dma_wait3A_842 = tpu.memref_squeeze %dma_wait3A_841 : memref<1x128xi32, #tpu.memory_space<vmem>> -> memref<128xi32, #tpu.memory_space<vmem>>
    %dma_wait3A_843 = tpu.memref_slice %arg2[%add3A_825] : memref<3276800xi32, #tpu.memory_space<hbm>> -> memref<128xi32, #tpu.memory_space<hbm>>
    tpu.wait_dma2 semaphore(%arg8 : memref<!tpu.dma_semaphore, #tpu.memory_space<semaphore_mem>>) src(%dma_wait3A_843 : memref<128xi32, #tpu.memory_space<hbm>>) dst(%dma_wait3A_842 : memref<128xi32, #tpu.memory_space<vmem>>)
    %dma_start3A_844 = arith.constant 1 : i32
    %dma_start3A_845 = arith.constant 0 : i32
    %dma_start3A_846 = arith.constant 1 : i32
    %dma_start3A_847 = arith.constant 0 : i32
    %dma_start3A_848 = arith.constant 0 : i32
    %dma_start3A_849 = tpu.memref_slice %arg6[%dma_start3A_846, %dma_start3A_847, %dma_start3A_848] : memref<3x256x128xf32, #tpu.memory_space<vmem>> -> memref<1x256x128xf32, #tpu.memory_space<vmem>>
    %dma_start3A_850 = tpu.memref_squeeze %dma_start3A_849 : memref<1x256x128xf32, #tpu.memory_space<vmem>> -> memref<256x128xf32, #tpu.memory_space<vmem>>
    %dma_start3A_851 = arith.constant 0 : i32
    %dma_start3A_852 = arith.constant 0 : i32
    %dma_start3A_853 = tpu.memref_slice %dma_start3A_850[%dma_start3A_851, %dma_start3A_852] : memref<256x128xf32, #tpu.memory_space<vmem>> -> memref<128x128xf32, #tpu.memory_space<vmem>>
    %dma_start3A_854 = arith.constant 0 : i32
    %dma_start3A_855 = arith.constant 0 : i32
    %dma_start3A_856 = tpu.memref_slice %arg5[%dma_start3A_844, %dma_start3A_854, %dma_start3A_855] : memref<3x2x128xi32, #tpu.memory_space<vmem>> -> memref<1x2x128xi32, #tpu.memory_space<vmem>>
    %dma_start3A_857 = tpu.memref_squeeze %dma_start3A_856 : memref<1x2x128xi32, #tpu.memory_space<vmem>> -> memref<2x128xi32, #tpu.memory_space<vmem>>
    %dma_start3A_858 = arith.constant 0 : i32
    %dma_start3A_859 = tpu.memref_slice %dma_start3A_857[%dma_start3A_845, %dma_start3A_858] : memref<2x128xi32, #tpu.memory_space<vmem>> -> memref<1x128xi32, #tpu.memory_space<vmem>>
    %dma_start3A_860 = tpu.memref_squeeze %dma_start3A_859 : memref<1x128xi32, #tpu.memory_space<vmem>> -> memref<128xi32, #tpu.memory_space<vmem>>
    %dma_start3A_861 = arith.constant 0 : i32
    %dma_start3A_862 = arith.constant 0 : i32
    %dma_start3A_863 = tpu.memref_slice %arg3[%dma_start3A_861, %dma_start3A_862] : memref<50000x128xf32, #tpu.memory_space<hbm>> -> memref<50000x128xf32, #tpu.memory_space<hbm>>
    tpu.enqueue_indirect_dma source(%dma_start3A_863 : memref<50000x128xf32, #tpu.memory_space<hbm>>) target(%dma_start3A_853 : memref<128x128xf32, #tpu.memory_space<vmem>>) offsets(%dma_start3A_860 : memref<128xi32, #tpu.memory_space<vmem>>) semaphore(%arg11 : memref<!tpu.dma_semaphore, #tpu.memory_space<semaphore_mem>>)
    %dma_start3A_864 = arith.constant 1 : i32
    %dma_start3A_865 = arith.constant 1 : i32
    %dma_start3A_866 = arith.constant 1 : i32
    %dma_start3A_867 = arith.constant 0 : i32
    %dma_start3A_868 = arith.constant 0 : i32
    %dma_start3A_869 = tpu.memref_slice %arg6[%dma_start3A_866, %dma_start3A_867, %dma_start3A_868] : memref<3x256x128xf32, #tpu.memory_space<vmem>> -> memref<1x256x128xf32, #tpu.memory_space<vmem>>
    %dma_start3A_870 = tpu.memref_squeeze %dma_start3A_869 : memref<1x256x128xf32, #tpu.memory_space<vmem>> -> memref<256x128xf32, #tpu.memory_space<vmem>>
    %dma_start3A_871 = arith.constant 128 : i32
    %dma_start3A_872 = arith.constant 0 : i32
    %dma_start3A_873 = tpu.memref_slice %dma_start3A_870[%dma_start3A_871, %dma_start3A_872] : memref<256x128xf32, #tpu.memory_space<vmem>> -> memref<128x128xf32, #tpu.memory_space<vmem>>
    %dma_start3A_874 = arith.constant 0 : i32
    %dma_start3A_875 = arith.constant 0 : i32
    %dma_start3A_876 = tpu.memref_slice %arg5[%dma_start3A_864, %dma_start3A_874, %dma_start3A_875] : memref<3x2x128xi32, #tpu.memory_space<vmem>> -> memref<1x2x128xi32, #tpu.memory_space<vmem>>
    %dma_start3A_877 = tpu.memref_squeeze %dma_start3A_876 : memref<1x2x128xi32, #tpu.memory_space<vmem>> -> memref<2x128xi32, #tpu.memory_space<vmem>>
    %dma_start3A_878 = arith.constant 0 : i32
    %dma_start3A_879 = tpu.memref_slice %dma_start3A_877[%dma_start3A_865, %dma_start3A_878] : memref<2x128xi32, #tpu.memory_space<vmem>> -> memref<1x128xi32, #tpu.memory_space<vmem>>
    %dma_start3A_880 = tpu.memref_squeeze %dma_start3A_879 : memref<1x128xi32, #tpu.memory_space<vmem>> -> memref<128xi32, #tpu.memory_space<vmem>>
    %dma_start3A_881 = arith.constant 0 : i32
    %dma_start3A_882 = arith.constant 0 : i32
    %dma_start3A_883 = tpu.memref_slice %arg3[%dma_start3A_881, %dma_start3A_882] : memref<50000x128xf32, #tpu.memory_space<hbm>> -> memref<50000x128xf32, #tpu.memory_space<hbm>>
    tpu.enqueue_indirect_dma source(%dma_start3A_883 : memref<50000x128xf32, #tpu.memory_space<hbm>>) target(%dma_start3A_873 : memref<128x128xf32, #tpu.memory_space<vmem>>) offsets(%dma_start3A_880 : memref<128xi32, #tpu.memory_space<vmem>>) semaphore(%arg11 : memref<!tpu.dma_semaphore, #tpu.memory_space<semaphore_mem>>)
    %dma_wait3A_884 = arith.constant 0 : i32
    %dma_wait3A_885 = arith.constant 0 : i32
    %dma_wait3A_886 = arith.constant 0 : i32
    %dma_wait3A_887 = arith.constant 0 : i32
    %dma_wait3A_888 = arith.constant 0 : i32
    %dma_wait3A_889 = tpu.memref_slice %arg6[%dma_wait3A_886, %dma_wait3A_887, %dma_wait3A_888] : memref<3x256x128xf32, #tpu.memory_space<vmem>> -> memref<1x256x128xf32, #tpu.memory_space<vmem>>
    %dma_wait3A_890 = tpu.memref_squeeze %dma_wait3A_889 : memref<1x256x128xf32, #tpu.memory_space<vmem>> -> memref<256x128xf32, #tpu.memory_space<vmem>>
    %dma_wait3A_891 = arith.constant 0 : i32
    %dma_wait3A_892 = arith.constant 0 : i32
    %dma_wait3A_893 = tpu.memref_slice %dma_wait3A_890[%dma_wait3A_891, %dma_wait3A_892] : memref<256x128xf32, #tpu.memory_space<vmem>> -> memref<128x128xf32, #tpu.memory_space<vmem>>
    %dma_wait3A_894 = arith.constant 0 : i32
    %dma_wait3A_895 = arith.constant 0 : i32
    %dma_wait3A_896 = tpu.memref_slice %arg5[%dma_wait3A_884, %dma_wait3A_894, %dma_wait3A_895] : memref<3x2x128xi32, #tpu.memory_space<vmem>> -> memref<1x2x128xi32, #tpu.memory_space<vmem>>
    %dma_wait3A_897 = tpu.memref_squeeze %dma_wait3A_896 : memref<1x2x128xi32, #tpu.memory_space<vmem>> -> memref<2x128xi32, #tpu.memory_space<vmem>>
    %dma_wait3A_898 = arith.constant 0 : i32
    %dma_wait3A_899 = tpu.memref_slice %dma_wait3A_897[%dma_wait3A_885, %dma_wait3A_898] : memref<2x128xi32, #tpu.memory_space<vmem>> -> memref<1x128xi32, #tpu.memory_space<vmem>>
    %dma_wait3A_900 = tpu.memref_squeeze %dma_wait3A_899 : memref<1x128xi32, #tpu.memory_space<vmem>> -> memref<128xi32, #tpu.memory_space<vmem>>
    %dma_wait3A_901 = arith.constant 0 : i32
    %dma_wait3A_902 = arith.constant 0 : i32
    %dma_wait3A_903 = tpu.memref_slice %arg3[%dma_wait3A_901, %dma_wait3A_902] : memref<50000x128xf32, #tpu.memory_space<hbm>> -> memref<50000x128xf32, #tpu.memory_space<hbm>>
    tpu.wait_indirect_dma semaphore(%arg10 : memref<!tpu.dma_semaphore, #tpu.memory_space<semaphore_mem>>) src(%dma_wait3A_903 : memref<50000x128xf32, #tpu.memory_space<hbm>>) dst(%dma_wait3A_893 : memref<128x128xf32, #tpu.memory_space<vmem>>)
    %dma_wait3A_904 = arith.constant 0 : i32
    %dma_wait3A_905 = arith.constant 1 : i32
    %dma_wait3A_906 = arith.constant 0 : i32
    %dma_wait3A_907 = arith.constant 0 : i32
    %dma_wait3A_908 = arith.constant 0 : i32
    %dma_wait3A_909 = tpu.memref_slice %arg6[%dma_wait3A_906, %dma_wait3A_907, %dma_wait3A_908] : memref<3x256x128xf32, #tpu.memory_space<vmem>> -> memref<1x256x128xf32, #tpu.memory_space<vmem>>
    %dma_wait3A_910 = tpu.memref_squeeze %dma_wait3A_909 : memref<1x256x128xf32, #tpu.memory_space<vmem>> -> memref<256x128xf32, #tpu.memory_space<vmem>>
    %dma_wait3A_911 = arith.constant 128 : i32
    %dma_wait3A_912 = arith.constant 0 : i32
    %dma_wait3A_913 = tpu.memref_slice %dma_wait3A_910[%dma_wait3A_911, %dma_wait3A_912] : memref<256x128xf32, #tpu.memory_space<vmem>> -> memref<128x128xf32, #tpu.memory_space<vmem>>
    %dma_wait3A_914 = arith.constant 0 : i32
    %dma_wait3A_915 = arith.constant 0 : i32
    %dma_wait3A_916 = tpu.memref_slice %arg5[%dma_wait3A_904, %dma_wait3A_914, %dma_wait3A_915] : memref<3x2x128xi32, #tpu.memory_space<vmem>> -> memref<1x2x128xi32, #tpu.memory_space<vmem>>
    %dma_wait3A_917 = tpu.memref_squeeze %dma_wait3A_916 : memref<1x2x128xi32, #tpu.memory_space<vmem>> -> memref<2x128xi32, #tpu.memory_space<vmem>>
    %dma_wait3A_918 = arith.constant 0 : i32
    %dma_wait3A_919 = tpu.memref_slice %dma_wait3A_917[%dma_wait3A_905, %dma_wait3A_918] : memref<2x128xi32, #tpu.memory_space<vmem>> -> memref<1x128xi32, #tpu.memory_space<vmem>>
    %dma_wait3A_920 = tpu.memref_squeeze %dma_wait3A_919 : memref<1x128xi32, #tpu.memory_space<vmem>> -> memref<128xi32, #tpu.memory_space<vmem>>
    %dma_wait3A_921 = arith.constant 0 : i32
    %dma_wait3A_922 = arith.constant 0 : i32
    %dma_wait3A_923 = tpu.memref_slice %arg3[%dma_wait3A_921, %dma_wait3A_922] : memref<50000x128xf32, #tpu.memory_space<hbm>> -> memref<50000x128xf32, #tpu.memory_space<hbm>>
    tpu.wait_indirect_dma semaphore(%arg10 : memref<!tpu.dma_semaphore, #tpu.memory_space<semaphore_mem>>) src(%dma_wait3A_923 : memref<50000x128xf32, #tpu.memory_space<hbm>>) dst(%dma_wait3A_913 : memref<128x128xf32, #tpu.memory_space<vmem>>)
    %add3A_924 = arith.constant 101376 : i32
    %add3A_925 = arith.addi %mul3A_2, %add3A_924 : i32
    %add3A_926 = arith.constant 0 : i32
    %add3A_927 = arith.addi %add3A_925, %add3A_926 : i32
    %dma_start3A_928 = arith.constant 0 : i32
    %dma_start3A_929 = arith.constant 0 : i32
    %dma_start3A_930 = arith.constant 0 : i32
    %dma_start3A_931 = arith.constant 0 : i32
    %dma_start3A_932 = tpu.memref_slice %arg5[%dma_start3A_928, %dma_start3A_930, %dma_start3A_931] : memref<3x2x128xi32, #tpu.memory_space<vmem>> -> memref<1x2x128xi32, #tpu.memory_space<vmem>>
    %dma_start3A_933 = tpu.memref_squeeze %dma_start3A_932 : memref<1x2x128xi32, #tpu.memory_space<vmem>> -> memref<2x128xi32, #tpu.memory_space<vmem>>
    %dma_start3A_934 = arith.constant 0 : i32
    %dma_start3A_935 = tpu.memref_slice %dma_start3A_933[%dma_start3A_929, %dma_start3A_934] : memref<2x128xi32, #tpu.memory_space<vmem>> -> memref<1x128xi32, #tpu.memory_space<vmem>>
    %dma_start3A_936 = tpu.memref_squeeze %dma_start3A_935 : memref<1x128xi32, #tpu.memory_space<vmem>> -> memref<128xi32, #tpu.memory_space<vmem>>
    %dma_start3A_937 = tpu.memref_slice %arg2[%add3A_927] : memref<3276800xi32, #tpu.memory_space<hbm>> -> memref<128xi32, #tpu.memory_space<hbm>>
    %dma_start3A_938 = arith.constant 0 : i32
    %dma_start3A_939 = arith.constant 0 : i32
    %dma_start3A_940 = tpu.memref_slice %arg5[%dma_start3A_928, %dma_start3A_938, %dma_start3A_939] : memref<3x2x128xi32, #tpu.memory_space<vmem>> -> memref<1x2x128xi32, #tpu.memory_space<vmem>>
    %dma_start3A_941 = tpu.memref_squeeze %dma_start3A_940 : memref<1x2x128xi32, #tpu.memory_space<vmem>> -> memref<2x128xi32, #tpu.memory_space<vmem>>
    %dma_start3A_942 = arith.constant 0 : i32
    %dma_start3A_943 = tpu.memref_slice %dma_start3A_941[%dma_start3A_929, %dma_start3A_942] : memref<2x128xi32, #tpu.memory_space<vmem>> -> memref<1x128xi32, #tpu.memory_space<vmem>>
    %dma_start3A_944 = tpu.memref_squeeze %dma_start3A_943 : memref<1x128xi32, #tpu.memory_space<vmem>> -> memref<128xi32, #tpu.memory_space<vmem>>
    %dma_start3A_945 = tpu.memref_slice %arg2[%add3A_927] : memref<3276800xi32, #tpu.memory_space<hbm>> -> memref<128xi32, #tpu.memory_space<hbm>>
    tpu.enqueue_dma source(%dma_start3A_945 : memref<128xi32, #tpu.memory_space<hbm>>) target(%dma_start3A_944 : memref<128xi32, #tpu.memory_space<vmem>>) target_semaphore(%arg7 : memref<!tpu.dma_semaphore, #tpu.memory_space<semaphore_mem>>)
    %add3A_946 = arith.constant 101376 : i32
    %add3A_947 = arith.addi %mul3A_2, %add3A_946 : i32
    %add3A_948 = arith.constant 128 : i32
    %add3A_949 = arith.addi %add3A_947, %add3A_948 : i32
    %dma_start3A_950 = arith.constant 0 : i32
    %dma_start3A_951 = arith.constant 1 : i32
    %dma_start3A_952 = arith.constant 0 : i32
    %dma_start3A_953 = arith.constant 0 : i32
    %dma_start3A_954 = tpu.memref_slice %arg5[%dma_start3A_950, %dma_start3A_952, %dma_start3A_953] : memref<3x2x128xi32, #tpu.memory_space<vmem>> -> memref<1x2x128xi32, #tpu.memory_space<vmem>>
    %dma_start3A_955 = tpu.memref_squeeze %dma_start3A_954 : memref<1x2x128xi32, #tpu.memory_space<vmem>> -> memref<2x128xi32, #tpu.memory_space<vmem>>
    %dma_start3A_956 = arith.constant 0 : i32
    %dma_start3A_957 = tpu.memref_slice %dma_start3A_955[%dma_start3A_951, %dma_start3A_956] : memref<2x128xi32, #tpu.memory_space<vmem>> -> memref<1x128xi32, #tpu.memory_space<vmem>>
    %dma_start3A_958 = tpu.memref_squeeze %dma_start3A_957 : memref<1x128xi32, #tpu.memory_space<vmem>> -> memref<128xi32, #tpu.memory_space<vmem>>
    %dma_start3A_959 = tpu.memref_slice %arg2[%add3A_949] : memref<3276800xi32, #tpu.memory_space<hbm>> -> memref<128xi32, #tpu.memory_space<hbm>>
    %dma_start3A_960 = arith.constant 0 : i32
    %dma_start3A_961 = arith.constant 0 : i32
    %dma_start3A_962 = tpu.memref_slice %arg5[%dma_start3A_950, %dma_start3A_960, %dma_start3A_961] : memref<3x2x128xi32, #tpu.memory_space<vmem>> -> memref<1x2x128xi32, #tpu.memory_space<vmem>>
    %dma_start3A_963 = tpu.memref_squeeze %dma_start3A_962 : memref<1x2x128xi32, #tpu.memory_space<vmem>> -> memref<2x128xi32, #tpu.memory_space<vmem>>
    %dma_start3A_964 = arith.constant 0 : i32
    %dma_start3A_965 = tpu.memref_slice %dma_start3A_963[%dma_start3A_951, %dma_start3A_964] : memref<2x128xi32, #tpu.memory_space<vmem>> -> memref<1x128xi32, #tpu.memory_space<vmem>>
    %dma_start3A_966 = tpu.memref_squeeze %dma_start3A_965 : memref<1x128xi32, #tpu.memory_space<vmem>> -> memref<128xi32, #tpu.memory_space<vmem>>
    %dma_start3A_967 = tpu.memref_slice %arg2[%add3A_949] : memref<3276800xi32, #tpu.memory_space<hbm>> -> memref<128xi32, #tpu.memory_space<hbm>>
    tpu.enqueue_dma source(%dma_start3A_967 : memref<128xi32, #tpu.memory_space<hbm>>) target(%dma_start3A_966 : memref<128xi32, #tpu.memory_space<vmem>>) target_semaphore(%arg7 : memref<!tpu.dma_semaphore, #tpu.memory_space<semaphore_mem>>)
    %add3A_968 = arith.constant 100608 : i32
    %add3A_969 = arith.addi %mul3A_2, %add3A_968 : i32
    %dma_start3A_970 = arith.constant 0 : i32
    %dma_start3A_971 = arith.constant 0 : i32
    %dma_start3A_972 = arith.constant 0 : i32
    %dma_start3A_973 = tpu.memref_slice %arg6[%dma_start3A_970, %dma_start3A_971, %dma_start3A_972] : memref<3x256x128xf32, #tpu.memory_space<vmem>> -> memref<1x256x128xf32, #tpu.memory_space<vmem>>
    %dma_start3A_974 = tpu.memref_squeeze %dma_start3A_973 : memref<1x256x128xf32, #tpu.memory_space<vmem>> -> memref<256x128xf32, #tpu.memory_space<vmem>>
    %dma_start3A_975 = arith.constant 0 : i32
    %dma_start3A_976 = tpu.memref_slice %arg4[%add3A_969, %dma_start3A_975] : memref<3276800x128xf32, #tpu.memory_space<hbm>> -> memref<256x128xf32, #tpu.memory_space<hbm>>
    %dma_start3A_977 = arith.constant 0 : i32
    %dma_start3A_978 = tpu.memref_slice %arg4[%add3A_969, %dma_start3A_977] : memref<3276800x128xf32, #tpu.memory_space<hbm>> -> memref<256x128xf32, #tpu.memory_space<hbm>>
    %dma_start3A_979 = arith.constant 0 : i32
    %dma_start3A_980 = arith.constant 0 : i32
    %dma_start3A_981 = tpu.memref_slice %arg6[%dma_start3A_970, %dma_start3A_979, %dma_start3A_980] : memref<3x256x128xf32, #tpu.memory_space<vmem>> -> memref<1x256x128xf32, #tpu.memory_space<vmem>>
    %dma_start3A_982 = tpu.memref_squeeze %dma_start3A_981 : memref<1x256x128xf32, #tpu.memory_space<vmem>> -> memref<256x128xf32, #tpu.memory_space<vmem>>
    tpu.enqueue_dma source(%dma_start3A_982 : memref<256x128xf32, #tpu.memory_space<vmem>>) target(%dma_start3A_978 : memref<256x128xf32, #tpu.memory_space<hbm>>) target_semaphore(%arg13 : memref<!tpu.dma_semaphore, #tpu.memory_space<semaphore_mem>>)
    %add3A_983 = arith.constant 100352 : i32
    %add3A_984 = arith.addi %mul3A_2, %add3A_983 : i32
    %dma_wait3A_985 = arith.constant 2 : i32
    %dma_wait3A_986 = arith.constant 0 : i32
    %dma_wait3A_987 = arith.constant 0 : i32
    %dma_wait3A_988 = tpu.memref_slice %arg6[%dma_wait3A_985, %dma_wait3A_986, %dma_wait3A_987] : memref<3x256x128xf32, #tpu.memory_space<vmem>> -> memref<1x256x128xf32, #tpu.memory_space<vmem>>
    %dma_wait3A_989 = tpu.memref_squeeze %dma_wait3A_988 : memref<1x256x128xf32, #tpu.memory_space<vmem>> -> memref<256x128xf32, #tpu.memory_space<vmem>>
    %dma_wait3A_990 = arith.constant 0 : i32
    %dma_wait3A_991 = tpu.memref_slice %arg4[%add3A_984, %dma_wait3A_990] : memref<3276800x128xf32, #tpu.memory_space<hbm>> -> memref<256x128xf32, #tpu.memory_space<hbm>>
    %dma_wait3A_992 = arith.constant 0 : i32
    %dma_wait3A_993 = tpu.memref_slice %arg4[%add3A_984, %dma_wait3A_992] : memref<3276800x128xf32, #tpu.memory_space<hbm>> -> memref<256x128xf32, #tpu.memory_space<hbm>>
    %dma_wait3A_994 = arith.constant 0 : i32
    %dma_wait3A_995 = arith.constant 0 : i32
    %dma_wait3A_996 = tpu.memref_slice %arg6[%dma_wait3A_985, %dma_wait3A_994, %dma_wait3A_995] : memref<3x256x128xf32, #tpu.memory_space<vmem>> -> memref<1x256x128xf32, #tpu.memory_space<vmem>>
    %dma_wait3A_997 = tpu.memref_squeeze %dma_wait3A_996 : memref<1x256x128xf32, #tpu.memory_space<vmem>> -> memref<256x128xf32, #tpu.memory_space<vmem>>
    tpu.wait_dma2 semaphore(%arg15 : memref<!tpu.dma_semaphore, #tpu.memory_space<semaphore_mem>>) src(%dma_wait3A_997 : memref<256x128xf32, #tpu.memory_space<vmem>>) dst(%dma_wait3A_993 : memref<256x128xf32, #tpu.memory_space<hbm>>)
    %add3A_998 = arith.constant 101120 : i32
    %add3A_999 = arith.addi %mul3A_2, %add3A_998 : i32
    %add3A_1000 = arith.constant 0 : i32
    %add3A_1001 = arith.addi %add3A_999, %add3A_1000 : i32
    %dma_wait3A_1002 = arith.constant 2 : i32
    %dma_wait3A_1003 = arith.constant 0 : i32
    %dma_wait3A_1004 = arith.constant 0 : i32
    %dma_wait3A_1005 = arith.constant 0 : i32
    %dma_wait3A_1006 = tpu.memref_slice %arg5[%dma_wait3A_1002, %dma_wait3A_1004, %dma_wait3A_1005] : memref<3x2x128xi32, #tpu.memory_space<vmem>> -> memref<1x2x128xi32, #tpu.memory_space<vmem>>
    %dma_wait3A_1007 = tpu.memref_squeeze %dma_wait3A_1006 : memref<1x2x128xi32, #tpu.memory_space<vmem>> -> memref<2x128xi32, #tpu.memory_space<vmem>>
    %dma_wait3A_1008 = arith.constant 0 : i32
    %dma_wait3A_1009 = tpu.memref_slice %dma_wait3A_1007[%dma_wait3A_1003, %dma_wait3A_1008] : memref<2x128xi32, #tpu.memory_space<vmem>> -> memref<1x128xi32, #tpu.memory_space<vmem>>
    %dma_wait3A_1010 = tpu.memref_squeeze %dma_wait3A_1009 : memref<1x128xi32, #tpu.memory_space<vmem>> -> memref<128xi32, #tpu.memory_space<vmem>>
    %dma_wait3A_1011 = tpu.memref_slice %arg2[%add3A_1001] : memref<3276800xi32, #tpu.memory_space<hbm>> -> memref<128xi32, #tpu.memory_space<hbm>>
    %dma_wait3A_1012 = arith.constant 0 : i32
    %dma_wait3A_1013 = arith.constant 0 : i32
    %dma_wait3A_1014 = tpu.memref_slice %arg5[%dma_wait3A_1002, %dma_wait3A_1012, %dma_wait3A_1013] : memref<3x2x128xi32, #tpu.memory_space<vmem>> -> memref<1x2x128xi32, #tpu.memory_space<vmem>>
    %dma_wait3A_1015 = tpu.memref_squeeze %dma_wait3A_1014 : memref<1x2x128xi32, #tpu.memory_space<vmem>> -> memref<2x128xi32, #tpu.memory_space<vmem>>
    %dma_wait3A_1016 = arith.constant 0 : i32
    %dma_wait3A_1017 = tpu.memref_slice %dma_wait3A_1015[%dma_wait3A_1003, %dma_wait3A_1016] : memref<2x128xi32, #tpu.memory_space<vmem>> -> memref<1x128xi32, #tpu.memory_space<vmem>>
    %dma_wait3A_1018 = tpu.memref_squeeze %dma_wait3A_1017 : memref<1x128xi32, #tpu.memory_space<vmem>> -> memref<128xi32, #tpu.memory_space<vmem>>
    %dma_wait3A_1019 = tpu.memref_slice %arg2[%add3A_1001] : memref<3276800xi32, #tpu.memory_space<hbm>> -> memref<128xi32, #tpu.memory_space<hbm>>
    tpu.wait_dma2 semaphore(%arg9 : memref<!tpu.dma_semaphore, #tpu.memory_space<semaphore_mem>>) src(%dma_wait3A_1019 : memref<128xi32, #tpu.memory_space<hbm>>) dst(%dma_wait3A_1018 : memref<128xi32, #tpu.memory_space<vmem>>)
    %add3A_1020 = arith.constant 101120 : i32
    %add3A_1021 = arith.addi %mul3A_2, %add3A_1020 : i32
    %add3A_1022 = arith.constant 128 : i32
    %add3A_1023 = arith.addi %add3A_1021, %add3A_1022 : i32
    %dma_wait3A_1024 = arith.constant 2 : i32
    %dma_wait3A_1025 = arith.constant 1 : i32
    %dma_wait3A_1026 = arith.constant 0 : i32
    %dma_wait3A_1027 = arith.constant 0 : i32
    %dma_wait3A_1028 = tpu.memref_slice %arg5[%dma_wait3A_1024, %dma_wait3A_1026, %dma_wait3A_1027] : memref<3x2x128xi32, #tpu.memory_space<vmem>> -> memref<1x2x128xi32, #tpu.memory_space<vmem>>
    %dma_wait3A_1029 = tpu.memref_squeeze %dma_wait3A_1028 : memref<1x2x128xi32, #tpu.memory_space<vmem>> -> memref<2x128xi32, #tpu.memory_space<vmem>>
    %dma_wait3A_1030 = arith.constant 0 : i32
    %dma_wait3A_1031 = tpu.memref_slice %dma_wait3A_1029[%dma_wait3A_1025, %dma_wait3A_1030] : memref<2x128xi32, #tpu.memory_space<vmem>> -> memref<1x128xi32, #tpu.memory_space<vmem>>
    %dma_wait3A_1032 = tpu.memref_squeeze %dma_wait3A_1031 : memref<1x128xi32, #tpu.memory_space<vmem>> -> memref<128xi32, #tpu.memory_space<vmem>>
    %dma_wait3A_1033 = tpu.memref_slice %arg2[%add3A_1023] : memref<3276800xi32, #tpu.memory_space<hbm>> -> memref<128xi32, #tpu.memory_space<hbm>>
    %dma_wait3A_1034 = arith.constant 0 : i32
    %dma_wait3A_1035 = arith.constant 0 : i32
    %dma_wait3A_1036 = tpu.memref_slice %arg5[%dma_wait3A_1024, %dma_wait3A_1034, %dma_wait3A_1035] : memref<3x2x128xi32, #tpu.memory_space<vmem>> -> memref<1x2x128xi32, #tpu.memory_space<vmem>>
    %dma_wait3A_1037 = tpu.memref_squeeze %dma_wait3A_1036 : memref<1x2x128xi32, #tpu.memory_space<vmem>> -> memref<2x128xi32, #tpu.memory_space<vmem>>
    %dma_wait3A_1038 = arith.constant 0 : i32
    %dma_wait3A_1039 = tpu.memref_slice %dma_wait3A_1037[%dma_wait3A_1025, %dma_wait3A_1038] : memref<2x128xi32, #tpu.memory_space<vmem>> -> memref<1x128xi32, #tpu.memory_space<vmem>>
    %dma_wait3A_1040 = tpu.memref_squeeze %dma_wait3A_1039 : memref<1x128xi32, #tpu.memory_space<vmem>> -> memref<128xi32, #tpu.memory_space<vmem>>
    %dma_wait3A_1041 = tpu.memref_slice %arg2[%add3A_1023] : memref<3276800xi32, #tpu.memory_space<hbm>> -> memref<128xi32, #tpu.memory_space<hbm>>
    tpu.wait_dma2 semaphore(%arg9 : memref<!tpu.dma_semaphore, #tpu.memory_space<semaphore_mem>>) src(%dma_wait3A_1041 : memref<128xi32, #tpu.memory_space<hbm>>) dst(%dma_wait3A_1040 : memref<128xi32, #tpu.memory_space<vmem>>)
    %dma_start3A_1042 = arith.constant 2 : i32
    %dma_start3A_1043 = arith.constant 0 : i32
    %dma_start3A_1044 = arith.constant 2 : i32
    %dma_start3A_1045 = arith.constant 0 : i32
    %dma_start3A_1046 = arith.constant 0 : i32
    %dma_start3A_1047 = tpu.memref_slice %arg6[%dma_start3A_1044, %dma_start3A_1045, %dma_start3A_1046] : memref<3x256x128xf32, #tpu.memory_space<vmem>> -> memref<1x256x128xf32, #tpu.memory_space<vmem>>
    %dma_start3A_1048 = tpu.memref_squeeze %dma_start3A_1047 : memref<1x256x128xf32, #tpu.memory_space<vmem>> -> memref<256x128xf32, #tpu.memory_space<vmem>>
    %dma_start3A_1049 = arith.constant 0 : i32
    %dma_start3A_1050 = arith.constant 0 : i32
    %dma_start3A_1051 = tpu.memref_slice %dma_start3A_1048[%dma_start3A_1049, %dma_start3A_1050] : memref<256x128xf32, #tpu.memory_space<vmem>> -> memref<128x128xf32, #tpu.memory_space<vmem>>
    %dma_start3A_1052 = arith.constant 0 : i32
    %dma_start3A_1053 = arith.constant 0 : i32
    %dma_start3A_1054 = tpu.memref_slice %arg5[%dma_start3A_1042, %dma_start3A_1052, %dma_start3A_1053] : memref<3x2x128xi32, #tpu.memory_space<vmem>> -> memref<1x2x128xi32, #tpu.memory_space<vmem>>
    %dma_start3A_1055 = tpu.memref_squeeze %dma_start3A_1054 : memref<1x2x128xi32, #tpu.memory_space<vmem>> -> memref<2x128xi32, #tpu.memory_space<vmem>>
    %dma_start3A_1056 = arith.constant 0 : i32
    %dma_start3A_1057 = tpu.memref_slice %dma_start3A_1055[%dma_start3A_1043, %dma_start3A_1056] : memref<2x128xi32, #tpu.memory_space<vmem>> -> memref<1x128xi32, #tpu.memory_space<vmem>>
    %dma_start3A_1058 = tpu.memref_squeeze %dma_start3A_1057 : memref<1x128xi32, #tpu.memory_space<vmem>> -> memref<128xi32, #tpu.memory_space<vmem>>
    %dma_start3A_1059 = arith.constant 0 : i32
    %dma_start3A_1060 = arith.constant 0 : i32
    %dma_start3A_1061 = tpu.memref_slice %arg3[%dma_start3A_1059, %dma_start3A_1060] : memref<50000x128xf32, #tpu.memory_space<hbm>> -> memref<50000x128xf32, #tpu.memory_space<hbm>>
    tpu.enqueue_indirect_dma source(%dma_start3A_1061 : memref<50000x128xf32, #tpu.memory_space<hbm>>) target(%dma_start3A_1051 : memref<128x128xf32, #tpu.memory_space<vmem>>) offsets(%dma_start3A_1058 : memref<128xi32, #tpu.memory_space<vmem>>) semaphore(%arg12 : memref<!tpu.dma_semaphore, #tpu.memory_space<semaphore_mem>>)
    %dma_start3A_1062 = arith.constant 2 : i32
    %dma_start3A_1063 = arith.constant 1 : i32
    %dma_start3A_1064 = arith.constant 2 : i32
    %dma_start3A_1065 = arith.constant 0 : i32
    %dma_start3A_1066 = arith.constant 0 : i32
    %dma_start3A_1067 = tpu.memref_slice %arg6[%dma_start3A_1064, %dma_start3A_1065, %dma_start3A_1066] : memref<3x256x128xf32, #tpu.memory_space<vmem>> -> memref<1x256x128xf32, #tpu.memory_space<vmem>>
    %dma_start3A_1068 = tpu.memref_squeeze %dma_start3A_1067 : memref<1x256x128xf32, #tpu.memory_space<vmem>> -> memref<256x128xf32, #tpu.memory_space<vmem>>
    %dma_start3A_1069 = arith.constant 128 : i32
    %dma_start3A_1070 = arith.constant 0 : i32
    %dma_start3A_1071 = tpu.memref_slice %dma_start3A_1068[%dma_start3A_1069, %dma_start3A_1070] : memref<256x128xf32, #tpu.memory_space<vmem>> -> memref<128x128xf32, #tpu.memory_space<vmem>>
    %dma_start3A_1072 = arith.constant 0 : i32
    %dma_start3A_1073 = arith.constant 0 : i32
    %dma_start3A_1074 = tpu.memref_slice %arg5[%dma_start3A_1062, %dma_start3A_1072, %dma_start3A_1073] : memref<3x2x128xi32, #tpu.memory_space<vmem>> -> memref<1x2x128xi32, #tpu.memory_space<vmem>>
    %dma_start3A_1075 = tpu.memref_squeeze %dma_start3A_1074 : memref<1x2x128xi32, #tpu.memory_space<vmem>> -> memref<2x128xi32, #tpu.memory_space<vmem>>
    %dma_start3A_1076 = arith.constant 0 : i32
    %dma_start3A_1077 = tpu.memref_slice %dma_start3A_1075[%dma_start3A_1063, %dma_start3A_1076] : memref<2x128xi32, #tpu.memory_space<vmem>> -> memref<1x128xi32, #tpu.memory_space<vmem>>
    %dma_start3A_1078 = tpu.memref_squeeze %dma_start3A_1077 : memref<1x128xi32, #tpu.memory_space<vmem>> -> memref<128xi32, #tpu.memory_space<vmem>>
    %dma_start3A_1079 = arith.constant 0 : i32
    %dma_start3A_1080 = arith.constant 0 : i32
    %dma_start3A_1081 = tpu.memref_slice %arg3[%dma_start3A_1079, %dma_start3A_1080] : memref<50000x128xf32, #tpu.memory_space<hbm>> -> memref<50000x128xf32, #tpu.memory_space<hbm>>
    tpu.enqueue_indirect_dma source(%dma_start3A_1081 : memref<50000x128xf32, #tpu.memory_space<hbm>>) target(%dma_start3A_1071 : memref<128x128xf32, #tpu.memory_space<vmem>>) offsets(%dma_start3A_1078 : memref<128xi32, #tpu.memory_space<vmem>>) semaphore(%arg12 : memref<!tpu.dma_semaphore, #tpu.memory_space<semaphore_mem>>)
    %dma_wait3A_1082 = arith.constant 1 : i32
    %dma_wait3A_1083 = arith.constant 0 : i32
    %dma_wait3A_1084 = arith.constant 1 : i32
    %dma_wait3A_1085 = arith.constant 0 : i32
    %dma_wait3A_1086 = arith.constant 0 : i32
    %dma_wait3A_1087 = tpu.memref_slice %arg6[%dma_wait3A_1084, %dma_wait3A_1085, %dma_wait3A_1086] : memref<3x256x128xf32, #tpu.memory_space<vmem>> -> memref<1x256x128xf32, #tpu.memory_space<vmem>>
    %dma_wait3A_1088 = tpu.memref_squeeze %dma_wait3A_1087 : memref<1x256x128xf32, #tpu.memory_space<vmem>> -> memref<256x128xf32, #tpu.memory_space<vmem>>
    %dma_wait3A_1089 = arith.constant 0 : i32
    %dma_wait3A_1090 = arith.constant 0 : i32
    %dma_wait3A_1091 = tpu.memref_slice %dma_wait3A_1088[%dma_wait3A_1089, %dma_wait3A_1090] : memref<256x128xf32, #tpu.memory_space<vmem>> -> memref<128x128xf32, #tpu.memory_space<vmem>>
    %dma_wait3A_1092 = arith.constant 0 : i32
    %dma_wait3A_1093 = arith.constant 0 : i32
    %dma_wait3A_1094 = tpu.memref_slice %arg5[%dma_wait3A_1082, %dma_wait3A_1092, %dma_wait3A_1093] : memref<3x2x128xi32, #tpu.memory_space<vmem>> -> memref<1x2x128xi32, #tpu.memory_space<vmem>>
    %dma_wait3A_1095 = tpu.memref_squeeze %dma_wait3A_1094 : memref<1x2x128xi32, #tpu.memory_space<vmem>> -> memref<2x128xi32, #tpu.memory_space<vmem>>
    %dma_wait3A_1096 = arith.constant 0 : i32
    %dma_wait3A_1097 = tpu.memref_slice %dma_wait3A_1095[%dma_wait3A_1083, %dma_wait3A_1096] : memref<2x128xi32, #tpu.memory_space<vmem>> -> memref<1x128xi32, #tpu.memory_space<vmem>>
    %dma_wait3A_1098 = tpu.memref_squeeze %dma_wait3A_1097 : memref<1x128xi32, #tpu.memory_space<vmem>> -> memref<128xi32, #tpu.memory_space<vmem>>
    %dma_wait3A_1099 = arith.constant 0 : i32
    %dma_wait3A_1100 = arith.constant 0 : i32
    %dma_wait3A_1101 = tpu.memref_slice %arg3[%dma_wait3A_1099, %dma_wait3A_1100] : memref<50000x128xf32, #tpu.memory_space<hbm>> -> memref<50000x128xf32, #tpu.memory_space<hbm>>
    tpu.wait_indirect_dma semaphore(%arg11 : memref<!tpu.dma_semaphore, #tpu.memory_space<semaphore_mem>>) src(%dma_wait3A_1101 : memref<50000x128xf32, #tpu.memory_space<hbm>>) dst(%dma_wait3A_1091 : memref<128x128xf32, #tpu.memory_space<vmem>>)
    %dma_wait3A_1102 = arith.constant 1 : i32
    %dma_wait3A_1103 = arith.constant 1 : i32
    %dma_wait3A_1104 = arith.constant 1 : i32
    %dma_wait3A_1105 = arith.constant 0 : i32
    %dma_wait3A_1106 = arith.constant 0 : i32
    %dma_wait3A_1107 = tpu.memref_slice %arg6[%dma_wait3A_1104, %dma_wait3A_1105, %dma_wait3A_1106] : memref<3x256x128xf32, #tpu.memory_space<vmem>> -> memref<1x256x128xf32, #tpu.memory_space<vmem>>
    %dma_wait3A_1108 = tpu.memref_squeeze %dma_wait3A_1107 : memref<1x256x128xf32, #tpu.memory_space<vmem>> -> memref<256x128xf32, #tpu.memory_space<vmem>>
    %dma_wait3A_1109 = arith.constant 128 : i32
    %dma_wait3A_1110 = arith.constant 0 : i32
    %dma_wait3A_1111 = tpu.memref_slice %dma_wait3A_1108[%dma_wait3A_1109, %dma_wait3A_1110] : memref<256x128xf32, #tpu.memory_space<vmem>> -> memref<128x128xf32, #tpu.memory_space<vmem>>
    %dma_wait3A_1112 = arith.constant 0 : i32
    %dma_wait3A_1113 = arith.constant 0 : i32
    %dma_wait3A_1114 = tpu.memref_slice %arg5[%dma_wait3A_1102, %dma_wait3A_1112, %dma_wait3A_1113] : memref<3x2x128xi32, #tpu.memory_space<vmem>> -> memref<1x2x128xi32, #tpu.memory_space<vmem>>
    %dma_wait3A_1115 = tpu.memref_squeeze %dma_wait3A_1114 : memref<1x2x128xi32, #tpu.memory_space<vmem>> -> memref<2x128xi32, #tpu.memory_space<vmem>>
    %dma_wait3A_1116 = arith.constant 0 : i32
    %dma_wait3A_1117 = tpu.memref_slice %dma_wait3A_1115[%dma_wait3A_1103, %dma_wait3A_1116] : memref<2x128xi32, #tpu.memory_space<vmem>> -> memref<1x128xi32, #tpu.memory_space<vmem>>
    %dma_wait3A_1118 = tpu.memref_squeeze %dma_wait3A_1117 : memref<1x128xi32, #tpu.memory_space<vmem>> -> memref<128xi32, #tpu.memory_space<vmem>>
    %dma_wait3A_1119 = arith.constant 0 : i32
    %dma_wait3A_1120 = arith.constant 0 : i32
    %dma_wait3A_1121 = tpu.memref_slice %arg3[%dma_wait3A_1119, %dma_wait3A_1120] : memref<50000x128xf32, #tpu.memory_space<hbm>> -> memref<50000x128xf32, #tpu.memory_space<hbm>>
    tpu.wait_indirect_dma semaphore(%arg11 : memref<!tpu.dma_semaphore, #tpu.memory_space<semaphore_mem>>) src(%dma_wait3A_1121 : memref<50000x128xf32, #tpu.memory_space<hbm>>) dst(%dma_wait3A_1111 : memref<128x128xf32, #tpu.memory_space<vmem>>)
    %add3A_1122 = arith.constant 101632 : i32
    %add3A_1123 = arith.addi %mul3A_2, %add3A_1122 : i32
    %add3A_1124 = arith.constant 0 : i32
    %add3A_1125 = arith.addi %add3A_1123, %add3A_1124 : i32
    %dma_start3A_1126 = arith.constant 1 : i32
    %dma_start3A_1127 = arith.constant 0 : i32
    %dma_start3A_1128 = arith.constant 0 : i32
    %dma_start3A_1129 = arith.constant 0 : i32
    %dma_start3A_1130 = tpu.memref_slice %arg5[%dma_start3A_1126, %dma_start3A_1128, %dma_start3A_1129] : memref<3x2x128xi32, #tpu.memory_space<vmem>> -> memref<1x2x128xi32, #tpu.memory_space<vmem>>
    %dma_start3A_1131 = tpu.memref_squeeze %dma_start3A_1130 : memref<1x2x128xi32, #tpu.memory_space<vmem>> -> memref<2x128xi32, #tpu.memory_space<vmem>>
    %dma_start3A_1132 = arith.constant 0 : i32
    %dma_start3A_1133 = tpu.memref_slice %dma_start3A_1131[%dma_start3A_1127, %dma_start3A_1132] : memref<2x128xi32, #tpu.memory_space<vmem>> -> memref<1x128xi32, #tpu.memory_space<vmem>>
    %dma_start3A_1134 = tpu.memref_squeeze %dma_start3A_1133 : memref<1x128xi32, #tpu.memory_space<vmem>> -> memref<128xi32, #tpu.memory_space<vmem>>
    %dma_start3A_1135 = tpu.memref_slice %arg2[%add3A_1125] : memref<3276800xi32, #tpu.memory_space<hbm>> -> memref<128xi32, #tpu.memory_space<hbm>>
    %dma_start3A_1136 = arith.constant 0 : i32
    %dma_start3A_1137 = arith.constant 0 : i32
    %dma_start3A_1138 = tpu.memref_slice %arg5[%dma_start3A_1126, %dma_start3A_1136, %dma_start3A_1137] : memref<3x2x128xi32, #tpu.memory_space<vmem>> -> memref<1x2x128xi32, #tpu.memory_space<vmem>>
    %dma_start3A_1139 = tpu.memref_squeeze %dma_start3A_1138 : memref<1x2x128xi32, #tpu.memory_space<vmem>> -> memref<2x128xi32, #tpu.memory_space<vmem>>
    %dma_start3A_1140 = arith.constant 0 : i32
    %dma_start3A_1141 = tpu.memref_slice %dma_start3A_1139[%dma_start3A_1127, %dma_start3A_1140] : memref<2x128xi32, #tpu.memory_space<vmem>> -> memref<1x128xi32, #tpu.memory_space<vmem>>
    %dma_start3A_1142 = tpu.memref_squeeze %dma_start3A_1141 : memref<1x128xi32, #tpu.memory_space<vmem>> -> memref<128xi32, #tpu.memory_space<vmem>>
    %dma_start3A_1143 = tpu.memref_slice %arg2[%add3A_1125] : memref<3276800xi32, #tpu.memory_space<hbm>> -> memref<128xi32, #tpu.memory_space<hbm>>
    tpu.enqueue_dma source(%dma_start3A_1143 : memref<128xi32, #tpu.memory_space<hbm>>) target(%dma_start3A_1142 : memref<128xi32, #tpu.memory_space<vmem>>) target_semaphore(%arg8 : memref<!tpu.dma_semaphore, #tpu.memory_space<semaphore_mem>>)
    %add3A_1144 = arith.constant 101632 : i32
    %add3A_1145 = arith.addi %mul3A_2, %add3A_1144 : i32
    %add3A_1146 = arith.constant 128 : i32
    %add3A_1147 = arith.addi %add3A_1145, %add3A_1146 : i32
    %dma_start3A_1148 = arith.constant 1 : i32
    %dma_start3A_1149 = arith.constant 1 : i32
    %dma_start3A_1150 = arith.constant 0 : i32
    %dma_start3A_1151 = arith.constant 0 : i32
    %dma_start3A_1152 = tpu.memref_slice %arg5[%dma_start3A_1148, %dma_start3A_1150, %dma_start3A_1151] : memref<3x2x128xi32, #tpu.memory_space<vmem>> -> memref<1x2x128xi32, #tpu.memory_space<vmem>>
    %dma_start3A_1153 = tpu.memref_squeeze %dma_start3A_1152 : memref<1x2x128xi32, #tpu.memory_space<vmem>> -> memref<2x128xi32, #tpu.memory_space<vmem>>
    %dma_start3A_1154 = arith.constant 0 : i32
    %dma_start3A_1155 = tpu.memref_slice %dma_start3A_1153[%dma_start3A_1149, %dma_start3A_1154] : memref<2x128xi32, #tpu.memory_space<vmem>> -> memref<1x128xi32, #tpu.memory_space<vmem>>
    %dma_start3A_1156 = tpu.memref_squeeze %dma_start3A_1155 : memref<1x128xi32, #tpu.memory_space<vmem>> -> memref<128xi32, #tpu.memory_space<vmem>>
    %dma_start3A_1157 = tpu.memref_slice %arg2[%add3A_1147] : memref<3276800xi32, #tpu.memory_space<hbm>> -> memref<128xi32, #tpu.memory_space<hbm>>
    %dma_start3A_1158 = arith.constant 0 : i32
    %dma_start3A_1159 = arith.constant 0 : i32
    %dma_start3A_1160 = tpu.memref_slice %arg5[%dma_start3A_1148, %dma_start3A_1158, %dma_start3A_1159] : memref<3x2x128xi32, #tpu.memory_space<vmem>> -> memref<1x2x128xi32, #tpu.memory_space<vmem>>
    %dma_start3A_1161 = tpu.memref_squeeze %dma_start3A_1160 : memref<1x2x128xi32, #tpu.memory_space<vmem>> -> memref<2x128xi32, #tpu.memory_space<vmem>>
    %dma_start3A_1162 = arith.constant 0 : i32
    %dma_start3A_1163 = tpu.memref_slice %dma_start3A_1161[%dma_start3A_1149, %dma_start3A_1162] : memref<2x128xi32, #tpu.memory_space<vmem>> -> memref<1x128xi32, #tpu.memory_space<vmem>>
    %dma_start3A_1164 = tpu.memref_squeeze %dma_start3A_1163 : memref<1x128xi32, #tpu.memory_space<vmem>> -> memref<128xi32, #tpu.memory_space<vmem>>
    %dma_start3A_1165 = tpu.memref_slice %arg2[%add3A_1147] : memref<3276800xi32, #tpu.memory_space<hbm>> -> memref<128xi32, #tpu.memory_space<hbm>>
    tpu.enqueue_dma source(%dma_start3A_1165 : memref<128xi32, #tpu.memory_space<hbm>>) target(%dma_start3A_1164 : memref<128xi32, #tpu.memory_space<vmem>>) target_semaphore(%arg8 : memref<!tpu.dma_semaphore, #tpu.memory_space<semaphore_mem>>)
    %add3A_1166 = arith.constant 100864 : i32
    %add3A_1167 = arith.addi %mul3A_2, %add3A_1166 : i32
    %dma_start3A_1168 = arith.constant 1 : i32
    %dma_start3A_1169 = arith.constant 0 : i32
    %dma_start3A_1170 = arith.constant 0 : i32
    %dma_start3A_1171 = tpu.memref_slice %arg6[%dma_start3A_1168, %dma_start3A_1169, %dma_start3A_1170] : memref<3x256x128xf32, #tpu.memory_space<vmem>> -> memref<1x256x128xf32, #tpu.memory_space<vmem>>
    %dma_start3A_1172 = tpu.memref_squeeze %dma_start3A_1171 : memref<1x256x128xf32, #tpu.memory_space<vmem>> -> memref<256x128xf32, #tpu.memory_space<vmem>>
    %dma_start3A_1173 = arith.constant 0 : i32
    %dma_start3A_1174 = tpu.memref_slice %arg4[%add3A_1167, %dma_start3A_1173] : memref<3276800x128xf32, #tpu.memory_space<hbm>> -> memref<256x128xf32, #tpu.memory_space<hbm>>
    %dma_start3A_1175 = arith.constant 0 : i32
    %dma_start3A_1176 = tpu.memref_slice %arg4[%add3A_1167, %dma_start3A_1175] : memref<3276800x128xf32, #tpu.memory_space<hbm>> -> memref<256x128xf32, #tpu.memory_space<hbm>>
    %dma_start3A_1177 = arith.constant 0 : i32
    %dma_start3A_1178 = arith.constant 0 : i32
    %dma_start3A_1179 = tpu.memref_slice %arg6[%dma_start3A_1168, %dma_start3A_1177, %dma_start3A_1178] : memref<3x256x128xf32, #tpu.memory_space<vmem>> -> memref<1x256x128xf32, #tpu.memory_space<vmem>>
    %dma_start3A_1180 = tpu.memref_squeeze %dma_start3A_1179 : memref<1x256x128xf32, #tpu.memory_space<vmem>> -> memref<256x128xf32, #tpu.memory_space<vmem>>
    tpu.enqueue_dma source(%dma_start3A_1180 : memref<256x128xf32, #tpu.memory_space<vmem>>) target(%dma_start3A_1176 : memref<256x128xf32, #tpu.memory_space<hbm>>) target_semaphore(%arg14 : memref<!tpu.dma_semaphore, #tpu.memory_space<semaphore_mem>>)
    %add3A_1181 = arith.constant 100608 : i32
    %add3A_1182 = arith.addi %mul3A_2, %add3A_1181 : i32
    %dma_wait3A_1183 = arith.constant 0 : i32
    %dma_wait3A_1184 = arith.constant 0 : i32
    %dma_wait3A_1185 = arith.constant 0 : i32
    %dma_wait3A_1186 = tpu.memref_slice %arg6[%dma_wait3A_1183, %dma_wait3A_1184, %dma_wait3A_1185] : memref<3x256x128xf32, #tpu.memory_space<vmem>> -> memref<1x256x128xf32, #tpu.memory_space<vmem>>
    %dma_wait3A_1187 = tpu.memref_squeeze %dma_wait3A_1186 : memref<1x256x128xf32, #tpu.memory_space<vmem>> -> memref<256x128xf32, #tpu.memory_space<vmem>>
    %dma_wait3A_1188 = arith.constant 0 : i32
    %dma_wait3A_1189 = tpu.memref_slice %arg4[%add3A_1182, %dma_wait3A_1188] : memref<3276800x128xf32, #tpu.memory_space<hbm>> -> memref<256x128xf32, #tpu.memory_space<hbm>>
    %dma_wait3A_1190 = arith.constant 0 : i32
    %dma_wait3A_1191 = tpu.memref_slice %arg4[%add3A_1182, %dma_wait3A_1190] : memref<3276800x128xf32, #tpu.memory_space<hbm>> -> memref<256x128xf32, #tpu.memory_space<hbm>>
    %dma_wait3A_1192 = arith.constant 0 : i32
    %dma_wait3A_1193 = arith.constant 0 : i32
    %dma_wait3A_1194 = tpu.memref_slice %arg6[%dma_wait3A_1183, %dma_wait3A_1192, %dma_wait3A_1193] : memref<3x256x128xf32, #tpu.memory_space<vmem>> -> memref<1x256x128xf32, #tpu.memory_space<vmem>>
    %dma_wait3A_1195 = tpu.memref_squeeze %dma_wait3A_1194 : memref<1x256x128xf32, #tpu.memory_space<vmem>> -> memref<256x128xf32, #tpu.memory_space<vmem>>
    tpu.wait_dma2 semaphore(%arg13 : memref<!tpu.dma_semaphore, #tpu.memory_space<semaphore_mem>>) src(%dma_wait3A_1195 : memref<256x128xf32, #tpu.memory_space<vmem>>) dst(%dma_wait3A_1191 : memref<256x128xf32, #tpu.memory_space<hbm>>)
    %add3A_1196 = arith.constant 101376 : i32
    %add3A_1197 = arith.addi %mul3A_2, %add3A_1196 : i32
    %add3A_1198 = arith.constant 0 : i32
    %add3A_1199 = arith.addi %add3A_1197, %add3A_1198 : i32
    %dma_wait3A_1200 = arith.constant 0 : i32
    %dma_wait3A_1201 = arith.constant 0 : i32
    %dma_wait3A_1202 = arith.constant 0 : i32
    %dma_wait3A_1203 = arith.constant 0 : i32
    %dma_wait3A_1204 = tpu.memref_slice %arg5[%dma_wait3A_1200, %dma_wait3A_1202, %dma_wait3A_1203] : memref<3x2x128xi32, #tpu.memory_space<vmem>> -> memref<1x2x128xi32, #tpu.memory_space<vmem>>
    %dma_wait3A_1205 = tpu.memref_squeeze %dma_wait3A_1204 : memref<1x2x128xi32, #tpu.memory_space<vmem>> -> memref<2x128xi32, #tpu.memory_space<vmem>>
    %dma_wait3A_1206 = arith.constant 0 : i32
    %dma_wait3A_1207 = tpu.memref_slice %dma_wait3A_1205[%dma_wait3A_1201, %dma_wait3A_1206] : memref<2x128xi32, #tpu.memory_space<vmem>> -> memref<1x128xi32, #tpu.memory_space<vmem>>
    %dma_wait3A_1208 = tpu.memref_squeeze %dma_wait3A_1207 : memref<1x128xi32, #tpu.memory_space<vmem>> -> memref<128xi32, #tpu.memory_space<vmem>>
    %dma_wait3A_1209 = tpu.memref_slice %arg2[%add3A_1199] : memref<3276800xi32, #tpu.memory_space<hbm>> -> memref<128xi32, #tpu.memory_space<hbm>>
    %dma_wait3A_1210 = arith.constant 0 : i32
    %dma_wait3A_1211 = arith.constant 0 : i32
    %dma_wait3A_1212 = tpu.memref_slice %arg5[%dma_wait3A_1200, %dma_wait3A_1210, %dma_wait3A_1211] : memref<3x2x128xi32, #tpu.memory_space<vmem>> -> memref<1x2x128xi32, #tpu.memory_space<vmem>>
    %dma_wait3A_1213 = tpu.memref_squeeze %dma_wait3A_1212 : memref<1x2x128xi32, #tpu.memory_space<vmem>> -> memref<2x128xi32, #tpu.memory_space<vmem>>
    %dma_wait3A_1214 = arith.constant 0 : i32
    %dma_wait3A_1215 = tpu.memref_slice %dma_wait3A_1213[%dma_wait3A_1201, %dma_wait3A_1214] : memref<2x128xi32, #tpu.memory_space<vmem>> -> memref<1x128xi32, #tpu.memory_space<vmem>>
    %dma_wait3A_1216 = tpu.memref_squeeze %dma_wait3A_1215 : memref<1x128xi32, #tpu.memory_space<vmem>> -> memref<128xi32, #tpu.memory_space<vmem>>
    %dma_wait3A_1217 = tpu.memref_slice %arg2[%add3A_1199] : memref<3276800xi32, #tpu.memory_space<hbm>> -> memref<128xi32, #tpu.memory_space<hbm>>
    tpu.wait_dma2 semaphore(%arg7 : memref<!tpu.dma_semaphore, #tpu.memory_space<semaphore_mem>>) src(%dma_wait3A_1217 : memref<128xi32, #tpu.memory_space<hbm>>) dst(%dma_wait3A_1216 : memref<128xi32, #tpu.memory_space<vmem>>)
    %add3A_1218 = arith.constant 101376 : i32
    %add3A_1219 = arith.addi %mul3A_2, %add3A_1218 : i32
    %add3A_1220 = arith.constant 128 : i32
    %add3A_1221 = arith.addi %add3A_1219, %add3A_1220 : i32
    %dma_wait3A_1222 = arith.constant 0 : i32
    %dma_wait3A_1223 = arith.constant 1 : i32
    %dma_wait3A_1224 = arith.constant 0 : i32
    %dma_wait3A_1225 = arith.constant 0 : i32
    %dma_wait3A_1226 = tpu.memref_slice %arg5[%dma_wait3A_1222, %dma_wait3A_1224, %dma_wait3A_1225] : memref<3x2x128xi32, #tpu.memory_space<vmem>> -> memref<1x2x128xi32, #tpu.memory_space<vmem>>
    %dma_wait3A_1227 = tpu.memref_squeeze %dma_wait3A_1226 : memref<1x2x128xi32, #tpu.memory_space<vmem>> -> memref<2x128xi32, #tpu.memory_space<vmem>>
    %dma_wait3A_1228 = arith.constant 0 : i32
    %dma_wait3A_1229 = tpu.memref_slice %dma_wait3A_1227[%dma_wait3A_1223, %dma_wait3A_1228] : memref<2x128xi32, #tpu.memory_space<vmem>> -> memref<1x128xi32, #tpu.memory_space<vmem>>
    %dma_wait3A_1230 = tpu.memref_squeeze %dma_wait3A_1229 : memref<1x128xi32, #tpu.memory_space<vmem>> -> memref<128xi32, #tpu.memory_space<vmem>>
    %dma_wait3A_1231 = tpu.memref_slice %arg2[%add3A_1221] : memref<3276800xi32, #tpu.memory_space<hbm>> -> memref<128xi32, #tpu.memory_space<hbm>>
    %dma_wait3A_1232 = arith.constant 0 : i32
    %dma_wait3A_1233 = arith.constant 0 : i32
    %dma_wait3A_1234 = tpu.memref_slice %arg5[%dma_wait3A_1222, %dma_wait3A_1232, %dma_wait3A_1233] : memref<3x2x128xi32, #tpu.memory_space<vmem>> -> memref<1x2x128xi32, #tpu.memory_space<vmem>>
    %dma_wait3A_1235 = tpu.memref_squeeze %dma_wait3A_1234 : memref<1x2x128xi32, #tpu.memory_space<vmem>> -> memref<2x128xi32, #tpu.memory_space<vmem>>
    %dma_wait3A_1236 = arith.constant 0 : i32
    %dma_wait3A_1237 = tpu.memref_slice %dma_wait3A_1235[%dma_wait3A_1223, %dma_wait3A_1236] : memref<2x128xi32, #tpu.memory_space<vmem>> -> memref<1x128xi32, #tpu.memory_space<vmem>>
    %dma_wait3A_1238 = tpu.memref_squeeze %dma_wait3A_1237 : memref<1x128xi32, #tpu.memory_space<vmem>> -> memref<128xi32, #tpu.memory_space<vmem>>
    %dma_wait3A_1239 = tpu.memref_slice %arg2[%add3A_1221] : memref<3276800xi32, #tpu.memory_space<hbm>> -> memref<128xi32, #tpu.memory_space<hbm>>
    tpu.wait_dma2 semaphore(%arg7 : memref<!tpu.dma_semaphore, #tpu.memory_space<semaphore_mem>>) src(%dma_wait3A_1239 : memref<128xi32, #tpu.memory_space<hbm>>) dst(%dma_wait3A_1238 : memref<128xi32, #tpu.memory_space<vmem>>)
    %dma_start3A_1240 = arith.constant 0 : i32
    %dma_start3A_1241 = arith.constant 0 : i32
    %dma_start3A_1242 = arith.constant 0 : i32
    %dma_start3A_1243 = arith.constant 0 : i32
    %dma_start3A_1244 = arith.constant 0 : i32
    %dma_start3A_1245 = tpu.memref_slice %arg6[%dma_start3A_1242, %dma_start3A_1243, %dma_start3A_1244] : memref<3x256x128xf32, #tpu.memory_space<vmem>> -> memref<1x256x128xf32, #tpu.memory_space<vmem>>
    %dma_start3A_1246 = tpu.memref_squeeze %dma_start3A_1245 : memref<1x256x128xf32, #tpu.memory_space<vmem>> -> memref<256x128xf32, #tpu.memory_space<vmem>>
    %dma_start3A_1247 = arith.constant 0 : i32
    %dma_start3A_1248 = arith.constant 0 : i32
    %dma_start3A_1249 = tpu.memref_slice %dma_start3A_1246[%dma_start3A_1247, %dma_start3A_1248] : memref<256x128xf32, #tpu.memory_space<vmem>> -> memref<128x128xf32, #tpu.memory_space<vmem>>
    %dma_start3A_1250 = arith.constant 0 : i32
    %dma_start3A_1251 = arith.constant 0 : i32
    %dma_start3A_1252 = tpu.memref_slice %arg5[%dma_start3A_1240, %dma_start3A_1250, %dma_start3A_1251] : memref<3x2x128xi32, #tpu.memory_space<vmem>> -> memref<1x2x128xi32, #tpu.memory_space<vmem>>
    %dma_start3A_1253 = tpu.memref_squeeze %dma_start3A_1252 : memref<1x2x128xi32, #tpu.memory_space<vmem>> -> memref<2x128xi32, #tpu.memory_space<vmem>>
    %dma_start3A_1254 = arith.constant 0 : i32
    %dma_start3A_1255 = tpu.memref_slice %dma_start3A_1253[%dma_start3A_1241, %dma_start3A_1254] : memref<2x128xi32, #tpu.memory_space<vmem>> -> memref<1x128xi32, #tpu.memory_space<vmem>>
    %dma_start3A_1256 = tpu.memref_squeeze %dma_start3A_1255 : memref<1x128xi32, #tpu.memory_space<vmem>> -> memref<128xi32, #tpu.memory_space<vmem>>
    %dma_start3A_1257 = arith.constant 0 : i32
    %dma_start3A_1258 = arith.constant 0 : i32
    %dma_start3A_1259 = tpu.memref_slice %arg3[%dma_start3A_1257, %dma_start3A_1258] : memref<50000x128xf32, #tpu.memory_space<hbm>> -> memref<50000x128xf32, #tpu.memory_space<hbm>>
    tpu.enqueue_indirect_dma source(%dma_start3A_1259 : memref<50000x128xf32, #tpu.memory_space<hbm>>) target(%dma_start3A_1249 : memref<128x128xf32, #tpu.memory_space<vmem>>) offsets(%dma_start3A_1256 : memref<128xi32, #tpu.memory_space<vmem>>) semaphore(%arg10 : memref<!tpu.dma_semaphore, #tpu.memory_space<semaphore_mem>>)
    %dma_start3A_1260 = arith.constant 0 : i32
    %dma_start3A_1261 = arith.constant 1 : i32
    %dma_start3A_1262 = arith.constant 0 : i32
    %dma_start3A_1263 = arith.constant 0 : i32
    %dma_start3A_1264 = arith.constant 0 : i32
    %dma_start3A_1265 = tpu.memref_slice %arg6[%dma_start3A_1262, %dma_start3A_1263, %dma_start3A_1264] : memref<3x256x128xf32, #tpu.memory_space<vmem>> -> memref<1x256x128xf32, #tpu.memory_space<vmem>>
    %dma_start3A_1266 = tpu.memref_squeeze %dma_start3A_1265 : memref<1x256x128xf32, #tpu.memory_space<vmem>> -> memref<256x128xf32, #tpu.memory_space<vmem>>
    %dma_start3A_1267 = arith.constant 128 : i32
    %dma_start3A_1268 = arith.constant 0 : i32
    %dma_start3A_1269 = tpu.memref_slice %dma_start3A_1266[%dma_start3A_1267, %dma_start3A_1268] : memref<256x128xf32, #tpu.memory_space<vmem>> -> memref<128x128xf32, #tpu.memory_space<vmem>>
    %dma_start3A_1270 = arith.constant 0 : i32
    %dma_start3A_1271 = arith.constant 0 : i32
    %dma_start3A_1272 = tpu.memref_slice %arg5[%dma_start3A_1260, %dma_start3A_1270, %dma_start3A_1271] : memref<3x2x128xi32, #tpu.memory_space<vmem>> -> memref<1x2x128xi32, #tpu.memory_space<vmem>>
    %dma_start3A_1273 = tpu.memref_squeeze %dma_start3A_1272 : memref<1x2x128xi32, #tpu.memory_space<vmem>> -> memref<2x128xi32, #tpu.memory_space<vmem>>
    %dma_start3A_1274 = arith.constant 0 : i32
    %dma_start3A_1275 = tpu.memref_slice %dma_start3A_1273[%dma_start3A_1261, %dma_start3A_1274] : memref<2x128xi32, #tpu.memory_space<vmem>> -> memref<1x128xi32, #tpu.memory_space<vmem>>
    %dma_start3A_1276 = tpu.memref_squeeze %dma_start3A_1275 : memref<1x128xi32, #tpu.memory_space<vmem>> -> memref<128xi32, #tpu.memory_space<vmem>>
    %dma_start3A_1277 = arith.constant 0 : i32
    %dma_start3A_1278 = arith.constant 0 : i32
    %dma_start3A_1279 = tpu.memref_slice %arg3[%dma_start3A_1277, %dma_start3A_1278] : memref<50000x128xf32, #tpu.memory_space<hbm>> -> memref<50000x128xf32, #tpu.memory_space<hbm>>
    tpu.enqueue_indirect_dma source(%dma_start3A_1279 : memref<50000x128xf32, #tpu.memory_space<hbm>>) target(%dma_start3A_1269 : memref<128x128xf32, #tpu.memory_space<vmem>>) offsets(%dma_start3A_1276 : memref<128xi32, #tpu.memory_space<vmem>>) semaphore(%arg10 : memref<!tpu.dma_semaphore, #tpu.memory_space<semaphore_mem>>)
    %dma_wait3A_1280 = arith.constant 2 : i32
    %dma_wait3A_1281 = arith.constant 0 : i32
    %dma_wait3A_1282 = arith.constant 2 : i32
    %dma_wait3A_1283 = arith.constant 0 : i32
    %dma_wait3A_1284 = arith.constant 0 : i32
    %dma_wait3A_1285 = tpu.memref_slice %arg6[%dma_wait3A_1282, %dma_wait3A_1283, %dma_wait3A_1284] : memref<3x256x128xf32, #tpu.memory_space<vmem>> -> memref<1x256x128xf32, #tpu.memory_space<vmem>>
    %dma_wait3A_1286 = tpu.memref_squeeze %dma_wait3A_1285 : memref<1x256x128xf32, #tpu.memory_space<vmem>> -> memref<256x128xf32, #tpu.memory_space<vmem>>
    %dma_wait3A_1287 = arith.constant 0 : i32
    %dma_wait3A_1288 = arith.constant 0 : i32
    %dma_wait3A_1289 = tpu.memref_slice %dma_wait3A_1286[%dma_wait3A_1287, %dma_wait3A_1288] : memref<256x128xf32, #tpu.memory_space<vmem>> -> memref<128x128xf32, #tpu.memory_space<vmem>>
    %dma_wait3A_1290 = arith.constant 0 : i32
    %dma_wait3A_1291 = arith.constant 0 : i32
    %dma_wait3A_1292 = tpu.memref_slice %arg5[%dma_wait3A_1280, %dma_wait3A_1290, %dma_wait3A_1291] : memref<3x2x128xi32, #tpu.memory_space<vmem>> -> memref<1x2x128xi32, #tpu.memory_space<vmem>>
    %dma_wait3A_1293 = tpu.memref_squeeze %dma_wait3A_1292 : memref<1x2x128xi32, #tpu.memory_space<vmem>> -> memref<2x128xi32, #tpu.memory_space<vmem>>
    %dma_wait3A_1294 = arith.constant 0 : i32
    %dma_wait3A_1295 = tpu.memref_slice %dma_wait3A_1293[%dma_wait3A_1281, %dma_wait3A_1294] : memref<2x128xi32, #tpu.memory_space<vmem>> -> memref<1x128xi32, #tpu.memory_space<vmem>>
    %dma_wait3A_1296 = tpu.memref_squeeze %dma_wait3A_1295 : memref<1x128xi32, #tpu.memory_space<vmem>> -> memref<128xi32, #tpu.memory_space<vmem>>
    %dma_wait3A_1297 = arith.constant 0 : i32
    %dma_wait3A_1298 = arith.constant 0 : i32
    %dma_wait3A_1299 = tpu.memref_slice %arg3[%dma_wait3A_1297, %dma_wait3A_1298] : memref<50000x128xf32, #tpu.memory_space<hbm>> -> memref<50000x128xf32, #tpu.memory_space<hbm>>
    tpu.wait_indirect_dma semaphore(%arg12 : memref<!tpu.dma_semaphore, #tpu.memory_space<semaphore_mem>>) src(%dma_wait3A_1299 : memref<50000x128xf32, #tpu.memory_space<hbm>>) dst(%dma_wait3A_1289 : memref<128x128xf32, #tpu.memory_space<vmem>>)
    %dma_wait3A_1300 = arith.constant 2 : i32
    %dma_wait3A_1301 = arith.constant 1 : i32
    %dma_wait3A_1302 = arith.constant 2 : i32
    %dma_wait3A_1303 = arith.constant 0 : i32
    %dma_wait3A_1304 = arith.constant 0 : i32
    %dma_wait3A_1305 = tpu.memref_slice %arg6[%dma_wait3A_1302, %dma_wait3A_1303, %dma_wait3A_1304] : memref<3x256x128xf32, #tpu.memory_space<vmem>> -> memref<1x256x128xf32, #tpu.memory_space<vmem>>
    %dma_wait3A_1306 = tpu.memref_squeeze %dma_wait3A_1305 : memref<1x256x128xf32, #tpu.memory_space<vmem>> -> memref<256x128xf32, #tpu.memory_space<vmem>>
    %dma_wait3A_1307 = arith.constant 128 : i32
    %dma_wait3A_1308 = arith.constant 0 : i32
    %dma_wait3A_1309 = tpu.memref_slice %dma_wait3A_1306[%dma_wait3A_1307, %dma_wait3A_1308] : memref<256x128xf32, #tpu.memory_space<vmem>> -> memref<128x128xf32, #tpu.memory_space<vmem>>
    %dma_wait3A_1310 = arith.constant 0 : i32
    %dma_wait3A_1311 = arith.constant 0 : i32
    %dma_wait3A_1312 = tpu.memref_slice %arg5[%dma_wait3A_1300, %dma_wait3A_1310, %dma_wait3A_1311] : memref<3x2x128xi32, #tpu.memory_space<vmem>> -> memref<1x2x128xi32, #tpu.memory_space<vmem>>
    %dma_wait3A_1313 = tpu.memref_squeeze %dma_wait3A_1312 : memref<1x2x128xi32, #tpu.memory_space<vmem>> -> memref<2x128xi32, #tpu.memory_space<vmem>>
    %dma_wait3A_1314 = arith.constant 0 : i32
    %dma_wait3A_1315 = tpu.memref_slice %dma_wait3A_1313[%dma_wait3A_1301, %dma_wait3A_1314] : memref<2x128xi32, #tpu.memory_space<vmem>> -> memref<1x128xi32, #tpu.memory_space<vmem>>
    %dma_wait3A_1316 = tpu.memref_squeeze %dma_wait3A_1315 : memref<1x128xi32, #tpu.memory_space<vmem>> -> memref<128xi32, #tpu.memory_space<vmem>>
    %dma_wait3A_1317 = arith.constant 0 : i32
    %dma_wait3A_1318 = arith.constant 0 : i32
    %dma_wait3A_1319 = tpu.memref_slice %arg3[%dma_wait3A_1317, %dma_wait3A_1318] : memref<50000x128xf32, #tpu.memory_space<hbm>> -> memref<50000x128xf32, #tpu.memory_space<hbm>>
    tpu.wait_indirect_dma semaphore(%arg12 : memref<!tpu.dma_semaphore, #tpu.memory_space<semaphore_mem>>) src(%dma_wait3A_1319 : memref<50000x128xf32, #tpu.memory_space<hbm>>) dst(%dma_wait3A_1309 : memref<128x128xf32, #tpu.memory_space<vmem>>)
    %add3A_1320 = arith.constant 101888 : i32
    %add3A_1321 = arith.addi %mul3A_2, %add3A_1320 : i32
    %add3A_1322 = arith.constant 0 : i32
    %add3A_1323 = arith.addi %add3A_1321, %add3A_1322 : i32
    %dma_start3A_1324 = arith.constant 2 : i32
    %dma_start3A_1325 = arith.constant 0 : i32
    %dma_start3A_1326 = arith.constant 0 : i32
    %dma_start3A_1327 = arith.constant 0 : i32
    %dma_start3A_1328 = tpu.memref_slice %arg5[%dma_start3A_1324, %dma_start3A_1326, %dma_start3A_1327] : memref<3x2x128xi32, #tpu.memory_space<vmem>> -> memref<1x2x128xi32, #tpu.memory_space<vmem>>
    %dma_start3A_1329 = tpu.memref_squeeze %dma_start3A_1328 : memref<1x2x128xi32, #tpu.memory_space<vmem>> -> memref<2x128xi32, #tpu.memory_space<vmem>>
    %dma_start3A_1330 = arith.constant 0 : i32
    %dma_start3A_1331 = tpu.memref_slice %dma_start3A_1329[%dma_start3A_1325, %dma_start3A_1330] : memref<2x128xi32, #tpu.memory_space<vmem>> -> memref<1x128xi32, #tpu.memory_space<vmem>>
    %dma_start3A_1332 = tpu.memref_squeeze %dma_start3A_1331 : memref<1x128xi32, #tpu.memory_space<vmem>> -> memref<128xi32, #tpu.memory_space<vmem>>
    %dma_start3A_1333 = tpu.memref_slice %arg2[%add3A_1323] : memref<3276800xi32, #tpu.memory_space<hbm>> -> memref<128xi32, #tpu.memory_space<hbm>>
    %dma_start3A_1334 = arith.constant 0 : i32
    %dma_start3A_1335 = arith.constant 0 : i32
    %dma_start3A_1336 = tpu.memref_slice %arg5[%dma_start3A_1324, %dma_start3A_1334, %dma_start3A_1335] : memref<3x2x128xi32, #tpu.memory_space<vmem>> -> memref<1x2x128xi32, #tpu.memory_space<vmem>>
    %dma_start3A_1337 = tpu.memref_squeeze %dma_start3A_1336 : memref<1x2x128xi32, #tpu.memory_space<vmem>> -> memref<2x128xi32, #tpu.memory_space<vmem>>
    %dma_start3A_1338 = arith.constant 0 : i32
    %dma_start3A_1339 = tpu.memref_slice %dma_start3A_1337[%dma_start3A_1325, %dma_start3A_1338] : memref<2x128xi32, #tpu.memory_space<vmem>> -> memref<1x128xi32, #tpu.memory_space<vmem>>
    %dma_start3A_1340 = tpu.memref_squeeze %dma_start3A_1339 : memref<1x128xi32, #tpu.memory_space<vmem>> -> memref<128xi32, #tpu.memory_space<vmem>>
    %dma_start3A_1341 = tpu.memref_slice %arg2[%add3A_1323] : memref<3276800xi32, #tpu.memory_space<hbm>> -> memref<128xi32, #tpu.memory_space<hbm>>
    tpu.enqueue_dma source(%dma_start3A_1341 : memref<128xi32, #tpu.memory_space<hbm>>) target(%dma_start3A_1340 : memref<128xi32, #tpu.memory_space<vmem>>) target_semaphore(%arg9 : memref<!tpu.dma_semaphore, #tpu.memory_space<semaphore_mem>>)
    %add3A_1342 = arith.constant 101888 : i32
    %add3A_1343 = arith.addi %mul3A_2, %add3A_1342 : i32
    %add3A_1344 = arith.constant 128 : i32
    %add3A_1345 = arith.addi %add3A_1343, %add3A_1344 : i32
    %dma_start3A_1346 = arith.constant 2 : i32
    %dma_start3A_1347 = arith.constant 1 : i32
    %dma_start3A_1348 = arith.constant 0 : i32
    %dma_start3A_1349 = arith.constant 0 : i32
    %dma_start3A_1350 = tpu.memref_slice %arg5[%dma_start3A_1346, %dma_start3A_1348, %dma_start3A_1349] : memref<3x2x128xi32, #tpu.memory_space<vmem>> -> memref<1x2x128xi32, #tpu.memory_space<vmem>>
    %dma_start3A_1351 = tpu.memref_squeeze %dma_start3A_1350 : memref<1x2x128xi32, #tpu.memory_space<vmem>> -> memref<2x128xi32, #tpu.memory_space<vmem>>
    %dma_start3A_1352 = arith.constant 0 : i32
    %dma_start3A_1353 = tpu.memref_slice %dma_start3A_1351[%dma_start3A_1347, %dma_start3A_1352] : memref<2x128xi32, #tpu.memory_space<vmem>> -> memref<1x128xi32, #tpu.memory_space<vmem>>
    %dma_start3A_1354 = tpu.memref_squeeze %dma_start3A_1353 : memref<1x128xi32, #tpu.memory_space<vmem>> -> memref<128xi32, #tpu.memory_space<vmem>>
    %dma_start3A_1355 = tpu.memref_slice %arg2[%add3A_1345] : memref<3276800xi32, #tpu.memory_space<hbm>> -> memref<128xi32, #tpu.memory_space<hbm>>
    %dma_start3A_1356 = arith.constant 0 : i32
    %dma_start3A_1357 = arith.constant 0 : i32
    %dma_start3A_1358 = tpu.memref_slice %arg5[%dma_start3A_1346, %dma_start3A_1356, %dma_start3A_1357] : memref<3x2x128xi32, #tpu.memory_space<vmem>> -> memref<1x2x128xi32, #tpu.memory_space<vmem>>
    %dma_start3A_1359 = tpu.memref_squeeze %dma_start3A_1358 : memref<1x2x128xi32, #tpu.memory_space<vmem>> -> memref<2x128xi32, #tpu.memory_space<vmem>>
    %dma_start3A_1360 = arith.constant 0 : i32
    %dma_start3A_1361 = tpu.memref_slice %dma_start3A_1359[%dma_start3A_1347, %dma_start3A_1360] : memref<2x128xi32, #tpu.memory_space<vmem>> -> memref<1x128xi32, #tpu.memory_space<vmem>>
    %dma_start3A_1362 = tpu.memref_squeeze %dma_start3A_1361 : memref<1x128xi32, #tpu.memory_space<vmem>> -> memref<128xi32, #tpu.memory_space<vmem>>
    %dma_start3A_1363 = tpu.memref_slice %arg2[%add3A_1345] : memref<3276800xi32, #tpu.memory_space<hbm>> -> memref<128xi32, #tpu.memory_space<hbm>>
    tpu.enqueue_dma source(%dma_start3A_1363 : memref<128xi32, #tpu.memory_space<hbm>>) target(%dma_start3A_1362 : memref<128xi32, #tpu.memory_space<vmem>>) target_semaphore(%arg9 : memref<!tpu.dma_semaphore, #tpu.memory_space<semaphore_mem>>)
    %add3A_1364 = arith.constant 101120 : i32
    %add3A_1365 = arith.addi %mul3A_2, %add3A_1364 : i32
    %dma_start3A_1366 = arith.constant 2 : i32
    %dma_start3A_1367 = arith.constant 0 : i32
    %dma_start3A_1368 = arith.constant 0 : i32
    %dma_start3A_1369 = tpu.memref_slice %arg6[%dma_start3A_1366, %dma_start3A_1367, %dma_start3A_1368] : memref<3x256x128xf32, #tpu.memory_space<vmem>> -> memref<1x256x128xf32, #tpu.memory_space<vmem>>
    %dma_start3A_1370 = tpu.memref_squeeze %dma_start3A_1369 : memref<1x256x128xf32, #tpu.memory_space<vmem>> -> memref<256x128xf32, #tpu.memory_space<vmem>>
    %dma_start3A_1371 = arith.constant 0 : i32
    %dma_start3A_1372 = tpu.memref_slice %arg4[%add3A_1365, %dma_start3A_1371] : memref<3276800x128xf32, #tpu.memory_space<hbm>> -> memref<256x128xf32, #tpu.memory_space<hbm>>
    %dma_start3A_1373 = arith.constant 0 : i32
    %dma_start3A_1374 = tpu.memref_slice %arg4[%add3A_1365, %dma_start3A_1373] : memref<3276800x128xf32, #tpu.memory_space<hbm>> -> memref<256x128xf32, #tpu.memory_space<hbm>>
    %dma_start3A_1375 = arith.constant 0 : i32
    %dma_start3A_1376 = arith.constant 0 : i32
    %dma_start3A_1377 = tpu.memref_slice %arg6[%dma_start3A_1366, %dma_start3A_1375, %dma_start3A_1376] : memref<3x256x128xf32, #tpu.memory_space<vmem>> -> memref<1x256x128xf32, #tpu.memory_space<vmem>>
    %dma_start3A_1378 = tpu.memref_squeeze %dma_start3A_1377 : memref<1x256x128xf32, #tpu.memory_space<vmem>> -> memref<256x128xf32, #tpu.memory_space<vmem>>
    tpu.enqueue_dma source(%dma_start3A_1378 : memref<256x128xf32, #tpu.memory_space<vmem>>) target(%dma_start3A_1374 : memref<256x128xf32, #tpu.memory_space<hbm>>) target_semaphore(%arg15 : memref<!tpu.dma_semaphore, #tpu.memory_space<semaphore_mem>>)
    %add3A_1379 = arith.constant 100864 : i32
    %add3A_1380 = arith.addi %mul3A_2, %add3A_1379 : i32
    %dma_wait3A_1381 = arith.constant 1 : i32
    %dma_wait3A_1382 = arith.constant 0 : i32
    %dma_wait3A_1383 = arith.constant 0 : i32
    %dma_wait3A_1384 = tpu.memref_slice %arg6[%dma_wait3A_1381, %dma_wait3A_1382, %dma_wait3A_1383] : memref<3x256x128xf32, #tpu.memory_space<vmem>> -> memref<1x256x128xf32, #tpu.memory_space<vmem>>
    %dma_wait3A_1385 = tpu.memref_squeeze %dma_wait3A_1384 : memref<1x256x128xf32, #tpu.memory_space<vmem>> -> memref<256x128xf32, #tpu.memory_space<vmem>>
    %dma_wait3A_1386 = arith.constant 0 : i32
    %dma_wait3A_1387 = tpu.memref_slice %arg4[%add3A_1380, %dma_wait3A_1386] : memref<3276800x128xf32, #tpu.memory_space<hbm>> -> memref<256x128xf32, #tpu.memory_space<hbm>>
    %dma_wait3A_1388 = arith.constant 0 : i32
    %dma_wait3A_1389 = tpu.memref_slice %arg4[%add3A_1380, %dma_wait3A_1388] : memref<3276800x128xf32, #tpu.memory_space<hbm>> -> memref<256x128xf32, #tpu.memory_space<hbm>>
    %dma_wait3A_1390 = arith.constant 0 : i32
    %dma_wait3A_1391 = arith.constant 0 : i32
    %dma_wait3A_1392 = tpu.memref_slice %arg6[%dma_wait3A_1381, %dma_wait3A_1390, %dma_wait3A_1391] : memref<3x256x128xf32, #tpu.memory_space<vmem>> -> memref<1x256x128xf32, #tpu.memory_space<vmem>>
    %dma_wait3A_1393 = tpu.memref_squeeze %dma_wait3A_1392 : memref<1x256x128xf32, #tpu.memory_space<vmem>> -> memref<256x128xf32, #tpu.memory_space<vmem>>
    tpu.wait_dma2 semaphore(%arg14 : memref<!tpu.dma_semaphore, #tpu.memory_space<semaphore_mem>>) src(%dma_wait3A_1393 : memref<256x128xf32, #tpu.memory_space<vmem>>) dst(%dma_wait3A_1389 : memref<256x128xf32, #tpu.memory_space<hbm>>)
    %add3A_1394 = arith.constant 101632 : i32
    %add3A_1395 = arith.addi %mul3A_2, %add3A_1394 : i32
    %add3A_1396 = arith.constant 0 : i32
    %add3A_1397 = arith.addi %add3A_1395, %add3A_1396 : i32
    %dma_wait3A_1398 = arith.constant 1 : i32
    %dma_wait3A_1399 = arith.constant 0 : i32
    %dma_wait3A_1400 = arith.constant 0 : i32
    %dma_wait3A_1401 = arith.constant 0 : i32
    %dma_wait3A_1402 = tpu.memref_slice %arg5[%dma_wait3A_1398, %dma_wait3A_1400, %dma_wait3A_1401] : memref<3x2x128xi32, #tpu.memory_space<vmem>> -> memref<1x2x128xi32, #tpu.memory_space<vmem>>
    %dma_wait3A_1403 = tpu.memref_squeeze %dma_wait3A_1402 : memref<1x2x128xi32, #tpu.memory_space<vmem>> -> memref<2x128xi32, #tpu.memory_space<vmem>>
    %dma_wait3A_1404 = arith.constant 0 : i32
    %dma_wait3A_1405 = tpu.memref_slice %dma_wait3A_1403[%dma_wait3A_1399, %dma_wait3A_1404] : memref<2x128xi32, #tpu.memory_space<vmem>> -> memref<1x128xi32, #tpu.memory_space<vmem>>
    %dma_wait3A_1406 = tpu.memref_squeeze %dma_wait3A_1405 : memref<1x128xi32, #tpu.memory_space<vmem>> -> memref<128xi32, #tpu.memory_space<vmem>>
    %dma_wait3A_1407 = tpu.memref_slice %arg2[%add3A_1397] : memref<3276800xi32, #tpu.memory_space<hbm>> -> memref<128xi32, #tpu.memory_space<hbm>>
    %dma_wait3A_1408 = arith.constant 0 : i32
    %dma_wait3A_1409 = arith.constant 0 : i32
    %dma_wait3A_1410 = tpu.memref_slice %arg5[%dma_wait3A_1398, %dma_wait3A_1408, %dma_wait3A_1409] : memref<3x2x128xi32, #tpu.memory_space<vmem>> -> memref<1x2x128xi32, #tpu.memory_space<vmem>>
    %dma_wait3A_1411 = tpu.memref_squeeze %dma_wait3A_1410 : memref<1x2x128xi32, #tpu.memory_space<vmem>> -> memref<2x128xi32, #tpu.memory_space<vmem>>
    %dma_wait3A_1412 = arith.constant 0 : i32
    %dma_wait3A_1413 = tpu.memref_slice %dma_wait3A_1411[%dma_wait3A_1399, %dma_wait3A_1412] : memref<2x128xi32, #tpu.memory_space<vmem>> -> memref<1x128xi32, #tpu.memory_space<vmem>>
    %dma_wait3A_1414 = tpu.memref_squeeze %dma_wait3A_1413 : memref<1x128xi32, #tpu.memory_space<vmem>> -> memref<128xi32, #tpu.memory_space<vmem>>
    %dma_wait3A_1415 = tpu.memref_slice %arg2[%add3A_1397] : memref<3276800xi32, #tpu.memory_space<hbm>> -> memref<128xi32, #tpu.memory_space<hbm>>
    tpu.wait_dma2 semaphore(%arg8 : memref<!tpu.dma_semaphore, #tpu.memory_space<semaphore_mem>>) src(%dma_wait3A_1415 : memref<128xi32, #tpu.memory_space<hbm>>) dst(%dma_wait3A_1414 : memref<128xi32, #tpu.memory_space<vmem>>)
    %add3A_1416 = arith.constant 101632 : i32
    %add3A_1417 = arith.addi %mul3A_2, %add3A_1416 : i32
    %add3A_1418 = arith.constant 128 : i32
    %add3A_1419 = arith.addi %add3A_1417, %add3A_1418 : i32
    %dma_wait3A_1420 = arith.constant 1 : i32
    %dma_wait3A_1421 = arith.constant 1 : i32
    %dma_wait3A_1422 = arith.constant 0 : i32
    %dma_wait3A_1423 = arith.constant 0 : i32
    %dma_wait3A_1424 = tpu.memref_slice %arg5[%dma_wait3A_1420, %dma_wait3A_1422, %dma_wait3A_1423] : memref<3x2x128xi32, #tpu.memory_space<vmem>> -> memref<1x2x128xi32, #tpu.memory_space<vmem>>
    %dma_wait3A_1425 = tpu.memref_squeeze %dma_wait3A_1424 : memref<1x2x128xi32, #tpu.memory_space<vmem>> -> memref<2x128xi32, #tpu.memory_space<vmem>>
    %dma_wait3A_1426 = arith.constant 0 : i32
    %dma_wait3A_1427 = tpu.memref_slice %dma_wait3A_1425[%dma_wait3A_1421, %dma_wait3A_1426] : memref<2x128xi32, #tpu.memory_space<vmem>> -> memref<1x128xi32, #tpu.memory_space<vmem>>
    %dma_wait3A_1428 = tpu.memref_squeeze %dma_wait3A_1427 : memref<1x128xi32, #tpu.memory_space<vmem>> -> memref<128xi32, #tpu.memory_space<vmem>>
    %dma_wait3A_1429 = tpu.memref_slice %arg2[%add3A_1419] : memref<3276800xi32, #tpu.memory_space<hbm>> -> memref<128xi32, #tpu.memory_space<hbm>>
    %dma_wait3A_1430 = arith.constant 0 : i32
    %dma_wait3A_1431 = arith.constant 0 : i32
    %dma_wait3A_1432 = tpu.memref_slice %arg5[%dma_wait3A_1420, %dma_wait3A_1430, %dma_wait3A_1431] : memref<3x2x128xi32, #tpu.memory_space<vmem>> -> memref<1x2x128xi32, #tpu.memory_space<vmem>>
    %dma_wait3A_1433 = tpu.memref_squeeze %dma_wait3A_1432 : memref<1x2x128xi32, #tpu.memory_space<vmem>> -> memref<2x128xi32, #tpu.memory_space<vmem>>
    %dma_wait3A_1434 = arith.constant 0 : i32
    %dma_wait3A_1435 = tpu.memref_slice %dma_wait3A_1433[%dma_wait3A_1421, %dma_wait3A_1434] : memref<2x128xi32, #tpu.memory_space<vmem>> -> memref<1x128xi32, #tpu.memory_space<vmem>>
    %dma_wait3A_1436 = tpu.memref_squeeze %dma_wait3A_1435 : memref<1x128xi32, #tpu.memory_space<vmem>> -> memref<128xi32, #tpu.memory_space<vmem>>
    %dma_wait3A_1437 = tpu.memref_slice %arg2[%add3A_1419] : memref<3276800xi32, #tpu.memory_space<hbm>> -> memref<128xi32, #tpu.memory_space<hbm>>
    tpu.wait_dma2 semaphore(%arg8 : memref<!tpu.dma_semaphore, #tpu.memory_space<semaphore_mem>>) src(%dma_wait3A_1437 : memref<128xi32, #tpu.memory_space<hbm>>) dst(%dma_wait3A_1436 : memref<128xi32, #tpu.memory_space<vmem>>)
    %dma_start3A_1438 = arith.constant 1 : i32
    %dma_start3A_1439 = arith.constant 0 : i32
    %dma_start3A_1440 = arith.constant 1 : i32
    %dma_start3A_1441 = arith.constant 0 : i32
    %dma_start3A_1442 = arith.constant 0 : i32
    %dma_start3A_1443 = tpu.memref_slice %arg6[%dma_start3A_1440, %dma_start3A_1441, %dma_start3A_1442] : memref<3x256x128xf32, #tpu.memory_space<vmem>> -> memref<1x256x128xf32, #tpu.memory_space<vmem>>
    %dma_start3A_1444 = tpu.memref_squeeze %dma_start3A_1443 : memref<1x256x128xf32, #tpu.memory_space<vmem>> -> memref<256x128xf32, #tpu.memory_space<vmem>>
    %dma_start3A_1445 = arith.constant 0 : i32
    %dma_start3A_1446 = arith.constant 0 : i32
    %dma_start3A_1447 = tpu.memref_slice %dma_start3A_1444[%dma_start3A_1445, %dma_start3A_1446] : memref<256x128xf32, #tpu.memory_space<vmem>> -> memref<128x128xf32, #tpu.memory_space<vmem>>
    %dma_start3A_1448 = arith.constant 0 : i32
    %dma_start3A_1449 = arith.constant 0 : i32
    %dma_start3A_1450 = tpu.memref_slice %arg5[%dma_start3A_1438, %dma_start3A_1448, %dma_start3A_1449] : memref<3x2x128xi32, #tpu.memory_space<vmem>> -> memref<1x2x128xi32, #tpu.memory_space<vmem>>
    %dma_start3A_1451 = tpu.memref_squeeze %dma_start3A_1450 : memref<1x2x128xi32, #tpu.memory_space<vmem>> -> memref<2x128xi32, #tpu.memory_space<vmem>>
    %dma_start3A_1452 = arith.constant 0 : i32
    %dma_start3A_1453 = tpu.memref_slice %dma_start3A_1451[%dma_start3A_1439, %dma_start3A_1452] : memref<2x128xi32, #tpu.memory_space<vmem>> -> memref<1x128xi32, #tpu.memory_space<vmem>>
    %dma_start3A_1454 = tpu.memref_squeeze %dma_start3A_1453 : memref<1x128xi32, #tpu.memory_space<vmem>> -> memref<128xi32, #tpu.memory_space<vmem>>
    %dma_start3A_1455 = arith.constant 0 : i32
    %dma_start3A_1456 = arith.constant 0 : i32
    %dma_start3A_1457 = tpu.memref_slice %arg3[%dma_start3A_1455, %dma_start3A_1456] : memref<50000x128xf32, #tpu.memory_space<hbm>> -> memref<50000x128xf32, #tpu.memory_space<hbm>>
    tpu.enqueue_indirect_dma source(%dma_start3A_1457 : memref<50000x128xf32, #tpu.memory_space<hbm>>) target(%dma_start3A_1447 : memref<128x128xf32, #tpu.memory_space<vmem>>) offsets(%dma_start3A_1454 : memref<128xi32, #tpu.memory_space<vmem>>) semaphore(%arg11 : memref<!tpu.dma_semaphore, #tpu.memory_space<semaphore_mem>>)
    %dma_start3A_1458 = arith.constant 1 : i32
    %dma_start3A_1459 = arith.constant 1 : i32
    %dma_start3A_1460 = arith.constant 1 : i32
    %dma_start3A_1461 = arith.constant 0 : i32
    %dma_start3A_1462 = arith.constant 0 : i32
    %dma_start3A_1463 = tpu.memref_slice %arg6[%dma_start3A_1460, %dma_start3A_1461, %dma_start3A_1462] : memref<3x256x128xf32, #tpu.memory_space<vmem>> -> memref<1x256x128xf32, #tpu.memory_space<vmem>>
    %dma_start3A_1464 = tpu.memref_squeeze %dma_start3A_1463 : memref<1x256x128xf32, #tpu.memory_space<vmem>> -> memref<256x128xf32, #tpu.memory_space<vmem>>
    %dma_start3A_1465 = arith.constant 128 : i32
    %dma_start3A_1466 = arith.constant 0 : i32
    %dma_start3A_1467 = tpu.memref_slice %dma_start3A_1464[%dma_start3A_1465, %dma_start3A_1466] : memref<256x128xf32, #tpu.memory_space<vmem>> -> memref<128x128xf32, #tpu.memory_space<vmem>>
    %dma_start3A_1468 = arith.constant 0 : i32
    %dma_start3A_1469 = arith.constant 0 : i32
    %dma_start3A_1470 = tpu.memref_slice %arg5[%dma_start3A_1458, %dma_start3A_1468, %dma_start3A_1469] : memref<3x2x128xi32, #tpu.memory_space<vmem>> -> memref<1x2x128xi32, #tpu.memory_space<vmem>>
    %dma_start3A_1471 = tpu.memref_squeeze %dma_start3A_1470 : memref<1x2x128xi32, #tpu.memory_space<vmem>> -> memref<2x128xi32, #tpu.memory_space<vmem>>
    %dma_start3A_1472 = arith.constant 0 : i32
    %dma_start3A_1473 = tpu.memref_slice %dma_start3A_1471[%dma_start3A_1459, %dma_start3A_1472] : memref<2x128xi32, #tpu.memory_space<vmem>> -> memref<1x128xi32, #tpu.memory_space<vmem>>
    %dma_start3A_1474 = tpu.memref_squeeze %dma_start3A_1473 : memref<1x128xi32, #tpu.memory_space<vmem>> -> memref<128xi32, #tpu.memory_space<vmem>>
    %dma_start3A_1475 = arith.constant 0 : i32
    %dma_start3A_1476 = arith.constant 0 : i32
    %dma_start3A_1477 = tpu.memref_slice %arg3[%dma_start3A_1475, %dma_start3A_1476] : memref<50000x128xf32, #tpu.memory_space<hbm>> -> memref<50000x128xf32, #tpu.memory_space<hbm>>
    tpu.enqueue_indirect_dma source(%dma_start3A_1477 : memref<50000x128xf32, #tpu.memory_space<hbm>>) target(%dma_start3A_1467 : memref<128x128xf32, #tpu.memory_space<vmem>>) offsets(%dma_start3A_1474 : memref<128xi32, #tpu.memory_space<vmem>>) semaphore(%arg11 : memref<!tpu.dma_semaphore, #tpu.memory_space<semaphore_mem>>)
    %dma_wait3A_1478 = arith.constant 0 : i32
    %dma_wait3A_1479 = arith.constant 0 : i32
    %dma_wait3A_1480 = arith.constant 0 : i32
    %dma_wait3A_1481 = arith.constant 0 : i32
    %dma_wait3A_1482 = arith.constant 0 : i32
    %dma_wait3A_1483 = tpu.memref_slice %arg6[%dma_wait3A_1480, %dma_wait3A_1481, %dma_wait3A_1482] : memref<3x256x128xf32, #tpu.memory_space<vmem>> -> memref<1x256x128xf32, #tpu.memory_space<vmem>>
    %dma_wait3A_1484 = tpu.memref_squeeze %dma_wait3A_1483 : memref<1x256x128xf32, #tpu.memory_space<vmem>> -> memref<256x128xf32, #tpu.memory_space<vmem>>
    %dma_wait3A_1485 = arith.constant 0 : i32
    %dma_wait3A_1486 = arith.constant 0 : i32
    %dma_wait3A_1487 = tpu.memref_slice %dma_wait3A_1484[%dma_wait3A_1485, %dma_wait3A_1486] : memref<256x128xf32, #tpu.memory_space<vmem>> -> memref<128x128xf32, #tpu.memory_space<vmem>>
    %dma_wait3A_1488 = arith.constant 0 : i32
    %dma_wait3A_1489 = arith.constant 0 : i32
    %dma_wait3A_1490 = tpu.memref_slice %arg5[%dma_wait3A_1478, %dma_wait3A_1488, %dma_wait3A_1489] : memref<3x2x128xi32, #tpu.memory_space<vmem>> -> memref<1x2x128xi32, #tpu.memory_space<vmem>>
    %dma_wait3A_1491 = tpu.memref_squeeze %dma_wait3A_1490 : memref<1x2x128xi32, #tpu.memory_space<vmem>> -> memref<2x128xi32, #tpu.memory_space<vmem>>
    %dma_wait3A_1492 = arith.constant 0 : i32
    %dma_wait3A_1493 = tpu.memref_slice %dma_wait3A_1491[%dma_wait3A_1479, %dma_wait3A_1492] : memref<2x128xi32, #tpu.memory_space<vmem>> -> memref<1x128xi32, #tpu.memory_space<vmem>>
    %dma_wait3A_1494 = tpu.memref_squeeze %dma_wait3A_1493 : memref<1x128xi32, #tpu.memory_space<vmem>> -> memref<128xi32, #tpu.memory_space<vmem>>
    %dma_wait3A_1495 = arith.constant 0 : i32
    %dma_wait3A_1496 = arith.constant 0 : i32
    %dma_wait3A_1497 = tpu.memref_slice %arg3[%dma_wait3A_1495, %dma_wait3A_1496] : memref<50000x128xf32, #tpu.memory_space<hbm>> -> memref<50000x128xf32, #tpu.memory_space<hbm>>
    tpu.wait_indirect_dma semaphore(%arg10 : memref<!tpu.dma_semaphore, #tpu.memory_space<semaphore_mem>>) src(%dma_wait3A_1497 : memref<50000x128xf32, #tpu.memory_space<hbm>>) dst(%dma_wait3A_1487 : memref<128x128xf32, #tpu.memory_space<vmem>>)
    %dma_wait3A_1498 = arith.constant 0 : i32
    %dma_wait3A_1499 = arith.constant 1 : i32
    %dma_wait3A_1500 = arith.constant 0 : i32
    %dma_wait3A_1501 = arith.constant 0 : i32
    %dma_wait3A_1502 = arith.constant 0 : i32
    %dma_wait3A_1503 = tpu.memref_slice %arg6[%dma_wait3A_1500, %dma_wait3A_1501, %dma_wait3A_1502] : memref<3x256x128xf32, #tpu.memory_space<vmem>> -> memref<1x256x128xf32, #tpu.memory_space<vmem>>
    %dma_wait3A_1504 = tpu.memref_squeeze %dma_wait3A_1503 : memref<1x256x128xf32, #tpu.memory_space<vmem>> -> memref<256x128xf32, #tpu.memory_space<vmem>>
    %dma_wait3A_1505 = arith.constant 128 : i32
    %dma_wait3A_1506 = arith.constant 0 : i32
    %dma_wait3A_1507 = tpu.memref_slice %dma_wait3A_1504[%dma_wait3A_1505, %dma_wait3A_1506] : memref<256x128xf32, #tpu.memory_space<vmem>> -> memref<128x128xf32, #tpu.memory_space<vmem>>
    %dma_wait3A_1508 = arith.constant 0 : i32
    %dma_wait3A_1509 = arith.constant 0 : i32
    %dma_wait3A_1510 = tpu.memref_slice %arg5[%dma_wait3A_1498, %dma_wait3A_1508, %dma_wait3A_1509] : memref<3x2x128xi32, #tpu.memory_space<vmem>> -> memref<1x2x128xi32, #tpu.memory_space<vmem>>
    %dma_wait3A_1511 = tpu.memref_squeeze %dma_wait3A_1510 : memref<1x2x128xi32, #tpu.memory_space<vmem>> -> memref<2x128xi32, #tpu.memory_space<vmem>>
    %dma_wait3A_1512 = arith.constant 0 : i32
    %dma_wait3A_1513 = tpu.memref_slice %dma_wait3A_1511[%dma_wait3A_1499, %dma_wait3A_1512] : memref<2x128xi32, #tpu.memory_space<vmem>> -> memref<1x128xi32, #tpu.memory_space<vmem>>
    %dma_wait3A_1514 = tpu.memref_squeeze %dma_wait3A_1513 : memref<1x128xi32, #tpu.memory_space<vmem>> -> memref<128xi32, #tpu.memory_space<vmem>>
    %dma_wait3A_1515 = arith.constant 0 : i32
    %dma_wait3A_1516 = arith.constant 0 : i32
    %dma_wait3A_1517 = tpu.memref_slice %arg3[%dma_wait3A_1515, %dma_wait3A_1516] : memref<50000x128xf32, #tpu.memory_space<hbm>> -> memref<50000x128xf32, #tpu.memory_space<hbm>>
    tpu.wait_indirect_dma semaphore(%arg10 : memref<!tpu.dma_semaphore, #tpu.memory_space<semaphore_mem>>) src(%dma_wait3A_1517 : memref<50000x128xf32, #tpu.memory_space<hbm>>) dst(%dma_wait3A_1507 : memref<128x128xf32, #tpu.memory_space<vmem>>)
    %add3A_1518 = arith.constant 102144 : i32
    %add3A_1519 = arith.addi %mul3A_2, %add3A_1518 : i32
    %add3A_1520 = arith.constant 0 : i32
    %add3A_1521 = arith.addi %add3A_1519, %add3A_1520 : i32
    %dma_start3A_1522 = arith.constant 0 : i32
    %dma_start3A_1523 = arith.constant 0 : i32
    %dma_start3A_1524 = arith.constant 0 : i32
    %dma_start3A_1525 = arith.constant 0 : i32
    %dma_start3A_1526 = tpu.memref_slice %arg5[%dma_start3A_1522, %dma_start3A_1524, %dma_start3A_1525] : memref<3x2x128xi32, #tpu.memory_space<vmem>> -> memref<1x2x128xi32, #tpu.memory_space<vmem>>
    %dma_start3A_1527 = tpu.memref_squeeze %dma_start3A_1526 : memref<1x2x128xi32, #tpu.memory_space<vmem>> -> memref<2x128xi32, #tpu.memory_space<vmem>>
    %dma_start3A_1528 = arith.constant 0 : i32
    %dma_start3A_1529 = tpu.memref_slice %dma_start3A_1527[%dma_start3A_1523, %dma_start3A_1528] : memref<2x128xi32, #tpu.memory_space<vmem>> -> memref<1x128xi32, #tpu.memory_space<vmem>>
    %dma_start3A_1530 = tpu.memref_squeeze %dma_start3A_1529 : memref<1x128xi32, #tpu.memory_space<vmem>> -> memref<128xi32, #tpu.memory_space<vmem>>
    %dma_start3A_1531 = tpu.memref_slice %arg2[%add3A_1521] : memref<3276800xi32, #tpu.memory_space<hbm>> -> memref<128xi32, #tpu.memory_space<hbm>>
    %dma_start3A_1532 = arith.constant 0 : i32
    %dma_start3A_1533 = arith.constant 0 : i32
    %dma_start3A_1534 = tpu.memref_slice %arg5[%dma_start3A_1522, %dma_start3A_1532, %dma_start3A_1533] : memref<3x2x128xi32, #tpu.memory_space<vmem>> -> memref<1x2x128xi32, #tpu.memory_space<vmem>>
    %dma_start3A_1535 = tpu.memref_squeeze %dma_start3A_1534 : memref<1x2x128xi32, #tpu.memory_space<vmem>> -> memref<2x128xi32, #tpu.memory_space<vmem>>
    %dma_start3A_1536 = arith.constant 0 : i32
    %dma_start3A_1537 = tpu.memref_slice %dma_start3A_1535[%dma_start3A_1523, %dma_start3A_1536] : memref<2x128xi32, #tpu.memory_space<vmem>> -> memref<1x128xi32, #tpu.memory_space<vmem>>
    %dma_start3A_1538 = tpu.memref_squeeze %dma_start3A_1537 : memref<1x128xi32, #tpu.memory_space<vmem>> -> memref<128xi32, #tpu.memory_space<vmem>>
    %dma_start3A_1539 = tpu.memref_slice %arg2[%add3A_1521] : memref<3276800xi32, #tpu.memory_space<hbm>> -> memref<128xi32, #tpu.memory_space<hbm>>
    tpu.enqueue_dma source(%dma_start3A_1539 : memref<128xi32, #tpu.memory_space<hbm>>) target(%dma_start3A_1538 : memref<128xi32, #tpu.memory_space<vmem>>) target_semaphore(%arg7 : memref<!tpu.dma_semaphore, #tpu.memory_space<semaphore_mem>>)
    %add3A_1540 = arith.constant 102144 : i32
    %add3A_1541 = arith.addi %mul3A_2, %add3A_1540 : i32
    %add3A_1542 = arith.constant 128 : i32
    %add3A_1543 = arith.addi %add3A_1541, %add3A_1542 : i32
    %dma_start3A_1544 = arith.constant 0 : i32
    %dma_start3A_1545 = arith.constant 1 : i32
    %dma_start3A_1546 = arith.constant 0 : i32
    %dma_start3A_1547 = arith.constant 0 : i32
    %dma_start3A_1548 = tpu.memref_slice %arg5[%dma_start3A_1544, %dma_start3A_1546, %dma_start3A_1547] : memref<3x2x128xi32, #tpu.memory_space<vmem>> -> memref<1x2x128xi32, #tpu.memory_space<vmem>>
    %dma_start3A_1549 = tpu.memref_squeeze %dma_start3A_1548 : memref<1x2x128xi32, #tpu.memory_space<vmem>> -> memref<2x128xi32, #tpu.memory_space<vmem>>
    %dma_start3A_1550 = arith.constant 0 : i32
    %dma_start3A_1551 = tpu.memref_slice %dma_start3A_1549[%dma_start3A_1545, %dma_start3A_1550] : memref<2x128xi32, #tpu.memory_space<vmem>> -> memref<1x128xi32, #tpu.memory_space<vmem>>
    %dma_start3A_1552 = tpu.memref_squeeze %dma_start3A_1551 : memref<1x128xi32, #tpu.memory_space<vmem>> -> memref<128xi32, #tpu.memory_space<vmem>>
    %dma_start3A_1553 = tpu.memref_slice %arg2[%add3A_1543] : memref<3276800xi32, #tpu.memory_space<hbm>> -> memref<128xi32, #tpu.memory_space<hbm>>
    %dma_start3A_1554 = arith.constant 0 : i32
    %dma_start3A_1555 = arith.constant 0 : i32
    %dma_start3A_1556 = tpu.memref_slice %arg5[%dma_start3A_1544, %dma_start3A_1554, %dma_start3A_1555] : memref<3x2x128xi32, #tpu.memory_space<vmem>> -> memref<1x2x128xi32, #tpu.memory_space<vmem>>
    %dma_start3A_1557 = tpu.memref_squeeze %dma_start3A_1556 : memref<1x2x128xi32, #tpu.memory_space<vmem>> -> memref<2x128xi32, #tpu.memory_space<vmem>>
    %dma_start3A_1558 = arith.constant 0 : i32
    %dma_start3A_1559 = tpu.memref_slice %dma_start3A_1557[%dma_start3A_1545, %dma_start3A_1558] : memref<2x128xi32, #tpu.memory_space<vmem>> -> memref<1x128xi32, #tpu.memory_space<vmem>>
    %dma_start3A_1560 = tpu.memref_squeeze %dma_start3A_1559 : memref<1x128xi32, #tpu.memory_space<vmem>> -> memref<128xi32, #tpu.memory_space<vmem>>
    %dma_start3A_1561 = tpu.memref_slice %arg2[%add3A_1543] : memref<3276800xi32, #tpu.memory_space<hbm>> -> memref<128xi32, #tpu.memory_space<hbm>>
    tpu.enqueue_dma source(%dma_start3A_1561 : memref<128xi32, #tpu.memory_space<hbm>>) target(%dma_start3A_1560 : memref<128xi32, #tpu.memory_space<vmem>>) target_semaphore(%arg7 : memref<!tpu.dma_semaphore, #tpu.memory_space<semaphore_mem>>)
    %add3A_1562 = arith.constant 101376 : i32
    %add3A_1563 = arith.addi %mul3A_2, %add3A_1562 : i32
    %dma_start3A_1564 = arith.constant 0 : i32
    %dma_start3A_1565 = arith.constant 0 : i32
    %dma_start3A_1566 = arith.constant 0 : i32
    %dma_start3A_1567 = tpu.memref_slice %arg6[%dma_start3A_1564, %dma_start3A_1565, %dma_start3A_1566] : memref<3x256x128xf32, #tpu.memory_space<vmem>> -> memref<1x256x128xf32, #tpu.memory_space<vmem>>
    %dma_start3A_1568 = tpu.memref_squeeze %dma_start3A_1567 : memref<1x256x128xf32, #tpu.memory_space<vmem>> -> memref<256x128xf32, #tpu.memory_space<vmem>>
    %dma_start3A_1569 = arith.constant 0 : i32
    %dma_start3A_1570 = tpu.memref_slice %arg4[%add3A_1563, %dma_start3A_1569] : memref<3276800x128xf32, #tpu.memory_space<hbm>> -> memref<256x128xf32, #tpu.memory_space<hbm>>
    %dma_start3A_1571 = arith.constant 0 : i32
    %dma_start3A_1572 = tpu.memref_slice %arg4[%add3A_1563, %dma_start3A_1571] : memref<3276800x128xf32, #tpu.memory_space<hbm>> -> memref<256x128xf32, #tpu.memory_space<hbm>>
    %dma_start3A_1573 = arith.constant 0 : i32
    %dma_start3A_1574 = arith.constant 0 : i32
    %dma_start3A_1575 = tpu.memref_slice %arg6[%dma_start3A_1564, %dma_start3A_1573, %dma_start3A_1574] : memref<3x256x128xf32, #tpu.memory_space<vmem>> -> memref<1x256x128xf32, #tpu.memory_space<vmem>>
    %dma_start3A_1576 = tpu.memref_squeeze %dma_start3A_1575 : memref<1x256x128xf32, #tpu.memory_space<vmem>> -> memref<256x128xf32, #tpu.memory_space<vmem>>
    tpu.enqueue_dma source(%dma_start3A_1576 : memref<256x128xf32, #tpu.memory_space<vmem>>) target(%dma_start3A_1572 : memref<256x128xf32, #tpu.memory_space<hbm>>) target_semaphore(%arg13 : memref<!tpu.dma_semaphore, #tpu.memory_space<semaphore_mem>>)
    %add3A_1577 = arith.constant 101120 : i32
    %add3A_1578 = arith.addi %mul3A_2, %add3A_1577 : i32
    %dma_wait3A_1579 = arith.constant 2 : i32
    %dma_wait3A_1580 = arith.constant 0 : i32
    %dma_wait3A_1581 = arith.constant 0 : i32
    %dma_wait3A_1582 = tpu.memref_slice %arg6[%dma_wait3A_1579, %dma_wait3A_1580, %dma_wait3A_1581] : memref<3x256x128xf32, #tpu.memory_space<vmem>> -> memref<1x256x128xf32, #tpu.memory_space<vmem>>
    %dma_wait3A_1583 = tpu.memref_squeeze %dma_wait3A_1582 : memref<1x256x128xf32, #tpu.memory_space<vmem>> -> memref<256x128xf32, #tpu.memory_space<vmem>>
    %dma_wait3A_1584 = arith.constant 0 : i32
    %dma_wait3A_1585 = tpu.memref_slice %arg4[%add3A_1578, %dma_wait3A_1584] : memref<3276800x128xf32, #tpu.memory_space<hbm>> -> memref<256x128xf32, #tpu.memory_space<hbm>>
    %dma_wait3A_1586 = arith.constant 0 : i32
    %dma_wait3A_1587 = tpu.memref_slice %arg4[%add3A_1578, %dma_wait3A_1586] : memref<3276800x128xf32, #tpu.memory_space<hbm>> -> memref<256x128xf32, #tpu.memory_space<hbm>>
    %dma_wait3A_1588 = arith.constant 0 : i32
    %dma_wait3A_1589 = arith.constant 0 : i32
    %dma_wait3A_1590 = tpu.memref_slice %arg6[%dma_wait3A_1579, %dma_wait3A_1588, %dma_wait3A_1589] : memref<3x256x128xf32, #tpu.memory_space<vmem>> -> memref<1x256x128xf32, #tpu.memory_space<vmem>>
    %dma_wait3A_1591 = tpu.memref_squeeze %dma_wait3A_1590 : memref<1x256x128xf32, #tpu.memory_space<vmem>> -> memref<256x128xf32, #tpu.memory_space<vmem>>
    tpu.wait_dma2 semaphore(%arg15 : memref<!tpu.dma_semaphore, #tpu.memory_space<semaphore_mem>>) src(%dma_wait3A_1591 : memref<256x128xf32, #tpu.memory_space<vmem>>) dst(%dma_wait3A_1587 : memref<256x128xf32, #tpu.memory_space<hbm>>)
    %add3A_1592 = arith.constant 101888 : i32
    %add3A_1593 = arith.addi %mul3A_2, %add3A_1592 : i32
    %add3A_1594 = arith.constant 0 : i32
    %add3A_1595 = arith.addi %add3A_1593, %add3A_1594 : i32
    %dma_wait3A_1596 = arith.constant 2 : i32
    %dma_wait3A_1597 = arith.constant 0 : i32
    %dma_wait3A_1598 = arith.constant 0 : i32
    %dma_wait3A_1599 = arith.constant 0 : i32
    %dma_wait3A_1600 = tpu.memref_slice %arg5[%dma_wait3A_1596, %dma_wait3A_1598, %dma_wait3A_1599] : memref<3x2x128xi32, #tpu.memory_space<vmem>> -> memref<1x2x128xi32, #tpu.memory_space<vmem>>
    %dma_wait3A_1601 = tpu.memref_squeeze %dma_wait3A_1600 : memref<1x2x128xi32, #tpu.memory_space<vmem>> -> memref<2x128xi32, #tpu.memory_space<vmem>>
    %dma_wait3A_1602 = arith.constant 0 : i32
    %dma_wait3A_1603 = tpu.memref_slice %dma_wait3A_1601[%dma_wait3A_1597, %dma_wait3A_1602] : memref<2x128xi32, #tpu.memory_space<vmem>> -> memref<1x128xi32, #tpu.memory_space<vmem>>
    %dma_wait3A_1604 = tpu.memref_squeeze %dma_wait3A_1603 : memref<1x128xi32, #tpu.memory_space<vmem>> -> memref<128xi32, #tpu.memory_space<vmem>>
    %dma_wait3A_1605 = tpu.memref_slice %arg2[%add3A_1595] : memref<3276800xi32, #tpu.memory_space<hbm>> -> memref<128xi32, #tpu.memory_space<hbm>>
    %dma_wait3A_1606 = arith.constant 0 : i32
    %dma_wait3A_1607 = arith.constant 0 : i32
    %dma_wait3A_1608 = tpu.memref_slice %arg5[%dma_wait3A_1596, %dma_wait3A_1606, %dma_wait3A_1607] : memref<3x2x128xi32, #tpu.memory_space<vmem>> -> memref<1x2x128xi32, #tpu.memory_space<vmem>>
    %dma_wait3A_1609 = tpu.memref_squeeze %dma_wait3A_1608 : memref<1x2x128xi32, #tpu.memory_space<vmem>> -> memref<2x128xi32, #tpu.memory_space<vmem>>
    %dma_wait3A_1610 = arith.constant 0 : i32
    %dma_wait3A_1611 = tpu.memref_slice %dma_wait3A_1609[%dma_wait3A_1597, %dma_wait3A_1610] : memref<2x128xi32, #tpu.memory_space<vmem>> -> memref<1x128xi32, #tpu.memory_space<vmem>>
    %dma_wait3A_1612 = tpu.memref_squeeze %dma_wait3A_1611 : memref<1x128xi32, #tpu.memory_space<vmem>> -> memref<128xi32, #tpu.memory_space<vmem>>
    %dma_wait3A_1613 = tpu.memref_slice %arg2[%add3A_1595] : memref<3276800xi32, #tpu.memory_space<hbm>> -> memref<128xi32, #tpu.memory_space<hbm>>
    tpu.wait_dma2 semaphore(%arg9 : memref<!tpu.dma_semaphore, #tpu.memory_space<semaphore_mem>>) src(%dma_wait3A_1613 : memref<128xi32, #tpu.memory_space<hbm>>) dst(%dma_wait3A_1612 : memref<128xi32, #tpu.memory_space<vmem>>)
    %add3A_1614 = arith.constant 101888 : i32
    %add3A_1615 = arith.addi %mul3A_2, %add3A_1614 : i32
    %add3A_1616 = arith.constant 128 : i32
    %add3A_1617 = arith.addi %add3A_1615, %add3A_1616 : i32
    %dma_wait3A_1618 = arith.constant 2 : i32
    %dma_wait3A_1619 = arith.constant 1 : i32
    %dma_wait3A_1620 = arith.constant 0 : i32
    %dma_wait3A_1621 = arith.constant 0 : i32
    %dma_wait3A_1622 = tpu.memref_slice %arg5[%dma_wait3A_1618, %dma_wait3A_1620, %dma_wait3A_1621] : memref<3x2x128xi32, #tpu.memory_space<vmem>> -> memref<1x2x128xi32, #tpu.memory_space<vmem>>
    %dma_wait3A_1623 = tpu.memref_squeeze %dma_wait3A_1622 : memref<1x2x128xi32, #tpu.memory_space<vmem>> -> memref<2x128xi32, #tpu.memory_space<vmem>>
    %dma_wait3A_1624 = arith.constant 0 : i32
    %dma_wait3A_1625 = tpu.memref_slice %dma_wait3A_1623[%dma_wait3A_1619, %dma_wait3A_1624] : memref<2x128xi32, #tpu.memory_space<vmem>> -> memref<1x128xi32, #tpu.memory_space<vmem>>
    %dma_wait3A_1626 = tpu.memref_squeeze %dma_wait3A_1625 : memref<1x128xi32, #tpu.memory_space<vmem>> -> memref<128xi32, #tpu.memory_space<vmem>>
    %dma_wait3A_1627 = tpu.memref_slice %arg2[%add3A_1617] : memref<3276800xi32, #tpu.memory_space<hbm>> -> memref<128xi32, #tpu.memory_space<hbm>>
    %dma_wait3A_1628 = arith.constant 0 : i32
    %dma_wait3A_1629 = arith.constant 0 : i32
    %dma_wait3A_1630 = tpu.memref_slice %arg5[%dma_wait3A_1618, %dma_wait3A_1628, %dma_wait3A_1629] : memref<3x2x128xi32, #tpu.memory_space<vmem>> -> memref<1x2x128xi32, #tpu.memory_space<vmem>>
    %dma_wait3A_1631 = tpu.memref_squeeze %dma_wait3A_1630 : memref<1x2x128xi32, #tpu.memory_space<vmem>> -> memref<2x128xi32, #tpu.memory_space<vmem>>
    %dma_wait3A_1632 = arith.constant 0 : i32
    %dma_wait3A_1633 = tpu.memref_slice %dma_wait3A_1631[%dma_wait3A_1619, %dma_wait3A_1632] : memref<2x128xi32, #tpu.memory_space<vmem>> -> memref<1x128xi32, #tpu.memory_space<vmem>>
    %dma_wait3A_1634 = tpu.memref_squeeze %dma_wait3A_1633 : memref<1x128xi32, #tpu.memory_space<vmem>> -> memref<128xi32, #tpu.memory_space<vmem>>
    %dma_wait3A_1635 = tpu.memref_slice %arg2[%add3A_1617] : memref<3276800xi32, #tpu.memory_space<hbm>> -> memref<128xi32, #tpu.memory_space<hbm>>
    tpu.wait_dma2 semaphore(%arg9 : memref<!tpu.dma_semaphore, #tpu.memory_space<semaphore_mem>>) src(%dma_wait3A_1635 : memref<128xi32, #tpu.memory_space<hbm>>) dst(%dma_wait3A_1634 : memref<128xi32, #tpu.memory_space<vmem>>)
    %dma_start3A_1636 = arith.constant 2 : i32
    %dma_start3A_1637 = arith.constant 0 : i32
    %dma_start3A_1638 = arith.constant 2 : i32
    %dma_start3A_1639 = arith.constant 0 : i32
    %dma_start3A_1640 = arith.constant 0 : i32
    %dma_start3A_1641 = tpu.memref_slice %arg6[%dma_start3A_1638, %dma_start3A_1639, %dma_start3A_1640] : memref<3x256x128xf32, #tpu.memory_space<vmem>> -> memref<1x256x128xf32, #tpu.memory_space<vmem>>
    %dma_start3A_1642 = tpu.memref_squeeze %dma_start3A_1641 : memref<1x256x128xf32, #tpu.memory_space<vmem>> -> memref<256x128xf32, #tpu.memory_space<vmem>>
    %dma_start3A_1643 = arith.constant 0 : i32
    %dma_start3A_1644 = arith.constant 0 : i32
    %dma_start3A_1645 = tpu.memref_slice %dma_start3A_1642[%dma_start3A_1643, %dma_start3A_1644] : memref<256x128xf32, #tpu.memory_space<vmem>> -> memref<128x128xf32, #tpu.memory_space<vmem>>
    %dma_start3A_1646 = arith.constant 0 : i32
    %dma_start3A_1647 = arith.constant 0 : i32
    %dma_start3A_1648 = tpu.memref_slice %arg5[%dma_start3A_1636, %dma_start3A_1646, %dma_start3A_1647] : memref<3x2x128xi32, #tpu.memory_space<vmem>> -> memref<1x2x128xi32, #tpu.memory_space<vmem>>
    %dma_start3A_1649 = tpu.memref_squeeze %dma_start3A_1648 : memref<1x2x128xi32, #tpu.memory_space<vmem>> -> memref<2x128xi32, #tpu.memory_space<vmem>>
    %dma_start3A_1650 = arith.constant 0 : i32
    %dma_start3A_1651 = tpu.memref_slice %dma_start3A_1649[%dma_start3A_1637, %dma_start3A_1650] : memref<2x128xi32, #tpu.memory_space<vmem>> -> memref<1x128xi32, #tpu.memory_space<vmem>>
    %dma_start3A_1652 = tpu.memref_squeeze %dma_start3A_1651 : memref<1x128xi32, #tpu.memory_space<vmem>> -> memref<128xi32, #tpu.memory_space<vmem>>
    %dma_start3A_1653 = arith.constant 0 : i32
    %dma_start3A_1654 = arith.constant 0 : i32
    %dma_start3A_1655 = tpu.memref_slice %arg3[%dma_start3A_1653, %dma_start3A_1654] : memref<50000x128xf32, #tpu.memory_space<hbm>> -> memref<50000x128xf32, #tpu.memory_space<hbm>>
    tpu.enqueue_indirect_dma source(%dma_start3A_1655 : memref<50000x128xf32, #tpu.memory_space<hbm>>) target(%dma_start3A_1645 : memref<128x128xf32, #tpu.memory_space<vmem>>) offsets(%dma_start3A_1652 : memref<128xi32, #tpu.memory_space<vmem>>) semaphore(%arg12 : memref<!tpu.dma_semaphore, #tpu.memory_space<semaphore_mem>>)
    %dma_start3A_1656 = arith.constant 2 : i32
    %dma_start3A_1657 = arith.constant 1 : i32
    %dma_start3A_1658 = arith.constant 2 : i32
    %dma_start3A_1659 = arith.constant 0 : i32
    %dma_start3A_1660 = arith.constant 0 : i32
    %dma_start3A_1661 = tpu.memref_slice %arg6[%dma_start3A_1658, %dma_start3A_1659, %dma_start3A_1660] : memref<3x256x128xf32, #tpu.memory_space<vmem>> -> memref<1x256x128xf32, #tpu.memory_space<vmem>>
    %dma_start3A_1662 = tpu.memref_squeeze %dma_start3A_1661 : memref<1x256x128xf32, #tpu.memory_space<vmem>> -> memref<256x128xf32, #tpu.memory_space<vmem>>
    %dma_start3A_1663 = arith.constant 128 : i32
    %dma_start3A_1664 = arith.constant 0 : i32
    %dma_start3A_1665 = tpu.memref_slice %dma_start3A_1662[%dma_start3A_1663, %dma_start3A_1664] : memref<256x128xf32, #tpu.memory_space<vmem>> -> memref<128x128xf32, #tpu.memory_space<vmem>>
    %dma_start3A_1666 = arith.constant 0 : i32
    %dma_start3A_1667 = arith.constant 0 : i32
    %dma_start3A_1668 = tpu.memref_slice %arg5[%dma_start3A_1656, %dma_start3A_1666, %dma_start3A_1667] : memref<3x2x128xi32, #tpu.memory_space<vmem>> -> memref<1x2x128xi32, #tpu.memory_space<vmem>>
    %dma_start3A_1669 = tpu.memref_squeeze %dma_start3A_1668 : memref<1x2x128xi32, #tpu.memory_space<vmem>> -> memref<2x128xi32, #tpu.memory_space<vmem>>
    %dma_start3A_1670 = arith.constant 0 : i32
    %dma_start3A_1671 = tpu.memref_slice %dma_start3A_1669[%dma_start3A_1657, %dma_start3A_1670] : memref<2x128xi32, #tpu.memory_space<vmem>> -> memref<1x128xi32, #tpu.memory_space<vmem>>
    %dma_start3A_1672 = tpu.memref_squeeze %dma_start3A_1671 : memref<1x128xi32, #tpu.memory_space<vmem>> -> memref<128xi32, #tpu.memory_space<vmem>>
    %dma_start3A_1673 = arith.constant 0 : i32
    %dma_start3A_1674 = arith.constant 0 : i32
    %dma_start3A_1675 = tpu.memref_slice %arg3[%dma_start3A_1673, %dma_start3A_1674] : memref<50000x128xf32, #tpu.memory_space<hbm>> -> memref<50000x128xf32, #tpu.memory_space<hbm>>
    tpu.enqueue_indirect_dma source(%dma_start3A_1675 : memref<50000x128xf32, #tpu.memory_space<hbm>>) target(%dma_start3A_1665 : memref<128x128xf32, #tpu.memory_space<vmem>>) offsets(%dma_start3A_1672 : memref<128xi32, #tpu.memory_space<vmem>>) semaphore(%arg12 : memref<!tpu.dma_semaphore, #tpu.memory_space<semaphore_mem>>)
    %dma_wait3A_1676 = arith.constant 1 : i32
    %dma_wait3A_1677 = arith.constant 0 : i32
    %dma_wait3A_1678 = arith.constant 1 : i32
    %dma_wait3A_1679 = arith.constant 0 : i32
    %dma_wait3A_1680 = arith.constant 0 : i32
    %dma_wait3A_1681 = tpu.memref_slice %arg6[%dma_wait3A_1678, %dma_wait3A_1679, %dma_wait3A_1680] : memref<3x256x128xf32, #tpu.memory_space<vmem>> -> memref<1x256x128xf32, #tpu.memory_space<vmem>>
    %dma_wait3A_1682 = tpu.memref_squeeze %dma_wait3A_1681 : memref<1x256x128xf32, #tpu.memory_space<vmem>> -> memref<256x128xf32, #tpu.memory_space<vmem>>
    %dma_wait3A_1683 = arith.constant 0 : i32
    %dma_wait3A_1684 = arith.constant 0 : i32
    %dma_wait3A_1685 = tpu.memref_slice %dma_wait3A_1682[%dma_wait3A_1683, %dma_wait3A_1684] : memref<256x128xf32, #tpu.memory_space<vmem>> -> memref<128x128xf32, #tpu.memory_space<vmem>>
    %dma_wait3A_1686 = arith.constant 0 : i32
    %dma_wait3A_1687 = arith.constant 0 : i32
    %dma_wait3A_1688 = tpu.memref_slice %arg5[%dma_wait3A_1676, %dma_wait3A_1686, %dma_wait3A_1687] : memref<3x2x128xi32, #tpu.memory_space<vmem>> -> memref<1x2x128xi32, #tpu.memory_space<vmem>>
    %dma_wait3A_1689 = tpu.memref_squeeze %dma_wait3A_1688 : memref<1x2x128xi32, #tpu.memory_space<vmem>> -> memref<2x128xi32, #tpu.memory_space<vmem>>
    %dma_wait3A_1690 = arith.constant 0 : i32
    %dma_wait3A_1691 = tpu.memref_slice %dma_wait3A_1689[%dma_wait3A_1677, %dma_wait3A_1690] : memref<2x128xi32, #tpu.memory_space<vmem>> -> memref<1x128xi32, #tpu.memory_space<vmem>>
    %dma_wait3A_1692 = tpu.memref_squeeze %dma_wait3A_1691 : memref<1x128xi32, #tpu.memory_space<vmem>> -> memref<128xi32, #tpu.memory_space<vmem>>
    %dma_wait3A_1693 = arith.constant 0 : i32
    %dma_wait3A_1694 = arith.constant 0 : i32
    %dma_wait3A_1695 = tpu.memref_slice %arg3[%dma_wait3A_1693, %dma_wait3A_1694] : memref<50000x128xf32, #tpu.memory_space<hbm>> -> memref<50000x128xf32, #tpu.memory_space<hbm>>
    tpu.wait_indirect_dma semaphore(%arg11 : memref<!tpu.dma_semaphore, #tpu.memory_space<semaphore_mem>>) src(%dma_wait3A_1695 : memref<50000x128xf32, #tpu.memory_space<hbm>>) dst(%dma_wait3A_1685 : memref<128x128xf32, #tpu.memory_space<vmem>>)
    %dma_wait3A_1696 = arith.constant 1 : i32
    %dma_wait3A_1697 = arith.constant 1 : i32
    %dma_wait3A_1698 = arith.constant 1 : i32
    %dma_wait3A_1699 = arith.constant 0 : i32
    %dma_wait3A_1700 = arith.constant 0 : i32
    %dma_wait3A_1701 = tpu.memref_slice %arg6[%dma_wait3A_1698, %dma_wait3A_1699, %dma_wait3A_1700] : memref<3x256x128xf32, #tpu.memory_space<vmem>> -> memref<1x256x128xf32, #tpu.memory_space<vmem>>
    %dma_wait3A_1702 = tpu.memref_squeeze %dma_wait3A_1701 : memref<1x256x128xf32, #tpu.memory_space<vmem>> -> memref<256x128xf32, #tpu.memory_space<vmem>>
    %dma_wait3A_1703 = arith.constant 128 : i32
    %dma_wait3A_1704 = arith.constant 0 : i32
    %dma_wait3A_1705 = tpu.memref_slice %dma_wait3A_1702[%dma_wait3A_1703, %dma_wait3A_1704] : memref<256x128xf32, #tpu.memory_space<vmem>> -> memref<128x128xf32, #tpu.memory_space<vmem>>
    %dma_wait3A_1706 = arith.constant 0 : i32
    %dma_wait3A_1707 = arith.constant 0 : i32
    %dma_wait3A_1708 = tpu.memref_slice %arg5[%dma_wait3A_1696, %dma_wait3A_1706, %dma_wait3A_1707] : memref<3x2x128xi32, #tpu.memory_space<vmem>> -> memref<1x2x128xi32, #tpu.memory_space<vmem>>
    %dma_wait3A_1709 = tpu.memref_squeeze %dma_wait3A_1708 : memref<1x2x128xi32, #tpu.memory_space<vmem>> -> memref<2x128xi32, #tpu.memory_space<vmem>>
    %dma_wait3A_1710 = arith.constant 0 : i32
    %dma_wait3A_1711 = tpu.memref_slice %dma_wait3A_1709[%dma_wait3A_1697, %dma_wait3A_1710] : memref<2x128xi32, #tpu.memory_space<vmem>> -> memref<1x128xi32, #tpu.memory_space<vmem>>
    %dma_wait3A_1712 = tpu.memref_squeeze %dma_wait3A_1711 : memref<1x128xi32, #tpu.memory_space<vmem>> -> memref<128xi32, #tpu.memory_space<vmem>>
    %dma_wait3A_1713 = arith.constant 0 : i32
    %dma_wait3A_1714 = arith.constant 0 : i32
    %dma_wait3A_1715 = tpu.memref_slice %arg3[%dma_wait3A_1713, %dma_wait3A_1714] : memref<50000x128xf32, #tpu.memory_space<hbm>> -> memref<50000x128xf32, #tpu.memory_space<hbm>>
    tpu.wait_indirect_dma semaphore(%arg11 : memref<!tpu.dma_semaphore, #tpu.memory_space<semaphore_mem>>) src(%dma_wait3A_1715 : memref<50000x128xf32, #tpu.memory_space<hbm>>) dst(%dma_wait3A_1705 : memref<128x128xf32, #tpu.memory_space<vmem>>)
    %add3A_1716 = arith.constant 101632 : i32
    %add3A_1717 = arith.addi %mul3A_2, %add3A_1716 : i32
    %dma_start3A_1718 = arith.constant 1 : i32
    %dma_start3A_1719 = arith.constant 0 : i32
    %dma_start3A_1720 = arith.constant 0 : i32
    %dma_start3A_1721 = tpu.memref_slice %arg6[%dma_start3A_1718, %dma_start3A_1719, %dma_start3A_1720] : memref<3x256x128xf32, #tpu.memory_space<vmem>> -> memref<1x256x128xf32, #tpu.memory_space<vmem>>
    %dma_start3A_1722 = tpu.memref_squeeze %dma_start3A_1721 : memref<1x256x128xf32, #tpu.memory_space<vmem>> -> memref<256x128xf32, #tpu.memory_space<vmem>>
    %dma_start3A_1723 = arith.constant 0 : i32
    %dma_start3A_1724 = tpu.memref_slice %arg4[%add3A_1717, %dma_start3A_1723] : memref<3276800x128xf32, #tpu.memory_space<hbm>> -> memref<256x128xf32, #tpu.memory_space<hbm>>
    %dma_start3A_1725 = arith.constant 0 : i32
    %dma_start3A_1726 = tpu.memref_slice %arg4[%add3A_1717, %dma_start3A_1725] : memref<3276800x128xf32, #tpu.memory_space<hbm>> -> memref<256x128xf32, #tpu.memory_space<hbm>>
    %dma_start3A_1727 = arith.constant 0 : i32
    %dma_start3A_1728 = arith.constant 0 : i32
    %dma_start3A_1729 = tpu.memref_slice %arg6[%dma_start3A_1718, %dma_start3A_1727, %dma_start3A_1728] : memref<3x256x128xf32, #tpu.memory_space<vmem>> -> memref<1x256x128xf32, #tpu.memory_space<vmem>>
    %dma_start3A_1730 = tpu.memref_squeeze %dma_start3A_1729 : memref<1x256x128xf32, #tpu.memory_space<vmem>> -> memref<256x128xf32, #tpu.memory_space<vmem>>
    tpu.enqueue_dma source(%dma_start3A_1730 : memref<256x128xf32, #tpu.memory_space<vmem>>) target(%dma_start3A_1726 : memref<256x128xf32, #tpu.memory_space<hbm>>) target_semaphore(%arg14 : memref<!tpu.dma_semaphore, #tpu.memory_space<semaphore_mem>>)
    %add3A_1731 = arith.constant 101376 : i32
    %add3A_1732 = arith.addi %mul3A_2, %add3A_1731 : i32
    %dma_wait3A_1733 = arith.constant 0 : i32
    %dma_wait3A_1734 = arith.constant 0 : i32
    %dma_wait3A_1735 = arith.constant 0 : i32
    %dma_wait3A_1736 = tpu.memref_slice %arg6[%dma_wait3A_1733, %dma_wait3A_1734, %dma_wait3A_1735] : memref<3x256x128xf32, #tpu.memory_space<vmem>> -> memref<1x256x128xf32, #tpu.memory_space<vmem>>
    %dma_wait3A_1737 = tpu.memref_squeeze %dma_wait3A_1736 : memref<1x256x128xf32, #tpu.memory_space<vmem>> -> memref<256x128xf32, #tpu.memory_space<vmem>>
    %dma_wait3A_1738 = arith.constant 0 : i32
    %dma_wait3A_1739 = tpu.memref_slice %arg4[%add3A_1732, %dma_wait3A_1738] : memref<3276800x128xf32, #tpu.memory_space<hbm>> -> memref<256x128xf32, #tpu.memory_space<hbm>>
    %dma_wait3A_1740 = arith.constant 0 : i32
    %dma_wait3A_1741 = tpu.memref_slice %arg4[%add3A_1732, %dma_wait3A_1740] : memref<3276800x128xf32, #tpu.memory_space<hbm>> -> memref<256x128xf32, #tpu.memory_space<hbm>>
    %dma_wait3A_1742 = arith.constant 0 : i32
    %dma_wait3A_1743 = arith.constant 0 : i32
    %dma_wait3A_1744 = tpu.memref_slice %arg6[%dma_wait3A_1733, %dma_wait3A_1742, %dma_wait3A_1743] : memref<3x256x128xf32, #tpu.memory_space<vmem>> -> memref<1x256x128xf32, #tpu.memory_space<vmem>>
    %dma_wait3A_1745 = tpu.memref_squeeze %dma_wait3A_1744 : memref<1x256x128xf32, #tpu.memory_space<vmem>> -> memref<256x128xf32, #tpu.memory_space<vmem>>
    tpu.wait_dma2 semaphore(%arg13 : memref<!tpu.dma_semaphore, #tpu.memory_space<semaphore_mem>>) src(%dma_wait3A_1745 : memref<256x128xf32, #tpu.memory_space<vmem>>) dst(%dma_wait3A_1741 : memref<256x128xf32, #tpu.memory_space<hbm>>)
    %add3A_1746 = arith.constant 102144 : i32
    %add3A_1747 = arith.addi %mul3A_2, %add3A_1746 : i32
    %add3A_1748 = arith.constant 0 : i32
    %add3A_1749 = arith.addi %add3A_1747, %add3A_1748 : i32
    %dma_wait3A_1750 = arith.constant 0 : i32
    %dma_wait3A_1751 = arith.constant 0 : i32
    %dma_wait3A_1752 = arith.constant 0 : i32
    %dma_wait3A_1753 = arith.constant 0 : i32
    %dma_wait3A_1754 = tpu.memref_slice %arg5[%dma_wait3A_1750, %dma_wait3A_1752, %dma_wait3A_1753] : memref<3x2x128xi32, #tpu.memory_space<vmem>> -> memref<1x2x128xi32, #tpu.memory_space<vmem>>
    %dma_wait3A_1755 = tpu.memref_squeeze %dma_wait3A_1754 : memref<1x2x128xi32, #tpu.memory_space<vmem>> -> memref<2x128xi32, #tpu.memory_space<vmem>>
    %dma_wait3A_1756 = arith.constant 0 : i32
    %dma_wait3A_1757 = tpu.memref_slice %dma_wait3A_1755[%dma_wait3A_1751, %dma_wait3A_1756] : memref<2x128xi32, #tpu.memory_space<vmem>> -> memref<1x128xi32, #tpu.memory_space<vmem>>
    %dma_wait3A_1758 = tpu.memref_squeeze %dma_wait3A_1757 : memref<1x128xi32, #tpu.memory_space<vmem>> -> memref<128xi32, #tpu.memory_space<vmem>>
    %dma_wait3A_1759 = tpu.memref_slice %arg2[%add3A_1749] : memref<3276800xi32, #tpu.memory_space<hbm>> -> memref<128xi32, #tpu.memory_space<hbm>>
    %dma_wait3A_1760 = arith.constant 0 : i32
    %dma_wait3A_1761 = arith.constant 0 : i32
    %dma_wait3A_1762 = tpu.memref_slice %arg5[%dma_wait3A_1750, %dma_wait3A_1760, %dma_wait3A_1761] : memref<3x2x128xi32, #tpu.memory_space<vmem>> -> memref<1x2x128xi32, #tpu.memory_space<vmem>>
    %dma_wait3A_1763 = tpu.memref_squeeze %dma_wait3A_1762 : memref<1x2x128xi32, #tpu.memory_space<vmem>> -> memref<2x128xi32, #tpu.memory_space<vmem>>
    %dma_wait3A_1764 = arith.constant 0 : i32
    %dma_wait3A_1765 = tpu.memref_slice %dma_wait3A_1763[%dma_wait3A_1751, %dma_wait3A_1764] : memref<2x128xi32, #tpu.memory_space<vmem>> -> memref<1x128xi32, #tpu.memory_space<vmem>>
    %dma_wait3A_1766 = tpu.memref_squeeze %dma_wait3A_1765 : memref<1x128xi32, #tpu.memory_space<vmem>> -> memref<128xi32, #tpu.memory_space<vmem>>
    %dma_wait3A_1767 = tpu.memref_slice %arg2[%add3A_1749] : memref<3276800xi32, #tpu.memory_space<hbm>> -> memref<128xi32, #tpu.memory_space<hbm>>
    tpu.wait_dma2 semaphore(%arg7 : memref<!tpu.dma_semaphore, #tpu.memory_space<semaphore_mem>>) src(%dma_wait3A_1767 : memref<128xi32, #tpu.memory_space<hbm>>) dst(%dma_wait3A_1766 : memref<128xi32, #tpu.memory_space<vmem>>)
    %add3A_1768 = arith.constant 102144 : i32
    %add3A_1769 = arith.addi %mul3A_2, %add3A_1768 : i32
    %add3A_1770 = arith.constant 128 : i32
    %add3A_1771 = arith.addi %add3A_1769, %add3A_1770 : i32
    %dma_wait3A_1772 = arith.constant 0 : i32
    %dma_wait3A_1773 = arith.constant 1 : i32
    %dma_wait3A_1774 = arith.constant 0 : i32
    %dma_wait3A_1775 = arith.constant 0 : i32
    %dma_wait3A_1776 = tpu.memref_slice %arg5[%dma_wait3A_1772, %dma_wait3A_1774, %dma_wait3A_1775] : memref<3x2x128xi32, #tpu.memory_space<vmem>> -> memref<1x2x128xi32, #tpu.memory_space<vmem>>
    %dma_wait3A_1777 = tpu.memref_squeeze %dma_wait3A_1776 : memref<1x2x128xi32, #tpu.memory_space<vmem>> -> memref<2x128xi32, #tpu.memory_space<vmem>>
    %dma_wait3A_1778 = arith.constant 0 : i32
    %dma_wait3A_1779 = tpu.memref_slice %dma_wait3A_1777[%dma_wait3A_1773, %dma_wait3A_1778] : memref<2x128xi32, #tpu.memory_space<vmem>> -> memref<1x128xi32, #tpu.memory_space<vmem>>
    %dma_wait3A_1780 = tpu.memref_squeeze %dma_wait3A_1779 : memref<1x128xi32, #tpu.memory_space<vmem>> -> memref<128xi32, #tpu.memory_space<vmem>>
    %dma_wait3A_1781 = tpu.memref_slice %arg2[%add3A_1771] : memref<3276800xi32, #tpu.memory_space<hbm>> -> memref<128xi32, #tpu.memory_space<hbm>>
    %dma_wait3A_1782 = arith.constant 0 : i32
    %dma_wait3A_1783 = arith.constant 0 : i32
    %dma_wait3A_1784 = tpu.memref_slice %arg5[%dma_wait3A_1772, %dma_wait3A_1782, %dma_wait3A_1783] : memref<3x2x128xi32, #tpu.memory_space<vmem>> -> memref<1x2x128xi32, #tpu.memory_space<vmem>>
    %dma_wait3A_1785 = tpu.memref_squeeze %dma_wait3A_1784 : memref<1x2x128xi32, #tpu.memory_space<vmem>> -> memref<2x128xi32, #tpu.memory_space<vmem>>
    %dma_wait3A_1786 = arith.constant 0 : i32
    %dma_wait3A_1787 = tpu.memref_slice %dma_wait3A_1785[%dma_wait3A_1773, %dma_wait3A_1786] : memref<2x128xi32, #tpu.memory_space<vmem>> -> memref<1x128xi32, #tpu.memory_space<vmem>>
    %dma_wait3A_1788 = tpu.memref_squeeze %dma_wait3A_1787 : memref<1x128xi32, #tpu.memory_space<vmem>> -> memref<128xi32, #tpu.memory_space<vmem>>
    %dma_wait3A_1789 = tpu.memref_slice %arg2[%add3A_1771] : memref<3276800xi32, #tpu.memory_space<hbm>> -> memref<128xi32, #tpu.memory_space<hbm>>
    tpu.wait_dma2 semaphore(%arg7 : memref<!tpu.dma_semaphore, #tpu.memory_space<semaphore_mem>>) src(%dma_wait3A_1789 : memref<128xi32, #tpu.memory_space<hbm>>) dst(%dma_wait3A_1788 : memref<128xi32, #tpu.memory_space<vmem>>)
    %dma_start3A_1790 = arith.constant 0 : i32
    %dma_start3A_1791 = arith.constant 0 : i32
    %dma_start3A_1792 = arith.constant 0 : i32
    %dma_start3A_1793 = arith.constant 0 : i32
    %dma_start3A_1794 = arith.constant 0 : i32
    %dma_start3A_1795 = tpu.memref_slice %arg6[%dma_start3A_1792, %dma_start3A_1793, %dma_start3A_1794] : memref<3x256x128xf32, #tpu.memory_space<vmem>> -> memref<1x256x128xf32, #tpu.memory_space<vmem>>
    %dma_start3A_1796 = tpu.memref_squeeze %dma_start3A_1795 : memref<1x256x128xf32, #tpu.memory_space<vmem>> -> memref<256x128xf32, #tpu.memory_space<vmem>>
    %dma_start3A_1797 = arith.constant 0 : i32
    %dma_start3A_1798 = arith.constant 0 : i32
    %dma_start3A_1799 = tpu.memref_slice %dma_start3A_1796[%dma_start3A_1797, %dma_start3A_1798] : memref<256x128xf32, #tpu.memory_space<vmem>> -> memref<128x128xf32, #tpu.memory_space<vmem>>
    %dma_start3A_1800 = arith.constant 0 : i32
    %dma_start3A_1801 = arith.constant 0 : i32
    %dma_start3A_1802 = tpu.memref_slice %arg5[%dma_start3A_1790, %dma_start3A_1800, %dma_start3A_1801] : memref<3x2x128xi32, #tpu.memory_space<vmem>> -> memref<1x2x128xi32, #tpu.memory_space<vmem>>
    %dma_start3A_1803 = tpu.memref_squeeze %dma_start3A_1802 : memref<1x2x128xi32, #tpu.memory_space<vmem>> -> memref<2x128xi32, #tpu.memory_space<vmem>>
    %dma_start3A_1804 = arith.constant 0 : i32
    %dma_start3A_1805 = tpu.memref_slice %dma_start3A_1803[%dma_start3A_1791, %dma_start3A_1804] : memref<2x128xi32, #tpu.memory_space<vmem>> -> memref<1x128xi32, #tpu.memory_space<vmem>>
    %dma_start3A_1806 = tpu.memref_squeeze %dma_start3A_1805 : memref<1x128xi32, #tpu.memory_space<vmem>> -> memref<128xi32, #tpu.memory_space<vmem>>
    %dma_start3A_1807 = arith.constant 0 : i32
    %dma_start3A_1808 = arith.constant 0 : i32
    %dma_start3A_1809 = tpu.memref_slice %arg3[%dma_start3A_1807, %dma_start3A_1808] : memref<50000x128xf32, #tpu.memory_space<hbm>> -> memref<50000x128xf32, #tpu.memory_space<hbm>>
    tpu.enqueue_indirect_dma source(%dma_start3A_1809 : memref<50000x128xf32, #tpu.memory_space<hbm>>) target(%dma_start3A_1799 : memref<128x128xf32, #tpu.memory_space<vmem>>) offsets(%dma_start3A_1806 : memref<128xi32, #tpu.memory_space<vmem>>) semaphore(%arg10 : memref<!tpu.dma_semaphore, #tpu.memory_space<semaphore_mem>>)
    %dma_start3A_1810 = arith.constant 0 : i32
    %dma_start3A_1811 = arith.constant 1 : i32
    %dma_start3A_1812 = arith.constant 0 : i32
    %dma_start3A_1813 = arith.constant 0 : i32
    %dma_start3A_1814 = arith.constant 0 : i32
    %dma_start3A_1815 = tpu.memref_slice %arg6[%dma_start3A_1812, %dma_start3A_1813, %dma_start3A_1814] : memref<3x256x128xf32, #tpu.memory_space<vmem>> -> memref<1x256x128xf32, #tpu.memory_space<vmem>>
    %dma_start3A_1816 = tpu.memref_squeeze %dma_start3A_1815 : memref<1x256x128xf32, #tpu.memory_space<vmem>> -> memref<256x128xf32, #tpu.memory_space<vmem>>
    %dma_start3A_1817 = arith.constant 128 : i32
    %dma_start3A_1818 = arith.constant 0 : i32
    %dma_start3A_1819 = tpu.memref_slice %dma_start3A_1816[%dma_start3A_1817, %dma_start3A_1818] : memref<256x128xf32, #tpu.memory_space<vmem>> -> memref<128x128xf32, #tpu.memory_space<vmem>>
    %dma_start3A_1820 = arith.constant 0 : i32
    %dma_start3A_1821 = arith.constant 0 : i32
    %dma_start3A_1822 = tpu.memref_slice %arg5[%dma_start3A_1810, %dma_start3A_1820, %dma_start3A_1821] : memref<3x2x128xi32, #tpu.memory_space<vmem>> -> memref<1x2x128xi32, #tpu.memory_space<vmem>>
    %dma_start3A_1823 = tpu.memref_squeeze %dma_start3A_1822 : memref<1x2x128xi32, #tpu.memory_space<vmem>> -> memref<2x128xi32, #tpu.memory_space<vmem>>
    %dma_start3A_1824 = arith.constant 0 : i32
    %dma_start3A_1825 = tpu.memref_slice %dma_start3A_1823[%dma_start3A_1811, %dma_start3A_1824] : memref<2x128xi32, #tpu.memory_space<vmem>> -> memref<1x128xi32, #tpu.memory_space<vmem>>
    %dma_start3A_1826 = tpu.memref_squeeze %dma_start3A_1825 : memref<1x128xi32, #tpu.memory_space<vmem>> -> memref<128xi32, #tpu.memory_space<vmem>>
    %dma_start3A_1827 = arith.constant 0 : i32
    %dma_start3A_1828 = arith.constant 0 : i32
    %dma_start3A_1829 = tpu.memref_slice %arg3[%dma_start3A_1827, %dma_start3A_1828] : memref<50000x128xf32, #tpu.memory_space<hbm>> -> memref<50000x128xf32, #tpu.memory_space<hbm>>
    tpu.enqueue_indirect_dma source(%dma_start3A_1829 : memref<50000x128xf32, #tpu.memory_space<hbm>>) target(%dma_start3A_1819 : memref<128x128xf32, #tpu.memory_space<vmem>>) offsets(%dma_start3A_1826 : memref<128xi32, #tpu.memory_space<vmem>>) semaphore(%arg10 : memref<!tpu.dma_semaphore, #tpu.memory_space<semaphore_mem>>)
    %dma_wait3A_1830 = arith.constant 2 : i32
    %dma_wait3A_1831 = arith.constant 0 : i32
    %dma_wait3A_1832 = arith.constant 2 : i32
    %dma_wait3A_1833 = arith.constant 0 : i32
    %dma_wait3A_1834 = arith.constant 0 : i32
    %dma_wait3A_1835 = tpu.memref_slice %arg6[%dma_wait3A_1832, %dma_wait3A_1833, %dma_wait3A_1834] : memref<3x256x128xf32, #tpu.memory_space<vmem>> -> memref<1x256x128xf32, #tpu.memory_space<vmem>>
    %dma_wait3A_1836 = tpu.memref_squeeze %dma_wait3A_1835 : memref<1x256x128xf32, #tpu.memory_space<vmem>> -> memref<256x128xf32, #tpu.memory_space<vmem>>
    %dma_wait3A_1837 = arith.constant 0 : i32
    %dma_wait3A_1838 = arith.constant 0 : i32
    %dma_wait3A_1839 = tpu.memref_slice %dma_wait3A_1836[%dma_wait3A_1837, %dma_wait3A_1838] : memref<256x128xf32, #tpu.memory_space<vmem>> -> memref<128x128xf32, #tpu.memory_space<vmem>>
    %dma_wait3A_1840 = arith.constant 0 : i32
    %dma_wait3A_1841 = arith.constant 0 : i32
    %dma_wait3A_1842 = tpu.memref_slice %arg5[%dma_wait3A_1830, %dma_wait3A_1840, %dma_wait3A_1841] : memref<3x2x128xi32, #tpu.memory_space<vmem>> -> memref<1x2x128xi32, #tpu.memory_space<vmem>>
    %dma_wait3A_1843 = tpu.memref_squeeze %dma_wait3A_1842 : memref<1x2x128xi32, #tpu.memory_space<vmem>> -> memref<2x128xi32, #tpu.memory_space<vmem>>
    %dma_wait3A_1844 = arith.constant 0 : i32
    %dma_wait3A_1845 = tpu.memref_slice %dma_wait3A_1843[%dma_wait3A_1831, %dma_wait3A_1844] : memref<2x128xi32, #tpu.memory_space<vmem>> -> memref<1x128xi32, #tpu.memory_space<vmem>>
    %dma_wait3A_1846 = tpu.memref_squeeze %dma_wait3A_1845 : memref<1x128xi32, #tpu.memory_space<vmem>> -> memref<128xi32, #tpu.memory_space<vmem>>
    %dma_wait3A_1847 = arith.constant 0 : i32
    %dma_wait3A_1848 = arith.constant 0 : i32
    %dma_wait3A_1849 = tpu.memref_slice %arg3[%dma_wait3A_1847, %dma_wait3A_1848] : memref<50000x128xf32, #tpu.memory_space<hbm>> -> memref<50000x128xf32, #tpu.memory_space<hbm>>
    tpu.wait_indirect_dma semaphore(%arg12 : memref<!tpu.dma_semaphore, #tpu.memory_space<semaphore_mem>>) src(%dma_wait3A_1849 : memref<50000x128xf32, #tpu.memory_space<hbm>>) dst(%dma_wait3A_1839 : memref<128x128xf32, #tpu.memory_space<vmem>>)
    %dma_wait3A_1850 = arith.constant 2 : i32
    %dma_wait3A_1851 = arith.constant 1 : i32
    %dma_wait3A_1852 = arith.constant 2 : i32
    %dma_wait3A_1853 = arith.constant 0 : i32
    %dma_wait3A_1854 = arith.constant 0 : i32
    %dma_wait3A_1855 = tpu.memref_slice %arg6[%dma_wait3A_1852, %dma_wait3A_1853, %dma_wait3A_1854] : memref<3x256x128xf32, #tpu.memory_space<vmem>> -> memref<1x256x128xf32, #tpu.memory_space<vmem>>
    %dma_wait3A_1856 = tpu.memref_squeeze %dma_wait3A_1855 : memref<1x256x128xf32, #tpu.memory_space<vmem>> -> memref<256x128xf32, #tpu.memory_space<vmem>>
    %dma_wait3A_1857 = arith.constant 128 : i32
    %dma_wait3A_1858 = arith.constant 0 : i32
    %dma_wait3A_1859 = tpu.memref_slice %dma_wait3A_1856[%dma_wait3A_1857, %dma_wait3A_1858] : memref<256x128xf32, #tpu.memory_space<vmem>> -> memref<128x128xf32, #tpu.memory_space<vmem>>
    %dma_wait3A_1860 = arith.constant 0 : i32
    %dma_wait3A_1861 = arith.constant 0 : i32
    %dma_wait3A_1862 = tpu.memref_slice %arg5[%dma_wait3A_1850, %dma_wait3A_1860, %dma_wait3A_1861] : memref<3x2x128xi32, #tpu.memory_space<vmem>> -> memref<1x2x128xi32, #tpu.memory_space<vmem>>
    %dma_wait3A_1863 = tpu.memref_squeeze %dma_wait3A_1862 : memref<1x2x128xi32, #tpu.memory_space<vmem>> -> memref<2x128xi32, #tpu.memory_space<vmem>>
    %dma_wait3A_1864 = arith.constant 0 : i32
    %dma_wait3A_1865 = tpu.memref_slice %dma_wait3A_1863[%dma_wait3A_1851, %dma_wait3A_1864] : memref<2x128xi32, #tpu.memory_space<vmem>> -> memref<1x128xi32, #tpu.memory_space<vmem>>
    %dma_wait3A_1866 = tpu.memref_squeeze %dma_wait3A_1865 : memref<1x128xi32, #tpu.memory_space<vmem>> -> memref<128xi32, #tpu.memory_space<vmem>>
    %dma_wait3A_1867 = arith.constant 0 : i32
    %dma_wait3A_1868 = arith.constant 0 : i32
    %dma_wait3A_1869 = tpu.memref_slice %arg3[%dma_wait3A_1867, %dma_wait3A_1868] : memref<50000x128xf32, #tpu.memory_space<hbm>> -> memref<50000x128xf32, #tpu.memory_space<hbm>>
    tpu.wait_indirect_dma semaphore(%arg12 : memref<!tpu.dma_semaphore, #tpu.memory_space<semaphore_mem>>) src(%dma_wait3A_1869 : memref<50000x128xf32, #tpu.memory_space<hbm>>) dst(%dma_wait3A_1859 : memref<128x128xf32, #tpu.memory_space<vmem>>)
    %add3A_1870 = arith.constant 101888 : i32
    %add3A_1871 = arith.addi %mul3A_2, %add3A_1870 : i32
    %dma_start3A_1872 = arith.constant 2 : i32
    %dma_start3A_1873 = arith.constant 0 : i32
    %dma_start3A_1874 = arith.constant 0 : i32
    %dma_start3A_1875 = tpu.memref_slice %arg6[%dma_start3A_1872, %dma_start3A_1873, %dma_start3A_1874] : memref<3x256x128xf32, #tpu.memory_space<vmem>> -> memref<1x256x128xf32, #tpu.memory_space<vmem>>
    %dma_start3A_1876 = tpu.memref_squeeze %dma_start3A_1875 : memref<1x256x128xf32, #tpu.memory_space<vmem>> -> memref<256x128xf32, #tpu.memory_space<vmem>>
    %dma_start3A_1877 = arith.constant 0 : i32
    %dma_start3A_1878 = tpu.memref_slice %arg4[%add3A_1871, %dma_start3A_1877] : memref<3276800x128xf32, #tpu.memory_space<hbm>> -> memref<256x128xf32, #tpu.memory_space<hbm>>
    %dma_start3A_1879 = arith.constant 0 : i32
    %dma_start3A_1880 = tpu.memref_slice %arg4[%add3A_1871, %dma_start3A_1879] : memref<3276800x128xf32, #tpu.memory_space<hbm>> -> memref<256x128xf32, #tpu.memory_space<hbm>>
    %dma_start3A_1881 = arith.constant 0 : i32
    %dma_start3A_1882 = arith.constant 0 : i32
    %dma_start3A_1883 = tpu.memref_slice %arg6[%dma_start3A_1872, %dma_start3A_1881, %dma_start3A_1882] : memref<3x256x128xf32, #tpu.memory_space<vmem>> -> memref<1x256x128xf32, #tpu.memory_space<vmem>>
    %dma_start3A_1884 = tpu.memref_squeeze %dma_start3A_1883 : memref<1x256x128xf32, #tpu.memory_space<vmem>> -> memref<256x128xf32, #tpu.memory_space<vmem>>
    tpu.enqueue_dma source(%dma_start3A_1884 : memref<256x128xf32, #tpu.memory_space<vmem>>) target(%dma_start3A_1880 : memref<256x128xf32, #tpu.memory_space<hbm>>) target_semaphore(%arg15 : memref<!tpu.dma_semaphore, #tpu.memory_space<semaphore_mem>>)
    %add3A_1885 = arith.constant 101632 : i32
    %add3A_1886 = arith.addi %mul3A_2, %add3A_1885 : i32
    %dma_wait3A_1887 = arith.constant 1 : i32
    %dma_wait3A_1888 = arith.constant 0 : i32
    %dma_wait3A_1889 = arith.constant 0 : i32
    %dma_wait3A_1890 = tpu.memref_slice %arg6[%dma_wait3A_1887, %dma_wait3A_1888, %dma_wait3A_1889] : memref<3x256x128xf32, #tpu.memory_space<vmem>> -> memref<1x256x128xf32, #tpu.memory_space<vmem>>
    %dma_wait3A_1891 = tpu.memref_squeeze %dma_wait3A_1890 : memref<1x256x128xf32, #tpu.memory_space<vmem>> -> memref<256x128xf32, #tpu.memory_space<vmem>>
    %dma_wait3A_1892 = arith.constant 0 : i32
    %dma_wait3A_1893 = tpu.memref_slice %arg4[%add3A_1886, %dma_wait3A_1892] : memref<3276800x128xf32, #tpu.memory_space<hbm>> -> memref<256x128xf32, #tpu.memory_space<hbm>>
    %dma_wait3A_1894 = arith.constant 0 : i32
    %dma_wait3A_1895 = tpu.memref_slice %arg4[%add3A_1886, %dma_wait3A_1894] : memref<3276800x128xf32, #tpu.memory_space<hbm>> -> memref<256x128xf32, #tpu.memory_space<hbm>>
    %dma_wait3A_1896 = arith.constant 0 : i32
    %dma_wait3A_1897 = arith.constant 0 : i32
    %dma_wait3A_1898 = tpu.memref_slice %arg6[%dma_wait3A_1887, %dma_wait3A_1896, %dma_wait3A_1897] : memref<3x256x128xf32, #tpu.memory_space<vmem>> -> memref<1x256x128xf32, #tpu.memory_space<vmem>>
    %dma_wait3A_1899 = tpu.memref_squeeze %dma_wait3A_1898 : memref<1x256x128xf32, #tpu.memory_space<vmem>> -> memref<256x128xf32, #tpu.memory_space<vmem>>
    tpu.wait_dma2 semaphore(%arg14 : memref<!tpu.dma_semaphore, #tpu.memory_space<semaphore_mem>>) src(%dma_wait3A_1899 : memref<256x128xf32, #tpu.memory_space<vmem>>) dst(%dma_wait3A_1895 : memref<256x128xf32, #tpu.memory_space<hbm>>)
    %dma_wait3A_1900 = arith.constant 0 : i32
    %dma_wait3A_1901 = arith.constant 0 : i32
    %dma_wait3A_1902 = arith.constant 0 : i32
    %dma_wait3A_1903 = arith.constant 0 : i32
    %dma_wait3A_1904 = arith.constant 0 : i32
    %dma_wait3A_1905 = tpu.memref_slice %arg6[%dma_wait3A_1902, %dma_wait3A_1903, %dma_wait3A_1904] : memref<3x256x128xf32, #tpu.memory_space<vmem>> -> memref<1x256x128xf32, #tpu.memory_space<vmem>>
    %dma_wait3A_1906 = tpu.memref_squeeze %dma_wait3A_1905 : memref<1x256x128xf32, #tpu.memory_space<vmem>> -> memref<256x128xf32, #tpu.memory_space<vmem>>
    %dma_wait3A_1907 = arith.constant 0 : i32
    %dma_wait3A_1908 = arith.constant 0 : i32
    %dma_wait3A_1909 = tpu.memref_slice %dma_wait3A_1906[%dma_wait3A_1907, %dma_wait3A_1908] : memref<256x128xf32, #tpu.memory_space<vmem>> -> memref<128x128xf32, #tpu.memory_space<vmem>>
    %dma_wait3A_1910 = arith.constant 0 : i32
    %dma_wait3A_1911 = arith.constant 0 : i32
    %dma_wait3A_1912 = tpu.memref_slice %arg5[%dma_wait3A_1900, %dma_wait3A_1910, %dma_wait3A_1911] : memref<3x2x128xi32, #tpu.memory_space<vmem>> -> memref<1x2x128xi32, #tpu.memory_space<vmem>>
    %dma_wait3A_1913 = tpu.memref_squeeze %dma_wait3A_1912 : memref<1x2x128xi32, #tpu.memory_space<vmem>> -> memref<2x128xi32, #tpu.memory_space<vmem>>
    %dma_wait3A_1914 = arith.constant 0 : i32
    %dma_wait3A_1915 = tpu.memref_slice %dma_wait3A_1913[%dma_wait3A_1901, %dma_wait3A_1914] : memref<2x128xi32, #tpu.memory_space<vmem>> -> memref<1x128xi32, #tpu.memory_space<vmem>>
    %dma_wait3A_1916 = tpu.memref_squeeze %dma_wait3A_1915 : memref<1x128xi32, #tpu.memory_space<vmem>> -> memref<128xi32, #tpu.memory_space<vmem>>
    %dma_wait3A_1917 = arith.constant 0 : i32
    %dma_wait3A_1918 = arith.constant 0 : i32
    %dma_wait3A_1919 = tpu.memref_slice %arg3[%dma_wait3A_1917, %dma_wait3A_1918] : memref<50000x128xf32, #tpu.memory_space<hbm>> -> memref<50000x128xf32, #tpu.memory_space<hbm>>
    tpu.wait_indirect_dma semaphore(%arg10 : memref<!tpu.dma_semaphore, #tpu.memory_space<semaphore_mem>>) src(%dma_wait3A_1919 : memref<50000x128xf32, #tpu.memory_space<hbm>>) dst(%dma_wait3A_1909 : memref<128x128xf32, #tpu.memory_space<vmem>>)
    %dma_wait3A_1920 = arith.constant 0 : i32
    %dma_wait3A_1921 = arith.constant 1 : i32
    %dma_wait3A_1922 = arith.constant 0 : i32
    %dma_wait3A_1923 = arith.constant 0 : i32
    %dma_wait3A_1924 = arith.constant 0 : i32
    %dma_wait3A_1925 = tpu.memref_slice %arg6[%dma_wait3A_1922, %dma_wait3A_1923, %dma_wait3A_1924] : memref<3x256x128xf32, #tpu.memory_space<vmem>> -> memref<1x256x128xf32, #tpu.memory_space<vmem>>
    %dma_wait3A_1926 = tpu.memref_squeeze %dma_wait3A_1925 : memref<1x256x128xf32, #tpu.memory_space<vmem>> -> memref<256x128xf32, #tpu.memory_space<vmem>>
    %dma_wait3A_1927 = arith.constant 128 : i32
    %dma_wait3A_1928 = arith.constant 0 : i32
    %dma_wait3A_1929 = tpu.memref_slice %dma_wait3A_1926[%dma_wait3A_1927, %dma_wait3A_1928] : memref<256x128xf32, #tpu.memory_space<vmem>> -> memref<128x128xf32, #tpu.memory_space<vmem>>
    %dma_wait3A_1930 = arith.constant 0 : i32
    %dma_wait3A_1931 = arith.constant 0 : i32
    %dma_wait3A_1932 = tpu.memref_slice %arg5[%dma_wait3A_1920, %dma_wait3A_1930, %dma_wait3A_1931] : memref<3x2x128xi32, #tpu.memory_space<vmem>> -> memref<1x2x128xi32, #tpu.memory_space<vmem>>
    %dma_wait3A_1933 = tpu.memref_squeeze %dma_wait3A_1932 : memref<1x2x128xi32, #tpu.memory_space<vmem>> -> memref<2x128xi32, #tpu.memory_space<vmem>>
    %dma_wait3A_1934 = arith.constant 0 : i32
    %dma_wait3A_1935 = tpu.memref_slice %dma_wait3A_1933[%dma_wait3A_1921, %dma_wait3A_1934] : memref<2x128xi32, #tpu.memory_space<vmem>> -> memref<1x128xi32, #tpu.memory_space<vmem>>
    %dma_wait3A_1936 = tpu.memref_squeeze %dma_wait3A_1935 : memref<1x128xi32, #tpu.memory_space<vmem>> -> memref<128xi32, #tpu.memory_space<vmem>>
    %dma_wait3A_1937 = arith.constant 0 : i32
    %dma_wait3A_1938 = arith.constant 0 : i32
    %dma_wait3A_1939 = tpu.memref_slice %arg3[%dma_wait3A_1937, %dma_wait3A_1938] : memref<50000x128xf32, #tpu.memory_space<hbm>> -> memref<50000x128xf32, #tpu.memory_space<hbm>>
    tpu.wait_indirect_dma semaphore(%arg10 : memref<!tpu.dma_semaphore, #tpu.memory_space<semaphore_mem>>) src(%dma_wait3A_1939 : memref<50000x128xf32, #tpu.memory_space<hbm>>) dst(%dma_wait3A_1929 : memref<128x128xf32, #tpu.memory_space<vmem>>)
    %add3A_1940 = arith.constant 102144 : i32
    %add3A_1941 = arith.addi %mul3A_2, %add3A_1940 : i32
    %dma_start3A_1942 = arith.constant 0 : i32
    %dma_start3A_1943 = arith.constant 0 : i32
    %dma_start3A_1944 = arith.constant 0 : i32
    %dma_start3A_1945 = tpu.memref_slice %arg6[%dma_start3A_1942, %dma_start3A_1943, %dma_start3A_1944] : memref<3x256x128xf32, #tpu.memory_space<vmem>> -> memref<1x256x128xf32, #tpu.memory_space<vmem>>
    %dma_start3A_1946 = tpu.memref_squeeze %dma_start3A_1945 : memref<1x256x128xf32, #tpu.memory_space<vmem>> -> memref<256x128xf32, #tpu.memory_space<vmem>>
    %dma_start3A_1947 = arith.constant 0 : i32
    %dma_start3A_1948 = tpu.memref_slice %arg4[%add3A_1941, %dma_start3A_1947] : memref<3276800x128xf32, #tpu.memory_space<hbm>> -> memref<256x128xf32, #tpu.memory_space<hbm>>
    %dma_start3A_1949 = arith.constant 0 : i32
    %dma_start3A_1950 = tpu.memref_slice %arg4[%add3A_1941, %dma_start3A_1949] : memref<3276800x128xf32, #tpu.memory_space<hbm>> -> memref<256x128xf32, #tpu.memory_space<hbm>>
    %dma_start3A_1951 = arith.constant 0 : i32
    %dma_start3A_1952 = arith.constant 0 : i32
    %dma_start3A_1953 = tpu.memref_slice %arg6[%dma_start3A_1942, %dma_start3A_1951, %dma_start3A_1952] : memref<3x256x128xf32, #tpu.memory_space<vmem>> -> memref<1x256x128xf32, #tpu.memory_space<vmem>>
    %dma_start3A_1954 = tpu.memref_squeeze %dma_start3A_1953 : memref<1x256x128xf32, #tpu.memory_space<vmem>> -> memref<256x128xf32, #tpu.memory_space<vmem>>
    tpu.enqueue_dma source(%dma_start3A_1954 : memref<256x128xf32, #tpu.memory_space<vmem>>) target(%dma_start3A_1950 : memref<256x128xf32, #tpu.memory_space<hbm>>) target_semaphore(%arg13 : memref<!tpu.dma_semaphore, #tpu.memory_space<semaphore_mem>>)
    %add3A_1955 = arith.constant 101888 : i32
    %add3A_1956 = arith.addi %mul3A_2, %add3A_1955 : i32
    %dma_wait3A_1957 = arith.constant 2 : i32
    %dma_wait3A_1958 = arith.constant 0 : i32
    %dma_wait3A_1959 = arith.constant 0 : i32
    %dma_wait3A_1960 = tpu.memref_slice %arg6[%dma_wait3A_1957, %dma_wait3A_1958, %dma_wait3A_1959] : memref<3x256x128xf32, #tpu.memory_space<vmem>> -> memref<1x256x128xf32, #tpu.memory_space<vmem>>
    %dma_wait3A_1961 = tpu.memref_squeeze %dma_wait3A_1960 : memref<1x256x128xf32, #tpu.memory_space<vmem>> -> memref<256x128xf32, #tpu.memory_space<vmem>>
    %dma_wait3A_1962 = arith.constant 0 : i32
    %dma_wait3A_1963 = tpu.memref_slice %arg4[%add3A_1956, %dma_wait3A_1962] : memref<3276800x128xf32, #tpu.memory_space<hbm>> -> memref<256x128xf32, #tpu.memory_space<hbm>>
    %dma_wait3A_1964 = arith.constant 0 : i32
    %dma_wait3A_1965 = tpu.memref_slice %arg4[%add3A_1956, %dma_wait3A_1964] : memref<3276800x128xf32, #tpu.memory_space<hbm>> -> memref<256x128xf32, #tpu.memory_space<hbm>>
    %dma_wait3A_1966 = arith.constant 0 : i32
    %dma_wait3A_1967 = arith.constant 0 : i32
    %dma_wait3A_1968 = tpu.memref_slice %arg6[%dma_wait3A_1957, %dma_wait3A_1966, %dma_wait3A_1967] : memref<3x256x128xf32, #tpu.memory_space<vmem>> -> memref<1x256x128xf32, #tpu.memory_space<vmem>>
    %dma_wait3A_1969 = tpu.memref_squeeze %dma_wait3A_1968 : memref<1x256x128xf32, #tpu.memory_space<vmem>> -> memref<256x128xf32, #tpu.memory_space<vmem>>
    tpu.wait_dma2 semaphore(%arg15 : memref<!tpu.dma_semaphore, #tpu.memory_space<semaphore_mem>>) src(%dma_wait3A_1969 : memref<256x128xf32, #tpu.memory_space<vmem>>) dst(%dma_wait3A_1965 : memref<256x128xf32, #tpu.memory_space<hbm>>)
    %add3A_1970 = arith.constant 102144 : i32
    %add3A_1971 = arith.addi %mul3A_2, %add3A_1970 : i32
    %dma_wait3A_1972 = arith.constant 0 : i32
    %dma_wait3A_1973 = arith.constant 0 : i32
    %dma_wait3A_1974 = arith.constant 0 : i32
    %dma_wait3A_1975 = tpu.memref_slice %arg6[%dma_wait3A_1972, %dma_wait3A_1973, %dma_wait3A_1974] : memref<3x256x128xf32, #tpu.memory_space<vmem>> -> memref<1x256x128xf32, #tpu.memory_space<vmem>>
    %dma_wait3A_1976 = tpu.memref_squeeze %dma_wait3A_1975 : memref<1x256x128xf32, #tpu.memory_space<vmem>> -> memref<256x128xf32, #tpu.memory_space<vmem>>
    %dma_wait3A_1977 = arith.constant 0 : i32
    %dma_wait3A_1978 = tpu.memref_slice %arg4[%add3A_1971, %dma_wait3A_1977] : memref<3276800x128xf32, #tpu.memory_space<hbm>> -> memref<256x128xf32, #tpu.memory_space<hbm>>
    %dma_wait3A_1979 = arith.constant 0 : i32
    %dma_wait3A_1980 = tpu.memref_slice %arg4[%add3A_1971, %dma_wait3A_1979] : memref<3276800x128xf32, #tpu.memory_space<hbm>> -> memref<256x128xf32, #tpu.memory_space<hbm>>
    %dma_wait3A_1981 = arith.constant 0 : i32
    %dma_wait3A_1982 = arith.constant 0 : i32
    %dma_wait3A_1983 = tpu.memref_slice %arg6[%dma_wait3A_1972, %dma_wait3A_1981, %dma_wait3A_1982] : memref<3x256x128xf32, #tpu.memory_space<vmem>> -> memref<1x256x128xf32, #tpu.memory_space<vmem>>
    %dma_wait3A_1984 = tpu.memref_squeeze %dma_wait3A_1983 : memref<1x256x128xf32, #tpu.memory_space<vmem>> -> memref<256x128xf32, #tpu.memory_space<vmem>>
    tpu.wait_dma2 semaphore(%arg13 : memref<!tpu.dma_semaphore, #tpu.memory_space<semaphore_mem>>) src(%dma_wait3A_1984 : memref<256x128xf32, #tpu.memory_space<vmem>>) dst(%dma_wait3A_1980 : memref<256x128xf32, #tpu.memory_space<hbm>>)
    return
  }
}

</mosaic_0001>

<sc_bundles>
// kernel: _gather_rows.3.cloned.1.call-start
scs
__scs_entry_jumppad:
0x0: {  	(pc) =	sbr.rel $0x88, $3  }
0x1: {  	(tag) =	ssettag $0x0;
	lr =	simm.s32 $0x1  }
0x2: {  	[smem:$0x3F9F] =	sst lr;
	_ =	strace $0xD0000000  }
0x3: {  	_ = 	snop  }
0x4: {  	_ = 	snop  }
0x5: {  	_ = 	snop  }
0x6: {  	_ = 	snop  }
0x7: {  	_ = 	snop  }
__scs_overlays_trampoline_lowered:
0x8: {  	[smem:$0x3FAE] =	sst s0  }
0x9: {  	[smem:$0x3FAF] =	sst s1  }
0xa: {  	[smem:$0x3FB0] =	sst s2  }
0xb: {  	[smem:$0x3FB1] =	sst s3  }
0xc: {  	[smem:$0x3FB2] =	sst s4  }
0xd: {  	[smem:$0x3FB3] =	sst s5  }
0xe: {  	[smem:$0x3FB4] =	sst s6  }
0xf: {  	[smem:$0x3FB5] =	sst s7  }
0x10: {  	[smem:$0x3FB6] =	sst s8  }
0x11: {  	[smem:$0x3FB7] =	sst s9;
	s0 =	simm.s32 @!p0 $0x0  }
0x12: {  	s1 =	sld [smem:$0x3F9D];
	s0 =	simm.s32 @p0 $0x1  }
0x13: {  	[smem:$0x3FB8] =	sst s0;
	s0 =	simm.s32 @!p1 $0x0  }
0x14: {  	s2 =	sld [smem:$0x3F9C];
	s0 =	simm.s32 @p1 $0x1  }
0x15: {  	[smem:$0x3FB9] =	sst s0;
	s0 =	simm.s32 @!p2 $0x0  }
0x16: {  	s3 =	sld [smem:$0x3FDB];
	s0 =	simm.s32 @p2 $0x1  }
0x17: {  	s4 =	simm.s32 $0x1BF5;
	[smem:$0x3FBB] =	sst s0  }
0x18: {  	s0 =	sld [smem:$0x3F9E];
	_ =	swait.ge [sflag:s4], $0x0  }
0x19: {  	s7 =	sld [smem:$0x3F9F]  }
0x1a: {  	s8 =	sadd.s32 $0xFFFFE003, lr  }
0x1b: {  	s9 =	sadd.s32 $0xFFFFFEF7, lr;
	s5 =	simm.s32 $0xFFFFFFFF;
	p2 =	slt.u32 s8, $0xFFFFF086  }
0x1c: {  	p1 =	slt.u32 s9, $0xF7A;
	s5 =	simm.s32 @!p2 $0x0  }
0x1d: {  	s5 =	simm.s32 @p1 $0x1;
	p0 =	seq.s32 s7, s2  }
0x1e: {  	s7 =	smul.u32 @!p0 $0xF7A, s2;
	p2 =	seq.s32 @!p0 s5, $0x0  }
0x1f: {  	s9 =	smul.u32 $0xF7A, s1;
	s8 =	simm.s32 @!p0 $0x1BF5;
	p2 =	por !p2, p0  }
0x20: {  	[sflag:s8] =	ssyncset.s32 @!p0 $0xFFFFF086;
	s6 =	sadd.s32 @!p0 s3, s7;
	s7 =	simm.s32 @!p0 $0x108  }
0x21: {  	s3 =	sadd.s32 s3, s9;
	s6 =	sadd.s32 @!p0 $0x88, s6;
	s7 =	simm.s32 @p2 $0x1082  }
0x22: {  	[simem:s7], [sflag:s8] =	dma.local @!p0 [hbm:s6], $0xF7A  }
0x23: {  	s9 =	sor.u32 $0xD0000000, s2;
	s6 =	simm.s32 $0x108;
	_ =	swait.ge @!p0 [sflag:s8], $0x0  }
0x24: {  	s3 =	sadd.s32 $0x88, s3;
	s6 =	simm.s32 @!p1 $0x1082;
	[sflag:s4] =	ssyncset.s32 $0xFFFFF086  }
0x25: {  	[simem:s6], [sflag:s4] =	dma.local [hbm:s3], $0xF7A  }
0x26: {  	[smem:$0x3F9F] =	sst s1;
	(tag) =	ssettag s2;
	_ =	strace s9  }
0x27: {  	s1 =	sld [smem:$0x3FAF]  }
0x28: {  	s2 =	sld [smem:$0x3FB0]  }
0x29: {  	s4 =	sld [smem:$0x3FB2]  }
0x2a: {  	p0 =	seq.s32 s5, $0x0;
	s5 =	sld [smem:$0x3FB3]  }
0x2b: {  	s6 =	sld [smem:$0x3FB4]  }
0x2c: {  	s7 =	sld [smem:$0x3FB5]  }
0x2d: {  	s3 =	simm.s32 $0x108;
	s8 =	sld [smem:$0x3FB6]  }
0x2e: {  	s3 =	simm.s32 @!p0 $0x1082;
	s9 =	sld [smem:$0x3FB7]  }
0x2f: {  	lr =	sadd.s32 s0, s3;
	s0 =	sld [smem:$0x3FAE]  }
0x30: {  	s3 =	sld [smem:$0x3FB1]  }
0x31: {  	[smem:$0x3FBA] =	sst s10  }
0x32: {  	s10 =	sld [smem:$0x3FB8];
	_ =	sdelay $0x3  }
0x33: {  	p0 =	seq.s32 s10, $0x1;
	s10 =	sld [smem:$0x3FBA];
	_ =	sdelay $0x3  }
0x34: {  	[smem:$0x3FBA] =	sst s10  }
0x35: {  	s10 =	sld [smem:$0x3FB9];
	_ =	sdelay $0x3  }
0x36: {  	p1 =	seq.s32 s10, $0x1;
	s10 =	sld [smem:$0x3FBA];
	_ =	sdelay $0x3  }
0x37: {  	[smem:$0x3FBA] =	sst s10  }
0x38: {  	s10 =	sld [smem:$0x3FBB]  }
0x39: {  	_ = 	snop;
	(pc) =	sbr.ind lr, $3  }
0x3a: {  	_ = 	snop  }
0x3b: {  	_ = 	snop  }
0x3c: {  	p2 =	seq.s32 s10, $0x1;
	s10 =	sld [smem:$0x3FBA]  }
0x3d: {  	_ =	shalt  }
0x3e: {  	_ =	shalt  }
0x3f: {  	_ =	shalt  }
0x40: {  	_ =	shalt  }
0x41: {  	_ =	shalt  }
0x42: {  	_ =	shalt  }
0x43: {  	_ =	shalt  }
0x44: {  	_ =	shalt  }
0x45: {  	_ =	shalt  }
0x46: {  	_ =	shalt  }
0x47: {  	_ =	shalt  }
0x48: {  	_ =	shalt  }
0x49: {  	_ =	shalt  }
0x4a: {  	_ =	shalt  }
0x4b: {  	_ =	shalt  }
0x4c: {  	_ =	shalt  }
0x4d: {  	_ =	shalt  }
0x4e: {  	_ =	shalt  }
0x4f: {  	_ =	shalt  }
0x50: {  	_ =	shalt  }
0x51: {  	_ =	shalt  }
0x52: {  	_ =	shalt  }
0x53: {  	_ =	shalt  }
0x54: {  	_ =	shalt  }
0x55: {  	_ =	shalt  }
0x56: {  	_ =	shalt  }
0x57: {  	_ =	shalt  }
0x58: {  	_ =	shalt  }
0x59: {  	_ =	shalt  }
0x5a: {  	_ =	shalt  }
0x5b: {  	_ =	shalt  }
0x5c: {  	_ =	shalt  }
0x5d: {  	_ =	shalt  }
0x5e: {  	_ =	shalt  }
0x5f: {  	_ =	shalt  }
0x60: {  	_ =	shalt  }
0x61: {  	_ =	shalt  }
0x62: {  	_ =	shalt  }
0x63: {  	_ =	shalt  }
0x64: {  	_ =	shalt  }
0x65: {  	_ =	shalt  }
0x66: {  	_ =	shalt  }
0x67: {  	_ =	shalt  }
0x68: {  	_ =	shalt  }
0x69: {  	_ =	shalt  }
0x6a: {  	_ =	shalt  }
0x6b: {  	_ =	shalt  }
0x6c: {  	_ =	shalt  }
0x6d: {  	_ =	shalt  }
0x6e: {  	_ =	shalt  }
0x6f: {  	_ =	shalt  }
0x70: {  	_ =	shalt  }
0x71: {  	_ =	shalt  }
0x72: {  	_ =	shalt  }
0x73: {  	_ =	shalt  }
0x74: {  	_ =	shalt  }
0x75: {  	_ =	shalt  }
0x76: {  	_ =	shalt  }
0x77: {  	_ =	shalt  }
0x78: {  	_ =	shalt  }
0x79: {  	_ =	shalt  }
0x7a: {  	_ =	shalt  }
0x7b: {  	_ =	shalt  }
0x7c: {  	_ =	shalt  }
0x7d: {  	_ =	shalt  }
0x7e: {  	_ =	shalt  }
0x7f: {  	_ =	shalt  }
0x80: {  	_ =	shalt  }
0x81: {  	_ =	shalt  }
0x82: {  	_ =	shalt  }
0x83: {  	_ =	shalt  }
0x84: {  	_ =	shalt  }
0x85: {  	_ =	shalt  }
0x86: {  	_ =	shalt  }
0x87: {  	_ =	shalt  }
.Lfunc_end0:
.L_simem_size_0:
called_computation_lowered:
.L_overlay_start_0:
0x88: {  	s2 =	sld [smem:$0x3FD9]  }
0x89: {  	s3 =	sld [smem:$0x3FFE];
	_ =	sdelay $0x1  }
0x8a: {  	s1 =	srdreg.scid  }
0x8b: {  	s0 =	sand.u32 $0x1, s1  }
0x8c: {  	s18 =	sshll.u32 s0, $0xA;
	s2 =	sadd.s32 s3, s2  }
0x8d: {  	s2 =	sadd.s32 s2, s18  }
0x8e: {  	[smem:$0x3FC6] =	sst s2  }
0x8f: {  	_ = 	snop  }
0x90: {  	s2 =	sld [smem:$0x3FC9]  }
0x91: {  	s19 =	sld [smem:$0x3FC8]  }
0x92: {  	s4 =	sld [smem:$0x3FD0];
	(tm) =	ssettm $0x1  }
0x93: {  	s5 =	sld [smem:$0x3FFB];
	_ =	sdelay $0x3  }
0x94: {  	_ =	strace s5  }
0x95: {  	s5 =	sld [smem:$0x3FFC];
	_ =	sdelay $0x3  }
0x96: {  	_ =	strace s5  }
0x97: {  	s5 =	sld [smem:$0x3FFD];
	_ =	sdelay $0x3  }
0x98: {  	_ =	strace s5  }
0x99: {  	_ =	strace $0x8FFFFFFF  }
0x9a: {  	s20 =	sld [smem:$0x3FDB];
	_ =	sdelay $0x1  }
0x9b: {  	s6 =	simm.s32 $_scs_section_size  }
0x9c: {  	s7 =	simm.s32 $_size__tile_overlayer_lowered;
	s8 =	simm.s32 $_tile_overlayer_lowered  }
0x9d: {  	s23 =	simm.s32 $0x1BFF;
	s22 =	sshll.u32 s8, $0x1;
	s5 =	sadd.s32 s6, s20  }
0x9e: {  	s9 =	simm.s32 $0x0;
	s21 =	sshll.u32 s7, $0x1;
	s7 =	sadd.s32 s22, s5  }
0x9f: {  	[timem:s9], [sflag:s23] =	dma.local [hbm:s7], s21  }
0xa0: {  	_ =	swait.ge [sflag:s23], s21  }
0xa1: {  	s6 =	ssub.s32 $0x0, s21;
	[sflag:s23] =	ssyncset.done $0x0  }
0xa2: {  	[sflag:s23] =	ssyncadd.s32 s6;
	_ =	sdelay $0x1  }
0xa3: {  	s24 =	simm.s32 $0x1B8B  }
0xa4: {  	_ =	swait.ge [sflag:s24], $0x1  }
0xa5: {  	[sflag:s24] =	ssyncset.done $0x0  }
0xa6: {  	s25 =	simm.s32 $0x1B8E;
	[sflag:s24] =	ssyncadd.s32 $0xFFFFFFFF  }
0xa7: {  	s26 =	simm.s32 $execute0_lowered;
	[smem:$0x3FD2] =	sst s25  }
0xa8: {  	s6 =	sshll.u32 s26, $0x1;
	_ =	strace $0x80000046;
	[dreg:$0x1] =	wrdreg $0xFFFFFFFF  }
0xa9: {  	s28 =	simm.s32 $_size_execute0_lowered;
	s5 =	sadd.s32 s5, s6;
	[dreg:$0x0] =	wrdreg $0x0  }
0xaa: {  	s6 =	sshll.u32 s28, $0x1;
	[dreg:$0x2] =	wrdreg s5  }
0xab: {  	[dreg:$0x3] =	wrdreg s6  }
0xac: {  	[dreg:$0x4] =	wrdreg $0xC0  }
0xad: {  	_ =	task [dreg:s9], $0x5FFFF  }
0xae: {  	[dreg:$0x1] =	wrdreg $0xFFFFFFFF  }
0xaf: {  	[dreg:$0x0] =	wrdreg $0x60  }
0xb0: {  	[dreg:$0x2] =	wrdreg s2  }
0xb1: {  	[dreg:$0x3] =	wrdreg s19  }
0xb2: {  	[dreg:$0x4] =	wrdreg s4  }
0xb3: {  	[dreg:$0x5] =	wrdreg $0x9  }
0xb4: {  	_ =	task.clear_ibuf [dreg:s9], $0x6FFFF;
	_ =	strace $0x90000046  }
0xb5: {  	s29 =	simm.s32 $0x9;
	_ =	strace $0x80000048  }
0xb6: {  	_ =	swait.ge [sflag:s29], $0x1  }
0xb7: {  	[sflag:s29] =	ssyncadd.s32 $0xFFFFFFFF  }
0xb8: {  	_ =	strace $0x90000048  }
0xb9: {  	_ =	sfence  }
0xba: {  	s30 =	sld [smem:$0x0];
	_ =	sdelay $0x2  }
0xbb: {  	s31 =	sshll.u32 s1, $0xD;
	s1 =	sshrl.u32 s1, $0x2  }
0xbc: {  	s3 =	sand.u32 $0x4000, s31;
	s1 =	sadd.s32 s1, s30  }
0xbd: {  	s0 =	sor.u32 s3, s0;
	s1 =	sshll.u32 s1, $0x11  }
0xbe: {  	s0 =	sor.u32 s1, s0  }
0xbf: {  	s0 =	sadd.s32 $0x8F2B, s0  }
0xc0: {  	[sflag:s0] =	ssyncadd.remote.s32 $0x1  }
0xc1: {  	_ =	sfence.sel $0xFFFF  }
0xc2: {  	[dreg:$0x0] =	wrdreg $0xFFFFFFFF;
	(pc) =	sbr.abs _section_cstart, $3  }
0xc3: {  	[dreg:$0x1] =	wrdreg $0xFFFFFFFF  }
0xc4: {  	_ =	task.clear_ibuf [dreg:s9], $0x2FFFF;
	_ =	strace $0x9FFFFFFF  }
0xc5: {  	(tm) =	ssettm $0x7FFFFFFF  }
tec
execute0_lowered:
.L_overlay_start_1:
0x0: {  	(tag) =	ssettag $0x1  }
0x1: {  	s0 =	rddreg [dreg:$0x0]  }
0x2: {  	s2 =	rddreg [dreg:$0x1]  }
0x3: {  	s1 =	srdreg.scid;
	s18 =	stileid.u32  }
0x4: {  	s5 =	rddreg [dreg:$0x2];
	s3 =	simm.s32 $0x0;
	s12 =	smul.u32 $0x32000, s18  }
0x5: {  	s28 =	simm.s32 $0x8;
	s6 =	sand.u32 $0x1, s1;
	s20 =	smul.u32 $0x320000, s18  }
0x6: {  	s29 =	simm.s32 $0x9;
	s21 =	sshll.u32 s18, $0x1;
	s15 =	smul.u32 $0x19000, s6  }
0x7: {  	s7 =	sor.u32 s6, s21;
	s22 =	ssub.s32 $0x2, s6;
	s6 =	smul.u32 $0x190000, s6  }
0x8: {  	s30 =	simm.s32 $0x0;
	[smem:$0x7FF] =	sst s3;
	s8 =	smul.u32 $0x19000, s7  }
0x9: {  	_ =	strace $0x80000047;
	s4 =	sshrl.u32 s22, $0x1;
	s9 =	smul.u32 $0x190000, s7  }
0xa: {  	s7 =	smul.u32 $0xC80000, s7;
	s1 =	ssub.s32 s22, s4;
	s12 =	sadd.s32 s15, s12  }
0xb: {  	s23 =	sshrl.u32 s8, $0x3;
	s10 =	sor.u32 $0x100, s8;
	s9 =	sadd.s32 s5, s9  }
0xc: {  	s7 =	sshrl.u32 s7, $0x3;
	s13 =	sadd.s32 $0x18D00, s8;
	s16 =	sadd.s32 $0x18E00, s8  }
0xd: {  	s17 =	sor.u32 $0x700, s12;
	s21 =	sor.u32 $0x600, s12;
	s12 =	sor.u32 $0x500, s12  }
0xe: {  	s18 =	smax.u32 s1, $0x1;
	s4 =	sadd.s32 s0, s23;
	s11 =	sshrl.u32 s10, $0x3  }
0xf: {  	[dreg:$0x7] =	wrdreg s9;
	s24 =	sshll.u32 s10, $0x4;
	s7 =	sadd.s32 s5, s7  }
0x10: {  	s10 =	sadd.s32 $0x18C00, s8;
	s26 =	sshll.u32 s13, $0x4;
	s31 =	sshll.u32 s16, $0x4  }
0x11: {  	s17 =	sshrl.u32 s17, $0x3;
	[dreg:$0x1a] =	wrdreg s18;
	s9 =	sadd.s32 s5, s24  }
0x12: {  	s18 =	simm.s32 $0xC300;
	s15 =	sadd.s32 s5, s31;
	[dreg:$0x8] =	wrdreg s9  }
0x13: {  	s25 =	sshll.u32 s10, $0x4;
	s22 =	sadd.s32 $0x10, s4;
	[dreg:$0xc] =	wrdreg s15  }
0x14: {  	s11 =	sadd.s32 s0, s11;
	s24 =	sadd.s32 $0x30, s4;
	[dreg:$0xe] =	wrdreg s22  }
0x15: {  	s31 =	sshrl.u32 s10, $0x3;
	s10 =	sshrl.u32 s13, $0x3;
	[dreg:$0xf] =	wrdreg s11  }
0x16: {  	s9 =	sadd.s32 $0x18B00, s8;
	s8 =	sadd.s32 $0x18F00, s8;
	[dreg:$0x10] =	wrdreg s24  }
0x17: {  	s11 =	sshrl.u32 s16, $0x3;
	s16 =	sadd.s32 $0x189000, s7;
	s22 =	sadd.s32 $0x80, s4  }
0x18: {  	s24 =	sadd.s32 $0x3170, s4;
	s14 =	sshll.u32 s9, $0x4;
	[dreg:$0x18] =	wrdreg s16  }
0x19: {  	s19 =	sshll.u32 s8, $0x4;
	s13 =	sshrl.u32 s8, $0x3;
	[dreg:$0x1e] =	wrdreg s22  }
0x1a: {  	[smem:$0x7FA] =	sst s24;
	s8 =	simm.s32 $0x80;
	s14 =	sadd.s32 s5, s14  }
0x1b: {  	s16 =	simm.s32 $0x2;
	s15 =	sadd.s32 s5, s19;
	[dreg:$0x9] =	wrdreg s14  }
0x1c: {  	s22 =	simm.s32 $0x14300;
	s19 =	sadd.s32 $0x50, s4;
	[dreg:$0xd] =	wrdreg s15  }
0x1d: {  	s24 =	simm.s32 $0x7;
	s14 =	sadd.s32 s5, s25;
	[dreg:$0x1b] =	wrdreg s19  }
0x1e: {  	s25 =	sadd.s32 $0x40, s4;
	s15 =	sadd.s32 $0x188000, s7;
	[dreg:$0xa] =	wrdreg s14  }
0x1f: {  	s19 =	simm.s32 $0x4;
	s14 =	sadd.s32 s5, s26;
	[dreg:$0x11] =	wrdreg s25  }
0x20: {  	s5 =	sadd.s32 s20, s5;
	s26 =	sshrl.u32 s9, $0x3;
	[dreg:$0x17] =	wrdreg s15  }
0x21: {  	s9 =	sadd.s32 s0, s31;
	s20 =	sadd.s32 $0x60, s4;
	[dreg:$0xb] =	wrdreg s14  }
0x22: {  	s25 =	sadd.s32 $0x3190, s4;
	s31 =	sadd.s32 $0x31D0, s4;
	[dreg:$0x13] =	wrdreg s9  }
0x23: {  	s15 =	simm.s32 $0x4300;
	s14 =	sadd.s32 s17, s0;
	[dreg:$0x1c] =	wrdreg s20  }
0x24: {  	s5 =	sadd.s32 s6, s5;
	s6 =	sadd.s32 s0, s26;
	[smem:$0x7FB] =	sst s25  }
0x25: {  	s17 =	sadd.s32 $0x18A000, s7;
	s26 =	sadd.s32 $0x31B0, s4;
	[smem:$0x7FD] =	sst s31  }
0x26: {  	s7 =	sadd.s32 $0x31F0, s4;
	s9 =	simm.s32 $0x100;
	[dreg:$0x4] =	wrdreg s14  }
0x27: {  	s20 =	simm.s32 $0x3;
	s14 =	sshrl.u32 s21, $0x3;
	[dreg:$0x12] =	wrdreg s6  }
0x28: {  	s6 =	sadd.s32 s0, s10;
	[dreg:$0x19] =	wrdreg s17;
	s21 =	sadd.s32 $0x70, s4  }
0x29: {  	[smem:$0x7FC] =	sst s26;
	s10 =	simm.s32 $0x180;
	s17 =	simm.s32 $0x8300  }
0x2a: {  	s26 =	simm.s32 $0x6;
	s23 =	sadd.s32 s14, s0;
	[dreg:$0x14] =	wrdreg s6  }
0x2b: {  	s6 =	sadd.s32 s0, s11;
	s14 =	sshrl.u32 s12, $0x3;
	[dreg:$0x1d] =	wrdreg s21  }
0x2c: {  	s11 =	simm.s32 $0x200;
	s12 =	simm.s32 $0x280;
	[dreg:$0x5] =	wrdreg s23  }
0x2d: {  	s21 =	simm.s32 $0x10300;
	[dreg:$0x15] =	wrdreg s6;
	s6 =	sadd.s32 s0, s13  }
0x2e: {  	s0 =	sadd.s32 s14, s0;
	s23 =	sadd.s32 $0x90, s4;
	[dreg:$0x16] =	wrdreg s6  }
0x2f: {  	s13 =	simm.s32 $0x1;
	s14 =	simm.s32 $0x300;
	[dreg:$0x6] =	wrdreg s0  }
0x30: {  	s0 =	sadd.s32 $0x4000, s5;
	[dreg:$0x1f] =	wrdreg s23;
	s23 =	simm.s32 $0x5  }
.LBB2_1:
0x31: {  	[tilespmem:s3], [sflag:$0x1] =	stream.linear.gather [hbm4b:s4+s3], $0x80, $0x38;
	[tilespmem:$0x18300] =	vst v63  }
0x32: {  	s1 =	rddreg [dreg:$0xe]  }
0x33: {  	[tilespmem:s8], [sflag:$0x1] =	stream.linear.gather [hbm4b:s1+s3], $0x80, $0x38;
	[tilespmem:$0x18300] =	vst v63  }
0x34: {  	s5 =	rddreg [dreg:$0xf]  }
0x35: {  	[tilespmem:s9], [sflag:$0x2] =	stream.linear.gather [hbm4b:s5+s3], $0x80, $0x38;
	[tilespmem:$0x18300] =	vst v63  }
0x36: {  	s6 =	rddreg [dreg:$0x10]  }
0x37: {  	[tilespmem:s10], [sflag:$0x2] =	stream.linear.gather [hbm4b:s6+s3], $0x80, $0x38;
	[tilespmem:$0x18300] =	vst v63  }
0x38: {  	s25 =	rddreg [dreg:$0x11]  }
0x39: {  	[tilespmem:s11], [sflag:$0x3] =	stream.linear.gather [hbm4b:s25+s3], $0x80, $0x38;
	[tilespmem:$0x18300] =	vst v63  }
0x3a: {  	s5 =	rddreg [dreg:$0x1b]  }
0x3b: {  	[tilespmem:s12], [sflag:$0x3] =	stream.linear.gather [hbm4b:s5+s3], $0x80, $0x38;
	[tilespmem:$0x18300] =	vst v63  }
0x3c: {  	_ =	swait.ge [sflag:s13], $0x80  }
0x3d: {  	[sflag:s13] =	ssyncset.done $0x0  }
0x3e: {  	[sflag:s13] =	ssyncadd.s32 $0xFFFFFF80  }
0x3f: {  	_ =	swait.ge [sflag:s13], $0x80  }
0x40: {  	[sflag:s13] =	ssyncset.done $0x0  }
0x41: {  	[sflag:s13] =	ssyncadd.s32 $0xFFFFFF80  }
0x42: {  	[tilespmem:s14], [sflag:$0x4] =	stream.indirect.gather [hbm4b:s2+s8], $0x80, s3, s8, $0xb8;
	[tilespmem:$0x18300] =	vst v63  }
0x43: {  	_ = 	snop  }
0x44: {  	[tilespmem:s15], [sflag:$0x4] =	stream.indirect.gather [hbm4b:s2+s8], $0x80, s8, s8, $0xb8;
	[tilespmem:$0x18300] =	vst v63  }
0x45: {  	_ =	swait.ge [sflag:s16], $0x80  }
0x46: {  	[sflag:s16] =	ssyncset.done $0x0  }
0x47: {  	[sflag:s16] =	ssyncadd.s32 $0xFFFFFF80  }
0x48: {  	_ =	swait.ge [sflag:s16], $0x80  }
0x49: {  	[sflag:s16] =	ssyncset.done $0x0  }
0x4a: {  	[sflag:s16] =	ssyncadd.s32 $0xFFFFFF80  }
0x4b: {  	[tilespmem:s17], [sflag:$0x5] =	stream.indirect.gather [hbm4b:s2+s8], $0x80, s9, s8, $0xb8;
	[tilespmem:$0x18300] =	vst v63  }
0x4c: {  	_ = 	snop  }
0x4d: {  	[tilespmem:s18], [sflag:$0x5] =	stream.indirect.gather [hbm4b:s2+s8], $0x80, s10, s8, $0xb8;
	[tilespmem:$0x18300] =	vst v63  }
0x4e: {  	_ =	swait.ge [sflag:s19], $0x4000  }
0x4f: {  	[sflag:s19] =	ssyncset.done $0x0  }
0x50: {  	[sflag:s19] =	ssyncadd.s32 $0xFFFFC000  }
0x51: {  	_ =	swait.ge [sflag:s19], $0x4000  }
0x52: {  	[sflag:s19] =	ssyncset.done $0x0  }
0x53: {  	s6 =	rddreg [dreg:$0x1c];
	[sflag:s19] =	ssyncadd.s32 $0xFFFFC000  }
0x54: {  	[tilespmem:s3], [sflag:$0x1] =	stream.linear.gather [hbm4b:s6+s3], $0x80, $0x38;
	[tilespmem:$0x18300] =	vst v63  }
0x55: {  	s25 =	rddreg [dreg:$0x1d]  }
0x56: {  	[tilespmem:s8], [sflag:$0x1] =	stream.linear.gather [hbm4b:s25+s3], $0x80, $0x38;
	[tilespmem:$0x18300] =	vst v63  }
0x57: {  	s5 =	rddreg [dreg:$0x7]  }
0x58: {  	[hbm4b:s5+s3] =	stream.linear.scatter [tilespmem:s14], [sflag:$0x7], $0x8000, $0x38;
	[tilespmem:$0x18300] =	vst v63  }
0x59: {  	_ =	swait.ge [sflag:s20], $0x80  }
0x5a: {  	[sflag:s20] =	ssyncset.done $0x0  }
0x5b: {  	[sflag:s20] =	ssyncadd.s32 $0xFFFFFF80  }
0x5c: {  	_ =	swait.ge [sflag:s20], $0x80  }
0x5d: {  	[sflag:s20] =	ssyncset.done $0x0  }
0x5e: {  	[sflag:s20] =	ssyncadd.s32 $0xFFFFFF80  }
0x5f: {  	[tilespmem:s21], [sflag:$0x6] =	stream.indirect.gather [hbm4b:s2+s8], $0x80, s11, s8, $0xb8;
	[tilespmem:$0x18300] =	vst v63  }
0x60: {  	_ = 	snop  }
0x61: {  	[tilespmem:s22], [sflag:$0x6] =	stream.indirect.gather [hbm4b:s2+s8], $0x80, s12, s8, $0xb8;
	[tilespmem:$0x18300] =	vst v63  }
0x62: {  	_ =	swait.ge [sflag:s23], $0x4000  }
0x63: {  	[sflag:s23] =	ssyncset.done $0x0  }
0x64: {  	[sflag:s23] =	ssyncadd.s32 $0xFFFFC000  }
0x65: {  	_ =	swait.ge [sflag:s23], $0x4000  }
0x66: {  	[sflag:s23] =	ssyncset.done $0x0  }
0x67: {  	s6 =	rddreg [dreg:$0x1e];
	[sflag:s23] =	ssyncadd.s32 $0xFFFFC000  }
0x68: {  	[tilespmem:s9], [sflag:$0x2] =	stream.linear.gather [hbm4b:s6+s3], $0x80, $0x38;
	[tilespmem:$0x18300] =	vst v63  }
0x69: {  	s25 =	rddreg [dreg:$0x1f]  }
0x6a: {  	[tilespmem:s10], [sflag:$0x2] =	stream.linear.gather [hbm4b:s25+s3], $0x80, $0x38;
	[tilespmem:$0x18300] =	vst v63  }
0x6b: {  	s5 =	rddreg [dreg:$0x8]  }
0x6c: {  	[hbm4b:s5+s3] =	stream.linear.scatter [tilespmem:s17], [sflag:$0x8], $0x8000, $0x38;
	[tilespmem:$0x18300] =	vst v63  }
0x6d: {  	_ =	swait.ge [sflag:s24], $0x8000  }
0x6e: {  	[sflag:s24] =	ssyncset.done $0x0  }
0x6f: {  	[sflag:s24] =	ssyncadd.s32 $0xFFFF8000  }
0x70: {  	_ =	swait.ge [sflag:s13], $0x80  }
0x71: {  	[sflag:s13] =	ssyncset.done $0x0  }
0x72: {  	[sflag:s13] =	ssyncadd.s32 $0xFFFFFF80  }
0x73: {  	_ =	swait.ge [sflag:s13], $0x80  }
0x74: {  	[sflag:s13] =	ssyncset.done $0x0  }
0x75: {  	[sflag:s13] =	ssyncadd.s32 $0xFFFFFF80  }
0x76: {  	[tilespmem:s14], [sflag:$0x4] =	stream.indirect.gather [hbm4b:s2+s8], $0x80, s3, s8, $0xb8;
	[tilespmem:$0x18300] =	vst v63  }
0x77: {  	_ = 	snop  }
0x78: {  	[tilespmem:s15], [sflag:$0x4] =	stream.indirect.gather [hbm4b:s2+s8], $0x80, s8, s8, $0xb8;
	[tilespmem:$0x18300] =	vst v63  }
0x79: {  	_ =	swait.ge [sflag:s26], $0x4000  }
0x7a: {  	[sflag:s26] =	ssyncset.done $0x0  }
0x7b: {  	[sflag:s26] =	ssyncadd.s32 $0xFFFFC000  }
0x7c: {  	_ =	swait.ge [sflag:s26], $0x4000  }
0x7d: {  	s6 =	rddreg [dreg:$0x6];
	[sflag:s26] =	ssyncset.done $0x0  }
0x7e: {  	[sflag:s26] =	ssyncadd.s32 $0xFFFFC000;
	s1 =	sadd.s32 $0x0, s6  }
0x7f: {  	[tilespmem:s11], [sflag:$0x3] =	stream.linear.gather [hbm4b:s1+s3], $0x80, $0x38;
	[tilespmem:$0x18300] =	vst v63  }
0x80: {  	s1 =	sadd.s32 $0x10, s1  }
0x81: {  	[tilespmem:s12], [sflag:$0x3] =	stream.linear.gather [hbm4b:s1+s3], $0x80, $0x38;
	[tilespmem:$0x18300] =	vst v63  }
0x82: {  	s25 =	sadd.s32 $0xFFFFE000, s0  }
0x83: {  	[hbm4b:s25+s3] =	stream.linear.scatter [tilespmem:s21], [sflag:$0x9], $0x8000, $0x38;
	[tilespmem:$0x18300] =	vst v63  }
0x84: {  	_ =	swait.ge [sflag:s28], $0x8000  }
0x85: {  	[sflag:s28] =	ssyncset.done $0x0  }
0x86: {  	[sflag:s28] =	ssyncadd.s32 $0xFFFF8000  }
0x87: {  	_ =	swait.ge [sflag:s16], $0x80  }
0x88: {  	[sflag:s16] =	ssyncset.done $0x0  }
0x89: {  	[sflag:s16] =	ssyncadd.s32 $0xFFFFFF80  }
0x8a: {  	_ =	swait.ge [sflag:s16], $0x80  }
0x8b: {  	[sflag:s16] =	ssyncset.done $0x0  }
0x8c: {  	[sflag:s16] =	ssyncadd.s32 $0xFFFFFF80  }
0x8d: {  	[tilespmem:s17], [sflag:$0x5] =	stream.indirect.gather [hbm4b:s2+s8], $0x80, s9, s8, $0xb8;
	[tilespmem:$0x18300] =	vst v63  }
0x8e: {  	_ = 	snop  }
0x8f: {  	[tilespmem:s18], [sflag:$0x5] =	stream.indirect.gather [hbm4b:s2+s8], $0x80, s10, s8, $0xb8;
	[tilespmem:$0x18300] =	vst v63  }
0x90: {  	_ =	swait.ge [sflag:s19], $0x4000  }
0x91: {  	[sflag:s19] =	ssyncset.done $0x0  }
0x92: {  	[sflag:s19] =	ssyncadd.s32 $0xFFFFC000  }
0x93: {  	_ =	swait.ge [sflag:s19], $0x4000  }
0x94: {  	s5 =	rddreg [dreg:$0x5];
	[sflag:s19] =	ssyncset.done $0x0  }
0x95: {  	[sflag:s19] =	ssyncadd.s32 $0xFFFFC000;
	s1 =	sadd.s32 $0x0, s5  }
0x96: {  	[tilespmem:s3], [sflag:$0x1] =	stream.linear.gather [hbm4b:s1+s3], $0x80, $0x38;
	[tilespmem:$0x18300] =	vst v63  }
0x97: {  	s1 =	sadd.s32 $0x10, s1  }
0x98: {  	[tilespmem:s8], [sflag:$0x1] =	stream.linear.gather [hbm4b:s1+s3], $0x80, $0x38;
	[tilespmem:$0x18300] =	vst v63  }
0x99: {  	s6 =	sadd.s32 $0xFFFFF000, s0  }
0x9a: {  	[hbm4b:s6+s3] =	stream.linear.scatter [tilespmem:s14], [sflag:$0x7], $0x8000, $0x38;
	[tilespmem:$0x18300] =	vst v63  }
0x9b: {  	_ =	swait.ge [sflag:s29], $0x8000  }
0x9c: {  	[sflag:s29] =	ssyncset.done $0x0  }
0x9d: {  	[sflag:s29] =	ssyncadd.s32 $0xFFFF8000  }
0x9e: {  	_ =	swait.ge [sflag:s20], $0x80  }
0x9f: {  	[sflag:s20] =	ssyncset.done $0x0  }
0xa0: {  	[sflag:s20] =	ssyncadd.s32 $0xFFFFFF80  }
0xa1: {  	_ =	swait.ge [sflag:s20], $0x80  }
0xa2: {  	[sflag:s20] =	ssyncset.done $0x0  }
0xa3: {  	[sflag:s20] =	ssyncadd.s32 $0xFFFFFF80  }
0xa4: {  	[tilespmem:s21], [sflag:$0x6] =	stream.indirect.gather [hbm4b:s2+s8], $0x80, s11, s8, $0xb8;
	[tilespmem:$0x18300] =	vst v63  }
0xa5: {  	_ = 	snop  }
0xa6: {  	[tilespmem:s22], [sflag:$0x6] =	stream.indirect.gather [hbm4b:s2+s8], $0x80, s12, s8, $0xb8;
	[tilespmem:$0x18300] =	vst v63  }
0xa7: {  	_ =	swait.ge [sflag:s23], $0x4000  }
0xa8: {  	[sflag:s23] =	ssyncset.done $0x0  }
0xa9: {  	[sflag:s23] =	ssyncadd.s32 $0xFFFFC000  }
0xaa: {  	_ =	swait.ge [sflag:s23], $0x4000  }
0xab: {  	s25 =	rddreg [dreg:$0x4];
	[sflag:s23] =	ssyncset.done $0x0  }
0xac: {  	[sflag:s23] =	ssyncadd.s32 $0xFFFFC000;
	s1 =	sadd.s32 $0x0, s25  }
0xad: {  	[tilespmem:s9], [sflag:$0x2] =	stream.linear.gather [hbm4b:s1+s3], $0x80, $0x38;
	[tilespmem:$0x18300] =	vst v63  }
0xae: {  	s1 =	sadd.s32 $0x10, s1  }
0xaf: {  	[tilespmem:s10], [sflag:$0x2] =	stream.linear.gather [hbm4b:s1+s3], $0x80, $0x38;
	[tilespmem:$0x18300] =	vst v63  }
0xb0: {  	s31 =	simm.s32 $0x60;
	s25 =	smov.u32 s0;
	s1 =	sadd.s32 $0x3000, s0  }
.LBB2_2:
0xb1: {  	[hbm4b:s25+s3] =	stream.linear.scatter [tilespmem:s17], [sflag:$0x8], $0x8000, $0x38;
	[tilespmem:$0x18300] =	vst v63  }
0xb2: {  	_ =	swait.ge [sflag:s24], $0x8000  }
0xb3: {  	[sflag:s24] =	ssyncset.done $0x0  }
0xb4: {  	[sflag:s24] =	ssyncadd.s32 $0xFFFF8000  }
0xb5: {  	_ =	swait.ge [sflag:s13], $0x80  }
0xb6: {  	[sflag:s13] =	ssyncset.done $0x0  }
0xb7: {  	[sflag:s13] =	ssyncadd.s32 $0xFFFFFF80  }
0xb8: {  	_ =	swait.ge [sflag:s13], $0x80  }
0xb9: {  	[sflag:s13] =	ssyncset.done $0x0  }
0xba: {  	[sflag:s13] =	ssyncadd.s32 $0xFFFFFF80  }
0xbb: {  	[tilespmem:s14], [sflag:$0x4] =	stream.indirect.gather [hbm4b:s2+s8], $0x80, s3, s8, $0xb8;
	[tilespmem:$0x18300] =	vst v63  }
0xbc: {  	_ = 	snop  }
0xbd: {  	[tilespmem:s15], [sflag:$0x4] =	stream.indirect.gather [hbm4b:s2+s8], $0x80, s8, s8, $0xb8;
	[tilespmem:$0x18300] =	vst v63  }
0xbe: {  	_ =	swait.ge [sflag:s26], $0x4000  }
0xbf: {  	[sflag:s26] =	ssyncset.done $0x0  }
0xc0: {  	[sflag:s26] =	ssyncadd.s32 $0xFFFFC000  }
0xc1: {  	_ =	swait.ge [sflag:s26], $0x4000  }
0xc2: {  	s5 =	smov.u32 s31;
	s6 =	rddreg [dreg:$0x6];
	[sflag:s26] =	ssyncset.done $0x0  }
0xc3: {  	[sflag:s26] =	ssyncadd.s32 $0xFFFFC000;
	s6 =	sadd.s32 s5, s6  }
0xc4: {  	[tilespmem:s11], [sflag:$0x3] =	stream.linear.gather [hbm4b:s6+s3], $0x80, $0x38;
	[tilespmem:$0x18300] =	vst v63  }
0xc5: {  	s6 =	sadd.s32 $0x10, s6  }
0xc6: {  	[tilespmem:s12], [sflag:$0x3] =	stream.linear.gather [hbm4b:s6+s3], $0x80, $0x38;
	[tilespmem:$0x18300] =	vst v63  }
0xc7: {  	s6 =	sadd.s32 $0xFFFFE000, s1  }
0xc8: {  	[hbm4b:s6+s3] =	stream.linear.scatter [tilespmem:s21], [sflag:$0x9], $0x8000, $0x38;
	[tilespmem:$0x18300] =	vst v63  }
0xc9: {  	_ =	swait.ge [sflag:s28], $0x8000  }
0xca: {  	[sflag:s28] =	ssyncset.done $0x0  }
0xcb: {  	[sflag:s28] =	ssyncadd.s32 $0xFFFF8000  }
0xcc: {  	_ =	swait.ge [sflag:s16], $0x80  }
0xcd: {  	[sflag:s16] =	ssyncset.done $0x0  }
0xce: {  	[sflag:s16] =	ssyncadd.s32 $0xFFFFFF80  }
0xcf: {  	_ =	swait.ge [sflag:s16], $0x80  }
0xd0: {  	[sflag:s16] =	ssyncset.done $0x0  }
0xd1: {  	[sflag:s16] =	ssyncadd.s32 $0xFFFFFF80  }
0xd2: {  	[tilespmem:s17], [sflag:$0x5] =	stream.indirect.gather [hbm4b:s2+s8], $0x80, s9, s8, $0xb8;
	[tilespmem:$0x18300] =	vst v63  }
0xd3: {  	_ = 	snop  }
0xd4: {  	[tilespmem:s18], [sflag:$0x5] =	stream.indirect.gather [hbm4b:s2+s8], $0x80, s10, s8, $0xb8;
	[tilespmem:$0x18300] =	vst v63  }
0xd5: {  	_ =	swait.ge [sflag:s19], $0x4000  }
0xd6: {  	[sflag:s19] =	ssyncset.done $0x0  }
0xd7: {  	[sflag:s19] =	ssyncadd.s32 $0xFFFFC000  }
0xd8: {  	_ =	swait.ge [sflag:s19], $0x4000  }
0xd9: {  	s6 =	rddreg [dreg:$0x5];
	[sflag:s19] =	ssyncset.done $0x0  }
0xda: {  	[sflag:s19] =	ssyncadd.s32 $0xFFFFC000;
	s6 =	sadd.s32 s5, s6  }
0xdb: {  	[tilespmem:s3], [sflag:$0x1] =	stream.linear.gather [hbm4b:s6+s3], $0x80, $0x38;
	[tilespmem:$0x18300] =	vst v63  }
0xdc: {  	s6 =	sadd.s32 $0x10, s6  }
0xdd: {  	[tilespmem:s8], [sflag:$0x1] =	stream.linear.gather [hbm4b:s6+s3], $0x80, $0x38;
	[tilespmem:$0x18300] =	vst v63  }
0xde: {  	s6 =	sadd.s32 $0xFFFFF000, s1  }
0xdf: {  	[hbm4b:s6+s3] =	stream.linear.scatter [tilespmem:s14], [sflag:$0x7], $0x8000, $0x38;
	[tilespmem:$0x18300] =	vst v63  }
0xe0: {  	_ =	swait.ge [sflag:s29], $0x8000  }
0xe1: {  	[sflag:s29] =	ssyncset.done $0x0  }
0xe2: {  	[sflag:s29] =	ssyncadd.s32 $0xFFFF8000  }
0xe3: {  	_ =	swait.ge [sflag:s20], $0x80  }
0xe4: {  	[sflag:s20] =	ssyncset.done $0x0  }
0xe5: {  	[sflag:s20] =	ssyncadd.s32 $0xFFFFFF80  }
0xe6: {  	_ =	swait.ge [sflag:s20], $0x80  }
0xe7: {  	[sflag:s20] =	ssyncset.done $0x0  }
0xe8: {  	[sflag:s20] =	ssyncadd.s32 $0xFFFFFF80  }
0xe9: {  	[tilespmem:s21], [sflag:$0x6] =	stream.indirect.gather [hbm4b:s2+s8], $0x80, s11, s8, $0xb8;
	[tilespmem:$0x18300] =	vst v63  }
0xea: {  	_ = 	snop  }
0xeb: {  	[tilespmem:s22], [sflag:$0x6] =	stream.indirect.gather [hbm4b:s2+s8], $0x80, s12, s8, $0xb8;
	[tilespmem:$0x18300] =	vst v63  }
0xec: {  	_ =	swait.ge [sflag:s23], $0x4000  }
0xed: {  	[sflag:s23] =	ssyncset.done $0x0  }
0xee: {  	[sflag:s23] =	ssyncadd.s32 $0xFFFFC000  }
0xef: {  	p0 =	sne.s32 s31, $0x3060;
	_ =	swait.ge [sflag:s23], $0x4000  }
.Ltmp0:
0xf0: {  	s6 =	rddreg [dreg:$0x4];
	[sflag:s23] =	ssyncset.done $0x0;
	(pc) =	sbr.rel @p0 .LBB2_2-.Ltmp0, $4  }
0xf1: {  	s25 =	smov.u32 s1;
	[sflag:s23] =	ssyncadd.s32 $0xFFFFC000;
	s5 =	sadd.s32 s5, s6  }
0xf2: {  	[tilespmem:s9], [sflag:$0x2] =	stream.linear.gather [hbm4b:s5+s3], $0x80, $0x38;
	[tilespmem:$0x18300] =	vst v63  }
0xf3: {  	s31 =	sadd.s32 $0x60, s31;
	s1 =	sadd.s32 $0x3000, s1;
	s5 =	sadd.s32 $0x10, s5  }
0xf4: {  	[tilespmem:s10], [sflag:$0x2] =	stream.linear.gather [hbm4b:s5+s3], $0x80, $0x38;
	[tilespmem:$0x18300] =	vst v63  }
0xf5: {  	[hbm4b:s25+s3] =	stream.linear.scatter [tilespmem:s17], [sflag:$0x8], $0x8000, $0x38;
	[tilespmem:$0x18300] =	vst v63  }
0xf6: {  	_ =	swait.ge [sflag:s24], $0x8000  }
0xf7: {  	[sflag:s24] =	ssyncset.done $0x0  }
0xf8: {  	[sflag:s24] =	ssyncadd.s32 $0xFFFF8000  }
0xf9: {  	_ =	swait.ge [sflag:s13], $0x80  }
0xfa: {  	[sflag:s13] =	ssyncset.done $0x0  }
0xfb: {  	[sflag:s13] =	ssyncadd.s32 $0xFFFFFF80  }
0xfc: {  	_ =	swait.ge [sflag:s13], $0x80  }
0xfd: {  	[sflag:s13] =	ssyncset.done $0x0  }
0xfe: {  	[sflag:s13] =	ssyncadd.s32 $0xFFFFFF80  }
0xff: {  	[tilespmem:s14], [sflag:$0x4] =	stream.indirect.gather [hbm4b:s2+s8], $0x80, s3, s8, $0xb8;
	[tilespmem:$0x18300] =	vst v63  }
0x100: {  	_ = 	snop  }
0x101: {  	[tilespmem:s15], [sflag:$0x4] =	stream.indirect.gather [hbm4b:s2+s8], $0x80, s8, s8, $0xb8;
	[tilespmem:$0x18300] =	vst v63  }
0x102: {  	_ =	swait.ge [sflag:s26], $0x4000  }
0x103: {  	[sflag:s26] =	ssyncset.done $0x0  }
0x104: {  	[sflag:s26] =	ssyncadd.s32 $0xFFFFC000  }
0x105: {  	_ =	swait.ge [sflag:s26], $0x4000  }
0x106: {  	[sflag:s26] =	ssyncset.done $0x0;
	s1 =	rddreg [dreg:$0x12]  }
0x107: {  	s31 =	sld [smem:$0x7FA];
	[sflag:s26] =	ssyncadd.s32 $0xFFFFC000  }
0x108: {  	[tilespmem:s11], [sflag:$0x3] =	stream.linear.gather [hbm4b:s1+s3], $0x80, $0x38;
	[tilespmem:$0x18300] =	vst v63  }
0x109: {  	_ = 	snop  }
0x10a: {  	[tilespmem:s12], [sflag:$0x3] =	stream.linear.gather [hbm4b:s31+s3], $0x80, $0x38;
	[tilespmem:$0x18300] =	vst v63  }
0x10b: {  	s5 =	rddreg [dreg:$0x17]  }
0x10c: {  	[hbm4b:s5+s3] =	stream.linear.scatter [tilespmem:s21], [sflag:$0x9], $0x8000, $0x38;
	[tilespmem:$0x18300] =	vst v63  }
0x10d: {  	_ =	swait.ge [sflag:s28], $0x8000  }
0x10e: {  	[sflag:s28] =	ssyncset.done $0x0  }
0x10f: {  	[sflag:s28] =	ssyncadd.s32 $0xFFFF8000  }
0x110: {  	_ =	swait.ge [sflag:s16], $0x80  }
0x111: {  	[sflag:s16] =	ssyncset.done $0x0  }
0x112: {  	[sflag:s16] =	ssyncadd.s32 $0xFFFFFF80  }
0x113: {  	_ =	swait.ge [sflag:s16], $0x80  }
0x114: {  	[sflag:s16] =	ssyncset.done $0x0  }
0x115: {  	[sflag:s16] =	ssyncadd.s32 $0xFFFFFF80  }
0x116: {  	[tilespmem:s17], [sflag:$0x5] =	stream.indirect.gather [hbm4b:s2+s8], $0x80, s9, s8, $0xb8;
	[tilespmem:$0x18300] =	vst v63  }
0x117: {  	_ = 	snop  }
0x118: {  	[tilespmem:s18], [sflag:$0x5] =	stream.indirect.gather [hbm4b:s2+s8], $0x80, s10, s8, $0xb8;
	[tilespmem:$0x18300] =	vst v63  }
0x119: {  	_ =	swait.ge [sflag:s19], $0x4000  }
0x11a: {  	[sflag:s19] =	ssyncset.done $0x0  }
0x11b: {  	[sflag:s19] =	ssyncadd.s32 $0xFFFFC000  }
0x11c: {  	_ =	swait.ge [sflag:s19], $0x4000  }
0x11d: {  	[sflag:s19] =	ssyncset.done $0x0;
	s6 =	rddreg [dreg:$0x13]  }
0x11e: {  	s25 =	sld [smem:$0x7FB];
	[sflag:s19] =	ssyncadd.s32 $0xFFFFC000  }
0x11f: {  	[tilespmem:s3], [sflag:$0x1] =	stream.linear.gather [hbm4b:s6+s3], $0x80, $0x38;
	[tilespmem:$0x18300] =	vst v63  }
0x120: {  	_ = 	snop  }
0x121: {  	[tilespmem:s8], [sflag:$0x1] =	stream.linear.gather [hbm4b:s25+s3], $0x80, $0x38;
	[tilespmem:$0x18300] =	vst v63  }
0x122: {  	s31 =	rddreg [dreg:$0x18]  }
0x123: {  	[hbm4b:s31+s3] =	stream.linear.scatter [tilespmem:s14], [sflag:$0x7], $0x8000, $0x38;
	[tilespmem:$0x18300] =	vst v63  }
0x124: {  	_ =	swait.ge [sflag:s29], $0x8000  }
0x125: {  	[sflag:s29] =	ssyncset.done $0x0  }
0x126: {  	[sflag:s29] =	ssyncadd.s32 $0xFFFF8000  }
0x127: {  	_ =	swait.ge [sflag:s20], $0x80  }
0x128: {  	[sflag:s20] =	ssyncset.done $0x0  }
0x129: {  	[sflag:s20] =	ssyncadd.s32 $0xFFFFFF80  }
0x12a: {  	_ =	swait.ge [sflag:s20], $0x80  }
0x12b: {  	[sflag:s20] =	ssyncset.done $0x0  }
0x12c: {  	[sflag:s20] =	ssyncadd.s32 $0xFFFFFF80  }
0x12d: {  	[tilespmem:s21], [sflag:$0x6] =	stream.indirect.gather [hbm4b:s2+s8], $0x80, s11, s8, $0xb8;
	[tilespmem:$0x18300] =	vst v63  }
0x12e: {  	_ = 	snop  }
0x12f: {  	[tilespmem:s22], [sflag:$0x6] =	stream.indirect.gather [hbm4b:s2+s8], $0x80, s12, s8, $0xb8;
	[tilespmem:$0x18300] =	vst v63  }
0x130: {  	_ =	swait.ge [sflag:s23], $0x4000  }
0x131: {  	[sflag:s23] =	ssyncset.done $0x0  }
0x132: {  	[sflag:s23] =	ssyncadd.s32 $0xFFFFC000  }
0x133: {  	_ =	swait.ge [sflag:s23], $0x4000  }
0x134: {  	[sflag:s23] =	ssyncset.done $0x0;
	s5 =	rddreg [dreg:$0x14]  }
0x135: {  	s6 =	sld [smem:$0x7FC];
	[sflag:s23] =	ssyncadd.s32 $0xFFFFC000  }
0x136: {  	[tilespmem:s9], [sflag:$0x2] =	stream.linear.gather [hbm4b:s5+s3], $0x80, $0x38;
	[tilespmem:$0x18300] =	vst v63  }
0x137: {  	_ = 	snop  }
0x138: {  	[tilespmem:s10], [sflag:$0x2] =	stream.linear.gather [hbm4b:s6+s3], $0x80, $0x38;
	[tilespmem:$0x18300] =	vst v63  }
0x139: {  	s25 =	rddreg [dreg:$0x19]  }
0x13a: {  	[hbm4b:s25+s3] =	stream.linear.scatter [tilespmem:s17], [sflag:$0x8], $0x8000, $0x38;
	[tilespmem:$0x18300] =	vst v63  }
0x13b: {  	_ =	swait.ge [sflag:s24], $0x8000  }
0x13c: {  	[sflag:s24] =	ssyncset.done $0x0  }
0x13d: {  	[sflag:s24] =	ssyncadd.s32 $0xFFFF8000  }
0x13e: {  	_ =	swait.ge [sflag:s13], $0x80  }
0x13f: {  	[sflag:s13] =	ssyncset.done $0x0  }
0x140: {  	[sflag:s13] =	ssyncadd.s32 $0xFFFFFF80  }
0x141: {  	_ =	swait.ge [sflag:s13], $0x80  }
0x142: {  	[sflag:s13] =	ssyncset.done $0x0  }
0x143: {  	[sflag:s13] =	ssyncadd.s32 $0xFFFFFF80  }
0x144: {  	[tilespmem:s14], [sflag:$0x4] =	stream.indirect.gather [hbm4b:s2+s8], $0x80, s3, s8, $0xb8;
	[tilespmem:$0x18300] =	vst v63  }
0x145: {  	_ = 	snop  }
0x146: {  	[tilespmem:s15], [sflag:$0x4] =	stream.indirect.gather [hbm4b:s2+s8], $0x80, s8, s8, $0xb8;
	[tilespmem:$0x18300] =	vst v63  }
0x147: {  	_ =	swait.ge [sflag:s26], $0x4000  }
0x148: {  	[sflag:s26] =	ssyncset.done $0x0  }
0x149: {  	[sflag:s26] =	ssyncadd.s32 $0xFFFFC000  }
0x14a: {  	_ =	swait.ge [sflag:s26], $0x4000  }
0x14b: {  	[sflag:s26] =	ssyncset.done $0x0;
	s31 =	rddreg [dreg:$0x15]  }
0x14c: {  	s5 =	sld [smem:$0x7FD];
	[sflag:s26] =	ssyncadd.s32 $0xFFFFC000  }
0x14d: {  	[tilespmem:s11], [sflag:$0x3] =	stream.linear.gather [hbm4b:s31+s3], $0x80, $0x38;
	[tilespmem:$0x18300] =	vst v63  }
0x14e: {  	_ = 	snop  }
0x14f: {  	[tilespmem:s12], [sflag:$0x3] =	stream.linear.gather [hbm4b:s5+s3], $0x80, $0x38;
	[tilespmem:$0x18300] =	vst v63  }
0x150: {  	s6 =	rddreg [dreg:$0x9]  }
0x151: {  	[hbm4b:s6+s3] =	stream.linear.scatter [tilespmem:s21], [sflag:$0x9], $0x8000, $0x38;
	[tilespmem:$0x18300] =	vst v63  }
0x152: {  	_ =	swait.ge [sflag:s28], $0x8000  }
0x153: {  	[sflag:s28] =	ssyncset.done $0x0  }
0x154: {  	[sflag:s28] =	ssyncadd.s32 $0xFFFF8000  }
0x155: {  	_ =	swait.ge [sflag:s16], $0x80  }
0x156: {  	[sflag:s16] =	ssyncset.done $0x0  }
0x157: {  	[sflag:s16] =	ssyncadd.s32 $0xFFFFFF80  }
0x158: {  	_ =	swait.ge [sflag:s16], $0x80  }
0x159: {  	[sflag:s16] =	ssyncset.done $0x0  }
0x15a: {  	[sflag:s16] =	ssyncadd.s32 $0xFFFFFF80  }
0x15b: {  	[tilespmem:s17], [sflag:$0x5] =	stream.indirect.gather [hbm4b:s2+s8], $0x80, s9, s8, $0xb8;
	[tilespmem:$0x18300] =	vst v63  }
0x15c: {  	_ = 	snop  }
0x15d: {  	[tilespmem:s18], [sflag:$0x5] =	stream.indirect.gather [hbm4b:s2+s8], $0x80, s10, s8, $0xb8;
	[tilespmem:$0x18300] =	vst v63  }
0x15e: {  	_ =	swait.ge [sflag:s19], $0x4000  }
0x15f: {  	[sflag:s19] =	ssyncset.done $0x0  }
0x160: {  	[sflag:s19] =	ssyncadd.s32 $0xFFFFC000  }
0x161: {  	_ =	swait.ge [sflag:s19], $0x4000  }
0x162: {  	[sflag:s19] =	ssyncset.done $0x0  }
0x163: {  	s25 =	rddreg [dreg:$0x16];
	[sflag:s19] =	ssyncadd.s32 $0xFFFFC000  }
0x164: {  	[tilespmem:s3], [sflag:$0x1] =	stream.linear.gather [hbm4b:s25+s3], $0x80, $0x38;
	[tilespmem:$0x18300] =	vst v63  }
0x165: {  	_ = 	snop  }
0x166: {  	[tilespmem:s8], [sflag:$0x1] =	stream.linear.gather [hbm4b:s7+s3], $0x80, $0x38;
	[tilespmem:$0x18300] =	vst v63  }
0x167: {  	s31 =	rddreg [dreg:$0xa]  }
0x168: {  	[hbm4b:s31+s3] =	stream.linear.scatter [tilespmem:s14], [sflag:$0x7], $0x8000, $0x38;
	[tilespmem:$0x18300] =	vst v63  }
0x169: {  	_ =	swait.ge [sflag:s29], $0x8000  }
0x16a: {  	[sflag:s29] =	ssyncset.done $0x0  }
0x16b: {  	[sflag:s29] =	ssyncadd.s32 $0xFFFF8000  }
0x16c: {  	_ =	swait.ge [sflag:s20], $0x80  }
0x16d: {  	[sflag:s20] =	ssyncset.done $0x0  }
0x16e: {  	[sflag:s20] =	ssyncadd.s32 $0xFFFFFF80  }
0x16f: {  	_ =	swait.ge [sflag:s20], $0x80  }
0x170: {  	[sflag:s20] =	ssyncset.done $0x0  }
0x171: {  	[sflag:s20] =	ssyncadd.s32 $0xFFFFFF80  }
0x172: {  	[tilespmem:s21], [sflag:$0x6] =	stream.indirect.gather [hbm4b:s2+s8], $0x80, s11, s8, $0xb8;
	[tilespmem:$0x18300] =	vst v63  }
0x173: {  	_ = 	snop  }
0x174: {  	[tilespmem:s22], [sflag:$0x6] =	stream.indirect.gather [hbm4b:s2+s8], $0x80, s12, s8, $0xb8;
	[tilespmem:$0x18300] =	vst v63  }
0x175: {  	_ =	swait.ge [sflag:s23], $0x4000  }
0x176: {  	[sflag:s23] =	ssyncset.done $0x0  }
0x177: {  	[sflag:s23] =	ssyncadd.s32 $0xFFFFC000  }
0x178: {  	_ =	swait.ge [sflag:s23], $0x4000  }
0x179: {  	[sflag:s23] =	ssyncset.done $0x0  }
0x17a: {  	s5 =	rddreg [dreg:$0xb];
	[sflag:s23] =	ssyncadd.s32 $0xFFFFC000  }
0x17b: {  	[hbm4b:s5+s3] =	stream.linear.scatter [tilespmem:s17], [sflag:$0x8], $0x8000, $0x38;
	[tilespmem:$0x18300] =	vst v63  }
0x17c: {  	_ =	swait.ge [sflag:s24], $0x8000  }
0x17d: {  	[sflag:s24] =	ssyncset.done $0x0  }
0x17e: {  	[sflag:s24] =	ssyncadd.s32 $0xFFFF8000  }
0x17f: {  	_ =	swait.ge [sflag:s13], $0x80  }
0x180: {  	[sflag:s13] =	ssyncset.done $0x0  }
0x181: {  	[sflag:s13] =	ssyncadd.s32 $0xFFFFFF80  }
0x182: {  	_ =	swait.ge [sflag:s13], $0x80  }
0x183: {  	[sflag:s13] =	ssyncset.done $0x0  }
0x184: {  	[sflag:s13] =	ssyncadd.s32 $0xFFFFFF80  }
0x185: {  	[tilespmem:s14], [sflag:$0x4] =	stream.indirect.gather [hbm4b:s2+s8], $0x80, s3, s8, $0xb8;
	[tilespmem:$0x18300] =	vst v63  }
0x186: {  	_ = 	snop  }
0x187: {  	[tilespmem:s15], [sflag:$0x4] =	stream.indirect.gather [hbm4b:s2+s8], $0x80, s8, s8, $0xb8;
	[tilespmem:$0x18300] =	vst v63  }
0x188: {  	_ =	swait.ge [sflag:s26], $0x4000  }
0x189: {  	[sflag:s26] =	ssyncset.done $0x0  }
0x18a: {  	[sflag:s26] =	ssyncadd.s32 $0xFFFFC000  }
0x18b: {  	_ =	swait.ge [sflag:s26], $0x4000  }
0x18c: {  	[sflag:s26] =	ssyncset.done $0x0  }
0x18d: {  	s6 =	rddreg [dreg:$0xc];
	[sflag:s26] =	ssyncadd.s32 $0xFFFFC000  }
0x18e: {  	[hbm4b:s6+s3] =	stream.linear.scatter [tilespmem:s21], [sflag:$0x9], $0x8000, $0x38;
	[tilespmem:$0x18300] =	vst v63  }
0x18f: {  	_ =	swait.ge [sflag:s28], $0x8000  }
0x190: {  	[sflag:s28] =	ssyncset.done $0x0  }
0x191: {  	[sflag:s28] =	ssyncadd.s32 $0xFFFF8000  }
0x192: {  	_ =	swait.ge [sflag:s19], $0x4000  }
0x193: {  	[sflag:s19] =	ssyncset.done $0x0  }
0x194: {  	[sflag:s19] =	ssyncadd.s32 $0xFFFFC000  }
0x195: {  	_ =	swait.ge [sflag:s19], $0x4000  }
0x196: {  	[sflag:s19] =	ssyncset.done $0x0  }
0x197: {  	s25 =	rddreg [dreg:$0xd];
	[sflag:s19] =	ssyncadd.s32 $0xFFFFC000  }
0x198: {  	[hbm4b:s25+s3] =	stream.linear.scatter [tilespmem:s14], [sflag:$0x7], $0x8000, $0x38;
	[tilespmem:$0x18300] =	vst v63  }
0x199: {  	_ =	swait.ge [sflag:s29], $0x8000  }
0x19a: {  	[sflag:s29] =	ssyncset.done $0x0  }
0x19b: {  	[sflag:s29] =	ssyncadd.s32 $0xFFFF8000  }
0x19c: {  	_ =	swait.ge [sflag:s24], $0x8000  }
0x19d: {  	s30 =	sadd.s32 $0x1, s30;
	s31 =	rddreg [dreg:$0x1a]  }
0x19e: {  	p0 =	sne.s32 s30, s31  }
.Ltmp1:
0x19f: {  	_ = 	snop;
	(pc) =	sbr.rel @p0 .LBB2_1-.Ltmp1, $3  }
0x1a0: {  	_ =	sdelay $0x1  }
0x1a1: {  	[sflag:s24] =	ssyncset.done $0x0  }
0x1a2: {  	[sflag:s24] =	ssyncadd.s32 $0xFFFF8000  }
0x1a3: {  	_ =	sfence.sel $0x180000  }
0x1a4: {  	[bflag:$0x0] =	sbarrier.arrive $0xFFFF  }
0x1a5: {  	_ =	strace $0x90000047  }
0x1a6: {  	s0 =	stileid.u32;
	[bflag:$0x2] =	sbarrier.arrive $0xFFFF  }
0x1a7: {  	p0 =	sne.s32 s0, $0x0;
	s0 =	rddreg [dreg:$0x3]  }
0x1a8: {  	s0 =	sadd.s32 @!p0 $0x100000, s0  }
0x1a9: {  	[sflag:s0] =	ssyncadd.tile.s32 @!p0 $0x1;
	_ =	shalt  }
.Lfunc_end2:
_tile_overlayer_lowered:
.L_overlay_start_2:
0x1aa: {  	(tag) =	ssettag $0x2  }
0x1ab: {  	s0 =	rddreg [dreg:$0x0];
	s2 =	stileid.u32  }
0x1ac: {  	s1 =	rddreg [dreg:$0x1];
	p0 =	sne.s32 s2, $0x0  }
0x1ad: {  	s3 =	rddreg [dreg:$0x2];
	[bflag:$0x3] =	sbarrier.arrive $0xFFFF;
	s2 =	simm.s32 @!p0 $0x1C0A  }
0x1ae: {  	[timem:s3], [sflag:s2] =	dma.local @!p0 [hbm:s0], s1  }
0x1af: {  	s0 =	simm.s32 @!p0 $0xA  }
0x1b0: {  	_ =	swait.ge @!p0 [sflag:s0], s1  }
0x1b1: {  	s1 =	ssub.s32 @!p0 $0x0, s1;
	[sflag:s0] =	ssyncset.done @!p0 $0x0  }
0x1b2: {  	[sflag:s0] =	ssyncadd.s32 @!p0 s1  }
0x1b3: {  	[bflag:$0x3] =	sbarrier.arrive $0xFFFF  }
0x1b4: {  	_ =	shalt  }

</sc_bundles>
